<compile_context>
chip_gen: v7x
topology: tpu7x:2x2x1
jax: 0.10.2.dev20260603
libtpu: 0.0.44.dev20260713+nightly
codegen_flags: <defaults>
</compile_context>

<pallas_src>
import functools

import jax
import jax.numpy as jnp
from jax import lax
from jax.experimental import pallas as pl
from jax.experimental.pallas import tpu as pltpu
from jax.experimental.pallas import tpu_sc as plsc

T = 32768
D = 128
B = 16
NC = 2
NS = 16
L = 16
NW = NC * NS

T_TC = 26624
T_SC = T - T_TC
R = T_SC // NW
C = 96
NK = R // C
NBUF = 2

BLK = 3328
NBLK = T_TC // BLK

_mesh = plsc.VectorSubcoreMesh(core_axis_name="c", subcore_axis_name="s")


@functools.partial(
    pl.kernel,
    mesh=_mesh,
    out_type=jax.ShapeDtypeStruct((B, NW * L), jnp.float32),
    scratch_types=(
        [pltpu.VMEM((C * D,), jnp.float32) for _ in range(NBUF)]
        + [
            pltpu.VMEM((D,), jnp.float32),
            pltpu.VMEM((L,), jnp.int32),
            pltpu.VMEM((B * L,), jnp.float32),
        ]
        + [pltpu.SemaphoreType.DMA for _ in range(NBUF)]
    ),
)
def _seg_partials(flat_hbm, cu_hbm, w_hbm, out_hbm, *scratch):
    bufs = list(scratch[:NBUF])
    w_v, cu_v, acc_v = scratch[NBUF:NBUF + 3]
    sems = list(scratch[NBUF + 3:])
    wid = lax.axis_index("s") * NC + lax.axis_index("c")
    base = T_TC + wid * R

    copies = [None] * NBUF

    def start(k):
        copies[k % NBUF] = pltpu.async_copy(
            flat_hbm.at[pl.ds((base + k * C) * D, C * D)], bufs[k % NBUF],
            sems[k % NBUF])

    start(0)
    pltpu.sync_copy(w_hbm, w_v)
    pltpu.sync_copy(cu_hbm.at[pl.ds(0, L)], cu_v)

    zero = jnp.zeros((L,), jnp.float32)
    for s in range(B):
        acc_v[pl.ds(s * L, L)] = zero

    wv = [w_v[pl.ds(j * L, L)] for j in range(D // L)]
    cu_vec = cu_v[...]
    cus = [cu_vec[s] for s in range(B)]
    cus.append(jnp.int32(T))
    for k in range(NK):
        if k + 1 < NK:
            start(k + 1)
        copies[k % NBUF].wait()
        buf = bufs[k % NBUF]
        cbase = base + k * C
        for s in range(B):
            lo = jnp.clip(cus[s] - cbase, 0, C)
            hi = jnp.clip(cus[s + 1] - cbase, 0, C)
            acc0 = acc_v[pl.ds(s * L, L)]

            @plsc.parallel_loop(lo * D, hi * D, step=D, unroll=16,
                                carry=acc0)
            def body(rb, a, buf=buf):
                pa = buf[pl.ds(rb, L)] * wv[0]
                for j in range(1, D // L):
                    pa = pa + buf[pl.ds(rb + j * L, L)] * wv[j]
                return a + pa

            acc_v[pl.ds(s * L, L)] = body

    pubs = [pltpu.async_copy(acc_v.at[pl.ds(s * L, L)],
                             out_hbm.at[s, pl.ds(wid * L, L)], sems[0])
            for s in range(B)]
    for cp in pubs:
        cp.wait()


def _cu_columns(cu_ref, lo_off, hi_off):
    sub = lax.broadcasted_iota(jnp.int32, (B, 1), 0)
    lo = jnp.zeros((B, 1), jnp.int32)
    hi = jnp.zeros((B, 1), jnp.int32)
    for s in range(B):
        lo = jnp.where(sub == s, cu_ref[s + lo_off], lo)
        hi = jnp.where(sub == s, cu_ref[s + hi_off], hi)
    return lo, hi


def _tc_partials(flat_ref, cu_ref, w_ref, out_ref):
    i = pl.program_id(0)
    y = jnp.dot(flat_ref[...], w_ref[...],
                preferred_element_type=jnp.float32)
    rows = i * BLK + lax.broadcasted_iota(jnp.int32, (B, BLK), 1)
    lo, hi = _cu_columns(cu_ref, 0, 1)
    onehot_t = ((rows >= lo) & (rows < hi)).astype(jnp.float32)
    partial = jnp.dot(onehot_t, y,
                      preferred_element_type=jnp.float32)

    @pl.when(i == 0)
    def _():
        out_ref[...] = partial

    @pl.when(i > 0)
    def _():
        out_ref[...] += partial


def _epilogue(parts_ref, tc_ref, cu_ref, b_ref, out_ref):
    sums = jnp.sum(parts_ref[...], axis=1, keepdims=True)
    lo, hi = _cu_columns(cu_ref, 0, 1)
    counts = (hi - lo).astype(jnp.float32)
    out_ref[...] = (sums + tc_ref[...]) / counts + b_ref[0]


def kernel(flat, W, b, cu_seqlens):
    flat1d = flat.reshape(T * D)
    w1d = W.reshape(D)

    sc_parts = _seg_partials(flat1d, cu_seqlens, w1d)

    tc_parts = pl.pallas_call(
        _tc_partials,
        grid=(NBLK,),
        in_specs=[
            pl.BlockSpec((BLK, D), lambda i: (i, 0)),
            pl.BlockSpec(memory_space=pltpu.SMEM),
            pl.BlockSpec((D, 1), lambda i: (0, 0)),
        ],
        out_specs=pl.BlockSpec((B, 1), lambda i: (0, 0)),
        out_shape=jax.ShapeDtypeStruct((B, 1), jnp.float32),
    )(flat, cu_seqlens, W)

    out = pl.pallas_call(
        _epilogue,
        in_specs=[
            pl.BlockSpec((B, NW * L), lambda: (0, 0)),
            pl.BlockSpec((B, 1), lambda: (0, 0)),
            pl.BlockSpec(memory_space=pltpu.SMEM),
            pl.BlockSpec(memory_space=pltpu.SMEM),
        ],
        out_shape=jax.ShapeDtypeStruct((B, 1), jnp.float32),
    )(sc_parts, tc_parts, cu_seqlens, b)
    return out

# --- scband reference (transcript-rebuilt; emitter-appended) ---
"""Pipeline reference for scband-aggregation-12412455485907 (READ-ONLY COPY).

The authoritative reference and input builder live on the scoring server;
editing this copy changes nothing except your own understanding.
"""

import jax, jax.numpy as jnp
import numpy as np

B = 16
T = 32768
D = 128

def setup_inputs(seed: int = 0) -> dict:
    key = jax.random.key(seed)
    k1, k2, k3 = jax.random.split(key, 3)
    flat = jax.random.normal(k1, (T, D), dtype=jnp.float32)
    # 'model' parameters: a per-element dense layer D -> 1 (the inner keras.Model
    # that Aggregation calls on the ragged flat values)
    W = jax.random.normal(k2, (D, 1), dtype=jnp.float32) * 0.05
    b = jnp.zeros((1,), dtype=jnp.float32)
    # cu_seqlens: strictly-increasing cumulative sequence boundaries, [0, ..., T]
    rng = np.random.default_rng(0)
    cuts = np.sort(rng.choice(np.arange(1, T), size=B - 1, replace=False))
    cu = np.concatenate([[0], cuts, [T]]).astype(np.int32)
    return {"flat": flat, "W": W, "b": b, "cu_seqlens": jnp.asarray(cu)}

def reference(flat, W, b, cu_seqlens):
    # tf.ragged.map_flat_values(model, x): apply inner model to every flat value
    y = flat @ W + b  # (T, 1)
    # tf.reduce_mean(..., axis=1) over the ragged dim -> per-segment mean
    n_seg = cu_seqlens.shape[0] - 1
    seg = jnp.searchsorted(cu_seqlens[1:-1], jnp.arange(flat.shape[0]), side='right')
    sums = jax.ops.segment_sum(y, seg, num_segments=n_seg)
    counts = (cu_seqlens[1:] - cu_seqlens[:-1]).astype(jnp.float32)[:, None]
    return sums / counts  # (B, 1)

if __name__ == "__main__":
    import jax
    _d = setup_inputs()
    print(jax.jit(kernel)(*tuple(_d.values())))

</pallas_src>

<mosaic_0001>
#map = affine_map<(d0, d1) -> (0)>
#map1 = affine_map<(d0, d1) -> (0, 0)>
module attributes {stable_mosaic.version = 14 : i64} {
  func.func @_seg_partials(%arg0: i32, %arg1: i32, %arg2: memref<4194304xf32, #tpu.memory_space<hbm>>, %arg3: memref<17xi32, #tpu.memory_space<hbm>>, %arg4: memref<128xf32, #tpu.memory_space<hbm>>, %arg5: memref<16x512xf32, #tpu.memory_space<hbm>>, %arg6: memref<12288xf32, #tpu.memory_space<vmem>>, %arg7: memref<12288xf32, #tpu.memory_space<vmem>>, %arg8: memref<128xf32, #tpu.memory_space<vmem>>, %arg9: memref<16xi32, #tpu.memory_space<vmem>>, %arg10: memref<256xf32, #tpu.memory_space<vmem>>, %arg11: memref<!tpu.dma_semaphore, #tpu.memory_space<semaphore_mem>>, %arg12: memref<!tpu.dma_semaphore, #tpu.memory_space<semaphore_mem>>) attributes {dimension_semantics = [#tpu.dimension_semantics<core_parallel>, #tpu.dimension_semantics<subcore_parallel>], iteration_bounds = array<i64: 2, 16>, scalar_prefetch = 0 : i64, scratch_operands = 7 : i64, tpu.core_type = #tpu.core_type<sc_vector_subcore>, window_params = [{transform_indices = #map}, {transform_indices = #map}, {transform_indices = #map}, {transform_indices = #map1}]} {
    %mul3A = arith.constant 2 : i32
    %mul3A_0 = arith.muli %arg1, %mul3A : i32
    %add3A = arith.addi %mul3A_0, %arg0 : i32
    %mul3A_1 = arith.constant 192 : i32
    %mul3A_2 = arith.muli %add3A, %mul3A_1 : i32
    %add3A_3 = arith.constant 26624 : i32
    %add3A_4 = arith.addi %add3A_3, %mul3A_2 : i32
    %add3A_5 = arith.constant 0 : i32
    %add3A_6 = arith.addi %add3A_4, %add3A_5 : i32
    %mul3A_7 = arith.constant 128 : i32
    %mul3A_8 = arith.muli %add3A_6, %mul3A_7 : i32
    %dma_start3A = tpu.memref_slice %arg2[%mul3A_8] : memref<4194304xf32, #tpu.memory_space<hbm>> -> memref<12288xf32, #tpu.memory_space<hbm>>
    %dma_start3A_9 = tpu.memref_slice %arg2[%mul3A_8] : memref<4194304xf32, #tpu.memory_space<hbm>> -> memref<12288xf32, #tpu.memory_space<hbm>>
    tpu.enqueue_dma source(%dma_start3A_9 : memref<12288xf32, #tpu.memory_space<hbm>>) target(%arg6 : memref<12288xf32, #tpu.memory_space<vmem>>) target_semaphore(%arg11 : memref<!tpu.dma_semaphore, #tpu.memory_space<semaphore_mem>>)
    "tpu.region"() ({
      %run_scoped3A = tpu.sem_alloc : memref<!tpu.dma_semaphore, #tpu.memory_space<semaphore_mem>>
      tpu.enqueue_dma source(%arg4 : memref<128xf32, #tpu.memory_space<hbm>>) target(%arg8 : memref<128xf32, #tpu.memory_space<vmem>>) target_semaphore(%run_scoped3A : memref<!tpu.dma_semaphore, #tpu.memory_space<semaphore_mem>>)
      tpu.wait_dma2 semaphore(%run_scoped3A : memref<!tpu.dma_semaphore, #tpu.memory_space<semaphore_mem>>) src(%arg4 : memref<128xf32, #tpu.memory_space<hbm>>) dst(%arg8 : memref<128xf32, #tpu.memory_space<vmem>>)
      tpu.yield
    }) : () -> ()
    "tpu.region"() ({
      %run_scoped3A = tpu.sem_alloc : memref<!tpu.dma_semaphore, #tpu.memory_space<semaphore_mem>>
      %dma_start3A_1196 = arith.constant 0 : i32
      %dma_start3A_1197 = tpu.memref_slice %arg3[%dma_start3A_1196] : memref<17xi32, #tpu.memory_space<hbm>> -> memref<16xi32, #tpu.memory_space<hbm>>
      %dma_start3A_1198 = arith.constant 0 : i32
      %dma_start3A_1199 = tpu.memref_slice %arg3[%dma_start3A_1198] : memref<17xi32, #tpu.memory_space<hbm>> -> memref<16xi32, #tpu.memory_space<hbm>>
      tpu.enqueue_dma source(%dma_start3A_1199 : memref<16xi32, #tpu.memory_space<hbm>>) target(%arg9 : memref<16xi32, #tpu.memory_space<vmem>>) target_semaphore(%run_scoped3A : memref<!tpu.dma_semaphore, #tpu.memory_space<semaphore_mem>>)
      %dma_wait3A_1200 = arith.constant 0 : i32
      %dma_wait3A_1201 = tpu.memref_slice %arg3[%dma_wait3A_1200] : memref<17xi32, #tpu.memory_space<hbm>> -> memref<16xi32, #tpu.memory_space<hbm>>
      %dma_wait3A_1202 = arith.constant 0 : i32
      %dma_wait3A_1203 = tpu.memref_slice %arg3[%dma_wait3A_1202] : memref<17xi32, #tpu.memory_space<hbm>> -> memref<16xi32, #tpu.memory_space<hbm>>
      tpu.wait_dma2 semaphore(%run_scoped3A : memref<!tpu.dma_semaphore, #tpu.memory_space<semaphore_mem>>) src(%dma_wait3A_1203 : memref<16xi32, #tpu.memory_space<hbm>>) dst(%arg9 : memref<16xi32, #tpu.memory_space<vmem>>)
      tpu.yield
    }) : () -> ()
    %broadcast_in_dim3A = arith.constant 0.000000e+00 : f32
    %broadcast_in_dim3A_10 = vector.broadcast %broadcast_in_dim3A : f32 to vector<16xf32>
    %swap3A = arith.constant 0 : index
    %swap3A_11 = tpu.vector_load %arg10[%swap3A] {strides = array<i32>} : memref<256xf32, #tpu.memory_space<vmem>>, vector<16xf32>,
    %swap3A_12 = vector.shape_cast %swap3A_11 : vector<16xf32> to vector<16xf32>
    %swap3A_13 = vector.shape_cast %broadcast_in_dim3A_10 : vector<16xf32> to vector<16xf32>
    tpu.vector_store %arg10[%swap3A], %swap3A_13 {strides = array<i32>} : memref<256xf32, #tpu.memory_space<vmem>>, vector<16xf32>,
    %swap3A_14 = arith.constant 16 : index
    %swap3A_15 = tpu.vector_load %arg10[%swap3A_14] {strides = array<i32>} : memref<256xf32, #tpu.memory_space<vmem>>, vector<16xf32>,
    %swap3A_16 = vector.shape_cast %swap3A_15 : vector<16xf32> to vector<16xf32>
    %swap3A_17 = vector.shape_cast %broadcast_in_dim3A_10 : vector<16xf32> to vector<16xf32>
    tpu.vector_store %arg10[%swap3A_14], %swap3A_17 {strides = array<i32>} : memref<256xf32, #tpu.memory_space<vmem>>, vector<16xf32>,
    %swap3A_18 = arith.constant 32 : index
    %swap3A_19 = tpu.vector_load %arg10[%swap3A_18] {strides = array<i32>} : memref<256xf32, #tpu.memory_space<vmem>>, vector<16xf32>,
    %swap3A_20 = vector.shape_cast %swap3A_19 : vector<16xf32> to vector<16xf32>
    %swap3A_21 = vector.shape_cast %broadcast_in_dim3A_10 : vector<16xf32> to vector<16xf32>
    tpu.vector_store %arg10[%swap3A_18], %swap3A_21 {strides = array<i32>} : memref<256xf32, #tpu.memory_space<vmem>>, vector<16xf32>,
    %swap3A_22 = arith.constant 48 : index
    %swap3A_23 = tpu.vector_load %arg10[%swap3A_22] {strides = array<i32>} : memref<256xf32, #tpu.memory_space<vmem>>, vector<16xf32>,
    %swap3A_24 = vector.shape_cast %swap3A_23 : vector<16xf32> to vector<16xf32>
    %swap3A_25 = vector.shape_cast %broadcast_in_dim3A_10 : vector<16xf32> to vector<16xf32>
    tpu.vector_store %arg10[%swap3A_22], %swap3A_25 {strides = array<i32>} : memref<256xf32, #tpu.memory_space<vmem>>, vector<16xf32>,
    %swap3A_26 = arith.constant 64 : index
    %swap3A_27 = tpu.vector_load %arg10[%swap3A_26] {strides = array<i32>} : memref<256xf32, #tpu.memory_space<vmem>>, vector<16xf32>,
    %swap3A_28 = vector.shape_cast %swap3A_27 : vector<16xf32> to vector<16xf32>
    %swap3A_29 = vector.shape_cast %broadcast_in_dim3A_10 : vector<16xf32> to vector<16xf32>
    tpu.vector_store %arg10[%swap3A_26], %swap3A_29 {strides = array<i32>} : memref<256xf32, #tpu.memory_space<vmem>>, vector<16xf32>,
    %swap3A_30 = arith.constant 80 : index
    %swap3A_31 = tpu.vector_load %arg10[%swap3A_30] {strides = array<i32>} : memref<256xf32, #tpu.memory_space<vmem>>, vector<16xf32>,
    %swap3A_32 = vector.shape_cast %swap3A_31 : vector<16xf32> to vector<16xf32>
    %swap3A_33 = vector.shape_cast %broadcast_in_dim3A_10 : vector<16xf32> to vector<16xf32>
    tpu.vector_store %arg10[%swap3A_30], %swap3A_33 {strides = array<i32>} : memref<256xf32, #tpu.memory_space<vmem>>, vector<16xf32>,
    %swap3A_34 = arith.constant 96 : index
    %swap3A_35 = tpu.vector_load %arg10[%swap3A_34] {strides = array<i32>} : memref<256xf32, #tpu.memory_space<vmem>>, vector<16xf32>,
    %swap3A_36 = vector.shape_cast %swap3A_35 : vector<16xf32> to vector<16xf32>
    %swap3A_37 = vector.shape_cast %broadcast_in_dim3A_10 : vector<16xf32> to vector<16xf32>
    tpu.vector_store %arg10[%swap3A_34], %swap3A_37 {strides = array<i32>} : memref<256xf32, #tpu.memory_space<vmem>>, vector<16xf32>,
    %swap3A_38 = arith.constant 112 : index
    %swap3A_39 = tpu.vector_load %arg10[%swap3A_38] {strides = array<i32>} : memref<256xf32, #tpu.memory_space<vmem>>, vector<16xf32>,
    %swap3A_40 = vector.shape_cast %swap3A_39 : vector<16xf32> to vector<16xf32>
    %swap3A_41 = vector.shape_cast %broadcast_in_dim3A_10 : vector<16xf32> to vector<16xf32>
    tpu.vector_store %arg10[%swap3A_38], %swap3A_41 {strides = array<i32>} : memref<256xf32, #tpu.memory_space<vmem>>, vector<16xf32>,
    %swap3A_42 = arith.constant 128 : index
    %swap3A_43 = tpu.vector_load %arg10[%swap3A_42] {strides = array<i32>} : memref<256xf32, #tpu.memory_space<vmem>>, vector<16xf32>,
    %swap3A_44 = vector.shape_cast %swap3A_43 : vector<16xf32> to vector<16xf32>
    %swap3A_45 = vector.shape_cast %broadcast_in_dim3A_10 : vector<16xf32> to vector<16xf32>
    tpu.vector_store %arg10[%swap3A_42], %swap3A_45 {strides = array<i32>} : memref<256xf32, #tpu.memory_space<vmem>>, vector<16xf32>,
    %swap3A_46 = arith.constant 144 : index
    %swap3A_47 = tpu.vector_load %arg10[%swap3A_46] {strides = array<i32>} : memref<256xf32, #tpu.memory_space<vmem>>, vector<16xf32>,
    %swap3A_48 = vector.shape_cast %swap3A_47 : vector<16xf32> to vector<16xf32>
    %swap3A_49 = vector.shape_cast %broadcast_in_dim3A_10 : vector<16xf32> to vector<16xf32>
    tpu.vector_store %arg10[%swap3A_46], %swap3A_49 {strides = array<i32>} : memref<256xf32, #tpu.memory_space<vmem>>, vector<16xf32>,
    %swap3A_50 = arith.constant 160 : index
    %swap3A_51 = tpu.vector_load %arg10[%swap3A_50] {strides = array<i32>} : memref<256xf32, #tpu.memory_space<vmem>>, vector<16xf32>,
    %swap3A_52 = vector.shape_cast %swap3A_51 : vector<16xf32> to vector<16xf32>
    %swap3A_53 = vector.shape_cast %broadcast_in_dim3A_10 : vector<16xf32> to vector<16xf32>
    tpu.vector_store %arg10[%swap3A_50], %swap3A_53 {strides = array<i32>} : memref<256xf32, #tpu.memory_space<vmem>>, vector<16xf32>,
    %swap3A_54 = arith.constant 176 : index
    %swap3A_55 = tpu.vector_load %arg10[%swap3A_54] {strides = array<i32>} : memref<256xf32, #tpu.memory_space<vmem>>, vector<16xf32>,
    %swap3A_56 = vector.shape_cast %swap3A_55 : vector<16xf32> to vector<16xf32>
    %swap3A_57 = vector.shape_cast %broadcast_in_dim3A_10 : vector<16xf32> to vector<16xf32>
    tpu.vector_store %arg10[%swap3A_54], %swap3A_57 {strides = array<i32>} : memref<256xf32, #tpu.memory_space<vmem>>, vector<16xf32>,
    %swap3A_58 = arith.constant 192 : index
    %swap3A_59 = tpu.vector_load %arg10[%swap3A_58] {strides = array<i32>} : memref<256xf32, #tpu.memory_space<vmem>>, vector<16xf32>,
    %swap3A_60 = vector.shape_cast %swap3A_59 : vector<16xf32> to vector<16xf32>
    %swap3A_61 = vector.shape_cast %broadcast_in_dim3A_10 : vector<16xf32> to vector<16xf32>
    tpu.vector_store %arg10[%swap3A_58], %swap3A_61 {strides = array<i32>} : memref<256xf32, #tpu.memory_space<vmem>>, vector<16xf32>,
    %swap3A_62 = arith.constant 208 : index
    %swap3A_63 = tpu.vector_load %arg10[%swap3A_62] {strides = array<i32>} : memref<256xf32, #tpu.memory_space<vmem>>, vector<16xf32>,
    %swap3A_64 = vector.shape_cast %swap3A_63 : vector<16xf32> to vector<16xf32>
    %swap3A_65 = vector.shape_cast %broadcast_in_dim3A_10 : vector<16xf32> to vector<16xf32>
    tpu.vector_store %arg10[%swap3A_62], %swap3A_65 {strides = array<i32>} : memref<256xf32, #tpu.memory_space<vmem>>, vector<16xf32>,
    %swap3A_66 = arith.constant 224 : index
    %swap3A_67 = tpu.vector_load %arg10[%swap3A_66] {strides = array<i32>} : memref<256xf32, #tpu.memory_space<vmem>>, vector<16xf32>,
    %swap3A_68 = vector.shape_cast %swap3A_67 : vector<16xf32> to vector<16xf32>
    %swap3A_69 = vector.shape_cast %broadcast_in_dim3A_10 : vector<16xf32> to vector<16xf32>
    tpu.vector_store %arg10[%swap3A_66], %swap3A_69 {strides = array<i32>} : memref<256xf32, #tpu.memory_space<vmem>>, vector<16xf32>,
    %swap3A_70 = arith.constant 240 : index
    %swap3A_71 = tpu.vector_load %arg10[%swap3A_70] {strides = array<i32>} : memref<256xf32, #tpu.memory_space<vmem>>, vector<16xf32>,
    %swap3A_72 = vector.shape_cast %swap3A_71 : vector<16xf32> to vector<16xf32>
    %swap3A_73 = vector.shape_cast %broadcast_in_dim3A_10 : vector<16xf32> to vector<16xf32>
    tpu.vector_store %arg10[%swap3A_70], %swap3A_73 {strides = array<i32>} : memref<256xf32, #tpu.memory_space<vmem>>, vector<16xf32>,
    %get3A = arith.constant 0 : index
    %get3A_74 = tpu.vector_load %arg8[%get3A] {strides = array<i32>} : memref<128xf32, #tpu.memory_space<vmem>>, vector<16xf32>,
    %get3A_75 = vector.shape_cast %get3A_74 : vector<16xf32> to vector<16xf32>
    %get3A_76 = arith.constant 16 : index
    %get3A_77 = tpu.vector_load %arg8[%get3A_76] {strides = array<i32>} : memref<128xf32, #tpu.memory_space<vmem>>, vector<16xf32>,
    %get3A_78 = vector.shape_cast %get3A_77 : vector<16xf32> to vector<16xf32>
    %get3A_79 = arith.constant 32 : index
    %get3A_80 = tpu.vector_load %arg8[%get3A_79] {strides = array<i32>} : memref<128xf32, #tpu.memory_space<vmem>>, vector<16xf32>,
    %get3A_81 = vector.shape_cast %get3A_80 : vector<16xf32> to vector<16xf32>
    %get3A_82 = arith.constant 48 : index
    %get3A_83 = tpu.vector_load %arg8[%get3A_82] {strides = array<i32>} : memref<128xf32, #tpu.memory_space<vmem>>, vector<16xf32>,
    %get3A_84 = vector.shape_cast %get3A_83 : vector<16xf32> to vector<16xf32>
    %get3A_85 = arith.constant 64 : index
    %get3A_86 = tpu.vector_load %arg8[%get3A_85] {strides = array<i32>} : memref<128xf32, #tpu.memory_space<vmem>>, vector<16xf32>,
    %get3A_87 = vector.shape_cast %get3A_86 : vector<16xf32> to vector<16xf32>
    %get3A_88 = arith.constant 80 : index
    %get3A_89 = tpu.vector_load %arg8[%get3A_88] {strides = array<i32>} : memref<128xf32, #tpu.memory_space<vmem>>, vector<16xf32>,
    %get3A_90 = vector.shape_cast %get3A_89 : vector<16xf32> to vector<16xf32>
    %get3A_91 = arith.constant 96 : index
    %get3A_92 = tpu.vector_load %arg8[%get3A_91] {strides = array<i32>} : memref<128xf32, #tpu.memory_space<vmem>>, vector<16xf32>,
    %get3A_93 = vector.shape_cast %get3A_92 : vector<16xf32> to vector<16xf32>
    %get3A_94 = arith.constant 112 : index
    %get3A_95 = tpu.vector_load %arg8[%get3A_94] {strides = array<i32>} : memref<128xf32, #tpu.memory_space<vmem>>, vector<16xf32>,
    %get3A_96 = vector.shape_cast %get3A_95 : vector<16xf32> to vector<16xf32>
    %get3A_97 = arith.constant 0 : index
    %get3A_98 = tpu.vector_load %arg9[%get3A_97] {strides = array<i32>} : memref<16xi32, #tpu.memory_space<vmem>>, vector<16xi32>,
    %get3A_99 = vector.shape_cast %get3A_98 : vector<16xi32> to vector<16xi32>
    %slice3A = vector.extract_strided_slice %get3A_99 {offsets = [0], sizes = [1], strides = [1]} : vector<16xi32> to vector<1xi32>
    %squeeze3A = vector.extract %slice3A[0] : i32 from vector<1xi32>
    %slice3A_100 = vector.extract_strided_slice %get3A_99 {offsets = [1], sizes = [1], strides = [1]} : vector<16xi32> to vector<1xi32>
    %squeeze3A_101 = vector.extract %slice3A_100[0] : i32 from vector<1xi32>
    %slice3A_102 = vector.extract_strided_slice %get3A_99 {offsets = [2], sizes = [1], strides = [1]} : vector<16xi32> to vector<1xi32>
    %squeeze3A_103 = vector.extract %slice3A_102[0] : i32 from vector<1xi32>
    %slice3A_104 = vector.extract_strided_slice %get3A_99 {offsets = [3], sizes = [1], strides = [1]} : vector<16xi32> to vector<1xi32>
    %squeeze3A_105 = vector.extract %slice3A_104[0] : i32 from vector<1xi32>
    %slice3A_106 = vector.extract_strided_slice %get3A_99 {offsets = [4], sizes = [1], strides = [1]} : vector<16xi32> to vector<1xi32>
    %squeeze3A_107 = vector.extract %slice3A_106[0] : i32 from vector<1xi32>
    %slice3A_108 = vector.extract_strided_slice %get3A_99 {offsets = [5], sizes = [1], strides = [1]} : vector<16xi32> to vector<1xi32>
    %squeeze3A_109 = vector.extract %slice3A_108[0] : i32 from vector<1xi32>
    %slice3A_110 = vector.extract_strided_slice %get3A_99 {offsets = [6], sizes = [1], strides = [1]} : vector<16xi32> to vector<1xi32>
    %squeeze3A_111 = vector.extract %slice3A_110[0] : i32 from vector<1xi32>
    %slice3A_112 = vector.extract_strided_slice %get3A_99 {offsets = [7], sizes = [1], strides = [1]} : vector<16xi32> to vector<1xi32>
    %squeeze3A_113 = vector.extract %slice3A_112[0] : i32 from vector<1xi32>
    %slice3A_114 = vector.extract_strided_slice %get3A_99 {offsets = [8], sizes = [1], strides = [1]} : vector<16xi32> to vector<1xi32>
    %squeeze3A_115 = vector.extract %slice3A_114[0] : i32 from vector<1xi32>
    %slice3A_116 = vector.extract_strided_slice %get3A_99 {offsets = [9], sizes = [1], strides = [1]} : vector<16xi32> to vector<1xi32>
    %squeeze3A_117 = vector.extract %slice3A_116[0] : i32 from vector<1xi32>
    %slice3A_118 = vector.extract_strided_slice %get3A_99 {offsets = [10], sizes = [1], strides = [1]} : vector<16xi32> to vector<1xi32>
    %squeeze3A_119 = vector.extract %slice3A_118[0] : i32 from vector<1xi32>
    %slice3A_120 = vector.extract_strided_slice %get3A_99 {offsets = [11], sizes = [1], strides = [1]} : vector<16xi32> to vector<1xi32>
    %squeeze3A_121 = vector.extract %slice3A_120[0] : i32 from vector<1xi32>
    %slice3A_122 = vector.extract_strided_slice %get3A_99 {offsets = [12], sizes = [1], strides = [1]} : vector<16xi32> to vector<1xi32>
    %squeeze3A_123 = vector.extract %slice3A_122[0] : i32 from vector<1xi32>
    %slice3A_124 = vector.extract_strided_slice %get3A_99 {offsets = [13], sizes = [1], strides = [1]} : vector<16xi32> to vector<1xi32>
    %squeeze3A_125 = vector.extract %slice3A_124[0] : i32 from vector<1xi32>
    %slice3A_126 = vector.extract_strided_slice %get3A_99 {offsets = [14], sizes = [1], strides = [1]} : vector<16xi32> to vector<1xi32>
    %squeeze3A_127 = vector.extract %slice3A_126[0] : i32 from vector<1xi32>
    %slice3A_128 = vector.extract_strided_slice %get3A_99 {offsets = [15], sizes = [1], strides = [1]} : vector<16xi32> to vector<1xi32>
    %squeeze3A_129 = vector.extract %slice3A_128[0] : i32 from vector<1xi32>
    %add3A_130 = arith.constant 96 : i32
    %add3A_131 = arith.addi %add3A_4, %add3A_130 : i32
    %mul3A_132 = arith.constant 128 : i32
    %mul3A_133 = arith.muli %add3A_131, %mul3A_132 : i32
    %dma_start3A_134 = tpu.memref_slice %arg2[%mul3A_133] : memref<4194304xf32, #tpu.memory_space<hbm>> -> memref<12288xf32, #tpu.memory_space<hbm>>
    %dma_start3A_135 = tpu.memref_slice %arg2[%mul3A_133] : memref<4194304xf32, #tpu.memory_space<hbm>> -> memref<12288xf32, #tpu.memory_space<hbm>>
    tpu.enqueue_dma source(%dma_start3A_135 : memref<12288xf32, #tpu.memory_space<hbm>>) target(%arg7 : memref<12288xf32, #tpu.memory_space<vmem>>) target_semaphore(%arg12 : memref<!tpu.dma_semaphore, #tpu.memory_space<semaphore_mem>>)
    %dma_wait3A = tpu.memref_slice %arg2[%mul3A_8] : memref<4194304xf32, #tpu.memory_space<hbm>> -> memref<12288xf32, #tpu.memory_space<hbm>>
    %dma_wait3A_136 = tpu.memref_slice %arg2[%mul3A_8] : memref<4194304xf32, #tpu.memory_space<hbm>> -> memref<12288xf32, #tpu.memory_space<hbm>>
    tpu.wait_dma2 semaphore(%arg11 : memref<!tpu.dma_semaphore, #tpu.memory_space<semaphore_mem>>) src(%dma_wait3A_136 : memref<12288xf32, #tpu.memory_space<hbm>>) dst(%arg6 : memref<12288xf32, #tpu.memory_space<vmem>>)
    %add3A_137 = arith.constant 0 : i32
    %add3A_138 = arith.addi %add3A_4, %add3A_137 : i32
    %sub3A = arith.subi %squeeze3A, %add3A_138 : i32
    %jit3A = arith.constant 0 : i32
    %jit3A_139 = arith.constant 96 : i32
    %max3A = arith.maxsi %jit3A, %sub3A : i32
    %min3A = arith.minsi %jit3A_139, %max3A : i32
    %sub3A_140 = arith.subi %squeeze3A_101, %add3A_138 : i32
    %jit3A_141 = arith.constant 0 : i32
    %jit3A_142 = arith.constant 96 : i32
    %max3A_143 = arith.maxsi %jit3A_141, %sub3A_140 : i32
    %min3A_144 = arith.minsi %jit3A_142, %max3A_143 : i32
    %get3A_145 = arith.constant 0 : index
    %get3A_146 = tpu.vector_load %arg10[%get3A_145] {strides = array<i32>} : memref<256xf32, #tpu.memory_space<vmem>>, vector<16xf32>,
    %get3A_147 = vector.shape_cast %get3A_146 : vector<16xf32> to vector<16xf32>
    %mul3A_148 = arith.constant 128 : i32
    %mul3A_149 = arith.muli %min3A, %mul3A_148 : i32
    %mul3A_150 = arith.constant 128 : i32
    %mul3A_151 = arith.muli %min3A_144, %mul3A_150 : i32
    %parallel_loop3A = arith.constant 128 : i32
    %parallel_loop3A_152 = scf.for %parallel_loop3A_1196 = %mul3A_149 to %mul3A_151 step %parallel_loop3A iter_args(%parallel_loop3A_1197 = %get3A_147) -> (vector<16xf32>)  : i32 {
      %parallel_loop3A_1198 = arith.index_cast %parallel_loop3A_1196 : i32 to index
      %parallel_loop3A_1199 = tpu.vector_load %arg6[%parallel_loop3A_1198] {strides = array<i32>} : memref<12288xf32, #tpu.memory_space<vmem>>, vector<16xf32>,
      %parallel_loop3A_1200 = vector.shape_cast %parallel_loop3A_1199 : vector<16xf32> to vector<16xf32>
      %parallel_loop3A_1201 = arith.mulf %parallel_loop3A_1200, %get3A_75 : vector<16xf32>
      %parallel_loop3A_1202 = arith.constant 16 : i32
      %parallel_loop3A_1203 = arith.addi %parallel_loop3A_1196, %parallel_loop3A_1202 : i32
      %parallel_loop3A_1204 = arith.index_cast %parallel_loop3A_1203 : i32 to index
      %parallel_loop3A_1205 = tpu.vector_load %arg6[%parallel_loop3A_1204] {strides = array<i32>} : memref<12288xf32, #tpu.memory_space<vmem>>, vector<16xf32>,
      %parallel_loop3A_1206 = vector.shape_cast %parallel_loop3A_1205 : vector<16xf32> to vector<16xf32>
      %parallel_loop3A_1207 = arith.mulf %parallel_loop3A_1206, %get3A_78 : vector<16xf32>
      %parallel_loop3A_1208 = arith.addf %parallel_loop3A_1201, %parallel_loop3A_1207 : vector<16xf32>
      %parallel_loop3A_1209 = arith.constant 32 : i32
      %parallel_loop3A_1210 = arith.addi %parallel_loop3A_1196, %parallel_loop3A_1209 : i32
      %parallel_loop3A_1211 = arith.index_cast %parallel_loop3A_1210 : i32 to index
      %parallel_loop3A_1212 = tpu.vector_load %arg6[%parallel_loop3A_1211] {strides = array<i32>} : memref<12288xf32, #tpu.memory_space<vmem>>, vector<16xf32>,
      %parallel_loop3A_1213 = vector.shape_cast %parallel_loop3A_1212 : vector<16xf32> to vector<16xf32>
      %parallel_loop3A_1214 = arith.mulf %parallel_loop3A_1213, %get3A_81 : vector<16xf32>
      %parallel_loop3A_1215 = arith.addf %parallel_loop3A_1208, %parallel_loop3A_1214 : vector<16xf32>
      %parallel_loop3A_1216 = arith.constant 48 : i32
      %parallel_loop3A_1217 = arith.addi %parallel_loop3A_1196, %parallel_loop3A_1216 : i32
      %parallel_loop3A_1218 = arith.index_cast %parallel_loop3A_1217 : i32 to index
      %parallel_loop3A_1219 = tpu.vector_load %arg6[%parallel_loop3A_1218] {strides = array<i32>} : memref<12288xf32, #tpu.memory_space<vmem>>, vector<16xf32>,
      %parallel_loop3A_1220 = vector.shape_cast %parallel_loop3A_1219 : vector<16xf32> to vector<16xf32>
      %parallel_loop3A_1221 = arith.mulf %parallel_loop3A_1220, %get3A_84 : vector<16xf32>
      %parallel_loop3A_1222 = arith.addf %parallel_loop3A_1215, %parallel_loop3A_1221 : vector<16xf32>
      %parallel_loop3A_1223 = arith.constant 64 : i32
      %parallel_loop3A_1224 = arith.addi %parallel_loop3A_1196, %parallel_loop3A_1223 : i32
      %parallel_loop3A_1225 = arith.index_cast %parallel_loop3A_1224 : i32 to index
      %parallel_loop3A_1226 = tpu.vector_load %arg6[%parallel_loop3A_1225] {strides = array<i32>} : memref<12288xf32, #tpu.memory_space<vmem>>, vector<16xf32>,
      %parallel_loop3A_1227 = vector.shape_cast %parallel_loop3A_1226 : vector<16xf32> to vector<16xf32>
      %parallel_loop3A_1228 = arith.mulf %parallel_loop3A_1227, %get3A_87 : vector<16xf32>
      %parallel_loop3A_1229 = arith.addf %parallel_loop3A_1222, %parallel_loop3A_1228 : vector<16xf32>
      %parallel_loop3A_1230 = arith.constant 80 : i32
      %parallel_loop3A_1231 = arith.addi %parallel_loop3A_1196, %parallel_loop3A_1230 : i32
      %parallel_loop3A_1232 = arith.index_cast %parallel_loop3A_1231 : i32 to index
      %parallel_loop3A_1233 = tpu.vector_load %arg6[%parallel_loop3A_1232] {strides = array<i32>} : memref<12288xf32, #tpu.memory_space<vmem>>, vector<16xf32>,
      %parallel_loop3A_1234 = vector.shape_cast %parallel_loop3A_1233 : vector<16xf32> to vector<16xf32>
      %parallel_loop3A_1235 = arith.mulf %parallel_loop3A_1234, %get3A_90 : vector<16xf32>
      %parallel_loop3A_1236 = arith.addf %parallel_loop3A_1229, %parallel_loop3A_1235 : vector<16xf32>
      %parallel_loop3A_1237 = arith.constant 96 : i32
      %parallel_loop3A_1238 = arith.addi %parallel_loop3A_1196, %parallel_loop3A_1237 : i32
      %parallel_loop3A_1239 = arith.index_cast %parallel_loop3A_1238 : i32 to index
      %parallel_loop3A_1240 = tpu.vector_load %arg6[%parallel_loop3A_1239] {strides = array<i32>} : memref<12288xf32, #tpu.memory_space<vmem>>, vector<16xf32>,
      %parallel_loop3A_1241 = vector.shape_cast %parallel_loop3A_1240 : vector<16xf32> to vector<16xf32>
      %parallel_loop3A_1242 = arith.mulf %parallel_loop3A_1241, %get3A_93 : vector<16xf32>
      %parallel_loop3A_1243 = arith.addf %parallel_loop3A_1236, %parallel_loop3A_1242 : vector<16xf32>
      %parallel_loop3A_1244 = arith.constant 112 : i32
      %parallel_loop3A_1245 = arith.addi %parallel_loop3A_1196, %parallel_loop3A_1244 : i32
      %parallel_loop3A_1246 = arith.index_cast %parallel_loop3A_1245 : i32 to index
      %parallel_loop3A_1247 = tpu.vector_load %arg6[%parallel_loop3A_1246] {strides = array<i32>} : memref<12288xf32, #tpu.memory_space<vmem>>, vector<16xf32>,
      %parallel_loop3A_1248 = vector.shape_cast %parallel_loop3A_1247 : vector<16xf32> to vector<16xf32>
      %parallel_loop3A_1249 = arith.mulf %parallel_loop3A_1248, %get3A_96 : vector<16xf32>
      %parallel_loop3A_1250 = arith.addf %parallel_loop3A_1243, %parallel_loop3A_1249 : vector<16xf32>
      %parallel_loop3A_1251 = arith.addf %parallel_loop3A_1197, %parallel_loop3A_1250 : vector<16xf32>
      scf.yield %parallel_loop3A_1251 : vector<16xf32>
    } {sc.loop_unroll_factor = 16 : i64, sc.parallel_access}
    %swap3A_153 = arith.constant 0 : index
    %swap3A_154 = tpu.vector_load %arg10[%swap3A_153] {strides = array<i32>} : memref<256xf32, #tpu.memory_space<vmem>>, vector<16xf32>,
    %swap3A_155 = vector.shape_cast %swap3A_154 : vector<16xf32> to vector<16xf32>
    %swap3A_156 = vector.shape_cast %parallel_loop3A_152 : vector<16xf32> to vector<16xf32>
    tpu.vector_store %arg10[%swap3A_153], %swap3A_156 {strides = array<i32>} : memref<256xf32, #tpu.memory_space<vmem>>, vector<16xf32>,
    %sub3A_157 = arith.subi %squeeze3A_101, %add3A_138 : i32
    %jit3A_158 = arith.constant 0 : i32
    %jit3A_159 = arith.constant 96 : i32
    %max3A_160 = arith.maxsi %jit3A_158, %sub3A_157 : i32
    %min3A_161 = arith.minsi %jit3A_159, %max3A_160 : i32
    %sub3A_162 = arith.subi %squeeze3A_103, %add3A_138 : i32
    %jit3A_163 = arith.constant 0 : i32
    %jit3A_164 = arith.constant 96 : i32
    %max3A_165 = arith.maxsi %jit3A_163, %sub3A_162 : i32
    %min3A_166 = arith.minsi %jit3A_164, %max3A_165 : i32
    %get3A_167 = arith.constant 16 : index
    %get3A_168 = tpu.vector_load %arg10[%get3A_167] {strides = array<i32>} : memref<256xf32, #tpu.memory_space<vmem>>, vector<16xf32>,
    %get3A_169 = vector.shape_cast %get3A_168 : vector<16xf32> to vector<16xf32>
    %mul3A_170 = arith.constant 128 : i32
    %mul3A_171 = arith.muli %min3A_161, %mul3A_170 : i32
    %mul3A_172 = arith.constant 128 : i32
    %mul3A_173 = arith.muli %min3A_166, %mul3A_172 : i32
    %parallel_loop3A_174 = arith.constant 128 : i32
    %parallel_loop3A_175 = scf.for %parallel_loop3A_1196 = %mul3A_171 to %mul3A_173 step %parallel_loop3A_174 iter_args(%parallel_loop3A_1197 = %get3A_169) -> (vector<16xf32>)  : i32 {
      %parallel_loop3A_1198 = arith.index_cast %parallel_loop3A_1196 : i32 to index
      %parallel_loop3A_1199 = tpu.vector_load %arg6[%parallel_loop3A_1198] {strides = array<i32>} : memref<12288xf32, #tpu.memory_space<vmem>>, vector<16xf32>,
      %parallel_loop3A_1200 = vector.shape_cast %parallel_loop3A_1199 : vector<16xf32> to vector<16xf32>
      %parallel_loop3A_1201 = arith.mulf %parallel_loop3A_1200, %get3A_75 : vector<16xf32>
      %parallel_loop3A_1202 = arith.constant 16 : i32
      %parallel_loop3A_1203 = arith.addi %parallel_loop3A_1196, %parallel_loop3A_1202 : i32
      %parallel_loop3A_1204 = arith.index_cast %parallel_loop3A_1203 : i32 to index
      %parallel_loop3A_1205 = tpu.vector_load %arg6[%parallel_loop3A_1204] {strides = array<i32>} : memref<12288xf32, #tpu.memory_space<vmem>>, vector<16xf32>,
      %parallel_loop3A_1206 = vector.shape_cast %parallel_loop3A_1205 : vector<16xf32> to vector<16xf32>
      %parallel_loop3A_1207 = arith.mulf %parallel_loop3A_1206, %get3A_78 : vector<16xf32>
      %parallel_loop3A_1208 = arith.addf %parallel_loop3A_1201, %parallel_loop3A_1207 : vector<16xf32>
      %parallel_loop3A_1209 = arith.constant 32 : i32
      %parallel_loop3A_1210 = arith.addi %parallel_loop3A_1196, %parallel_loop3A_1209 : i32
      %parallel_loop3A_1211 = arith.index_cast %parallel_loop3A_1210 : i32 to index
      %parallel_loop3A_1212 = tpu.vector_load %arg6[%parallel_loop3A_1211] {strides = array<i32>} : memref<12288xf32, #tpu.memory_space<vmem>>, vector<16xf32>,
      %parallel_loop3A_1213 = vector.shape_cast %parallel_loop3A_1212 : vector<16xf32> to vector<16xf32>
      %parallel_loop3A_1214 = arith.mulf %parallel_loop3A_1213, %get3A_81 : vector<16xf32>
      %parallel_loop3A_1215 = arith.addf %parallel_loop3A_1208, %parallel_loop3A_1214 : vector<16xf32>
      %parallel_loop3A_1216 = arith.constant 48 : i32
      %parallel_loop3A_1217 = arith.addi %parallel_loop3A_1196, %parallel_loop3A_1216 : i32
      %parallel_loop3A_1218 = arith.index_cast %parallel_loop3A_1217 : i32 to index
      %parallel_loop3A_1219 = tpu.vector_load %arg6[%parallel_loop3A_1218] {strides = array<i32>} : memref<12288xf32, #tpu.memory_space<vmem>>, vector<16xf32>,
      %parallel_loop3A_1220 = vector.shape_cast %parallel_loop3A_1219 : vector<16xf32> to vector<16xf32>
      %parallel_loop3A_1221 = arith.mulf %parallel_loop3A_1220, %get3A_84 : vector<16xf32>
      %parallel_loop3A_1222 = arith.addf %parallel_loop3A_1215, %parallel_loop3A_1221 : vector<16xf32>
      %parallel_loop3A_1223 = arith.constant 64 : i32
      %parallel_loop3A_1224 = arith.addi %parallel_loop3A_1196, %parallel_loop3A_1223 : i32
      %parallel_loop3A_1225 = arith.index_cast %parallel_loop3A_1224 : i32 to index
      %parallel_loop3A_1226 = tpu.vector_load %arg6[%parallel_loop3A_1225] {strides = array<i32>} : memref<12288xf32, #tpu.memory_space<vmem>>, vector<16xf32>,
      %parallel_loop3A_1227 = vector.shape_cast %parallel_loop3A_1226 : vector<16xf32> to vector<16xf32>
      %parallel_loop3A_1228 = arith.mulf %parallel_loop3A_1227, %get3A_87 : vector<16xf32>
      %parallel_loop3A_1229 = arith.addf %parallel_loop3A_1222, %parallel_loop3A_1228 : vector<16xf32>
      %parallel_loop3A_1230 = arith.constant 80 : i32
      %parallel_loop3A_1231 = arith.addi %parallel_loop3A_1196, %parallel_loop3A_1230 : i32
      %parallel_loop3A_1232 = arith.index_cast %parallel_loop3A_1231 : i32 to index
      %parallel_loop3A_1233 = tpu.vector_load %arg6[%parallel_loop3A_1232] {strides = array<i32>} : memref<12288xf32, #tpu.memory_space<vmem>>, vector<16xf32>,
      %parallel_loop3A_1234 = vector.shape_cast %parallel_loop3A_1233 : vector<16xf32> to vector<16xf32>
      %parallel_loop3A_1235 = arith.mulf %parallel_loop3A_1234, %get3A_90 : vector<16xf32>
      %parallel_loop3A_1236 = arith.addf %parallel_loop3A_1229, %parallel_loop3A_1235 : vector<16xf32>
      %parallel_loop3A_1237 = arith.constant 96 : i32
      %parallel_loop3A_1238 = arith.addi %parallel_loop3A_1196, %parallel_loop3A_1237 : i32
      %parallel_loop3A_1239 = arith.index_cast %parallel_loop3A_1238 : i32 to index
      %parallel_loop3A_1240 = tpu.vector_load %arg6[%parallel_loop3A_1239] {strides = array<i32>} : memref<12288xf32, #tpu.memory_space<vmem>>, vector<16xf32>,
      %parallel_loop3A_1241 = vector.shape_cast %parallel_loop3A_1240 : vector<16xf32> to vector<16xf32>
      %parallel_loop3A_1242 = arith.mulf %parallel_loop3A_1241, %get3A_93 : vector<16xf32>
      %parallel_loop3A_1243 = arith.addf %parallel_loop3A_1236, %parallel_loop3A_1242 : vector<16xf32>
      %parallel_loop3A_1244 = arith.constant 112 : i32
      %parallel_loop3A_1245 = arith.addi %parallel_loop3A_1196, %parallel_loop3A_1244 : i32
      %parallel_loop3A_1246 = arith.index_cast %parallel_loop3A_1245 : i32 to index
      %parallel_loop3A_1247 = tpu.vector_load %arg6[%parallel_loop3A_1246] {strides = array<i32>} : memref<12288xf32, #tpu.memory_space<vmem>>, vector<16xf32>,
      %parallel_loop3A_1248 = vector.shape_cast %parallel_loop3A_1247 : vector<16xf32> to vector<16xf32>
      %parallel_loop3A_1249 = arith.mulf %parallel_loop3A_1248, %get3A_96 : vector<16xf32>
      %parallel_loop3A_1250 = arith.addf %parallel_loop3A_1243, %parallel_loop3A_1249 : vector<16xf32>
      %parallel_loop3A_1251 = arith.addf %parallel_loop3A_1197, %parallel_loop3A_1250 : vector<16xf32>
      scf.yield %parallel_loop3A_1251 : vector<16xf32>
    } {sc.loop_unroll_factor = 16 : i64, sc.parallel_access}
    %swap3A_176 = arith.constant 16 : index
    %swap3A_177 = tpu.vector_load %arg10[%swap3A_176] {strides = array<i32>} : memref<256xf32, #tpu.memory_space<vmem>>, vector<16xf32>,
    %swap3A_178 = vector.shape_cast %swap3A_177 : vector<16xf32> to vector<16xf32>
    %swap3A_179 = vector.shape_cast %parallel_loop3A_175 : vector<16xf32> to vector<16xf32>
    tpu.vector_store %arg10[%swap3A_176], %swap3A_179 {strides = array<i32>} : memref<256xf32, #tpu.memory_space<vmem>>, vector<16xf32>,
    %sub3A_180 = arith.subi %squeeze3A_103, %add3A_138 : i32
    %jit3A_181 = arith.constant 0 : i32
    %jit3A_182 = arith.constant 96 : i32
    %max3A_183 = arith.maxsi %jit3A_181, %sub3A_180 : i32
    %min3A_184 = arith.minsi %jit3A_182, %max3A_183 : i32
    %sub3A_185 = arith.subi %squeeze3A_105, %add3A_138 : i32
    %jit3A_186 = arith.constant 0 : i32
    %jit3A_187 = arith.constant 96 : i32
    %max3A_188 = arith.maxsi %jit3A_186, %sub3A_185 : i32
    %min3A_189 = arith.minsi %jit3A_187, %max3A_188 : i32
    %get3A_190 = arith.constant 32 : index
    %get3A_191 = tpu.vector_load %arg10[%get3A_190] {strides = array<i32>} : memref<256xf32, #tpu.memory_space<vmem>>, vector<16xf32>,
    %get3A_192 = vector.shape_cast %get3A_191 : vector<16xf32> to vector<16xf32>
    %mul3A_193 = arith.constant 128 : i32
    %mul3A_194 = arith.muli %min3A_184, %mul3A_193 : i32
    %mul3A_195 = arith.constant 128 : i32
    %mul3A_196 = arith.muli %min3A_189, %mul3A_195 : i32
    %parallel_loop3A_197 = arith.constant 128 : i32
    %parallel_loop3A_198 = scf.for %parallel_loop3A_1196 = %mul3A_194 to %mul3A_196 step %parallel_loop3A_197 iter_args(%parallel_loop3A_1197 = %get3A_192) -> (vector<16xf32>)  : i32 {
      %parallel_loop3A_1198 = arith.index_cast %parallel_loop3A_1196 : i32 to index
      %parallel_loop3A_1199 = tpu.vector_load %arg6[%parallel_loop3A_1198] {strides = array<i32>} : memref<12288xf32, #tpu.memory_space<vmem>>, vector<16xf32>,
      %parallel_loop3A_1200 = vector.shape_cast %parallel_loop3A_1199 : vector<16xf32> to vector<16xf32>
      %parallel_loop3A_1201 = arith.mulf %parallel_loop3A_1200, %get3A_75 : vector<16xf32>
      %parallel_loop3A_1202 = arith.constant 16 : i32
      %parallel_loop3A_1203 = arith.addi %parallel_loop3A_1196, %parallel_loop3A_1202 : i32
      %parallel_loop3A_1204 = arith.index_cast %parallel_loop3A_1203 : i32 to index
      %parallel_loop3A_1205 = tpu.vector_load %arg6[%parallel_loop3A_1204] {strides = array<i32>} : memref<12288xf32, #tpu.memory_space<vmem>>, vector<16xf32>,
      %parallel_loop3A_1206 = vector.shape_cast %parallel_loop3A_1205 : vector<16xf32> to vector<16xf32>
      %parallel_loop3A_1207 = arith.mulf %parallel_loop3A_1206, %get3A_78 : vector<16xf32>
      %parallel_loop3A_1208 = arith.addf %parallel_loop3A_1201, %parallel_loop3A_1207 : vector<16xf32>
      %parallel_loop3A_1209 = arith.constant 32 : i32
      %parallel_loop3A_1210 = arith.addi %parallel_loop3A_1196, %parallel_loop3A_1209 : i32
      %parallel_loop3A_1211 = arith.index_cast %parallel_loop3A_1210 : i32 to index
      %parallel_loop3A_1212 = tpu.vector_load %arg6[%parallel_loop3A_1211] {strides = array<i32>} : memref<12288xf32, #tpu.memory_space<vmem>>, vector<16xf32>,
      %parallel_loop3A_1213 = vector.shape_cast %parallel_loop3A_1212 : vector<16xf32> to vector<16xf32>
      %parallel_loop3A_1214 = arith.mulf %parallel_loop3A_1213, %get3A_81 : vector<16xf32>
      %parallel_loop3A_1215 = arith.addf %parallel_loop3A_1208, %parallel_loop3A_1214 : vector<16xf32>
      %parallel_loop3A_1216 = arith.constant 48 : i32
      %parallel_loop3A_1217 = arith.addi %parallel_loop3A_1196, %parallel_loop3A_1216 : i32
      %parallel_loop3A_1218 = arith.index_cast %parallel_loop3A_1217 : i32 to index
      %parallel_loop3A_1219 = tpu.vector_load %arg6[%parallel_loop3A_1218] {strides = array<i32>} : memref<12288xf32, #tpu.memory_space<vmem>>, vector<16xf32>,
      %parallel_loop3A_1220 = vector.shape_cast %parallel_loop3A_1219 : vector<16xf32> to vector<16xf32>
      %parallel_loop3A_1221 = arith.mulf %parallel_loop3A_1220, %get3A_84 : vector<16xf32>
      %parallel_loop3A_1222 = arith.addf %parallel_loop3A_1215, %parallel_loop3A_1221 : vector<16xf32>
      %parallel_loop3A_1223 = arith.constant 64 : i32
      %parallel_loop3A_1224 = arith.addi %parallel_loop3A_1196, %parallel_loop3A_1223 : i32
      %parallel_loop3A_1225 = arith.index_cast %parallel_loop3A_1224 : i32 to index
      %parallel_loop3A_1226 = tpu.vector_load %arg6[%parallel_loop3A_1225] {strides = array<i32>} : memref<12288xf32, #tpu.memory_space<vmem>>, vector<16xf32>,
      %parallel_loop3A_1227 = vector.shape_cast %parallel_loop3A_1226 : vector<16xf32> to vector<16xf32>
      %parallel_loop3A_1228 = arith.mulf %parallel_loop3A_1227, %get3A_87 : vector<16xf32>
      %parallel_loop3A_1229 = arith.addf %parallel_loop3A_1222, %parallel_loop3A_1228 : vector<16xf32>
      %parallel_loop3A_1230 = arith.constant 80 : i32
      %parallel_loop3A_1231 = arith.addi %parallel_loop3A_1196, %parallel_loop3A_1230 : i32
      %parallel_loop3A_1232 = arith.index_cast %parallel_loop3A_1231 : i32 to index
      %parallel_loop3A_1233 = tpu.vector_load %arg6[%parallel_loop3A_1232] {strides = array<i32>} : memref<12288xf32, #tpu.memory_space<vmem>>, vector<16xf32>,
      %parallel_loop3A_1234 = vector.shape_cast %parallel_loop3A_1233 : vector<16xf32> to vector<16xf32>
      %parallel_loop3A_1235 = arith.mulf %parallel_loop3A_1234, %get3A_90 : vector<16xf32>
      %parallel_loop3A_1236 = arith.addf %parallel_loop3A_1229, %parallel_loop3A_1235 : vector<16xf32>
      %parallel_loop3A_1237 = arith.constant 96 : i32
      %parallel_loop3A_1238 = arith.addi %parallel_loop3A_1196, %parallel_loop3A_1237 : i32
      %parallel_loop3A_1239 = arith.index_cast %parallel_loop3A_1238 : i32 to index
      %parallel_loop3A_1240 = tpu.vector_load %arg6[%parallel_loop3A_1239] {strides = array<i32>} : memref<12288xf32, #tpu.memory_space<vmem>>, vector<16xf32>,
      %parallel_loop3A_1241 = vector.shape_cast %parallel_loop3A_1240 : vector<16xf32> to vector<16xf32>
      %parallel_loop3A_1242 = arith.mulf %parallel_loop3A_1241, %get3A_93 : vector<16xf32>
      %parallel_loop3A_1243 = arith.addf %parallel_loop3A_1236, %parallel_loop3A_1242 : vector<16xf32>
      %parallel_loop3A_1244 = arith.constant 112 : i32
      %parallel_loop3A_1245 = arith.addi %parallel_loop3A_1196, %parallel_loop3A_1244 : i32
      %parallel_loop3A_1246 = arith.index_cast %parallel_loop3A_1245 : i32 to index
      %parallel_loop3A_1247 = tpu.vector_load %arg6[%parallel_loop3A_1246] {strides = array<i32>} : memref<12288xf32, #tpu.memory_space<vmem>>, vector<16xf32>,
      %parallel_loop3A_1248 = vector.shape_cast %parallel_loop3A_1247 : vector<16xf32> to vector<16xf32>
      %parallel_loop3A_1249 = arith.mulf %parallel_loop3A_1248, %get3A_96 : vector<16xf32>
      %parallel_loop3A_1250 = arith.addf %parallel_loop3A_1243, %parallel_loop3A_1249 : vector<16xf32>
      %parallel_loop3A_1251 = arith.addf %parallel_loop3A_1197, %parallel_loop3A_1250 : vector<16xf32>
      scf.yield %parallel_loop3A_1251 : vector<16xf32>
    } {sc.loop_unroll_factor = 16 : i64, sc.parallel_access}
    %swap3A_199 = arith.constant 32 : index
    %swap3A_200 = tpu.vector_load %arg10[%swap3A_199] {strides = array<i32>} : memref<256xf32, #tpu.memory_space<vmem>>, vector<16xf32>,
    %swap3A_201 = vector.shape_cast %swap3A_200 : vector<16xf32> to vector<16xf32>
    %swap3A_202 = vector.shape_cast %parallel_loop3A_198 : vector<16xf32> to vector<16xf32>
    tpu.vector_store %arg10[%swap3A_199], %swap3A_202 {strides = array<i32>} : memref<256xf32, #tpu.memory_space<vmem>>, vector<16xf32>,
    %sub3A_203 = arith.subi %squeeze3A_105, %add3A_138 : i32
    %jit3A_204 = arith.constant 0 : i32
    %jit3A_205 = arith.constant 96 : i32
    %max3A_206 = arith.maxsi %jit3A_204, %sub3A_203 : i32
    %min3A_207 = arith.minsi %jit3A_205, %max3A_206 : i32
    %sub3A_208 = arith.subi %squeeze3A_107, %add3A_138 : i32
    %jit3A_209 = arith.constant 0 : i32
    %jit3A_210 = arith.constant 96 : i32
    %max3A_211 = arith.maxsi %jit3A_209, %sub3A_208 : i32
    %min3A_212 = arith.minsi %jit3A_210, %max3A_211 : i32
    %get3A_213 = arith.constant 48 : index
    %get3A_214 = tpu.vector_load %arg10[%get3A_213] {strides = array<i32>} : memref<256xf32, #tpu.memory_space<vmem>>, vector<16xf32>,
    %get3A_215 = vector.shape_cast %get3A_214 : vector<16xf32> to vector<16xf32>
    %mul3A_216 = arith.constant 128 : i32
    %mul3A_217 = arith.muli %min3A_207, %mul3A_216 : i32
    %mul3A_218 = arith.constant 128 : i32
    %mul3A_219 = arith.muli %min3A_212, %mul3A_218 : i32
    %parallel_loop3A_220 = arith.constant 128 : i32
    %parallel_loop3A_221 = scf.for %parallel_loop3A_1196 = %mul3A_217 to %mul3A_219 step %parallel_loop3A_220 iter_args(%parallel_loop3A_1197 = %get3A_215) -> (vector<16xf32>)  : i32 {
      %parallel_loop3A_1198 = arith.index_cast %parallel_loop3A_1196 : i32 to index
      %parallel_loop3A_1199 = tpu.vector_load %arg6[%parallel_loop3A_1198] {strides = array<i32>} : memref<12288xf32, #tpu.memory_space<vmem>>, vector<16xf32>,
      %parallel_loop3A_1200 = vector.shape_cast %parallel_loop3A_1199 : vector<16xf32> to vector<16xf32>
      %parallel_loop3A_1201 = arith.mulf %parallel_loop3A_1200, %get3A_75 : vector<16xf32>
      %parallel_loop3A_1202 = arith.constant 16 : i32
      %parallel_loop3A_1203 = arith.addi %parallel_loop3A_1196, %parallel_loop3A_1202 : i32
      %parallel_loop3A_1204 = arith.index_cast %parallel_loop3A_1203 : i32 to index
      %parallel_loop3A_1205 = tpu.vector_load %arg6[%parallel_loop3A_1204] {strides = array<i32>} : memref<12288xf32, #tpu.memory_space<vmem>>, vector<16xf32>,
      %parallel_loop3A_1206 = vector.shape_cast %parallel_loop3A_1205 : vector<16xf32> to vector<16xf32>
      %parallel_loop3A_1207 = arith.mulf %parallel_loop3A_1206, %get3A_78 : vector<16xf32>
      %parallel_loop3A_1208 = arith.addf %parallel_loop3A_1201, %parallel_loop3A_1207 : vector<16xf32>
      %parallel_loop3A_1209 = arith.constant 32 : i32
      %parallel_loop3A_1210 = arith.addi %parallel_loop3A_1196, %parallel_loop3A_1209 : i32
      %parallel_loop3A_1211 = arith.index_cast %parallel_loop3A_1210 : i32 to index
      %parallel_loop3A_1212 = tpu.vector_load %arg6[%parallel_loop3A_1211] {strides = array<i32>} : memref<12288xf32, #tpu.memory_space<vmem>>, vector<16xf32>,
      %parallel_loop3A_1213 = vector.shape_cast %parallel_loop3A_1212 : vector<16xf32> to vector<16xf32>
      %parallel_loop3A_1214 = arith.mulf %parallel_loop3A_1213, %get3A_81 : vector<16xf32>
      %parallel_loop3A_1215 = arith.addf %parallel_loop3A_1208, %parallel_loop3A_1214 : vector<16xf32>
      %parallel_loop3A_1216 = arith.constant 48 : i32
      %parallel_loop3A_1217 = arith.addi %parallel_loop3A_1196, %parallel_loop3A_1216 : i32
      %parallel_loop3A_1218 = arith.index_cast %parallel_loop3A_1217 : i32 to index
      %parallel_loop3A_1219 = tpu.vector_load %arg6[%parallel_loop3A_1218] {strides = array<i32>} : memref<12288xf32, #tpu.memory_space<vmem>>, vector<16xf32>,
      %parallel_loop3A_1220 = vector.shape_cast %parallel_loop3A_1219 : vector<16xf32> to vector<16xf32>
      %parallel_loop3A_1221 = arith.mulf %parallel_loop3A_1220, %get3A_84 : vector<16xf32>
      %parallel_loop3A_1222 = arith.addf %parallel_loop3A_1215, %parallel_loop3A_1221 : vector<16xf32>
      %parallel_loop3A_1223 = arith.constant 64 : i32
      %parallel_loop3A_1224 = arith.addi %parallel_loop3A_1196, %parallel_loop3A_1223 : i32
      %parallel_loop3A_1225 = arith.index_cast %parallel_loop3A_1224 : i32 to index
      %parallel_loop3A_1226 = tpu.vector_load %arg6[%parallel_loop3A_1225] {strides = array<i32>} : memref<12288xf32, #tpu.memory_space<vmem>>, vector<16xf32>,
      %parallel_loop3A_1227 = vector.shape_cast %parallel_loop3A_1226 : vector<16xf32> to vector<16xf32>
      %parallel_loop3A_1228 = arith.mulf %parallel_loop3A_1227, %get3A_87 : vector<16xf32>
      %parallel_loop3A_1229 = arith.addf %parallel_loop3A_1222, %parallel_loop3A_1228 : vector<16xf32>
      %parallel_loop3A_1230 = arith.constant 80 : i32
      %parallel_loop3A_1231 = arith.addi %parallel_loop3A_1196, %parallel_loop3A_1230 : i32
      %parallel_loop3A_1232 = arith.index_cast %parallel_loop3A_1231 : i32 to index
      %parallel_loop3A_1233 = tpu.vector_load %arg6[%parallel_loop3A_1232] {strides = array<i32>} : memref<12288xf32, #tpu.memory_space<vmem>>, vector<16xf32>,
      %parallel_loop3A_1234 = vector.shape_cast %parallel_loop3A_1233 : vector<16xf32> to vector<16xf32>
      %parallel_loop3A_1235 = arith.mulf %parallel_loop3A_1234, %get3A_90 : vector<16xf32>
      %parallel_loop3A_1236 = arith.addf %parallel_loop3A_1229, %parallel_loop3A_1235 : vector<16xf32>
      %parallel_loop3A_1237 = arith.constant 96 : i32
      %parallel_loop3A_1238 = arith.addi %parallel_loop3A_1196, %parallel_loop3A_1237 : i32
      %parallel_loop3A_1239 = arith.index_cast %parallel_loop3A_1238 : i32 to index
      %parallel_loop3A_1240 = tpu.vector_load %arg6[%parallel_loop3A_1239] {strides = array<i32>} : memref<12288xf32, #tpu.memory_space<vmem>>, vector<16xf32>,
      %parallel_loop3A_1241 = vector.shape_cast %parallel_loop3A_1240 : vector<16xf32> to vector<16xf32>
      %parallel_loop3A_1242 = arith.mulf %parallel_loop3A_1241, %get3A_93 : vector<16xf32>
      %parallel_loop3A_1243 = arith.addf %parallel_loop3A_1236, %parallel_loop3A_1242 : vector<16xf32>
      %parallel_loop3A_1244 = arith.constant 112 : i32
      %parallel_loop3A_1245 = arith.addi %parallel_loop3A_1196, %parallel_loop3A_1244 : i32
      %parallel_loop3A_1246 = arith.index_cast %parallel_loop3A_1245 : i32 to index
      %parallel_loop3A_1247 = tpu.vector_load %arg6[%parallel_loop3A_1246] {strides = array<i32>} : memref<12288xf32, #tpu.memory_space<vmem>>, vector<16xf32>,
      %parallel_loop3A_1248 = vector.shape_cast %parallel_loop3A_1247 : vector<16xf32> to vector<16xf32>
      %parallel_loop3A_1249 = arith.mulf %parallel_loop3A_1248, %get3A_96 : vector<16xf32>
      %parallel_loop3A_1250 = arith.addf %parallel_loop3A_1243, %parallel_loop3A_1249 : vector<16xf32>
      %parallel_loop3A_1251 = arith.addf %parallel_loop3A_1197, %parallel_loop3A_1250 : vector<16xf32>
      scf.yield %parallel_loop3A_1251 : vector<16xf32>
    } {sc.loop_unroll_factor = 16 : i64, sc.parallel_access}
    %swap3A_222 = arith.constant 48 : index
    %swap3A_223 = tpu.vector_load %arg10[%swap3A_222] {strides = array<i32>} : memref<256xf32, #tpu.memory_space<vmem>>, vector<16xf32>,
    %swap3A_224 = vector.shape_cast %swap3A_223 : vector<16xf32> to vector<16xf32>
    %swap3A_225 = vector.shape_cast %parallel_loop3A_221 : vector<16xf32> to vector<16xf32>
    tpu.vector_store %arg10[%swap3A_222], %swap3A_225 {strides = array<i32>} : memref<256xf32, #tpu.memory_space<vmem>>, vector<16xf32>,
    %sub3A_226 = arith.subi %squeeze3A_107, %add3A_138 : i32
    %jit3A_227 = arith.constant 0 : i32
    %jit3A_228 = arith.constant 96 : i32
    %max3A_229 = arith.maxsi %jit3A_227, %sub3A_226 : i32
    %min3A_230 = arith.minsi %jit3A_228, %max3A_229 : i32
    %sub3A_231 = arith.subi %squeeze3A_109, %add3A_138 : i32
    %jit3A_232 = arith.constant 0 : i32
    %jit3A_233 = arith.constant 96 : i32
    %max3A_234 = arith.maxsi %jit3A_232, %sub3A_231 : i32
    %min3A_235 = arith.minsi %jit3A_233, %max3A_234 : i32
    %get3A_236 = arith.constant 64 : index
    %get3A_237 = tpu.vector_load %arg10[%get3A_236] {strides = array<i32>} : memref<256xf32, #tpu.memory_space<vmem>>, vector<16xf32>,
    %get3A_238 = vector.shape_cast %get3A_237 : vector<16xf32> to vector<16xf32>
    %mul3A_239 = arith.constant 128 : i32
    %mul3A_240 = arith.muli %min3A_230, %mul3A_239 : i32
    %mul3A_241 = arith.constant 128 : i32
    %mul3A_242 = arith.muli %min3A_235, %mul3A_241 : i32
    %parallel_loop3A_243 = arith.constant 128 : i32
    %parallel_loop3A_244 = scf.for %parallel_loop3A_1196 = %mul3A_240 to %mul3A_242 step %parallel_loop3A_243 iter_args(%parallel_loop3A_1197 = %get3A_238) -> (vector<16xf32>)  : i32 {
      %parallel_loop3A_1198 = arith.index_cast %parallel_loop3A_1196 : i32 to index
      %parallel_loop3A_1199 = tpu.vector_load %arg6[%parallel_loop3A_1198] {strides = array<i32>} : memref<12288xf32, #tpu.memory_space<vmem>>, vector<16xf32>,
      %parallel_loop3A_1200 = vector.shape_cast %parallel_loop3A_1199 : vector<16xf32> to vector<16xf32>
      %parallel_loop3A_1201 = arith.mulf %parallel_loop3A_1200, %get3A_75 : vector<16xf32>
      %parallel_loop3A_1202 = arith.constant 16 : i32
      %parallel_loop3A_1203 = arith.addi %parallel_loop3A_1196, %parallel_loop3A_1202 : i32
      %parallel_loop3A_1204 = arith.index_cast %parallel_loop3A_1203 : i32 to index
      %parallel_loop3A_1205 = tpu.vector_load %arg6[%parallel_loop3A_1204] {strides = array<i32>} : memref<12288xf32, #tpu.memory_space<vmem>>, vector<16xf32>,
      %parallel_loop3A_1206 = vector.shape_cast %parallel_loop3A_1205 : vector<16xf32> to vector<16xf32>
      %parallel_loop3A_1207 = arith.mulf %parallel_loop3A_1206, %get3A_78 : vector<16xf32>
      %parallel_loop3A_1208 = arith.addf %parallel_loop3A_1201, %parallel_loop3A_1207 : vector<16xf32>
      %parallel_loop3A_1209 = arith.constant 32 : i32
      %parallel_loop3A_1210 = arith.addi %parallel_loop3A_1196, %parallel_loop3A_1209 : i32
      %parallel_loop3A_1211 = arith.index_cast %parallel_loop3A_1210 : i32 to index
      %parallel_loop3A_1212 = tpu.vector_load %arg6[%parallel_loop3A_1211] {strides = array<i32>} : memref<12288xf32, #tpu.memory_space<vmem>>, vector<16xf32>,
      %parallel_loop3A_1213 = vector.shape_cast %parallel_loop3A_1212 : vector<16xf32> to vector<16xf32>
      %parallel_loop3A_1214 = arith.mulf %parallel_loop3A_1213, %get3A_81 : vector<16xf32>
      %parallel_loop3A_1215 = arith.addf %parallel_loop3A_1208, %parallel_loop3A_1214 : vector<16xf32>
      %parallel_loop3A_1216 = arith.constant 48 : i32
      %parallel_loop3A_1217 = arith.addi %parallel_loop3A_1196, %parallel_loop3A_1216 : i32
      %parallel_loop3A_1218 = arith.index_cast %parallel_loop3A_1217 : i32 to index
      %parallel_loop3A_1219 = tpu.vector_load %arg6[%parallel_loop3A_1218] {strides = array<i32>} : memref<12288xf32, #tpu.memory_space<vmem>>, vector<16xf32>,
      %parallel_loop3A_1220 = vector.shape_cast %parallel_loop3A_1219 : vector<16xf32> to vector<16xf32>
      %parallel_loop3A_1221 = arith.mulf %parallel_loop3A_1220, %get3A_84 : vector<16xf32>
      %parallel_loop3A_1222 = arith.addf %parallel_loop3A_1215, %parallel_loop3A_1221 : vector<16xf32>
      %parallel_loop3A_1223 = arith.constant 64 : i32
      %parallel_loop3A_1224 = arith.addi %parallel_loop3A_1196, %parallel_loop3A_1223 : i32
      %parallel_loop3A_1225 = arith.index_cast %parallel_loop3A_1224 : i32 to index
      %parallel_loop3A_1226 = tpu.vector_load %arg6[%parallel_loop3A_1225] {strides = array<i32>} : memref<12288xf32, #tpu.memory_space<vmem>>, vector<16xf32>,
      %parallel_loop3A_1227 = vector.shape_cast %parallel_loop3A_1226 : vector<16xf32> to vector<16xf32>
      %parallel_loop3A_1228 = arith.mulf %parallel_loop3A_1227, %get3A_87 : vector<16xf32>
      %parallel_loop3A_1229 = arith.addf %parallel_loop3A_1222, %parallel_loop3A_1228 : vector<16xf32>
      %parallel_loop3A_1230 = arith.constant 80 : i32
      %parallel_loop3A_1231 = arith.addi %parallel_loop3A_1196, %parallel_loop3A_1230 : i32
      %parallel_loop3A_1232 = arith.index_cast %parallel_loop3A_1231 : i32 to index
      %parallel_loop3A_1233 = tpu.vector_load %arg6[%parallel_loop3A_1232] {strides = array<i32>} : memref<12288xf32, #tpu.memory_space<vmem>>, vector<16xf32>,
      %parallel_loop3A_1234 = vector.shape_cast %parallel_loop3A_1233 : vector<16xf32> to vector<16xf32>
      %parallel_loop3A_1235 = arith.mulf %parallel_loop3A_1234, %get3A_90 : vector<16xf32>
      %parallel_loop3A_1236 = arith.addf %parallel_loop3A_1229, %parallel_loop3A_1235 : vector<16xf32>
      %parallel_loop3A_1237 = arith.constant 96 : i32
      %parallel_loop3A_1238 = arith.addi %parallel_loop3A_1196, %parallel_loop3A_1237 : i32
      %parallel_loop3A_1239 = arith.index_cast %parallel_loop3A_1238 : i32 to index
      %parallel_loop3A_1240 = tpu.vector_load %arg6[%parallel_loop3A_1239] {strides = array<i32>} : memref<12288xf32, #tpu.memory_space<vmem>>, vector<16xf32>,
      %parallel_loop3A_1241 = vector.shape_cast %parallel_loop3A_1240 : vector<16xf32> to vector<16xf32>
      %parallel_loop3A_1242 = arith.mulf %parallel_loop3A_1241, %get3A_93 : vector<16xf32>
      %parallel_loop3A_1243 = arith.addf %parallel_loop3A_1236, %parallel_loop3A_1242 : vector<16xf32>
      %parallel_loop3A_1244 = arith.constant 112 : i32
      %parallel_loop3A_1245 = arith.addi %parallel_loop3A_1196, %parallel_loop3A_1244 : i32
      %parallel_loop3A_1246 = arith.index_cast %parallel_loop3A_1245 : i32 to index
      %parallel_loop3A_1247 = tpu.vector_load %arg6[%parallel_loop3A_1246] {strides = array<i32>} : memref<12288xf32, #tpu.memory_space<vmem>>, vector<16xf32>,
      %parallel_loop3A_1248 = vector.shape_cast %parallel_loop3A_1247 : vector<16xf32> to vector<16xf32>
      %parallel_loop3A_1249 = arith.mulf %parallel_loop3A_1248, %get3A_96 : vector<16xf32>
      %parallel_loop3A_1250 = arith.addf %parallel_loop3A_1243, %parallel_loop3A_1249 : vector<16xf32>
      %parallel_loop3A_1251 = arith.addf %parallel_loop3A_1197, %parallel_loop3A_1250 : vector<16xf32>
      scf.yield %parallel_loop3A_1251 : vector<16xf32>
    } {sc.loop_unroll_factor = 16 : i64, sc.parallel_access}
    %swap3A_245 = arith.constant 64 : index
    %swap3A_246 = tpu.vector_load %arg10[%swap3A_245] {strides = array<i32>} : memref<256xf32, #tpu.memory_space<vmem>>, vector<16xf32>,
    %swap3A_247 = vector.shape_cast %swap3A_246 : vector<16xf32> to vector<16xf32>
    %swap3A_248 = vector.shape_cast %parallel_loop3A_244 : vector<16xf32> to vector<16xf32>
    tpu.vector_store %arg10[%swap3A_245], %swap3A_248 {strides = array<i32>} : memref<256xf32, #tpu.memory_space<vmem>>, vector<16xf32>,
    %sub3A_249 = arith.subi %squeeze3A_109, %add3A_138 : i32
    %jit3A_250 = arith.constant 0 : i32
    %jit3A_251 = arith.constant 96 : i32
    %max3A_252 = arith.maxsi %jit3A_250, %sub3A_249 : i32
    %min3A_253 = arith.minsi %jit3A_251, %max3A_252 : i32
    %sub3A_254 = arith.subi %squeeze3A_111, %add3A_138 : i32
    %jit3A_255 = arith.constant 0 : i32
    %jit3A_256 = arith.constant 96 : i32
    %max3A_257 = arith.maxsi %jit3A_255, %sub3A_254 : i32
    %min3A_258 = arith.minsi %jit3A_256, %max3A_257 : i32
    %get3A_259 = arith.constant 80 : index
    %get3A_260 = tpu.vector_load %arg10[%get3A_259] {strides = array<i32>} : memref<256xf32, #tpu.memory_space<vmem>>, vector<16xf32>,
    %get3A_261 = vector.shape_cast %get3A_260 : vector<16xf32> to vector<16xf32>
    %mul3A_262 = arith.constant 128 : i32
    %mul3A_263 = arith.muli %min3A_253, %mul3A_262 : i32
    %mul3A_264 = arith.constant 128 : i32
    %mul3A_265 = arith.muli %min3A_258, %mul3A_264 : i32
    %parallel_loop3A_266 = arith.constant 128 : i32
    %parallel_loop3A_267 = scf.for %parallel_loop3A_1196 = %mul3A_263 to %mul3A_265 step %parallel_loop3A_266 iter_args(%parallel_loop3A_1197 = %get3A_261) -> (vector<16xf32>)  : i32 {
      %parallel_loop3A_1198 = arith.index_cast %parallel_loop3A_1196 : i32 to index
      %parallel_loop3A_1199 = tpu.vector_load %arg6[%parallel_loop3A_1198] {strides = array<i32>} : memref<12288xf32, #tpu.memory_space<vmem>>, vector<16xf32>,
      %parallel_loop3A_1200 = vector.shape_cast %parallel_loop3A_1199 : vector<16xf32> to vector<16xf32>
      %parallel_loop3A_1201 = arith.mulf %parallel_loop3A_1200, %get3A_75 : vector<16xf32>
      %parallel_loop3A_1202 = arith.constant 16 : i32
      %parallel_loop3A_1203 = arith.addi %parallel_loop3A_1196, %parallel_loop3A_1202 : i32
      %parallel_loop3A_1204 = arith.index_cast %parallel_loop3A_1203 : i32 to index
      %parallel_loop3A_1205 = tpu.vector_load %arg6[%parallel_loop3A_1204] {strides = array<i32>} : memref<12288xf32, #tpu.memory_space<vmem>>, vector<16xf32>,
      %parallel_loop3A_1206 = vector.shape_cast %parallel_loop3A_1205 : vector<16xf32> to vector<16xf32>
      %parallel_loop3A_1207 = arith.mulf %parallel_loop3A_1206, %get3A_78 : vector<16xf32>
      %parallel_loop3A_1208 = arith.addf %parallel_loop3A_1201, %parallel_loop3A_1207 : vector<16xf32>
      %parallel_loop3A_1209 = arith.constant 32 : i32
      %parallel_loop3A_1210 = arith.addi %parallel_loop3A_1196, %parallel_loop3A_1209 : i32
      %parallel_loop3A_1211 = arith.index_cast %parallel_loop3A_1210 : i32 to index
      %parallel_loop3A_1212 = tpu.vector_load %arg6[%parallel_loop3A_1211] {strides = array<i32>} : memref<12288xf32, #tpu.memory_space<vmem>>, vector<16xf32>,
      %parallel_loop3A_1213 = vector.shape_cast %parallel_loop3A_1212 : vector<16xf32> to vector<16xf32>
      %parallel_loop3A_1214 = arith.mulf %parallel_loop3A_1213, %get3A_81 : vector<16xf32>
      %parallel_loop3A_1215 = arith.addf %parallel_loop3A_1208, %parallel_loop3A_1214 : vector<16xf32>
      %parallel_loop3A_1216 = arith.constant 48 : i32
      %parallel_loop3A_1217 = arith.addi %parallel_loop3A_1196, %parallel_loop3A_1216 : i32
      %parallel_loop3A_1218 = arith.index_cast %parallel_loop3A_1217 : i32 to index
      %parallel_loop3A_1219 = tpu.vector_load %arg6[%parallel_loop3A_1218] {strides = array<i32>} : memref<12288xf32, #tpu.memory_space<vmem>>, vector<16xf32>,
      %parallel_loop3A_1220 = vector.shape_cast %parallel_loop3A_1219 : vector<16xf32> to vector<16xf32>
      %parallel_loop3A_1221 = arith.mulf %parallel_loop3A_1220, %get3A_84 : vector<16xf32>
      %parallel_loop3A_1222 = arith.addf %parallel_loop3A_1215, %parallel_loop3A_1221 : vector<16xf32>
      %parallel_loop3A_1223 = arith.constant 64 : i32
      %parallel_loop3A_1224 = arith.addi %parallel_loop3A_1196, %parallel_loop3A_1223 : i32
      %parallel_loop3A_1225 = arith.index_cast %parallel_loop3A_1224 : i32 to index
      %parallel_loop3A_1226 = tpu.vector_load %arg6[%parallel_loop3A_1225] {strides = array<i32>} : memref<12288xf32, #tpu.memory_space<vmem>>, vector<16xf32>,
      %parallel_loop3A_1227 = vector.shape_cast %parallel_loop3A_1226 : vector<16xf32> to vector<16xf32>
      %parallel_loop3A_1228 = arith.mulf %parallel_loop3A_1227, %get3A_87 : vector<16xf32>
      %parallel_loop3A_1229 = arith.addf %parallel_loop3A_1222, %parallel_loop3A_1228 : vector<16xf32>
      %parallel_loop3A_1230 = arith.constant 80 : i32
      %parallel_loop3A_1231 = arith.addi %parallel_loop3A_1196, %parallel_loop3A_1230 : i32
      %parallel_loop3A_1232 = arith.index_cast %parallel_loop3A_1231 : i32 to index
      %parallel_loop3A_1233 = tpu.vector_load %arg6[%parallel_loop3A_1232] {strides = array<i32>} : memref<12288xf32, #tpu.memory_space<vmem>>, vector<16xf32>,
      %parallel_loop3A_1234 = vector.shape_cast %parallel_loop3A_1233 : vector<16xf32> to vector<16xf32>
      %parallel_loop3A_1235 = arith.mulf %parallel_loop3A_1234, %get3A_90 : vector<16xf32>
      %parallel_loop3A_1236 = arith.addf %parallel_loop3A_1229, %parallel_loop3A_1235 : vector<16xf32>
      %parallel_loop3A_1237 = arith.constant 96 : i32
      %parallel_loop3A_1238 = arith.addi %parallel_loop3A_1196, %parallel_loop3A_1237 : i32
      %parallel_loop3A_1239 = arith.index_cast %parallel_loop3A_1238 : i32 to index
      %parallel_loop3A_1240 = tpu.vector_load %arg6[%parallel_loop3A_1239] {strides = array<i32>} : memref<12288xf32, #tpu.memory_space<vmem>>, vector<16xf32>,
      %parallel_loop3A_1241 = vector.shape_cast %parallel_loop3A_1240 : vector<16xf32> to vector<16xf32>
      %parallel_loop3A_1242 = arith.mulf %parallel_loop3A_1241, %get3A_93 : vector<16xf32>
      %parallel_loop3A_1243 = arith.addf %parallel_loop3A_1236, %parallel_loop3A_1242 : vector<16xf32>
      %parallel_loop3A_1244 = arith.constant 112 : i32
      %parallel_loop3A_1245 = arith.addi %parallel_loop3A_1196, %parallel_loop3A_1244 : i32
      %parallel_loop3A_1246 = arith.index_cast %parallel_loop3A_1245 : i32 to index
      %parallel_loop3A_1247 = tpu.vector_load %arg6[%parallel_loop3A_1246] {strides = array<i32>} : memref<12288xf32, #tpu.memory_space<vmem>>, vector<16xf32>,
      %parallel_loop3A_1248 = vector.shape_cast %parallel_loop3A_1247 : vector<16xf32> to vector<16xf32>
      %parallel_loop3A_1249 = arith.mulf %parallel_loop3A_1248, %get3A_96 : vector<16xf32>
      %parallel_loop3A_1250 = arith.addf %parallel_loop3A_1243, %parallel_loop3A_1249 : vector<16xf32>
      %parallel_loop3A_1251 = arith.addf %parallel_loop3A_1197, %parallel_loop3A_1250 : vector<16xf32>
      scf.yield %parallel_loop3A_1251 : vector<16xf32>
    } {sc.loop_unroll_factor = 16 : i64, sc.parallel_access}
    %swap3A_268 = arith.constant 80 : index
    %swap3A_269 = tpu.vector_load %arg10[%swap3A_268] {strides = array<i32>} : memref<256xf32, #tpu.memory_space<vmem>>, vector<16xf32>,
    %swap3A_270 = vector.shape_cast %swap3A_269 : vector<16xf32> to vector<16xf32>
    %swap3A_271 = vector.shape_cast %parallel_loop3A_267 : vector<16xf32> to vector<16xf32>
    tpu.vector_store %arg10[%swap3A_268], %swap3A_271 {strides = array<i32>} : memref<256xf32, #tpu.memory_space<vmem>>, vector<16xf32>,
    %sub3A_272 = arith.subi %squeeze3A_111, %add3A_138 : i32
    %jit3A_273 = arith.constant 0 : i32
    %jit3A_274 = arith.constant 96 : i32
    %max3A_275 = arith.maxsi %jit3A_273, %sub3A_272 : i32
    %min3A_276 = arith.minsi %jit3A_274, %max3A_275 : i32
    %sub3A_277 = arith.subi %squeeze3A_113, %add3A_138 : i32
    %jit3A_278 = arith.constant 0 : i32
    %jit3A_279 = arith.constant 96 : i32
    %max3A_280 = arith.maxsi %jit3A_278, %sub3A_277 : i32
    %min3A_281 = arith.minsi %jit3A_279, %max3A_280 : i32
    %get3A_282 = arith.constant 96 : index
    %get3A_283 = tpu.vector_load %arg10[%get3A_282] {strides = array<i32>} : memref<256xf32, #tpu.memory_space<vmem>>, vector<16xf32>,
    %get3A_284 = vector.shape_cast %get3A_283 : vector<16xf32> to vector<16xf32>
    %mul3A_285 = arith.constant 128 : i32
    %mul3A_286 = arith.muli %min3A_276, %mul3A_285 : i32
    %mul3A_287 = arith.constant 128 : i32
    %mul3A_288 = arith.muli %min3A_281, %mul3A_287 : i32
    %parallel_loop3A_289 = arith.constant 128 : i32
    %parallel_loop3A_290 = scf.for %parallel_loop3A_1196 = %mul3A_286 to %mul3A_288 step %parallel_loop3A_289 iter_args(%parallel_loop3A_1197 = %get3A_284) -> (vector<16xf32>)  : i32 {
      %parallel_loop3A_1198 = arith.index_cast %parallel_loop3A_1196 : i32 to index
      %parallel_loop3A_1199 = tpu.vector_load %arg6[%parallel_loop3A_1198] {strides = array<i32>} : memref<12288xf32, #tpu.memory_space<vmem>>, vector<16xf32>,
      %parallel_loop3A_1200 = vector.shape_cast %parallel_loop3A_1199 : vector<16xf32> to vector<16xf32>
      %parallel_loop3A_1201 = arith.mulf %parallel_loop3A_1200, %get3A_75 : vector<16xf32>
      %parallel_loop3A_1202 = arith.constant 16 : i32
      %parallel_loop3A_1203 = arith.addi %parallel_loop3A_1196, %parallel_loop3A_1202 : i32
      %parallel_loop3A_1204 = arith.index_cast %parallel_loop3A_1203 : i32 to index
      %parallel_loop3A_1205 = tpu.vector_load %arg6[%parallel_loop3A_1204] {strides = array<i32>} : memref<12288xf32, #tpu.memory_space<vmem>>, vector<16xf32>,
      %parallel_loop3A_1206 = vector.shape_cast %parallel_loop3A_1205 : vector<16xf32> to vector<16xf32>
      %parallel_loop3A_1207 = arith.mulf %parallel_loop3A_1206, %get3A_78 : vector<16xf32>
      %parallel_loop3A_1208 = arith.addf %parallel_loop3A_1201, %parallel_loop3A_1207 : vector<16xf32>
      %parallel_loop3A_1209 = arith.constant 32 : i32
      %parallel_loop3A_1210 = arith.addi %parallel_loop3A_1196, %parallel_loop3A_1209 : i32
      %parallel_loop3A_1211 = arith.index_cast %parallel_loop3A_1210 : i32 to index
      %parallel_loop3A_1212 = tpu.vector_load %arg6[%parallel_loop3A_1211] {strides = array<i32>} : memref<12288xf32, #tpu.memory_space<vmem>>, vector<16xf32>,
      %parallel_loop3A_1213 = vector.shape_cast %parallel_loop3A_1212 : vector<16xf32> to vector<16xf32>
      %parallel_loop3A_1214 = arith.mulf %parallel_loop3A_1213, %get3A_81 : vector<16xf32>
      %parallel_loop3A_1215 = arith.addf %parallel_loop3A_1208, %parallel_loop3A_1214 : vector<16xf32>
      %parallel_loop3A_1216 = arith.constant 48 : i32
      %parallel_loop3A_1217 = arith.addi %parallel_loop3A_1196, %parallel_loop3A_1216 : i32
      %parallel_loop3A_1218 = arith.index_cast %parallel_loop3A_1217 : i32 to index
      %parallel_loop3A_1219 = tpu.vector_load %arg6[%parallel_loop3A_1218] {strides = array<i32>} : memref<12288xf32, #tpu.memory_space<vmem>>, vector<16xf32>,
      %parallel_loop3A_1220 = vector.shape_cast %parallel_loop3A_1219 : vector<16xf32> to vector<16xf32>
      %parallel_loop3A_1221 = arith.mulf %parallel_loop3A_1220, %get3A_84 : vector<16xf32>
      %parallel_loop3A_1222 = arith.addf %parallel_loop3A_1215, %parallel_loop3A_1221 : vector<16xf32>
      %parallel_loop3A_1223 = arith.constant 64 : i32
      %parallel_loop3A_1224 = arith.addi %parallel_loop3A_1196, %parallel_loop3A_1223 : i32
      %parallel_loop3A_1225 = arith.index_cast %parallel_loop3A_1224 : i32 to index
      %parallel_loop3A_1226 = tpu.vector_load %arg6[%parallel_loop3A_1225] {strides = array<i32>} : memref<12288xf32, #tpu.memory_space<vmem>>, vector<16xf32>,
      %parallel_loop3A_1227 = vector.shape_cast %parallel_loop3A_1226 : vector<16xf32> to vector<16xf32>
      %parallel_loop3A_1228 = arith.mulf %parallel_loop3A_1227, %get3A_87 : vector<16xf32>
      %parallel_loop3A_1229 = arith.addf %parallel_loop3A_1222, %parallel_loop3A_1228 : vector<16xf32>
      %parallel_loop3A_1230 = arith.constant 80 : i32
      %parallel_loop3A_1231 = arith.addi %parallel_loop3A_1196, %parallel_loop3A_1230 : i32
      %parallel_loop3A_1232 = arith.index_cast %parallel_loop3A_1231 : i32 to index
      %parallel_loop3A_1233 = tpu.vector_load %arg6[%parallel_loop3A_1232] {strides = array<i32>} : memref<12288xf32, #tpu.memory_space<vmem>>, vector<16xf32>,
      %parallel_loop3A_1234 = vector.shape_cast %parallel_loop3A_1233 : vector<16xf32> to vector<16xf32>
      %parallel_loop3A_1235 = arith.mulf %parallel_loop3A_1234, %get3A_90 : vector<16xf32>
      %parallel_loop3A_1236 = arith.addf %parallel_loop3A_1229, %parallel_loop3A_1235 : vector<16xf32>
      %parallel_loop3A_1237 = arith.constant 96 : i32
      %parallel_loop3A_1238 = arith.addi %parallel_loop3A_1196, %parallel_loop3A_1237 : i32
      %parallel_loop3A_1239 = arith.index_cast %parallel_loop3A_1238 : i32 to index
      %parallel_loop3A_1240 = tpu.vector_load %arg6[%parallel_loop3A_1239] {strides = array<i32>} : memref<12288xf32, #tpu.memory_space<vmem>>, vector<16xf32>,
      %parallel_loop3A_1241 = vector.shape_cast %parallel_loop3A_1240 : vector<16xf32> to vector<16xf32>
      %parallel_loop3A_1242 = arith.mulf %parallel_loop3A_1241, %get3A_93 : vector<16xf32>
      %parallel_loop3A_1243 = arith.addf %parallel_loop3A_1236, %parallel_loop3A_1242 : vector<16xf32>
      %parallel_loop3A_1244 = arith.constant 112 : i32
      %parallel_loop3A_1245 = arith.addi %parallel_loop3A_1196, %parallel_loop3A_1244 : i32
      %parallel_loop3A_1246 = arith.index_cast %parallel_loop3A_1245 : i32 to index
      %parallel_loop3A_1247 = tpu.vector_load %arg6[%parallel_loop3A_1246] {strides = array<i32>} : memref<12288xf32, #tpu.memory_space<vmem>>, vector<16xf32>,
      %parallel_loop3A_1248 = vector.shape_cast %parallel_loop3A_1247 : vector<16xf32> to vector<16xf32>
      %parallel_loop3A_1249 = arith.mulf %parallel_loop3A_1248, %get3A_96 : vector<16xf32>
      %parallel_loop3A_1250 = arith.addf %parallel_loop3A_1243, %parallel_loop3A_1249 : vector<16xf32>
      %parallel_loop3A_1251 = arith.addf %parallel_loop3A_1197, %parallel_loop3A_1250 : vector<16xf32>
      scf.yield %parallel_loop3A_1251 : vector<16xf32>
    } {sc.loop_unroll_factor = 16 : i64, sc.parallel_access}
    %swap3A_291 = arith.constant 96 : index
    %swap3A_292 = tpu.vector_load %arg10[%swap3A_291] {strides = array<i32>} : memref<256xf32, #tpu.memory_space<vmem>>, vector<16xf32>,
    %swap3A_293 = vector.shape_cast %swap3A_292 : vector<16xf32> to vector<16xf32>
    %swap3A_294 = vector.shape_cast %parallel_loop3A_290 : vector<16xf32> to vector<16xf32>
    tpu.vector_store %arg10[%swap3A_291], %swap3A_294 {strides = array<i32>} : memref<256xf32, #tpu.memory_space<vmem>>, vector<16xf32>,
    %sub3A_295 = arith.subi %squeeze3A_113, %add3A_138 : i32
    %jit3A_296 = arith.constant 0 : i32
    %jit3A_297 = arith.constant 96 : i32
    %max3A_298 = arith.maxsi %jit3A_296, %sub3A_295 : i32
    %min3A_299 = arith.minsi %jit3A_297, %max3A_298 : i32
    %sub3A_300 = arith.subi %squeeze3A_115, %add3A_138 : i32
    %jit3A_301 = arith.constant 0 : i32
    %jit3A_302 = arith.constant 96 : i32
    %max3A_303 = arith.maxsi %jit3A_301, %sub3A_300 : i32
    %min3A_304 = arith.minsi %jit3A_302, %max3A_303 : i32
    %get3A_305 = arith.constant 112 : index
    %get3A_306 = tpu.vector_load %arg10[%get3A_305] {strides = array<i32>} : memref<256xf32, #tpu.memory_space<vmem>>, vector<16xf32>,
    %get3A_307 = vector.shape_cast %get3A_306 : vector<16xf32> to vector<16xf32>
    %mul3A_308 = arith.constant 128 : i32
    %mul3A_309 = arith.muli %min3A_299, %mul3A_308 : i32
    %mul3A_310 = arith.constant 128 : i32
    %mul3A_311 = arith.muli %min3A_304, %mul3A_310 : i32
    %parallel_loop3A_312 = arith.constant 128 : i32
    %parallel_loop3A_313 = scf.for %parallel_loop3A_1196 = %mul3A_309 to %mul3A_311 step %parallel_loop3A_312 iter_args(%parallel_loop3A_1197 = %get3A_307) -> (vector<16xf32>)  : i32 {
      %parallel_loop3A_1198 = arith.index_cast %parallel_loop3A_1196 : i32 to index
      %parallel_loop3A_1199 = tpu.vector_load %arg6[%parallel_loop3A_1198] {strides = array<i32>} : memref<12288xf32, #tpu.memory_space<vmem>>, vector<16xf32>,
      %parallel_loop3A_1200 = vector.shape_cast %parallel_loop3A_1199 : vector<16xf32> to vector<16xf32>
      %parallel_loop3A_1201 = arith.mulf %parallel_loop3A_1200, %get3A_75 : vector<16xf32>
      %parallel_loop3A_1202 = arith.constant 16 : i32
      %parallel_loop3A_1203 = arith.addi %parallel_loop3A_1196, %parallel_loop3A_1202 : i32
      %parallel_loop3A_1204 = arith.index_cast %parallel_loop3A_1203 : i32 to index
      %parallel_loop3A_1205 = tpu.vector_load %arg6[%parallel_loop3A_1204] {strides = array<i32>} : memref<12288xf32, #tpu.memory_space<vmem>>, vector<16xf32>,
      %parallel_loop3A_1206 = vector.shape_cast %parallel_loop3A_1205 : vector<16xf32> to vector<16xf32>
      %parallel_loop3A_1207 = arith.mulf %parallel_loop3A_1206, %get3A_78 : vector<16xf32>
      %parallel_loop3A_1208 = arith.addf %parallel_loop3A_1201, %parallel_loop3A_1207 : vector<16xf32>
      %parallel_loop3A_1209 = arith.constant 32 : i32
      %parallel_loop3A_1210 = arith.addi %parallel_loop3A_1196, %parallel_loop3A_1209 : i32
      %parallel_loop3A_1211 = arith.index_cast %parallel_loop3A_1210 : i32 to index
      %parallel_loop3A_1212 = tpu.vector_load %arg6[%parallel_loop3A_1211] {strides = array<i32>} : memref<12288xf32, #tpu.memory_space<vmem>>, vector<16xf32>,
      %parallel_loop3A_1213 = vector.shape_cast %parallel_loop3A_1212 : vector<16xf32> to vector<16xf32>
      %parallel_loop3A_1214 = arith.mulf %parallel_loop3A_1213, %get3A_81 : vector<16xf32>
      %parallel_loop3A_1215 = arith.addf %parallel_loop3A_1208, %parallel_loop3A_1214 : vector<16xf32>
      %parallel_loop3A_1216 = arith.constant 48 : i32
      %parallel_loop3A_1217 = arith.addi %parallel_loop3A_1196, %parallel_loop3A_1216 : i32
      %parallel_loop3A_1218 = arith.index_cast %parallel_loop3A_1217 : i32 to index
      %parallel_loop3A_1219 = tpu.vector_load %arg6[%parallel_loop3A_1218] {strides = array<i32>} : memref<12288xf32, #tpu.memory_space<vmem>>, vector<16xf32>,
      %parallel_loop3A_1220 = vector.shape_cast %parallel_loop3A_1219 : vector<16xf32> to vector<16xf32>
      %parallel_loop3A_1221 = arith.mulf %parallel_loop3A_1220, %get3A_84 : vector<16xf32>
      %parallel_loop3A_1222 = arith.addf %parallel_loop3A_1215, %parallel_loop3A_1221 : vector<16xf32>
      %parallel_loop3A_1223 = arith.constant 64 : i32
      %parallel_loop3A_1224 = arith.addi %parallel_loop3A_1196, %parallel_loop3A_1223 : i32
      %parallel_loop3A_1225 = arith.index_cast %parallel_loop3A_1224 : i32 to index
      %parallel_loop3A_1226 = tpu.vector_load %arg6[%parallel_loop3A_1225] {strides = array<i32>} : memref<12288xf32, #tpu.memory_space<vmem>>, vector<16xf32>,
      %parallel_loop3A_1227 = vector.shape_cast %parallel_loop3A_1226 : vector<16xf32> to vector<16xf32>
      %parallel_loop3A_1228 = arith.mulf %parallel_loop3A_1227, %get3A_87 : vector<16xf32>
      %parallel_loop3A_1229 = arith.addf %parallel_loop3A_1222, %parallel_loop3A_1228 : vector<16xf32>
      %parallel_loop3A_1230 = arith.constant 80 : i32
      %parallel_loop3A_1231 = arith.addi %parallel_loop3A_1196, %parallel_loop3A_1230 : i32
      %parallel_loop3A_1232 = arith.index_cast %parallel_loop3A_1231 : i32 to index
      %parallel_loop3A_1233 = tpu.vector_load %arg6[%parallel_loop3A_1232] {strides = array<i32>} : memref<12288xf32, #tpu.memory_space<vmem>>, vector<16xf32>,
      %parallel_loop3A_1234 = vector.shape_cast %parallel_loop3A_1233 : vector<16xf32> to vector<16xf32>
      %parallel_loop3A_1235 = arith.mulf %parallel_loop3A_1234, %get3A_90 : vector<16xf32>
      %parallel_loop3A_1236 = arith.addf %parallel_loop3A_1229, %parallel_loop3A_1235 : vector<16xf32>
      %parallel_loop3A_1237 = arith.constant 96 : i32
      %parallel_loop3A_1238 = arith.addi %parallel_loop3A_1196, %parallel_loop3A_1237 : i32
      %parallel_loop3A_1239 = arith.index_cast %parallel_loop3A_1238 : i32 to index
      %parallel_loop3A_1240 = tpu.vector_load %arg6[%parallel_loop3A_1239] {strides = array<i32>} : memref<12288xf32, #tpu.memory_space<vmem>>, vector<16xf32>,
      %parallel_loop3A_1241 = vector.shape_cast %parallel_loop3A_1240 : vector<16xf32> to vector<16xf32>
      %parallel_loop3A_1242 = arith.mulf %parallel_loop3A_1241, %get3A_93 : vector<16xf32>
      %parallel_loop3A_1243 = arith.addf %parallel_loop3A_1236, %parallel_loop3A_1242 : vector<16xf32>
      %parallel_loop3A_1244 = arith.constant 112 : i32
      %parallel_loop3A_1245 = arith.addi %parallel_loop3A_1196, %parallel_loop3A_1244 : i32
      %parallel_loop3A_1246 = arith.index_cast %parallel_loop3A_1245 : i32 to index
      %parallel_loop3A_1247 = tpu.vector_load %arg6[%parallel_loop3A_1246] {strides = array<i32>} : memref<12288xf32, #tpu.memory_space<vmem>>, vector<16xf32>,
      %parallel_loop3A_1248 = vector.shape_cast %parallel_loop3A_1247 : vector<16xf32> to vector<16xf32>
      %parallel_loop3A_1249 = arith.mulf %parallel_loop3A_1248, %get3A_96 : vector<16xf32>
      %parallel_loop3A_1250 = arith.addf %parallel_loop3A_1243, %parallel_loop3A_1249 : vector<16xf32>
      %parallel_loop3A_1251 = arith.addf %parallel_loop3A_1197, %parallel_loop3A_1250 : vector<16xf32>
      scf.yield %parallel_loop3A_1251 : vector<16xf32>
    } {sc.loop_unroll_factor = 16 : i64, sc.parallel_access}
    %swap3A_314 = arith.constant 112 : index
    %swap3A_315 = tpu.vector_load %arg10[%swap3A_314] {strides = array<i32>} : memref<256xf32, #tpu.memory_space<vmem>>, vector<16xf32>,
    %swap3A_316 = vector.shape_cast %swap3A_315 : vector<16xf32> to vector<16xf32>
    %swap3A_317 = vector.shape_cast %parallel_loop3A_313 : vector<16xf32> to vector<16xf32>
    tpu.vector_store %arg10[%swap3A_314], %swap3A_317 {strides = array<i32>} : memref<256xf32, #tpu.memory_space<vmem>>, vector<16xf32>,
    %sub3A_318 = arith.subi %squeeze3A_115, %add3A_138 : i32
    %jit3A_319 = arith.constant 0 : i32
    %jit3A_320 = arith.constant 96 : i32
    %max3A_321 = arith.maxsi %jit3A_319, %sub3A_318 : i32
    %min3A_322 = arith.minsi %jit3A_320, %max3A_321 : i32
    %sub3A_323 = arith.subi %squeeze3A_117, %add3A_138 : i32
    %jit3A_324 = arith.constant 0 : i32
    %jit3A_325 = arith.constant 96 : i32
    %max3A_326 = arith.maxsi %jit3A_324, %sub3A_323 : i32
    %min3A_327 = arith.minsi %jit3A_325, %max3A_326 : i32
    %get3A_328 = arith.constant 128 : index
    %get3A_329 = tpu.vector_load %arg10[%get3A_328] {strides = array<i32>} : memref<256xf32, #tpu.memory_space<vmem>>, vector<16xf32>,
    %get3A_330 = vector.shape_cast %get3A_329 : vector<16xf32> to vector<16xf32>
    %mul3A_331 = arith.constant 128 : i32
    %mul3A_332 = arith.muli %min3A_322, %mul3A_331 : i32
    %mul3A_333 = arith.constant 128 : i32
    %mul3A_334 = arith.muli %min3A_327, %mul3A_333 : i32
    %parallel_loop3A_335 = arith.constant 128 : i32
    %parallel_loop3A_336 = scf.for %parallel_loop3A_1196 = %mul3A_332 to %mul3A_334 step %parallel_loop3A_335 iter_args(%parallel_loop3A_1197 = %get3A_330) -> (vector<16xf32>)  : i32 {
      %parallel_loop3A_1198 = arith.index_cast %parallel_loop3A_1196 : i32 to index
      %parallel_loop3A_1199 = tpu.vector_load %arg6[%parallel_loop3A_1198] {strides = array<i32>} : memref<12288xf32, #tpu.memory_space<vmem>>, vector<16xf32>,
      %parallel_loop3A_1200 = vector.shape_cast %parallel_loop3A_1199 : vector<16xf32> to vector<16xf32>
      %parallel_loop3A_1201 = arith.mulf %parallel_loop3A_1200, %get3A_75 : vector<16xf32>
      %parallel_loop3A_1202 = arith.constant 16 : i32
      %parallel_loop3A_1203 = arith.addi %parallel_loop3A_1196, %parallel_loop3A_1202 : i32
      %parallel_loop3A_1204 = arith.index_cast %parallel_loop3A_1203 : i32 to index
      %parallel_loop3A_1205 = tpu.vector_load %arg6[%parallel_loop3A_1204] {strides = array<i32>} : memref<12288xf32, #tpu.memory_space<vmem>>, vector<16xf32>,
      %parallel_loop3A_1206 = vector.shape_cast %parallel_loop3A_1205 : vector<16xf32> to vector<16xf32>
      %parallel_loop3A_1207 = arith.mulf %parallel_loop3A_1206, %get3A_78 : vector<16xf32>
      %parallel_loop3A_1208 = arith.addf %parallel_loop3A_1201, %parallel_loop3A_1207 : vector<16xf32>
      %parallel_loop3A_1209 = arith.constant 32 : i32
      %parallel_loop3A_1210 = arith.addi %parallel_loop3A_1196, %parallel_loop3A_1209 : i32
      %parallel_loop3A_1211 = arith.index_cast %parallel_loop3A_1210 : i32 to index
      %parallel_loop3A_1212 = tpu.vector_load %arg6[%parallel_loop3A_1211] {strides = array<i32>} : memref<12288xf32, #tpu.memory_space<vmem>>, vector<16xf32>,
      %parallel_loop3A_1213 = vector.shape_cast %parallel_loop3A_1212 : vector<16xf32> to vector<16xf32>
      %parallel_loop3A_1214 = arith.mulf %parallel_loop3A_1213, %get3A_81 : vector<16xf32>
      %parallel_loop3A_1215 = arith.addf %parallel_loop3A_1208, %parallel_loop3A_1214 : vector<16xf32>
      %parallel_loop3A_1216 = arith.constant 48 : i32
      %parallel_loop3A_1217 = arith.addi %parallel_loop3A_1196, %parallel_loop3A_1216 : i32
      %parallel_loop3A_1218 = arith.index_cast %parallel_loop3A_1217 : i32 to index
      %parallel_loop3A_1219 = tpu.vector_load %arg6[%parallel_loop3A_1218] {strides = array<i32>} : memref<12288xf32, #tpu.memory_space<vmem>>, vector<16xf32>,
      %parallel_loop3A_1220 = vector.shape_cast %parallel_loop3A_1219 : vector<16xf32> to vector<16xf32>
      %parallel_loop3A_1221 = arith.mulf %parallel_loop3A_1220, %get3A_84 : vector<16xf32>
      %parallel_loop3A_1222 = arith.addf %parallel_loop3A_1215, %parallel_loop3A_1221 : vector<16xf32>
      %parallel_loop3A_1223 = arith.constant 64 : i32
      %parallel_loop3A_1224 = arith.addi %parallel_loop3A_1196, %parallel_loop3A_1223 : i32
      %parallel_loop3A_1225 = arith.index_cast %parallel_loop3A_1224 : i32 to index
      %parallel_loop3A_1226 = tpu.vector_load %arg6[%parallel_loop3A_1225] {strides = array<i32>} : memref<12288xf32, #tpu.memory_space<vmem>>, vector<16xf32>,
      %parallel_loop3A_1227 = vector.shape_cast %parallel_loop3A_1226 : vector<16xf32> to vector<16xf32>
      %parallel_loop3A_1228 = arith.mulf %parallel_loop3A_1227, %get3A_87 : vector<16xf32>
      %parallel_loop3A_1229 = arith.addf %parallel_loop3A_1222, %parallel_loop3A_1228 : vector<16xf32>
      %parallel_loop3A_1230 = arith.constant 80 : i32
      %parallel_loop3A_1231 = arith.addi %parallel_loop3A_1196, %parallel_loop3A_1230 : i32
      %parallel_loop3A_1232 = arith.index_cast %parallel_loop3A_1231 : i32 to index
      %parallel_loop3A_1233 = tpu.vector_load %arg6[%parallel_loop3A_1232] {strides = array<i32>} : memref<12288xf32, #tpu.memory_space<vmem>>, vector<16xf32>,
      %parallel_loop3A_1234 = vector.shape_cast %parallel_loop3A_1233 : vector<16xf32> to vector<16xf32>
      %parallel_loop3A_1235 = arith.mulf %parallel_loop3A_1234, %get3A_90 : vector<16xf32>
      %parallel_loop3A_1236 = arith.addf %parallel_loop3A_1229, %parallel_loop3A_1235 : vector<16xf32>
      %parallel_loop3A_1237 = arith.constant 96 : i32
      %parallel_loop3A_1238 = arith.addi %parallel_loop3A_1196, %parallel_loop3A_1237 : i32
      %parallel_loop3A_1239 = arith.index_cast %parallel_loop3A_1238 : i32 to index
      %parallel_loop3A_1240 = tpu.vector_load %arg6[%parallel_loop3A_1239] {strides = array<i32>} : memref<12288xf32, #tpu.memory_space<vmem>>, vector<16xf32>,
      %parallel_loop3A_1241 = vector.shape_cast %parallel_loop3A_1240 : vector<16xf32> to vector<16xf32>
      %parallel_loop3A_1242 = arith.mulf %parallel_loop3A_1241, %get3A_93 : vector<16xf32>
      %parallel_loop3A_1243 = arith.addf %parallel_loop3A_1236, %parallel_loop3A_1242 : vector<16xf32>
      %parallel_loop3A_1244 = arith.constant 112 : i32
      %parallel_loop3A_1245 = arith.addi %parallel_loop3A_1196, %parallel_loop3A_1244 : i32
      %parallel_loop3A_1246 = arith.index_cast %parallel_loop3A_1245 : i32 to index
      %parallel_loop3A_1247 = tpu.vector_load %arg6[%parallel_loop3A_1246] {strides = array<i32>} : memref<12288xf32, #tpu.memory_space<vmem>>, vector<16xf32>,
      %parallel_loop3A_1248 = vector.shape_cast %parallel_loop3A_1247 : vector<16xf32> to vector<16xf32>
      %parallel_loop3A_1249 = arith.mulf %parallel_loop3A_1248, %get3A_96 : vector<16xf32>
      %parallel_loop3A_1250 = arith.addf %parallel_loop3A_1243, %parallel_loop3A_1249 : vector<16xf32>
      %parallel_loop3A_1251 = arith.addf %parallel_loop3A_1197, %parallel_loop3A_1250 : vector<16xf32>
      scf.yield %parallel_loop3A_1251 : vector<16xf32>
    } {sc.loop_unroll_factor = 16 : i64, sc.parallel_access}
    %swap3A_337 = arith.constant 128 : index
    %swap3A_338 = tpu.vector_load %arg10[%swap3A_337] {strides = array<i32>} : memref<256xf32, #tpu.memory_space<vmem>>, vector<16xf32>,
    %swap3A_339 = vector.shape_cast %swap3A_338 : vector<16xf32> to vector<16xf32>
    %swap3A_340 = vector.shape_cast %parallel_loop3A_336 : vector<16xf32> to vector<16xf32>
    tpu.vector_store %arg10[%swap3A_337], %swap3A_340 {strides = array<i32>} : memref<256xf32, #tpu.memory_space<vmem>>, vector<16xf32>,
    %sub3A_341 = arith.subi %squeeze3A_117, %add3A_138 : i32
    %jit3A_342 = arith.constant 0 : i32
    %jit3A_343 = arith.constant 96 : i32
    %max3A_344 = arith.maxsi %jit3A_342, %sub3A_341 : i32
    %min3A_345 = arith.minsi %jit3A_343, %max3A_344 : i32
    %sub3A_346 = arith.subi %squeeze3A_119, %add3A_138 : i32
    %jit3A_347 = arith.constant 0 : i32
    %jit3A_348 = arith.constant 96 : i32
    %max3A_349 = arith.maxsi %jit3A_347, %sub3A_346 : i32
    %min3A_350 = arith.minsi %jit3A_348, %max3A_349 : i32
    %get3A_351 = arith.constant 144 : index
    %get3A_352 = tpu.vector_load %arg10[%get3A_351] {strides = array<i32>} : memref<256xf32, #tpu.memory_space<vmem>>, vector<16xf32>,
    %get3A_353 = vector.shape_cast %get3A_352 : vector<16xf32> to vector<16xf32>
    %mul3A_354 = arith.constant 128 : i32
    %mul3A_355 = arith.muli %min3A_345, %mul3A_354 : i32
    %mul3A_356 = arith.constant 128 : i32
    %mul3A_357 = arith.muli %min3A_350, %mul3A_356 : i32
    %parallel_loop3A_358 = arith.constant 128 : i32
    %parallel_loop3A_359 = scf.for %parallel_loop3A_1196 = %mul3A_355 to %mul3A_357 step %parallel_loop3A_358 iter_args(%parallel_loop3A_1197 = %get3A_353) -> (vector<16xf32>)  : i32 {
      %parallel_loop3A_1198 = arith.index_cast %parallel_loop3A_1196 : i32 to index
      %parallel_loop3A_1199 = tpu.vector_load %arg6[%parallel_loop3A_1198] {strides = array<i32>} : memref<12288xf32, #tpu.memory_space<vmem>>, vector<16xf32>,
      %parallel_loop3A_1200 = vector.shape_cast %parallel_loop3A_1199 : vector<16xf32> to vector<16xf32>
      %parallel_loop3A_1201 = arith.mulf %parallel_loop3A_1200, %get3A_75 : vector<16xf32>
      %parallel_loop3A_1202 = arith.constant 16 : i32
      %parallel_loop3A_1203 = arith.addi %parallel_loop3A_1196, %parallel_loop3A_1202 : i32
      %parallel_loop3A_1204 = arith.index_cast %parallel_loop3A_1203 : i32 to index
      %parallel_loop3A_1205 = tpu.vector_load %arg6[%parallel_loop3A_1204] {strides = array<i32>} : memref<12288xf32, #tpu.memory_space<vmem>>, vector<16xf32>,
      %parallel_loop3A_1206 = vector.shape_cast %parallel_loop3A_1205 : vector<16xf32> to vector<16xf32>
      %parallel_loop3A_1207 = arith.mulf %parallel_loop3A_1206, %get3A_78 : vector<16xf32>
      %parallel_loop3A_1208 = arith.addf %parallel_loop3A_1201, %parallel_loop3A_1207 : vector<16xf32>
      %parallel_loop3A_1209 = arith.constant 32 : i32
      %parallel_loop3A_1210 = arith.addi %parallel_loop3A_1196, %parallel_loop3A_1209 : i32
      %parallel_loop3A_1211 = arith.index_cast %parallel_loop3A_1210 : i32 to index
      %parallel_loop3A_1212 = tpu.vector_load %arg6[%parallel_loop3A_1211] {strides = array<i32>} : memref<12288xf32, #tpu.memory_space<vmem>>, vector<16xf32>,
      %parallel_loop3A_1213 = vector.shape_cast %parallel_loop3A_1212 : vector<16xf32> to vector<16xf32>
      %parallel_loop3A_1214 = arith.mulf %parallel_loop3A_1213, %get3A_81 : vector<16xf32>
      %parallel_loop3A_1215 = arith.addf %parallel_loop3A_1208, %parallel_loop3A_1214 : vector<16xf32>
      %parallel_loop3A_1216 = arith.constant 48 : i32
      %parallel_loop3A_1217 = arith.addi %parallel_loop3A_1196, %parallel_loop3A_1216 : i32
      %parallel_loop3A_1218 = arith.index_cast %parallel_loop3A_1217 : i32 to index
      %parallel_loop3A_1219 = tpu.vector_load %arg6[%parallel_loop3A_1218] {strides = array<i32>} : memref<12288xf32, #tpu.memory_space<vmem>>, vector<16xf32>,
      %parallel_loop3A_1220 = vector.shape_cast %parallel_loop3A_1219 : vector<16xf32> to vector<16xf32>
      %parallel_loop3A_1221 = arith.mulf %parallel_loop3A_1220, %get3A_84 : vector<16xf32>
      %parallel_loop3A_1222 = arith.addf %parallel_loop3A_1215, %parallel_loop3A_1221 : vector<16xf32>
      %parallel_loop3A_1223 = arith.constant 64 : i32
      %parallel_loop3A_1224 = arith.addi %parallel_loop3A_1196, %parallel_loop3A_1223 : i32
      %parallel_loop3A_1225 = arith.index_cast %parallel_loop3A_1224 : i32 to index
      %parallel_loop3A_1226 = tpu.vector_load %arg6[%parallel_loop3A_1225] {strides = array<i32>} : memref<12288xf32, #tpu.memory_space<vmem>>, vector<16xf32>,
      %parallel_loop3A_1227 = vector.shape_cast %parallel_loop3A_1226 : vector<16xf32> to vector<16xf32>
      %parallel_loop3A_1228 = arith.mulf %parallel_loop3A_1227, %get3A_87 : vector<16xf32>
      %parallel_loop3A_1229 = arith.addf %parallel_loop3A_1222, %parallel_loop3A_1228 : vector<16xf32>
      %parallel_loop3A_1230 = arith.constant 80 : i32
      %parallel_loop3A_1231 = arith.addi %parallel_loop3A_1196, %parallel_loop3A_1230 : i32
      %parallel_loop3A_1232 = arith.index_cast %parallel_loop3A_1231 : i32 to index
      %parallel_loop3A_1233 = tpu.vector_load %arg6[%parallel_loop3A_1232] {strides = array<i32>} : memref<12288xf32, #tpu.memory_space<vmem>>, vector<16xf32>,
      %parallel_loop3A_1234 = vector.shape_cast %parallel_loop3A_1233 : vector<16xf32> to vector<16xf32>
      %parallel_loop3A_1235 = arith.mulf %parallel_loop3A_1234, %get3A_90 : vector<16xf32>
      %parallel_loop3A_1236 = arith.addf %parallel_loop3A_1229, %parallel_loop3A_1235 : vector<16xf32>
      %parallel_loop3A_1237 = arith.constant 96 : i32
      %parallel_loop3A_1238 = arith.addi %parallel_loop3A_1196, %parallel_loop3A_1237 : i32
      %parallel_loop3A_1239 = arith.index_cast %parallel_loop3A_1238 : i32 to index
      %parallel_loop3A_1240 = tpu.vector_load %arg6[%parallel_loop3A_1239] {strides = array<i32>} : memref<12288xf32, #tpu.memory_space<vmem>>, vector<16xf32>,
      %parallel_loop3A_1241 = vector.shape_cast %parallel_loop3A_1240 : vector<16xf32> to vector<16xf32>
      %parallel_loop3A_1242 = arith.mulf %parallel_loop3A_1241, %get3A_93 : vector<16xf32>
      %parallel_loop3A_1243 = arith.addf %parallel_loop3A_1236, %parallel_loop3A_1242 : vector<16xf32>
      %parallel_loop3A_1244 = arith.constant 112 : i32
      %parallel_loop3A_1245 = arith.addi %parallel_loop3A_1196, %parallel_loop3A_1244 : i32
      %parallel_loop3A_1246 = arith.index_cast %parallel_loop3A_1245 : i32 to index
      %parallel_loop3A_1247 = tpu.vector_load %arg6[%parallel_loop3A_1246] {strides = array<i32>} : memref<12288xf32, #tpu.memory_space<vmem>>, vector<16xf32>,
      %parallel_loop3A_1248 = vector.shape_cast %parallel_loop3A_1247 : vector<16xf32> to vector<16xf32>
      %parallel_loop3A_1249 = arith.mulf %parallel_loop3A_1248, %get3A_96 : vector<16xf32>
      %parallel_loop3A_1250 = arith.addf %parallel_loop3A_1243, %parallel_loop3A_1249 : vector<16xf32>
      %parallel_loop3A_1251 = arith.addf %parallel_loop3A_1197, %parallel_loop3A_1250 : vector<16xf32>
      scf.yield %parallel_loop3A_1251 : vector<16xf32>
    } {sc.loop_unroll_factor = 16 : i64, sc.parallel_access}
    %swap3A_360 = arith.constant 144 : index
    %swap3A_361 = tpu.vector_load %arg10[%swap3A_360] {strides = array<i32>} : memref<256xf32, #tpu.memory_space<vmem>>, vector<16xf32>,
    %swap3A_362 = vector.shape_cast %swap3A_361 : vector<16xf32> to vector<16xf32>
    %swap3A_363 = vector.shape_cast %parallel_loop3A_359 : vector<16xf32> to vector<16xf32>
    tpu.vector_store %arg10[%swap3A_360], %swap3A_363 {strides = array<i32>} : memref<256xf32, #tpu.memory_space<vmem>>, vector<16xf32>,
    %sub3A_364 = arith.subi %squeeze3A_119, %add3A_138 : i32
    %jit3A_365 = arith.constant 0 : i32
    %jit3A_366 = arith.constant 96 : i32
    %max3A_367 = arith.maxsi %jit3A_365, %sub3A_364 : i32
    %min3A_368 = arith.minsi %jit3A_366, %max3A_367 : i32
    %sub3A_369 = arith.subi %squeeze3A_121, %add3A_138 : i32
    %jit3A_370 = arith.constant 0 : i32
    %jit3A_371 = arith.constant 96 : i32
    %max3A_372 = arith.maxsi %jit3A_370, %sub3A_369 : i32
    %min3A_373 = arith.minsi %jit3A_371, %max3A_372 : i32
    %get3A_374 = arith.constant 160 : index
    %get3A_375 = tpu.vector_load %arg10[%get3A_374] {strides = array<i32>} : memref<256xf32, #tpu.memory_space<vmem>>, vector<16xf32>,
    %get3A_376 = vector.shape_cast %get3A_375 : vector<16xf32> to vector<16xf32>
    %mul3A_377 = arith.constant 128 : i32
    %mul3A_378 = arith.muli %min3A_368, %mul3A_377 : i32
    %mul3A_379 = arith.constant 128 : i32
    %mul3A_380 = arith.muli %min3A_373, %mul3A_379 : i32
    %parallel_loop3A_381 = arith.constant 128 : i32
    %parallel_loop3A_382 = scf.for %parallel_loop3A_1196 = %mul3A_378 to %mul3A_380 step %parallel_loop3A_381 iter_args(%parallel_loop3A_1197 = %get3A_376) -> (vector<16xf32>)  : i32 {
      %parallel_loop3A_1198 = arith.index_cast %parallel_loop3A_1196 : i32 to index
      %parallel_loop3A_1199 = tpu.vector_load %arg6[%parallel_loop3A_1198] {strides = array<i32>} : memref<12288xf32, #tpu.memory_space<vmem>>, vector<16xf32>,
      %parallel_loop3A_1200 = vector.shape_cast %parallel_loop3A_1199 : vector<16xf32> to vector<16xf32>
      %parallel_loop3A_1201 = arith.mulf %parallel_loop3A_1200, %get3A_75 : vector<16xf32>
      %parallel_loop3A_1202 = arith.constant 16 : i32
      %parallel_loop3A_1203 = arith.addi %parallel_loop3A_1196, %parallel_loop3A_1202 : i32
      %parallel_loop3A_1204 = arith.index_cast %parallel_loop3A_1203 : i32 to index
      %parallel_loop3A_1205 = tpu.vector_load %arg6[%parallel_loop3A_1204] {strides = array<i32>} : memref<12288xf32, #tpu.memory_space<vmem>>, vector<16xf32>,
      %parallel_loop3A_1206 = vector.shape_cast %parallel_loop3A_1205 : vector<16xf32> to vector<16xf32>
      %parallel_loop3A_1207 = arith.mulf %parallel_loop3A_1206, %get3A_78 : vector<16xf32>
      %parallel_loop3A_1208 = arith.addf %parallel_loop3A_1201, %parallel_loop3A_1207 : vector<16xf32>
      %parallel_loop3A_1209 = arith.constant 32 : i32
      %parallel_loop3A_1210 = arith.addi %parallel_loop3A_1196, %parallel_loop3A_1209 : i32
      %parallel_loop3A_1211 = arith.index_cast %parallel_loop3A_1210 : i32 to index
      %parallel_loop3A_1212 = tpu.vector_load %arg6[%parallel_loop3A_1211] {strides = array<i32>} : memref<12288xf32, #tpu.memory_space<vmem>>, vector<16xf32>,
      %parallel_loop3A_1213 = vector.shape_cast %parallel_loop3A_1212 : vector<16xf32> to vector<16xf32>
      %parallel_loop3A_1214 = arith.mulf %parallel_loop3A_1213, %get3A_81 : vector<16xf32>
      %parallel_loop3A_1215 = arith.addf %parallel_loop3A_1208, %parallel_loop3A_1214 : vector<16xf32>
      %parallel_loop3A_1216 = arith.constant 48 : i32
      %parallel_loop3A_1217 = arith.addi %parallel_loop3A_1196, %parallel_loop3A_1216 : i32
      %parallel_loop3A_1218 = arith.index_cast %parallel_loop3A_1217 : i32 to index
      %parallel_loop3A_1219 = tpu.vector_load %arg6[%parallel_loop3A_1218] {strides = array<i32>} : memref<12288xf32, #tpu.memory_space<vmem>>, vector<16xf32>,
      %parallel_loop3A_1220 = vector.shape_cast %parallel_loop3A_1219 : vector<16xf32> to vector<16xf32>
      %parallel_loop3A_1221 = arith.mulf %parallel_loop3A_1220, %get3A_84 : vector<16xf32>
      %parallel_loop3A_1222 = arith.addf %parallel_loop3A_1215, %parallel_loop3A_1221 : vector<16xf32>
      %parallel_loop3A_1223 = arith.constant 64 : i32
      %parallel_loop3A_1224 = arith.addi %parallel_loop3A_1196, %parallel_loop3A_1223 : i32
      %parallel_loop3A_1225 = arith.index_cast %parallel_loop3A_1224 : i32 to index
      %parallel_loop3A_1226 = tpu.vector_load %arg6[%parallel_loop3A_1225] {strides = array<i32>} : memref<12288xf32, #tpu.memory_space<vmem>>, vector<16xf32>,
      %parallel_loop3A_1227 = vector.shape_cast %parallel_loop3A_1226 : vector<16xf32> to vector<16xf32>
      %parallel_loop3A_1228 = arith.mulf %parallel_loop3A_1227, %get3A_87 : vector<16xf32>
      %parallel_loop3A_1229 = arith.addf %parallel_loop3A_1222, %parallel_loop3A_1228 : vector<16xf32>
      %parallel_loop3A_1230 = arith.constant 80 : i32
      %parallel_loop3A_1231 = arith.addi %parallel_loop3A_1196, %parallel_loop3A_1230 : i32
      %parallel_loop3A_1232 = arith.index_cast %parallel_loop3A_1231 : i32 to index
      %parallel_loop3A_1233 = tpu.vector_load %arg6[%parallel_loop3A_1232] {strides = array<i32>} : memref<12288xf32, #tpu.memory_space<vmem>>, vector<16xf32>,
      %parallel_loop3A_1234 = vector.shape_cast %parallel_loop3A_1233 : vector<16xf32> to vector<16xf32>
      %parallel_loop3A_1235 = arith.mulf %parallel_loop3A_1234, %get3A_90 : vector<16xf32>
      %parallel_loop3A_1236 = arith.addf %parallel_loop3A_1229, %parallel_loop3A_1235 : vector<16xf32>
      %parallel_loop3A_1237 = arith.constant 96 : i32
      %parallel_loop3A_1238 = arith.addi %parallel_loop3A_1196, %parallel_loop3A_1237 : i32
      %parallel_loop3A_1239 = arith.index_cast %parallel_loop3A_1238 : i32 to index
      %parallel_loop3A_1240 = tpu.vector_load %arg6[%parallel_loop3A_1239] {strides = array<i32>} : memref<12288xf32, #tpu.memory_space<vmem>>, vector<16xf32>,
      %parallel_loop3A_1241 = vector.shape_cast %parallel_loop3A_1240 : vector<16xf32> to vector<16xf32>
      %parallel_loop3A_1242 = arith.mulf %parallel_loop3A_1241, %get3A_93 : vector<16xf32>
      %parallel_loop3A_1243 = arith.addf %parallel_loop3A_1236, %parallel_loop3A_1242 : vector<16xf32>
      %parallel_loop3A_1244 = arith.constant 112 : i32
      %parallel_loop3A_1245 = arith.addi %parallel_loop3A_1196, %parallel_loop3A_1244 : i32
      %parallel_loop3A_1246 = arith.index_cast %parallel_loop3A_1245 : i32 to index
      %parallel_loop3A_1247 = tpu.vector_load %arg6[%parallel_loop3A_1246] {strides = array<i32>} : memref<12288xf32, #tpu.memory_space<vmem>>, vector<16xf32>,
      %parallel_loop3A_1248 = vector.shape_cast %parallel_loop3A_1247 : vector<16xf32> to vector<16xf32>
      %parallel_loop3A_1249 = arith.mulf %parallel_loop3A_1248, %get3A_96 : vector<16xf32>
      %parallel_loop3A_1250 = arith.addf %parallel_loop3A_1243, %parallel_loop3A_1249 : vector<16xf32>
      %parallel_loop3A_1251 = arith.addf %parallel_loop3A_1197, %parallel_loop3A_1250 : vector<16xf32>
      scf.yield %parallel_loop3A_1251 : vector<16xf32>
    } {sc.loop_unroll_factor = 16 : i64, sc.parallel_access}
    %swap3A_383 = arith.constant 160 : index
    %swap3A_384 = tpu.vector_load %arg10[%swap3A_383] {strides = array<i32>} : memref<256xf32, #tpu.memory_space<vmem>>, vector<16xf32>,
    %swap3A_385 = vector.shape_cast %swap3A_384 : vector<16xf32> to vector<16xf32>
    %swap3A_386 = vector.shape_cast %parallel_loop3A_382 : vector<16xf32> to vector<16xf32>
    tpu.vector_store %arg10[%swap3A_383], %swap3A_386 {strides = array<i32>} : memref<256xf32, #tpu.memory_space<vmem>>, vector<16xf32>,
    %sub3A_387 = arith.subi %squeeze3A_121, %add3A_138 : i32
    %jit3A_388 = arith.constant 0 : i32
    %jit3A_389 = arith.constant 96 : i32
    %max3A_390 = arith.maxsi %jit3A_388, %sub3A_387 : i32
    %min3A_391 = arith.minsi %jit3A_389, %max3A_390 : i32
    %sub3A_392 = arith.subi %squeeze3A_123, %add3A_138 : i32
    %jit3A_393 = arith.constant 0 : i32
    %jit3A_394 = arith.constant 96 : i32
    %max3A_395 = arith.maxsi %jit3A_393, %sub3A_392 : i32
    %min3A_396 = arith.minsi %jit3A_394, %max3A_395 : i32
    %get3A_397 = arith.constant 176 : index
    %get3A_398 = tpu.vector_load %arg10[%get3A_397] {strides = array<i32>} : memref<256xf32, #tpu.memory_space<vmem>>, vector<16xf32>,
    %get3A_399 = vector.shape_cast %get3A_398 : vector<16xf32> to vector<16xf32>
    %mul3A_400 = arith.constant 128 : i32
    %mul3A_401 = arith.muli %min3A_391, %mul3A_400 : i32
    %mul3A_402 = arith.constant 128 : i32
    %mul3A_403 = arith.muli %min3A_396, %mul3A_402 : i32
    %parallel_loop3A_404 = arith.constant 128 : i32
    %parallel_loop3A_405 = scf.for %parallel_loop3A_1196 = %mul3A_401 to %mul3A_403 step %parallel_loop3A_404 iter_args(%parallel_loop3A_1197 = %get3A_399) -> (vector<16xf32>)  : i32 {
      %parallel_loop3A_1198 = arith.index_cast %parallel_loop3A_1196 : i32 to index
      %parallel_loop3A_1199 = tpu.vector_load %arg6[%parallel_loop3A_1198] {strides = array<i32>} : memref<12288xf32, #tpu.memory_space<vmem>>, vector<16xf32>,
      %parallel_loop3A_1200 = vector.shape_cast %parallel_loop3A_1199 : vector<16xf32> to vector<16xf32>
      %parallel_loop3A_1201 = arith.mulf %parallel_loop3A_1200, %get3A_75 : vector<16xf32>
      %parallel_loop3A_1202 = arith.constant 16 : i32
      %parallel_loop3A_1203 = arith.addi %parallel_loop3A_1196, %parallel_loop3A_1202 : i32
      %parallel_loop3A_1204 = arith.index_cast %parallel_loop3A_1203 : i32 to index
      %parallel_loop3A_1205 = tpu.vector_load %arg6[%parallel_loop3A_1204] {strides = array<i32>} : memref<12288xf32, #tpu.memory_space<vmem>>, vector<16xf32>,
      %parallel_loop3A_1206 = vector.shape_cast %parallel_loop3A_1205 : vector<16xf32> to vector<16xf32>
      %parallel_loop3A_1207 = arith.mulf %parallel_loop3A_1206, %get3A_78 : vector<16xf32>
      %parallel_loop3A_1208 = arith.addf %parallel_loop3A_1201, %parallel_loop3A_1207 : vector<16xf32>
      %parallel_loop3A_1209 = arith.constant 32 : i32
      %parallel_loop3A_1210 = arith.addi %parallel_loop3A_1196, %parallel_loop3A_1209 : i32
      %parallel_loop3A_1211 = arith.index_cast %parallel_loop3A_1210 : i32 to index
      %parallel_loop3A_1212 = tpu.vector_load %arg6[%parallel_loop3A_1211] {strides = array<i32>} : memref<12288xf32, #tpu.memory_space<vmem>>, vector<16xf32>,
      %parallel_loop3A_1213 = vector.shape_cast %parallel_loop3A_1212 : vector<16xf32> to vector<16xf32>
      %parallel_loop3A_1214 = arith.mulf %parallel_loop3A_1213, %get3A_81 : vector<16xf32>
      %parallel_loop3A_1215 = arith.addf %parallel_loop3A_1208, %parallel_loop3A_1214 : vector<16xf32>
      %parallel_loop3A_1216 = arith.constant 48 : i32
      %parallel_loop3A_1217 = arith.addi %parallel_loop3A_1196, %parallel_loop3A_1216 : i32
      %parallel_loop3A_1218 = arith.index_cast %parallel_loop3A_1217 : i32 to index
      %parallel_loop3A_1219 = tpu.vector_load %arg6[%parallel_loop3A_1218] {strides = array<i32>} : memref<12288xf32, #tpu.memory_space<vmem>>, vector<16xf32>,
      %parallel_loop3A_1220 = vector.shape_cast %parallel_loop3A_1219 : vector<16xf32> to vector<16xf32>
      %parallel_loop3A_1221 = arith.mulf %parallel_loop3A_1220, %get3A_84 : vector<16xf32>
      %parallel_loop3A_1222 = arith.addf %parallel_loop3A_1215, %parallel_loop3A_1221 : vector<16xf32>
      %parallel_loop3A_1223 = arith.constant 64 : i32
      %parallel_loop3A_1224 = arith.addi %parallel_loop3A_1196, %parallel_loop3A_1223 : i32
      %parallel_loop3A_1225 = arith.index_cast %parallel_loop3A_1224 : i32 to index
      %parallel_loop3A_1226 = tpu.vector_load %arg6[%parallel_loop3A_1225] {strides = array<i32>} : memref<12288xf32, #tpu.memory_space<vmem>>, vector<16xf32>,
      %parallel_loop3A_1227 = vector.shape_cast %parallel_loop3A_1226 : vector<16xf32> to vector<16xf32>
      %parallel_loop3A_1228 = arith.mulf %parallel_loop3A_1227, %get3A_87 : vector<16xf32>
      %parallel_loop3A_1229 = arith.addf %parallel_loop3A_1222, %parallel_loop3A_1228 : vector<16xf32>
      %parallel_loop3A_1230 = arith.constant 80 : i32
      %parallel_loop3A_1231 = arith.addi %parallel_loop3A_1196, %parallel_loop3A_1230 : i32
      %parallel_loop3A_1232 = arith.index_cast %parallel_loop3A_1231 : i32 to index
      %parallel_loop3A_1233 = tpu.vector_load %arg6[%parallel_loop3A_1232] {strides = array<i32>} : memref<12288xf32, #tpu.memory_space<vmem>>, vector<16xf32>,
      %parallel_loop3A_1234 = vector.shape_cast %parallel_loop3A_1233 : vector<16xf32> to vector<16xf32>
      %parallel_loop3A_1235 = arith.mulf %parallel_loop3A_1234, %get3A_90 : vector<16xf32>
      %parallel_loop3A_1236 = arith.addf %parallel_loop3A_1229, %parallel_loop3A_1235 : vector<16xf32>
      %parallel_loop3A_1237 = arith.constant 96 : i32
      %parallel_loop3A_1238 = arith.addi %parallel_loop3A_1196, %parallel_loop3A_1237 : i32
      %parallel_loop3A_1239 = arith.index_cast %parallel_loop3A_1238 : i32 to index
      %parallel_loop3A_1240 = tpu.vector_load %arg6[%parallel_loop3A_1239] {strides = array<i32>} : memref<12288xf32, #tpu.memory_space<vmem>>, vector<16xf32>,
      %parallel_loop3A_1241 = vector.shape_cast %parallel_loop3A_1240 : vector<16xf32> to vector<16xf32>
      %parallel_loop3A_1242 = arith.mulf %parallel_loop3A_1241, %get3A_93 : vector<16xf32>
      %parallel_loop3A_1243 = arith.addf %parallel_loop3A_1236, %parallel_loop3A_1242 : vector<16xf32>
      %parallel_loop3A_1244 = arith.constant 112 : i32
      %parallel_loop3A_1245 = arith.addi %parallel_loop3A_1196, %parallel_loop3A_1244 : i32
      %parallel_loop3A_1246 = arith.index_cast %parallel_loop3A_1245 : i32 to index
      %parallel_loop3A_1247 = tpu.vector_load %arg6[%parallel_loop3A_1246] {strides = array<i32>} : memref<12288xf32, #tpu.memory_space<vmem>>, vector<16xf32>,
      %parallel_loop3A_1248 = vector.shape_cast %parallel_loop3A_1247 : vector<16xf32> to vector<16xf32>
      %parallel_loop3A_1249 = arith.mulf %parallel_loop3A_1248, %get3A_96 : vector<16xf32>
      %parallel_loop3A_1250 = arith.addf %parallel_loop3A_1243, %parallel_loop3A_1249 : vector<16xf32>
      %parallel_loop3A_1251 = arith.addf %parallel_loop3A_1197, %parallel_loop3A_1250 : vector<16xf32>
      scf.yield %parallel_loop3A_1251 : vector<16xf32>
    } {sc.loop_unroll_factor = 16 : i64, sc.parallel_access}
    %swap3A_406 = arith.constant 176 : index
    %swap3A_407 = tpu.vector_load %arg10[%swap3A_406] {strides = array<i32>} : memref<256xf32, #tpu.memory_space<vmem>>, vector<16xf32>,
    %swap3A_408 = vector.shape_cast %swap3A_407 : vector<16xf32> to vector<16xf32>
    %swap3A_409 = vector.shape_cast %parallel_loop3A_405 : vector<16xf32> to vector<16xf32>
    tpu.vector_store %arg10[%swap3A_406], %swap3A_409 {strides = array<i32>} : memref<256xf32, #tpu.memory_space<vmem>>, vector<16xf32>,
    %sub3A_410 = arith.subi %squeeze3A_123, %add3A_138 : i32
    %jit3A_411 = arith.constant 0 : i32
    %jit3A_412 = arith.constant 96 : i32
    %max3A_413 = arith.maxsi %jit3A_411, %sub3A_410 : i32
    %min3A_414 = arith.minsi %jit3A_412, %max3A_413 : i32
    %sub3A_415 = arith.subi %squeeze3A_125, %add3A_138 : i32
    %jit3A_416 = arith.constant 0 : i32
    %jit3A_417 = arith.constant 96 : i32
    %max3A_418 = arith.maxsi %jit3A_416, %sub3A_415 : i32
    %min3A_419 = arith.minsi %jit3A_417, %max3A_418 : i32
    %get3A_420 = arith.constant 192 : index
    %get3A_421 = tpu.vector_load %arg10[%get3A_420] {strides = array<i32>} : memref<256xf32, #tpu.memory_space<vmem>>, vector<16xf32>,
    %get3A_422 = vector.shape_cast %get3A_421 : vector<16xf32> to vector<16xf32>
    %mul3A_423 = arith.constant 128 : i32
    %mul3A_424 = arith.muli %min3A_414, %mul3A_423 : i32
    %mul3A_425 = arith.constant 128 : i32
    %mul3A_426 = arith.muli %min3A_419, %mul3A_425 : i32
    %parallel_loop3A_427 = arith.constant 128 : i32
    %parallel_loop3A_428 = scf.for %parallel_loop3A_1196 = %mul3A_424 to %mul3A_426 step %parallel_loop3A_427 iter_args(%parallel_loop3A_1197 = %get3A_422) -> (vector<16xf32>)  : i32 {
      %parallel_loop3A_1198 = arith.index_cast %parallel_loop3A_1196 : i32 to index
      %parallel_loop3A_1199 = tpu.vector_load %arg6[%parallel_loop3A_1198] {strides = array<i32>} : memref<12288xf32, #tpu.memory_space<vmem>>, vector<16xf32>,
      %parallel_loop3A_1200 = vector.shape_cast %parallel_loop3A_1199 : vector<16xf32> to vector<16xf32>
      %parallel_loop3A_1201 = arith.mulf %parallel_loop3A_1200, %get3A_75 : vector<16xf32>
      %parallel_loop3A_1202 = arith.constant 16 : i32
      %parallel_loop3A_1203 = arith.addi %parallel_loop3A_1196, %parallel_loop3A_1202 : i32
      %parallel_loop3A_1204 = arith.index_cast %parallel_loop3A_1203 : i32 to index
      %parallel_loop3A_1205 = tpu.vector_load %arg6[%parallel_loop3A_1204] {strides = array<i32>} : memref<12288xf32, #tpu.memory_space<vmem>>, vector<16xf32>,
      %parallel_loop3A_1206 = vector.shape_cast %parallel_loop3A_1205 : vector<16xf32> to vector<16xf32>
      %parallel_loop3A_1207 = arith.mulf %parallel_loop3A_1206, %get3A_78 : vector<16xf32>
      %parallel_loop3A_1208 = arith.addf %parallel_loop3A_1201, %parallel_loop3A_1207 : vector<16xf32>
      %parallel_loop3A_1209 = arith.constant 32 : i32
      %parallel_loop3A_1210 = arith.addi %parallel_loop3A_1196, %parallel_loop3A_1209 : i32
      %parallel_loop3A_1211 = arith.index_cast %parallel_loop3A_1210 : i32 to index
      %parallel_loop3A_1212 = tpu.vector_load %arg6[%parallel_loop3A_1211] {strides = array<i32>} : memref<12288xf32, #tpu.memory_space<vmem>>, vector<16xf32>,
      %parallel_loop3A_1213 = vector.shape_cast %parallel_loop3A_1212 : vector<16xf32> to vector<16xf32>
      %parallel_loop3A_1214 = arith.mulf %parallel_loop3A_1213, %get3A_81 : vector<16xf32>
      %parallel_loop3A_1215 = arith.addf %parallel_loop3A_1208, %parallel_loop3A_1214 : vector<16xf32>
      %parallel_loop3A_1216 = arith.constant 48 : i32
      %parallel_loop3A_1217 = arith.addi %parallel_loop3A_1196, %parallel_loop3A_1216 : i32
      %parallel_loop3A_1218 = arith.index_cast %parallel_loop3A_1217 : i32 to index
      %parallel_loop3A_1219 = tpu.vector_load %arg6[%parallel_loop3A_1218] {strides = array<i32>} : memref<12288xf32, #tpu.memory_space<vmem>>, vector<16xf32>,
      %parallel_loop3A_1220 = vector.shape_cast %parallel_loop3A_1219 : vector<16xf32> to vector<16xf32>
      %parallel_loop3A_1221 = arith.mulf %parallel_loop3A_1220, %get3A_84 : vector<16xf32>
      %parallel_loop3A_1222 = arith.addf %parallel_loop3A_1215, %parallel_loop3A_1221 : vector<16xf32>
      %parallel_loop3A_1223 = arith.constant 64 : i32
      %parallel_loop3A_1224 = arith.addi %parallel_loop3A_1196, %parallel_loop3A_1223 : i32
      %parallel_loop3A_1225 = arith.index_cast %parallel_loop3A_1224 : i32 to index
      %parallel_loop3A_1226 = tpu.vector_load %arg6[%parallel_loop3A_1225] {strides = array<i32>} : memref<12288xf32, #tpu.memory_space<vmem>>, vector<16xf32>,
      %parallel_loop3A_1227 = vector.shape_cast %parallel_loop3A_1226 : vector<16xf32> to vector<16xf32>
      %parallel_loop3A_1228 = arith.mulf %parallel_loop3A_1227, %get3A_87 : vector<16xf32>
      %parallel_loop3A_1229 = arith.addf %parallel_loop3A_1222, %parallel_loop3A_1228 : vector<16xf32>
      %parallel_loop3A_1230 = arith.constant 80 : i32
      %parallel_loop3A_1231 = arith.addi %parallel_loop3A_1196, %parallel_loop3A_1230 : i32
      %parallel_loop3A_1232 = arith.index_cast %parallel_loop3A_1231 : i32 to index
      %parallel_loop3A_1233 = tpu.vector_load %arg6[%parallel_loop3A_1232] {strides = array<i32>} : memref<12288xf32, #tpu.memory_space<vmem>>, vector<16xf32>,
      %parallel_loop3A_1234 = vector.shape_cast %parallel_loop3A_1233 : vector<16xf32> to vector<16xf32>
      %parallel_loop3A_1235 = arith.mulf %parallel_loop3A_1234, %get3A_90 : vector<16xf32>
      %parallel_loop3A_1236 = arith.addf %parallel_loop3A_1229, %parallel_loop3A_1235 : vector<16xf32>
      %parallel_loop3A_1237 = arith.constant 96 : i32
      %parallel_loop3A_1238 = arith.addi %parallel_loop3A_1196, %parallel_loop3A_1237 : i32
      %parallel_loop3A_1239 = arith.index_cast %parallel_loop3A_1238 : i32 to index
      %parallel_loop3A_1240 = tpu.vector_load %arg6[%parallel_loop3A_1239] {strides = array<i32>} : memref<12288xf32, #tpu.memory_space<vmem>>, vector<16xf32>,
      %parallel_loop3A_1241 = vector.shape_cast %parallel_loop3A_1240 : vector<16xf32> to vector<16xf32>
      %parallel_loop3A_1242 = arith.mulf %parallel_loop3A_1241, %get3A_93 : vector<16xf32>
      %parallel_loop3A_1243 = arith.addf %parallel_loop3A_1236, %parallel_loop3A_1242 : vector<16xf32>
      %parallel_loop3A_1244 = arith.constant 112 : i32
      %parallel_loop3A_1245 = arith.addi %parallel_loop3A_1196, %parallel_loop3A_1244 : i32
      %parallel_loop3A_1246 = arith.index_cast %parallel_loop3A_1245 : i32 to index
      %parallel_loop3A_1247 = tpu.vector_load %arg6[%parallel_loop3A_1246] {strides = array<i32>} : memref<12288xf32, #tpu.memory_space<vmem>>, vector<16xf32>,
      %parallel_loop3A_1248 = vector.shape_cast %parallel_loop3A_1247 : vector<16xf32> to vector<16xf32>
      %parallel_loop3A_1249 = arith.mulf %parallel_loop3A_1248, %get3A_96 : vector<16xf32>
      %parallel_loop3A_1250 = arith.addf %parallel_loop3A_1243, %parallel_loop3A_1249 : vector<16xf32>
      %parallel_loop3A_1251 = arith.addf %parallel_loop3A_1197, %parallel_loop3A_1250 : vector<16xf32>
      scf.yield %parallel_loop3A_1251 : vector<16xf32>
    } {sc.loop_unroll_factor = 16 : i64, sc.parallel_access}
    %swap3A_429 = arith.constant 192 : index
    %swap3A_430 = tpu.vector_load %arg10[%swap3A_429] {strides = array<i32>} : memref<256xf32, #tpu.memory_space<vmem>>, vector<16xf32>,
    %swap3A_431 = vector.shape_cast %swap3A_430 : vector<16xf32> to vector<16xf32>
    %swap3A_432 = vector.shape_cast %parallel_loop3A_428 : vector<16xf32> to vector<16xf32>
    tpu.vector_store %arg10[%swap3A_429], %swap3A_432 {strides = array<i32>} : memref<256xf32, #tpu.memory_space<vmem>>, vector<16xf32>,
    %sub3A_433 = arith.subi %squeeze3A_125, %add3A_138 : i32
    %jit3A_434 = arith.constant 0 : i32
    %jit3A_435 = arith.constant 96 : i32
    %max3A_436 = arith.maxsi %jit3A_434, %sub3A_433 : i32
    %min3A_437 = arith.minsi %jit3A_435, %max3A_436 : i32
    %sub3A_438 = arith.subi %squeeze3A_127, %add3A_138 : i32
    %jit3A_439 = arith.constant 0 : i32
    %jit3A_440 = arith.constant 96 : i32
    %max3A_441 = arith.maxsi %jit3A_439, %sub3A_438 : i32
    %min3A_442 = arith.minsi %jit3A_440, %max3A_441 : i32
    %get3A_443 = arith.constant 208 : index
    %get3A_444 = tpu.vector_load %arg10[%get3A_443] {strides = array<i32>} : memref<256xf32, #tpu.memory_space<vmem>>, vector<16xf32>,
    %get3A_445 = vector.shape_cast %get3A_444 : vector<16xf32> to vector<16xf32>
    %mul3A_446 = arith.constant 128 : i32
    %mul3A_447 = arith.muli %min3A_437, %mul3A_446 : i32
    %mul3A_448 = arith.constant 128 : i32
    %mul3A_449 = arith.muli %min3A_442, %mul3A_448 : i32
    %parallel_loop3A_450 = arith.constant 128 : i32
    %parallel_loop3A_451 = scf.for %parallel_loop3A_1196 = %mul3A_447 to %mul3A_449 step %parallel_loop3A_450 iter_args(%parallel_loop3A_1197 = %get3A_445) -> (vector<16xf32>)  : i32 {
      %parallel_loop3A_1198 = arith.index_cast %parallel_loop3A_1196 : i32 to index
      %parallel_loop3A_1199 = tpu.vector_load %arg6[%parallel_loop3A_1198] {strides = array<i32>} : memref<12288xf32, #tpu.memory_space<vmem>>, vector<16xf32>,
      %parallel_loop3A_1200 = vector.shape_cast %parallel_loop3A_1199 : vector<16xf32> to vector<16xf32>
      %parallel_loop3A_1201 = arith.mulf %parallel_loop3A_1200, %get3A_75 : vector<16xf32>
      %parallel_loop3A_1202 = arith.constant 16 : i32
      %parallel_loop3A_1203 = arith.addi %parallel_loop3A_1196, %parallel_loop3A_1202 : i32
      %parallel_loop3A_1204 = arith.index_cast %parallel_loop3A_1203 : i32 to index
      %parallel_loop3A_1205 = tpu.vector_load %arg6[%parallel_loop3A_1204] {strides = array<i32>} : memref<12288xf32, #tpu.memory_space<vmem>>, vector<16xf32>,
      %parallel_loop3A_1206 = vector.shape_cast %parallel_loop3A_1205 : vector<16xf32> to vector<16xf32>
      %parallel_loop3A_1207 = arith.mulf %parallel_loop3A_1206, %get3A_78 : vector<16xf32>
      %parallel_loop3A_1208 = arith.addf %parallel_loop3A_1201, %parallel_loop3A_1207 : vector<16xf32>
      %parallel_loop3A_1209 = arith.constant 32 : i32
      %parallel_loop3A_1210 = arith.addi %parallel_loop3A_1196, %parallel_loop3A_1209 : i32
      %parallel_loop3A_1211 = arith.index_cast %parallel_loop3A_1210 : i32 to index
      %parallel_loop3A_1212 = tpu.vector_load %arg6[%parallel_loop3A_1211] {strides = array<i32>} : memref<12288xf32, #tpu.memory_space<vmem>>, vector<16xf32>,
      %parallel_loop3A_1213 = vector.shape_cast %parallel_loop3A_1212 : vector<16xf32> to vector<16xf32>
      %parallel_loop3A_1214 = arith.mulf %parallel_loop3A_1213, %get3A_81 : vector<16xf32>
      %parallel_loop3A_1215 = arith.addf %parallel_loop3A_1208, %parallel_loop3A_1214 : vector<16xf32>
      %parallel_loop3A_1216 = arith.constant 48 : i32
      %parallel_loop3A_1217 = arith.addi %parallel_loop3A_1196, %parallel_loop3A_1216 : i32
      %parallel_loop3A_1218 = arith.index_cast %parallel_loop3A_1217 : i32 to index
      %parallel_loop3A_1219 = tpu.vector_load %arg6[%parallel_loop3A_1218] {strides = array<i32>} : memref<12288xf32, #tpu.memory_space<vmem>>, vector<16xf32>,
      %parallel_loop3A_1220 = vector.shape_cast %parallel_loop3A_1219 : vector<16xf32> to vector<16xf32>
      %parallel_loop3A_1221 = arith.mulf %parallel_loop3A_1220, %get3A_84 : vector<16xf32>
      %parallel_loop3A_1222 = arith.addf %parallel_loop3A_1215, %parallel_loop3A_1221 : vector<16xf32>
      %parallel_loop3A_1223 = arith.constant 64 : i32
      %parallel_loop3A_1224 = arith.addi %parallel_loop3A_1196, %parallel_loop3A_1223 : i32
      %parallel_loop3A_1225 = arith.index_cast %parallel_loop3A_1224 : i32 to index
      %parallel_loop3A_1226 = tpu.vector_load %arg6[%parallel_loop3A_1225] {strides = array<i32>} : memref<12288xf32, #tpu.memory_space<vmem>>, vector<16xf32>,
      %parallel_loop3A_1227 = vector.shape_cast %parallel_loop3A_1226 : vector<16xf32> to vector<16xf32>
      %parallel_loop3A_1228 = arith.mulf %parallel_loop3A_1227, %get3A_87 : vector<16xf32>
      %parallel_loop3A_1229 = arith.addf %parallel_loop3A_1222, %parallel_loop3A_1228 : vector<16xf32>
      %parallel_loop3A_1230 = arith.constant 80 : i32
      %parallel_loop3A_1231 = arith.addi %parallel_loop3A_1196, %parallel_loop3A_1230 : i32
      %parallel_loop3A_1232 = arith.index_cast %parallel_loop3A_1231 : i32 to index
      %parallel_loop3A_1233 = tpu.vector_load %arg6[%parallel_loop3A_1232] {strides = array<i32>} : memref<12288xf32, #tpu.memory_space<vmem>>, vector<16xf32>,
      %parallel_loop3A_1234 = vector.shape_cast %parallel_loop3A_1233 : vector<16xf32> to vector<16xf32>
      %parallel_loop3A_1235 = arith.mulf %parallel_loop3A_1234, %get3A_90 : vector<16xf32>
      %parallel_loop3A_1236 = arith.addf %parallel_loop3A_1229, %parallel_loop3A_1235 : vector<16xf32>
      %parallel_loop3A_1237 = arith.constant 96 : i32
      %parallel_loop3A_1238 = arith.addi %parallel_loop3A_1196, %parallel_loop3A_1237 : i32
      %parallel_loop3A_1239 = arith.index_cast %parallel_loop3A_1238 : i32 to index
      %parallel_loop3A_1240 = tpu.vector_load %arg6[%parallel_loop3A_1239] {strides = array<i32>} : memref<12288xf32, #tpu.memory_space<vmem>>, vector<16xf32>,
      %parallel_loop3A_1241 = vector.shape_cast %parallel_loop3A_1240 : vector<16xf32> to vector<16xf32>
      %parallel_loop3A_1242 = arith.mulf %parallel_loop3A_1241, %get3A_93 : vector<16xf32>
      %parallel_loop3A_1243 = arith.addf %parallel_loop3A_1236, %parallel_loop3A_1242 : vector<16xf32>
      %parallel_loop3A_1244 = arith.constant 112 : i32
      %parallel_loop3A_1245 = arith.addi %parallel_loop3A_1196, %parallel_loop3A_1244 : i32
      %parallel_loop3A_1246 = arith.index_cast %parallel_loop3A_1245 : i32 to index
      %parallel_loop3A_1247 = tpu.vector_load %arg6[%parallel_loop3A_1246] {strides = array<i32>} : memref<12288xf32, #tpu.memory_space<vmem>>, vector<16xf32>,
      %parallel_loop3A_1248 = vector.shape_cast %parallel_loop3A_1247 : vector<16xf32> to vector<16xf32>
      %parallel_loop3A_1249 = arith.mulf %parallel_loop3A_1248, %get3A_96 : vector<16xf32>
      %parallel_loop3A_1250 = arith.addf %parallel_loop3A_1243, %parallel_loop3A_1249 : vector<16xf32>
      %parallel_loop3A_1251 = arith.addf %parallel_loop3A_1197, %parallel_loop3A_1250 : vector<16xf32>
      scf.yield %parallel_loop3A_1251 : vector<16xf32>
    } {sc.loop_unroll_factor = 16 : i64, sc.parallel_access}
    %swap3A_452 = arith.constant 208 : index
    %swap3A_453 = tpu.vector_load %arg10[%swap3A_452] {strides = array<i32>} : memref<256xf32, #tpu.memory_space<vmem>>, vector<16xf32>,
    %swap3A_454 = vector.shape_cast %swap3A_453 : vector<16xf32> to vector<16xf32>
    %swap3A_455 = vector.shape_cast %parallel_loop3A_451 : vector<16xf32> to vector<16xf32>
    tpu.vector_store %arg10[%swap3A_452], %swap3A_455 {strides = array<i32>} : memref<256xf32, #tpu.memory_space<vmem>>, vector<16xf32>,
    %sub3A_456 = arith.subi %squeeze3A_127, %add3A_138 : i32
    %jit3A_457 = arith.constant 0 : i32
    %jit3A_458 = arith.constant 96 : i32
    %max3A_459 = arith.maxsi %jit3A_457, %sub3A_456 : i32
    %min3A_460 = arith.minsi %jit3A_458, %max3A_459 : i32
    %sub3A_461 = arith.subi %squeeze3A_129, %add3A_138 : i32
    %jit3A_462 = arith.constant 0 : i32
    %jit3A_463 = arith.constant 96 : i32
    %max3A_464 = arith.maxsi %jit3A_462, %sub3A_461 : i32
    %min3A_465 = arith.minsi %jit3A_463, %max3A_464 : i32
    %get3A_466 = arith.constant 224 : index
    %get3A_467 = tpu.vector_load %arg10[%get3A_466] {strides = array<i32>} : memref<256xf32, #tpu.memory_space<vmem>>, vector<16xf32>,
    %get3A_468 = vector.shape_cast %get3A_467 : vector<16xf32> to vector<16xf32>
    %mul3A_469 = arith.constant 128 : i32
    %mul3A_470 = arith.muli %min3A_460, %mul3A_469 : i32
    %mul3A_471 = arith.constant 128 : i32
    %mul3A_472 = arith.muli %min3A_465, %mul3A_471 : i32
    %parallel_loop3A_473 = arith.constant 128 : i32
    %parallel_loop3A_474 = scf.for %parallel_loop3A_1196 = %mul3A_470 to %mul3A_472 step %parallel_loop3A_473 iter_args(%parallel_loop3A_1197 = %get3A_468) -> (vector<16xf32>)  : i32 {
      %parallel_loop3A_1198 = arith.index_cast %parallel_loop3A_1196 : i32 to index
      %parallel_loop3A_1199 = tpu.vector_load %arg6[%parallel_loop3A_1198] {strides = array<i32>} : memref<12288xf32, #tpu.memory_space<vmem>>, vector<16xf32>,
      %parallel_loop3A_1200 = vector.shape_cast %parallel_loop3A_1199 : vector<16xf32> to vector<16xf32>
      %parallel_loop3A_1201 = arith.mulf %parallel_loop3A_1200, %get3A_75 : vector<16xf32>
      %parallel_loop3A_1202 = arith.constant 16 : i32
      %parallel_loop3A_1203 = arith.addi %parallel_loop3A_1196, %parallel_loop3A_1202 : i32
      %parallel_loop3A_1204 = arith.index_cast %parallel_loop3A_1203 : i32 to index
      %parallel_loop3A_1205 = tpu.vector_load %arg6[%parallel_loop3A_1204] {strides = array<i32>} : memref<12288xf32, #tpu.memory_space<vmem>>, vector<16xf32>,
      %parallel_loop3A_1206 = vector.shape_cast %parallel_loop3A_1205 : vector<16xf32> to vector<16xf32>
      %parallel_loop3A_1207 = arith.mulf %parallel_loop3A_1206, %get3A_78 : vector<16xf32>
      %parallel_loop3A_1208 = arith.addf %parallel_loop3A_1201, %parallel_loop3A_1207 : vector<16xf32>
      %parallel_loop3A_1209 = arith.constant 32 : i32
      %parallel_loop3A_1210 = arith.addi %parallel_loop3A_1196, %parallel_loop3A_1209 : i32
      %parallel_loop3A_1211 = arith.index_cast %parallel_loop3A_1210 : i32 to index
      %parallel_loop3A_1212 = tpu.vector_load %arg6[%parallel_loop3A_1211] {strides = array<i32>} : memref<12288xf32, #tpu.memory_space<vmem>>, vector<16xf32>,
      %parallel_loop3A_1213 = vector.shape_cast %parallel_loop3A_1212 : vector<16xf32> to vector<16xf32>
      %parallel_loop3A_1214 = arith.mulf %parallel_loop3A_1213, %get3A_81 : vector<16xf32>
      %parallel_loop3A_1215 = arith.addf %parallel_loop3A_1208, %parallel_loop3A_1214 : vector<16xf32>
      %parallel_loop3A_1216 = arith.constant 48 : i32
      %parallel_loop3A_1217 = arith.addi %parallel_loop3A_1196, %parallel_loop3A_1216 : i32
      %parallel_loop3A_1218 = arith.index_cast %parallel_loop3A_1217 : i32 to index
      %parallel_loop3A_1219 = tpu.vector_load %arg6[%parallel_loop3A_1218] {strides = array<i32>} : memref<12288xf32, #tpu.memory_space<vmem>>, vector<16xf32>,
      %parallel_loop3A_1220 = vector.shape_cast %parallel_loop3A_1219 : vector<16xf32> to vector<16xf32>
      %parallel_loop3A_1221 = arith.mulf %parallel_loop3A_1220, %get3A_84 : vector<16xf32>
      %parallel_loop3A_1222 = arith.addf %parallel_loop3A_1215, %parallel_loop3A_1221 : vector<16xf32>
      %parallel_loop3A_1223 = arith.constant 64 : i32
      %parallel_loop3A_1224 = arith.addi %parallel_loop3A_1196, %parallel_loop3A_1223 : i32
      %parallel_loop3A_1225 = arith.index_cast %parallel_loop3A_1224 : i32 to index
      %parallel_loop3A_1226 = tpu.vector_load %arg6[%parallel_loop3A_1225] {strides = array<i32>} : memref<12288xf32, #tpu.memory_space<vmem>>, vector<16xf32>,
      %parallel_loop3A_1227 = vector.shape_cast %parallel_loop3A_1226 : vector<16xf32> to vector<16xf32>
      %parallel_loop3A_1228 = arith.mulf %parallel_loop3A_1227, %get3A_87 : vector<16xf32>
      %parallel_loop3A_1229 = arith.addf %parallel_loop3A_1222, %parallel_loop3A_1228 : vector<16xf32>
      %parallel_loop3A_1230 = arith.constant 80 : i32
      %parallel_loop3A_1231 = arith.addi %parallel_loop3A_1196, %parallel_loop3A_1230 : i32
      %parallel_loop3A_1232 = arith.index_cast %parallel_loop3A_1231 : i32 to index
      %parallel_loop3A_1233 = tpu.vector_load %arg6[%parallel_loop3A_1232] {strides = array<i32>} : memref<12288xf32, #tpu.memory_space<vmem>>, vector<16xf32>,
      %parallel_loop3A_1234 = vector.shape_cast %parallel_loop3A_1233 : vector<16xf32> to vector<16xf32>
      %parallel_loop3A_1235 = arith.mulf %parallel_loop3A_1234, %get3A_90 : vector<16xf32>
      %parallel_loop3A_1236 = arith.addf %parallel_loop3A_1229, %parallel_loop3A_1235 : vector<16xf32>
      %parallel_loop3A_1237 = arith.constant 96 : i32
      %parallel_loop3A_1238 = arith.addi %parallel_loop3A_1196, %parallel_loop3A_1237 : i32
      %parallel_loop3A_1239 = arith.index_cast %parallel_loop3A_1238 : i32 to index
      %parallel_loop3A_1240 = tpu.vector_load %arg6[%parallel_loop3A_1239] {strides = array<i32>} : memref<12288xf32, #tpu.memory_space<vmem>>, vector<16xf32>,
      %parallel_loop3A_1241 = vector.shape_cast %parallel_loop3A_1240 : vector<16xf32> to vector<16xf32>
      %parallel_loop3A_1242 = arith.mulf %parallel_loop3A_1241, %get3A_93 : vector<16xf32>
      %parallel_loop3A_1243 = arith.addf %parallel_loop3A_1236, %parallel_loop3A_1242 : vector<16xf32>
      %parallel_loop3A_1244 = arith.constant 112 : i32
      %parallel_loop3A_1245 = arith.addi %parallel_loop3A_1196, %parallel_loop3A_1244 : i32
      %parallel_loop3A_1246 = arith.index_cast %parallel_loop3A_1245 : i32 to index
      %parallel_loop3A_1247 = tpu.vector_load %arg6[%parallel_loop3A_1246] {strides = array<i32>} : memref<12288xf32, #tpu.memory_space<vmem>>, vector<16xf32>,
      %parallel_loop3A_1248 = vector.shape_cast %parallel_loop3A_1247 : vector<16xf32> to vector<16xf32>
      %parallel_loop3A_1249 = arith.mulf %parallel_loop3A_1248, %get3A_96 : vector<16xf32>
      %parallel_loop3A_1250 = arith.addf %parallel_loop3A_1243, %parallel_loop3A_1249 : vector<16xf32>
      %parallel_loop3A_1251 = arith.addf %parallel_loop3A_1197, %parallel_loop3A_1250 : vector<16xf32>
      scf.yield %parallel_loop3A_1251 : vector<16xf32>
    } {sc.loop_unroll_factor = 16 : i64, sc.parallel_access}
    %swap3A_475 = arith.constant 224 : index
    %swap3A_476 = tpu.vector_load %arg10[%swap3A_475] {strides = array<i32>} : memref<256xf32, #tpu.memory_space<vmem>>, vector<16xf32>,
    %swap3A_477 = vector.shape_cast %swap3A_476 : vector<16xf32> to vector<16xf32>
    %swap3A_478 = vector.shape_cast %parallel_loop3A_474 : vector<16xf32> to vector<16xf32>
    tpu.vector_store %arg10[%swap3A_475], %swap3A_478 {strides = array<i32>} : memref<256xf32, #tpu.memory_space<vmem>>, vector<16xf32>,
    %sub3A_479 = arith.subi %squeeze3A_129, %add3A_138 : i32
    %jit3A_480 = arith.constant 0 : i32
    %jit3A_481 = arith.constant 96 : i32
    %max3A_482 = arith.maxsi %jit3A_480, %sub3A_479 : i32
    %min3A_483 = arith.minsi %jit3A_481, %max3A_482 : i32
    %sub3A_484 = arith.constant 32768 : i32
    %sub3A_485 = arith.subi %sub3A_484, %add3A_138 : i32
    %jit3A_486 = arith.constant 0 : i32
    %jit3A_487 = arith.constant 96 : i32
    %max3A_488 = arith.maxsi %jit3A_486, %sub3A_485 : i32
    %min3A_489 = arith.minsi %jit3A_487, %max3A_488 : i32
    %get3A_490 = arith.constant 240 : index
    %get3A_491 = tpu.vector_load %arg10[%get3A_490] {strides = array<i32>} : memref<256xf32, #tpu.memory_space<vmem>>, vector<16xf32>,
    %get3A_492 = vector.shape_cast %get3A_491 : vector<16xf32> to vector<16xf32>
    %mul3A_493 = arith.constant 128 : i32
    %mul3A_494 = arith.muli %min3A_483, %mul3A_493 : i32
    %mul3A_495 = arith.constant 128 : i32
    %mul3A_496 = arith.muli %min3A_489, %mul3A_495 : i32
    %parallel_loop3A_497 = arith.constant 128 : i32
    %parallel_loop3A_498 = scf.for %parallel_loop3A_1196 = %mul3A_494 to %mul3A_496 step %parallel_loop3A_497 iter_args(%parallel_loop3A_1197 = %get3A_492) -> (vector<16xf32>)  : i32 {
      %parallel_loop3A_1198 = arith.index_cast %parallel_loop3A_1196 : i32 to index
      %parallel_loop3A_1199 = tpu.vector_load %arg6[%parallel_loop3A_1198] {strides = array<i32>} : memref<12288xf32, #tpu.memory_space<vmem>>, vector<16xf32>,
      %parallel_loop3A_1200 = vector.shape_cast %parallel_loop3A_1199 : vector<16xf32> to vector<16xf32>
      %parallel_loop3A_1201 = arith.mulf %parallel_loop3A_1200, %get3A_75 : vector<16xf32>
      %parallel_loop3A_1202 = arith.constant 16 : i32
      %parallel_loop3A_1203 = arith.addi %parallel_loop3A_1196, %parallel_loop3A_1202 : i32
      %parallel_loop3A_1204 = arith.index_cast %parallel_loop3A_1203 : i32 to index
      %parallel_loop3A_1205 = tpu.vector_load %arg6[%parallel_loop3A_1204] {strides = array<i32>} : memref<12288xf32, #tpu.memory_space<vmem>>, vector<16xf32>,
      %parallel_loop3A_1206 = vector.shape_cast %parallel_loop3A_1205 : vector<16xf32> to vector<16xf32>
      %parallel_loop3A_1207 = arith.mulf %parallel_loop3A_1206, %get3A_78 : vector<16xf32>
      %parallel_loop3A_1208 = arith.addf %parallel_loop3A_1201, %parallel_loop3A_1207 : vector<16xf32>
      %parallel_loop3A_1209 = arith.constant 32 : i32
      %parallel_loop3A_1210 = arith.addi %parallel_loop3A_1196, %parallel_loop3A_1209 : i32
      %parallel_loop3A_1211 = arith.index_cast %parallel_loop3A_1210 : i32 to index
      %parallel_loop3A_1212 = tpu.vector_load %arg6[%parallel_loop3A_1211] {strides = array<i32>} : memref<12288xf32, #tpu.memory_space<vmem>>, vector<16xf32>,
      %parallel_loop3A_1213 = vector.shape_cast %parallel_loop3A_1212 : vector<16xf32> to vector<16xf32>
      %parallel_loop3A_1214 = arith.mulf %parallel_loop3A_1213, %get3A_81 : vector<16xf32>
      %parallel_loop3A_1215 = arith.addf %parallel_loop3A_1208, %parallel_loop3A_1214 : vector<16xf32>
      %parallel_loop3A_1216 = arith.constant 48 : i32
      %parallel_loop3A_1217 = arith.addi %parallel_loop3A_1196, %parallel_loop3A_1216 : i32
      %parallel_loop3A_1218 = arith.index_cast %parallel_loop3A_1217 : i32 to index
      %parallel_loop3A_1219 = tpu.vector_load %arg6[%parallel_loop3A_1218] {strides = array<i32>} : memref<12288xf32, #tpu.memory_space<vmem>>, vector<16xf32>,
      %parallel_loop3A_1220 = vector.shape_cast %parallel_loop3A_1219 : vector<16xf32> to vector<16xf32>
      %parallel_loop3A_1221 = arith.mulf %parallel_loop3A_1220, %get3A_84 : vector<16xf32>
      %parallel_loop3A_1222 = arith.addf %parallel_loop3A_1215, %parallel_loop3A_1221 : vector<16xf32>
      %parallel_loop3A_1223 = arith.constant 64 : i32
      %parallel_loop3A_1224 = arith.addi %parallel_loop3A_1196, %parallel_loop3A_1223 : i32
      %parallel_loop3A_1225 = arith.index_cast %parallel_loop3A_1224 : i32 to index
      %parallel_loop3A_1226 = tpu.vector_load %arg6[%parallel_loop3A_1225] {strides = array<i32>} : memref<12288xf32, #tpu.memory_space<vmem>>, vector<16xf32>,
      %parallel_loop3A_1227 = vector.shape_cast %parallel_loop3A_1226 : vector<16xf32> to vector<16xf32>
      %parallel_loop3A_1228 = arith.mulf %parallel_loop3A_1227, %get3A_87 : vector<16xf32>
      %parallel_loop3A_1229 = arith.addf %parallel_loop3A_1222, %parallel_loop3A_1228 : vector<16xf32>
      %parallel_loop3A_1230 = arith.constant 80 : i32
      %parallel_loop3A_1231 = arith.addi %parallel_loop3A_1196, %parallel_loop3A_1230 : i32
      %parallel_loop3A_1232 = arith.index_cast %parallel_loop3A_1231 : i32 to index
      %parallel_loop3A_1233 = tpu.vector_load %arg6[%parallel_loop3A_1232] {strides = array<i32>} : memref<12288xf32, #tpu.memory_space<vmem>>, vector<16xf32>,
      %parallel_loop3A_1234 = vector.shape_cast %parallel_loop3A_1233 : vector<16xf32> to vector<16xf32>
      %parallel_loop3A_1235 = arith.mulf %parallel_loop3A_1234, %get3A_90 : vector<16xf32>
      %parallel_loop3A_1236 = arith.addf %parallel_loop3A_1229, %parallel_loop3A_1235 : vector<16xf32>
      %parallel_loop3A_1237 = arith.constant 96 : i32
      %parallel_loop3A_1238 = arith.addi %parallel_loop3A_1196, %parallel_loop3A_1237 : i32
      %parallel_loop3A_1239 = arith.index_cast %parallel_loop3A_1238 : i32 to index
      %parallel_loop3A_1240 = tpu.vector_load %arg6[%parallel_loop3A_1239] {strides = array<i32>} : memref<12288xf32, #tpu.memory_space<vmem>>, vector<16xf32>,
      %parallel_loop3A_1241 = vector.shape_cast %parallel_loop3A_1240 : vector<16xf32> to vector<16xf32>
      %parallel_loop3A_1242 = arith.mulf %parallel_loop3A_1241, %get3A_93 : vector<16xf32>
      %parallel_loop3A_1243 = arith.addf %parallel_loop3A_1236, %parallel_loop3A_1242 : vector<16xf32>
      %parallel_loop3A_1244 = arith.constant 112 : i32
      %parallel_loop3A_1245 = arith.addi %parallel_loop3A_1196, %parallel_loop3A_1244 : i32
      %parallel_loop3A_1246 = arith.index_cast %parallel_loop3A_1245 : i32 to index
      %parallel_loop3A_1247 = tpu.vector_load %arg6[%parallel_loop3A_1246] {strides = array<i32>} : memref<12288xf32, #tpu.memory_space<vmem>>, vector<16xf32>,
      %parallel_loop3A_1248 = vector.shape_cast %parallel_loop3A_1247 : vector<16xf32> to vector<16xf32>
      %parallel_loop3A_1249 = arith.mulf %parallel_loop3A_1248, %get3A_96 : vector<16xf32>
      %parallel_loop3A_1250 = arith.addf %parallel_loop3A_1243, %parallel_loop3A_1249 : vector<16xf32>
      %parallel_loop3A_1251 = arith.addf %parallel_loop3A_1197, %parallel_loop3A_1250 : vector<16xf32>
      scf.yield %parallel_loop3A_1251 : vector<16xf32>
    } {sc.loop_unroll_factor = 16 : i64, sc.parallel_access}
    %swap3A_499 = arith.constant 240 : index
    %swap3A_500 = tpu.vector_load %arg10[%swap3A_499] {strides = array<i32>} : memref<256xf32, #tpu.memory_space<vmem>>, vector<16xf32>,
    %swap3A_501 = vector.shape_cast %swap3A_500 : vector<16xf32> to vector<16xf32>
    %swap3A_502 = vector.shape_cast %parallel_loop3A_498 : vector<16xf32> to vector<16xf32>
    tpu.vector_store %arg10[%swap3A_499], %swap3A_502 {strides = array<i32>} : memref<256xf32, #tpu.memory_space<vmem>>, vector<16xf32>,
    %dma_wait3A_503 = tpu.memref_slice %arg2[%mul3A_133] : memref<4194304xf32, #tpu.memory_space<hbm>> -> memref<12288xf32, #tpu.memory_space<hbm>>
    %dma_wait3A_504 = tpu.memref_slice %arg2[%mul3A_133] : memref<4194304xf32, #tpu.memory_space<hbm>> -> memref<12288xf32, #tpu.memory_space<hbm>>
    tpu.wait_dma2 semaphore(%arg12 : memref<!tpu.dma_semaphore, #tpu.memory_space<semaphore_mem>>) src(%dma_wait3A_504 : memref<12288xf32, #tpu.memory_space<hbm>>) dst(%arg7 : memref<12288xf32, #tpu.memory_space<vmem>>)
    %add3A_505 = arith.constant 96 : i32
    %add3A_506 = arith.addi %add3A_4, %add3A_505 : i32
    %sub3A_507 = arith.subi %squeeze3A, %add3A_506 : i32
    %jit3A_508 = arith.constant 0 : i32
    %jit3A_509 = arith.constant 96 : i32
    %max3A_510 = arith.maxsi %jit3A_508, %sub3A_507 : i32
    %min3A_511 = arith.minsi %jit3A_509, %max3A_510 : i32
    %sub3A_512 = arith.subi %squeeze3A_101, %add3A_506 : i32
    %jit3A_513 = arith.constant 0 : i32
    %jit3A_514 = arith.constant 96 : i32
    %max3A_515 = arith.maxsi %jit3A_513, %sub3A_512 : i32
    %min3A_516 = arith.minsi %jit3A_514, %max3A_515 : i32
    %get3A_517 = arith.constant 0 : index
    %get3A_518 = tpu.vector_load %arg10[%get3A_517] {strides = array<i32>} : memref<256xf32, #tpu.memory_space<vmem>>, vector<16xf32>,
    %get3A_519 = vector.shape_cast %get3A_518 : vector<16xf32> to vector<16xf32>
    %mul3A_520 = arith.constant 128 : i32
    %mul3A_521 = arith.muli %min3A_511, %mul3A_520 : i32
    %mul3A_522 = arith.constant 128 : i32
    %mul3A_523 = arith.muli %min3A_516, %mul3A_522 : i32
    %parallel_loop3A_524 = arith.constant 128 : i32
    %parallel_loop3A_525 = scf.for %parallel_loop3A_1196 = %mul3A_521 to %mul3A_523 step %parallel_loop3A_524 iter_args(%parallel_loop3A_1197 = %get3A_519) -> (vector<16xf32>)  : i32 {
      %parallel_loop3A_1198 = arith.index_cast %parallel_loop3A_1196 : i32 to index
      %parallel_loop3A_1199 = tpu.vector_load %arg7[%parallel_loop3A_1198] {strides = array<i32>} : memref<12288xf32, #tpu.memory_space<vmem>>, vector<16xf32>,
      %parallel_loop3A_1200 = vector.shape_cast %parallel_loop3A_1199 : vector<16xf32> to vector<16xf32>
      %parallel_loop3A_1201 = arith.mulf %parallel_loop3A_1200, %get3A_75 : vector<16xf32>
      %parallel_loop3A_1202 = arith.constant 16 : i32
      %parallel_loop3A_1203 = arith.addi %parallel_loop3A_1196, %parallel_loop3A_1202 : i32
      %parallel_loop3A_1204 = arith.index_cast %parallel_loop3A_1203 : i32 to index
      %parallel_loop3A_1205 = tpu.vector_load %arg7[%parallel_loop3A_1204] {strides = array<i32>} : memref<12288xf32, #tpu.memory_space<vmem>>, vector<16xf32>,
      %parallel_loop3A_1206 = vector.shape_cast %parallel_loop3A_1205 : vector<16xf32> to vector<16xf32>
      %parallel_loop3A_1207 = arith.mulf %parallel_loop3A_1206, %get3A_78 : vector<16xf32>
      %parallel_loop3A_1208 = arith.addf %parallel_loop3A_1201, %parallel_loop3A_1207 : vector<16xf32>
      %parallel_loop3A_1209 = arith.constant 32 : i32
      %parallel_loop3A_1210 = arith.addi %parallel_loop3A_1196, %parallel_loop3A_1209 : i32
      %parallel_loop3A_1211 = arith.index_cast %parallel_loop3A_1210 : i32 to index
      %parallel_loop3A_1212 = tpu.vector_load %arg7[%parallel_loop3A_1211] {strides = array<i32>} : memref<12288xf32, #tpu.memory_space<vmem>>, vector<16xf32>,
      %parallel_loop3A_1213 = vector.shape_cast %parallel_loop3A_1212 : vector<16xf32> to vector<16xf32>
      %parallel_loop3A_1214 = arith.mulf %parallel_loop3A_1213, %get3A_81 : vector<16xf32>
      %parallel_loop3A_1215 = arith.addf %parallel_loop3A_1208, %parallel_loop3A_1214 : vector<16xf32>
      %parallel_loop3A_1216 = arith.constant 48 : i32
      %parallel_loop3A_1217 = arith.addi %parallel_loop3A_1196, %parallel_loop3A_1216 : i32
      %parallel_loop3A_1218 = arith.index_cast %parallel_loop3A_1217 : i32 to index
      %parallel_loop3A_1219 = tpu.vector_load %arg7[%parallel_loop3A_1218] {strides = array<i32>} : memref<12288xf32, #tpu.memory_space<vmem>>, vector<16xf32>,
      %parallel_loop3A_1220 = vector.shape_cast %parallel_loop3A_1219 : vector<16xf32> to vector<16xf32>
      %parallel_loop3A_1221 = arith.mulf %parallel_loop3A_1220, %get3A_84 : vector<16xf32>
      %parallel_loop3A_1222 = arith.addf %parallel_loop3A_1215, %parallel_loop3A_1221 : vector<16xf32>
      %parallel_loop3A_1223 = arith.constant 64 : i32
      %parallel_loop3A_1224 = arith.addi %parallel_loop3A_1196, %parallel_loop3A_1223 : i32
      %parallel_loop3A_1225 = arith.index_cast %parallel_loop3A_1224 : i32 to index
      %parallel_loop3A_1226 = tpu.vector_load %arg7[%parallel_loop3A_1225] {strides = array<i32>} : memref<12288xf32, #tpu.memory_space<vmem>>, vector<16xf32>,
      %parallel_loop3A_1227 = vector.shape_cast %parallel_loop3A_1226 : vector<16xf32> to vector<16xf32>
      %parallel_loop3A_1228 = arith.mulf %parallel_loop3A_1227, %get3A_87 : vector<16xf32>
      %parallel_loop3A_1229 = arith.addf %parallel_loop3A_1222, %parallel_loop3A_1228 : vector<16xf32>
      %parallel_loop3A_1230 = arith.constant 80 : i32
      %parallel_loop3A_1231 = arith.addi %parallel_loop3A_1196, %parallel_loop3A_1230 : i32
      %parallel_loop3A_1232 = arith.index_cast %parallel_loop3A_1231 : i32 to index
      %parallel_loop3A_1233 = tpu.vector_load %arg7[%parallel_loop3A_1232] {strides = array<i32>} : memref<12288xf32, #tpu.memory_space<vmem>>, vector<16xf32>,
      %parallel_loop3A_1234 = vector.shape_cast %parallel_loop3A_1233 : vector<16xf32> to vector<16xf32>
      %parallel_loop3A_1235 = arith.mulf %parallel_loop3A_1234, %get3A_90 : vector<16xf32>
      %parallel_loop3A_1236 = arith.addf %parallel_loop3A_1229, %parallel_loop3A_1235 : vector<16xf32>
      %parallel_loop3A_1237 = arith.constant 96 : i32
      %parallel_loop3A_1238 = arith.addi %parallel_loop3A_1196, %parallel_loop3A_1237 : i32
      %parallel_loop3A_1239 = arith.index_cast %parallel_loop3A_1238 : i32 to index
      %parallel_loop3A_1240 = tpu.vector_load %arg7[%parallel_loop3A_1239] {strides = array<i32>} : memref<12288xf32, #tpu.memory_space<vmem>>, vector<16xf32>,
      %parallel_loop3A_1241 = vector.shape_cast %parallel_loop3A_1240 : vector<16xf32> to vector<16xf32>
      %parallel_loop3A_1242 = arith.mulf %parallel_loop3A_1241, %get3A_93 : vector<16xf32>
      %parallel_loop3A_1243 = arith.addf %parallel_loop3A_1236, %parallel_loop3A_1242 : vector<16xf32>
      %parallel_loop3A_1244 = arith.constant 112 : i32
      %parallel_loop3A_1245 = arith.addi %parallel_loop3A_1196, %parallel_loop3A_1244 : i32
      %parallel_loop3A_1246 = arith.index_cast %parallel_loop3A_1245 : i32 to index
      %parallel_loop3A_1247 = tpu.vector_load %arg7[%parallel_loop3A_1246] {strides = array<i32>} : memref<12288xf32, #tpu.memory_space<vmem>>, vector<16xf32>,
      %parallel_loop3A_1248 = vector.shape_cast %parallel_loop3A_1247 : vector<16xf32> to vector<16xf32>
      %parallel_loop3A_1249 = arith.mulf %parallel_loop3A_1248, %get3A_96 : vector<16xf32>
      %parallel_loop3A_1250 = arith.addf %parallel_loop3A_1243, %parallel_loop3A_1249 : vector<16xf32>
      %parallel_loop3A_1251 = arith.addf %parallel_loop3A_1197, %parallel_loop3A_1250 : vector<16xf32>
      scf.yield %parallel_loop3A_1251 : vector<16xf32>
    } {sc.loop_unroll_factor = 16 : i64, sc.parallel_access}
    %swap3A_526 = arith.constant 0 : index
    %swap3A_527 = tpu.vector_load %arg10[%swap3A_526] {strides = array<i32>} : memref<256xf32, #tpu.memory_space<vmem>>, vector<16xf32>,
    %swap3A_528 = vector.shape_cast %swap3A_527 : vector<16xf32> to vector<16xf32>
    %swap3A_529 = vector.shape_cast %parallel_loop3A_525 : vector<16xf32> to vector<16xf32>
    tpu.vector_store %arg10[%swap3A_526], %swap3A_529 {strides = array<i32>} : memref<256xf32, #tpu.memory_space<vmem>>, vector<16xf32>,
    %sub3A_530 = arith.subi %squeeze3A_101, %add3A_506 : i32
    %jit3A_531 = arith.constant 0 : i32
    %jit3A_532 = arith.constant 96 : i32
    %max3A_533 = arith.maxsi %jit3A_531, %sub3A_530 : i32
    %min3A_534 = arith.minsi %jit3A_532, %max3A_533 : i32
    %sub3A_535 = arith.subi %squeeze3A_103, %add3A_506 : i32
    %jit3A_536 = arith.constant 0 : i32
    %jit3A_537 = arith.constant 96 : i32
    %max3A_538 = arith.maxsi %jit3A_536, %sub3A_535 : i32
    %min3A_539 = arith.minsi %jit3A_537, %max3A_538 : i32
    %get3A_540 = arith.constant 16 : index
    %get3A_541 = tpu.vector_load %arg10[%get3A_540] {strides = array<i32>} : memref<256xf32, #tpu.memory_space<vmem>>, vector<16xf32>,
    %get3A_542 = vector.shape_cast %get3A_541 : vector<16xf32> to vector<16xf32>
    %mul3A_543 = arith.constant 128 : i32
    %mul3A_544 = arith.muli %min3A_534, %mul3A_543 : i32
    %mul3A_545 = arith.constant 128 : i32
    %mul3A_546 = arith.muli %min3A_539, %mul3A_545 : i32
    %parallel_loop3A_547 = arith.constant 128 : i32
    %parallel_loop3A_548 = scf.for %parallel_loop3A_1196 = %mul3A_544 to %mul3A_546 step %parallel_loop3A_547 iter_args(%parallel_loop3A_1197 = %get3A_542) -> (vector<16xf32>)  : i32 {
      %parallel_loop3A_1198 = arith.index_cast %parallel_loop3A_1196 : i32 to index
      %parallel_loop3A_1199 = tpu.vector_load %arg7[%parallel_loop3A_1198] {strides = array<i32>} : memref<12288xf32, #tpu.memory_space<vmem>>, vector<16xf32>,
      %parallel_loop3A_1200 = vector.shape_cast %parallel_loop3A_1199 : vector<16xf32> to vector<16xf32>
      %parallel_loop3A_1201 = arith.mulf %parallel_loop3A_1200, %get3A_75 : vector<16xf32>
      %parallel_loop3A_1202 = arith.constant 16 : i32
      %parallel_loop3A_1203 = arith.addi %parallel_loop3A_1196, %parallel_loop3A_1202 : i32
      %parallel_loop3A_1204 = arith.index_cast %parallel_loop3A_1203 : i32 to index
      %parallel_loop3A_1205 = tpu.vector_load %arg7[%parallel_loop3A_1204] {strides = array<i32>} : memref<12288xf32, #tpu.memory_space<vmem>>, vector<16xf32>,
      %parallel_loop3A_1206 = vector.shape_cast %parallel_loop3A_1205 : vector<16xf32> to vector<16xf32>
      %parallel_loop3A_1207 = arith.mulf %parallel_loop3A_1206, %get3A_78 : vector<16xf32>
      %parallel_loop3A_1208 = arith.addf %parallel_loop3A_1201, %parallel_loop3A_1207 : vector<16xf32>
      %parallel_loop3A_1209 = arith.constant 32 : i32
      %parallel_loop3A_1210 = arith.addi %parallel_loop3A_1196, %parallel_loop3A_1209 : i32
      %parallel_loop3A_1211 = arith.index_cast %parallel_loop3A_1210 : i32 to index
      %parallel_loop3A_1212 = tpu.vector_load %arg7[%parallel_loop3A_1211] {strides = array<i32>} : memref<12288xf32, #tpu.memory_space<vmem>>, vector<16xf32>,
      %parallel_loop3A_1213 = vector.shape_cast %parallel_loop3A_1212 : vector<16xf32> to vector<16xf32>
      %parallel_loop3A_1214 = arith.mulf %parallel_loop3A_1213, %get3A_81 : vector<16xf32>
      %parallel_loop3A_1215 = arith.addf %parallel_loop3A_1208, %parallel_loop3A_1214 : vector<16xf32>
      %parallel_loop3A_1216 = arith.constant 48 : i32
      %parallel_loop3A_1217 = arith.addi %parallel_loop3A_1196, %parallel_loop3A_1216 : i32
      %parallel_loop3A_1218 = arith.index_cast %parallel_loop3A_1217 : i32 to index
      %parallel_loop3A_1219 = tpu.vector_load %arg7[%parallel_loop3A_1218] {strides = array<i32>} : memref<12288xf32, #tpu.memory_space<vmem>>, vector<16xf32>,
      %parallel_loop3A_1220 = vector.shape_cast %parallel_loop3A_1219 : vector<16xf32> to vector<16xf32>
      %parallel_loop3A_1221 = arith.mulf %parallel_loop3A_1220, %get3A_84 : vector<16xf32>
      %parallel_loop3A_1222 = arith.addf %parallel_loop3A_1215, %parallel_loop3A_1221 : vector<16xf32>
      %parallel_loop3A_1223 = arith.constant 64 : i32
      %parallel_loop3A_1224 = arith.addi %parallel_loop3A_1196, %parallel_loop3A_1223 : i32
      %parallel_loop3A_1225 = arith.index_cast %parallel_loop3A_1224 : i32 to index
      %parallel_loop3A_1226 = tpu.vector_load %arg7[%parallel_loop3A_1225] {strides = array<i32>} : memref<12288xf32, #tpu.memory_space<vmem>>, vector<16xf32>,
      %parallel_loop3A_1227 = vector.shape_cast %parallel_loop3A_1226 : vector<16xf32> to vector<16xf32>
      %parallel_loop3A_1228 = arith.mulf %parallel_loop3A_1227, %get3A_87 : vector<16xf32>
      %parallel_loop3A_1229 = arith.addf %parallel_loop3A_1222, %parallel_loop3A_1228 : vector<16xf32>
      %parallel_loop3A_1230 = arith.constant 80 : i32
      %parallel_loop3A_1231 = arith.addi %parallel_loop3A_1196, %parallel_loop3A_1230 : i32
      %parallel_loop3A_1232 = arith.index_cast %parallel_loop3A_1231 : i32 to index
      %parallel_loop3A_1233 = tpu.vector_load %arg7[%parallel_loop3A_1232] {strides = array<i32>} : memref<12288xf32, #tpu.memory_space<vmem>>, vector<16xf32>,
      %parallel_loop3A_1234 = vector.shape_cast %parallel_loop3A_1233 : vector<16xf32> to vector<16xf32>
      %parallel_loop3A_1235 = arith.mulf %parallel_loop3A_1234, %get3A_90 : vector<16xf32>
      %parallel_loop3A_1236 = arith.addf %parallel_loop3A_1229, %parallel_loop3A_1235 : vector<16xf32>
      %parallel_loop3A_1237 = arith.constant 96 : i32
      %parallel_loop3A_1238 = arith.addi %parallel_loop3A_1196, %parallel_loop3A_1237 : i32
      %parallel_loop3A_1239 = arith.index_cast %parallel_loop3A_1238 : i32 to index
      %parallel_loop3A_1240 = tpu.vector_load %arg7[%parallel_loop3A_1239] {strides = array<i32>} : memref<12288xf32, #tpu.memory_space<vmem>>, vector<16xf32>,
      %parallel_loop3A_1241 = vector.shape_cast %parallel_loop3A_1240 : vector<16xf32> to vector<16xf32>
      %parallel_loop3A_1242 = arith.mulf %parallel_loop3A_1241, %get3A_93 : vector<16xf32>
      %parallel_loop3A_1243 = arith.addf %parallel_loop3A_1236, %parallel_loop3A_1242 : vector<16xf32>
      %parallel_loop3A_1244 = arith.constant 112 : i32
      %parallel_loop3A_1245 = arith.addi %parallel_loop3A_1196, %parallel_loop3A_1244 : i32
      %parallel_loop3A_1246 = arith.index_cast %parallel_loop3A_1245 : i32 to index
      %parallel_loop3A_1247 = tpu.vector_load %arg7[%parallel_loop3A_1246] {strides = array<i32>} : memref<12288xf32, #tpu.memory_space<vmem>>, vector<16xf32>,
      %parallel_loop3A_1248 = vector.shape_cast %parallel_loop3A_1247 : vector<16xf32> to vector<16xf32>
      %parallel_loop3A_1249 = arith.mulf %parallel_loop3A_1248, %get3A_96 : vector<16xf32>
      %parallel_loop3A_1250 = arith.addf %parallel_loop3A_1243, %parallel_loop3A_1249 : vector<16xf32>
      %parallel_loop3A_1251 = arith.addf %parallel_loop3A_1197, %parallel_loop3A_1250 : vector<16xf32>
      scf.yield %parallel_loop3A_1251 : vector<16xf32>
    } {sc.loop_unroll_factor = 16 : i64, sc.parallel_access}
    %swap3A_549 = arith.constant 16 : index
    %swap3A_550 = tpu.vector_load %arg10[%swap3A_549] {strides = array<i32>} : memref<256xf32, #tpu.memory_space<vmem>>, vector<16xf32>,
    %swap3A_551 = vector.shape_cast %swap3A_550 : vector<16xf32> to vector<16xf32>
    %swap3A_552 = vector.shape_cast %parallel_loop3A_548 : vector<16xf32> to vector<16xf32>
    tpu.vector_store %arg10[%swap3A_549], %swap3A_552 {strides = array<i32>} : memref<256xf32, #tpu.memory_space<vmem>>, vector<16xf32>,
    %sub3A_553 = arith.subi %squeeze3A_103, %add3A_506 : i32
    %jit3A_554 = arith.constant 0 : i32
    %jit3A_555 = arith.constant 96 : i32
    %max3A_556 = arith.maxsi %jit3A_554, %sub3A_553 : i32
    %min3A_557 = arith.minsi %jit3A_555, %max3A_556 : i32
    %sub3A_558 = arith.subi %squeeze3A_105, %add3A_506 : i32
    %jit3A_559 = arith.constant 0 : i32
    %jit3A_560 = arith.constant 96 : i32
    %max3A_561 = arith.maxsi %jit3A_559, %sub3A_558 : i32
    %min3A_562 = arith.minsi %jit3A_560, %max3A_561 : i32
    %get3A_563 = arith.constant 32 : index
    %get3A_564 = tpu.vector_load %arg10[%get3A_563] {strides = array<i32>} : memref<256xf32, #tpu.memory_space<vmem>>, vector<16xf32>,
    %get3A_565 = vector.shape_cast %get3A_564 : vector<16xf32> to vector<16xf32>
    %mul3A_566 = arith.constant 128 : i32
    %mul3A_567 = arith.muli %min3A_557, %mul3A_566 : i32
    %mul3A_568 = arith.constant 128 : i32
    %mul3A_569 = arith.muli %min3A_562, %mul3A_568 : i32
    %parallel_loop3A_570 = arith.constant 128 : i32
    %parallel_loop3A_571 = scf.for %parallel_loop3A_1196 = %mul3A_567 to %mul3A_569 step %parallel_loop3A_570 iter_args(%parallel_loop3A_1197 = %get3A_565) -> (vector<16xf32>)  : i32 {
      %parallel_loop3A_1198 = arith.index_cast %parallel_loop3A_1196 : i32 to index
      %parallel_loop3A_1199 = tpu.vector_load %arg7[%parallel_loop3A_1198] {strides = array<i32>} : memref<12288xf32, #tpu.memory_space<vmem>>, vector<16xf32>,
      %parallel_loop3A_1200 = vector.shape_cast %parallel_loop3A_1199 : vector<16xf32> to vector<16xf32>
      %parallel_loop3A_1201 = arith.mulf %parallel_loop3A_1200, %get3A_75 : vector<16xf32>
      %parallel_loop3A_1202 = arith.constant 16 : i32
      %parallel_loop3A_1203 = arith.addi %parallel_loop3A_1196, %parallel_loop3A_1202 : i32
      %parallel_loop3A_1204 = arith.index_cast %parallel_loop3A_1203 : i32 to index
      %parallel_loop3A_1205 = tpu.vector_load %arg7[%parallel_loop3A_1204] {strides = array<i32>} : memref<12288xf32, #tpu.memory_space<vmem>>, vector<16xf32>,
      %parallel_loop3A_1206 = vector.shape_cast %parallel_loop3A_1205 : vector<16xf32> to vector<16xf32>
      %parallel_loop3A_1207 = arith.mulf %parallel_loop3A_1206, %get3A_78 : vector<16xf32>
      %parallel_loop3A_1208 = arith.addf %parallel_loop3A_1201, %parallel_loop3A_1207 : vector<16xf32>
      %parallel_loop3A_1209 = arith.constant 32 : i32
      %parallel_loop3A_1210 = arith.addi %parallel_loop3A_1196, %parallel_loop3A_1209 : i32
      %parallel_loop3A_1211 = arith.index_cast %parallel_loop3A_1210 : i32 to index
      %parallel_loop3A_1212 = tpu.vector_load %arg7[%parallel_loop3A_1211] {strides = array<i32>} : memref<12288xf32, #tpu.memory_space<vmem>>, vector<16xf32>,
      %parallel_loop3A_1213 = vector.shape_cast %parallel_loop3A_1212 : vector<16xf32> to vector<16xf32>
      %parallel_loop3A_1214 = arith.mulf %parallel_loop3A_1213, %get3A_81 : vector<16xf32>
      %parallel_loop3A_1215 = arith.addf %parallel_loop3A_1208, %parallel_loop3A_1214 : vector<16xf32>
      %parallel_loop3A_1216 = arith.constant 48 : i32
      %parallel_loop3A_1217 = arith.addi %parallel_loop3A_1196, %parallel_loop3A_1216 : i32
      %parallel_loop3A_1218 = arith.index_cast %parallel_loop3A_1217 : i32 to index
      %parallel_loop3A_1219 = tpu.vector_load %arg7[%parallel_loop3A_1218] {strides = array<i32>} : memref<12288xf32, #tpu.memory_space<vmem>>, vector<16xf32>,
      %parallel_loop3A_1220 = vector.shape_cast %parallel_loop3A_1219 : vector<16xf32> to vector<16xf32>
      %parallel_loop3A_1221 = arith.mulf %parallel_loop3A_1220, %get3A_84 : vector<16xf32>
      %parallel_loop3A_1222 = arith.addf %parallel_loop3A_1215, %parallel_loop3A_1221 : vector<16xf32>
      %parallel_loop3A_1223 = arith.constant 64 : i32
      %parallel_loop3A_1224 = arith.addi %parallel_loop3A_1196, %parallel_loop3A_1223 : i32
      %parallel_loop3A_1225 = arith.index_cast %parallel_loop3A_1224 : i32 to index
      %parallel_loop3A_1226 = tpu.vector_load %arg7[%parallel_loop3A_1225] {strides = array<i32>} : memref<12288xf32, #tpu.memory_space<vmem>>, vector<16xf32>,
      %parallel_loop3A_1227 = vector.shape_cast %parallel_loop3A_1226 : vector<16xf32> to vector<16xf32>
      %parallel_loop3A_1228 = arith.mulf %parallel_loop3A_1227, %get3A_87 : vector<16xf32>
      %parallel_loop3A_1229 = arith.addf %parallel_loop3A_1222, %parallel_loop3A_1228 : vector<16xf32>
      %parallel_loop3A_1230 = arith.constant 80 : i32
      %parallel_loop3A_1231 = arith.addi %parallel_loop3A_1196, %parallel_loop3A_1230 : i32
      %parallel_loop3A_1232 = arith.index_cast %parallel_loop3A_1231 : i32 to index
      %parallel_loop3A_1233 = tpu.vector_load %arg7[%parallel_loop3A_1232] {strides = array<i32>} : memref<12288xf32, #tpu.memory_space<vmem>>, vector<16xf32>,
      %parallel_loop3A_1234 = vector.shape_cast %parallel_loop3A_1233 : vector<16xf32> to vector<16xf32>
      %parallel_loop3A_1235 = arith.mulf %parallel_loop3A_1234, %get3A_90 : vector<16xf32>
      %parallel_loop3A_1236 = arith.addf %parallel_loop3A_1229, %parallel_loop3A_1235 : vector<16xf32>
      %parallel_loop3A_1237 = arith.constant 96 : i32
      %parallel_loop3A_1238 = arith.addi %parallel_loop3A_1196, %parallel_loop3A_1237 : i32
      %parallel_loop3A_1239 = arith.index_cast %parallel_loop3A_1238 : i32 to index
      %parallel_loop3A_1240 = tpu.vector_load %arg7[%parallel_loop3A_1239] {strides = array<i32>} : memref<12288xf32, #tpu.memory_space<vmem>>, vector<16xf32>,
      %parallel_loop3A_1241 = vector.shape_cast %parallel_loop3A_1240 : vector<16xf32> to vector<16xf32>
      %parallel_loop3A_1242 = arith.mulf %parallel_loop3A_1241, %get3A_93 : vector<16xf32>
      %parallel_loop3A_1243 = arith.addf %parallel_loop3A_1236, %parallel_loop3A_1242 : vector<16xf32>
      %parallel_loop3A_1244 = arith.constant 112 : i32
      %parallel_loop3A_1245 = arith.addi %parallel_loop3A_1196, %parallel_loop3A_1244 : i32
      %parallel_loop3A_1246 = arith.index_cast %parallel_loop3A_1245 : i32 to index
      %parallel_loop3A_1247 = tpu.vector_load %arg7[%parallel_loop3A_1246] {strides = array<i32>} : memref<12288xf32, #tpu.memory_space<vmem>>, vector<16xf32>,
      %parallel_loop3A_1248 = vector.shape_cast %parallel_loop3A_1247 : vector<16xf32> to vector<16xf32>
      %parallel_loop3A_1249 = arith.mulf %parallel_loop3A_1248, %get3A_96 : vector<16xf32>
      %parallel_loop3A_1250 = arith.addf %parallel_loop3A_1243, %parallel_loop3A_1249 : vector<16xf32>
      %parallel_loop3A_1251 = arith.addf %parallel_loop3A_1197, %parallel_loop3A_1250 : vector<16xf32>
      scf.yield %parallel_loop3A_1251 : vector<16xf32>
    } {sc.loop_unroll_factor = 16 : i64, sc.parallel_access}
    %swap3A_572 = arith.constant 32 : index
    %swap3A_573 = tpu.vector_load %arg10[%swap3A_572] {strides = array<i32>} : memref<256xf32, #tpu.memory_space<vmem>>, vector<16xf32>,
    %swap3A_574 = vector.shape_cast %swap3A_573 : vector<16xf32> to vector<16xf32>
    %swap3A_575 = vector.shape_cast %parallel_loop3A_571 : vector<16xf32> to vector<16xf32>
    tpu.vector_store %arg10[%swap3A_572], %swap3A_575 {strides = array<i32>} : memref<256xf32, #tpu.memory_space<vmem>>, vector<16xf32>,
    %sub3A_576 = arith.subi %squeeze3A_105, %add3A_506 : i32
    %jit3A_577 = arith.constant 0 : i32
    %jit3A_578 = arith.constant 96 : i32
    %max3A_579 = arith.maxsi %jit3A_577, %sub3A_576 : i32
    %min3A_580 = arith.minsi %jit3A_578, %max3A_579 : i32
    %sub3A_581 = arith.subi %squeeze3A_107, %add3A_506 : i32
    %jit3A_582 = arith.constant 0 : i32
    %jit3A_583 = arith.constant 96 : i32
    %max3A_584 = arith.maxsi %jit3A_582, %sub3A_581 : i32
    %min3A_585 = arith.minsi %jit3A_583, %max3A_584 : i32
    %get3A_586 = arith.constant 48 : index
    %get3A_587 = tpu.vector_load %arg10[%get3A_586] {strides = array<i32>} : memref<256xf32, #tpu.memory_space<vmem>>, vector<16xf32>,
    %get3A_588 = vector.shape_cast %get3A_587 : vector<16xf32> to vector<16xf32>
    %mul3A_589 = arith.constant 128 : i32
    %mul3A_590 = arith.muli %min3A_580, %mul3A_589 : i32
    %mul3A_591 = arith.constant 128 : i32
    %mul3A_592 = arith.muli %min3A_585, %mul3A_591 : i32
    %parallel_loop3A_593 = arith.constant 128 : i32
    %parallel_loop3A_594 = scf.for %parallel_loop3A_1196 = %mul3A_590 to %mul3A_592 step %parallel_loop3A_593 iter_args(%parallel_loop3A_1197 = %get3A_588) -> (vector<16xf32>)  : i32 {
      %parallel_loop3A_1198 = arith.index_cast %parallel_loop3A_1196 : i32 to index
      %parallel_loop3A_1199 = tpu.vector_load %arg7[%parallel_loop3A_1198] {strides = array<i32>} : memref<12288xf32, #tpu.memory_space<vmem>>, vector<16xf32>,
      %parallel_loop3A_1200 = vector.shape_cast %parallel_loop3A_1199 : vector<16xf32> to vector<16xf32>
      %parallel_loop3A_1201 = arith.mulf %parallel_loop3A_1200, %get3A_75 : vector<16xf32>
      %parallel_loop3A_1202 = arith.constant 16 : i32
      %parallel_loop3A_1203 = arith.addi %parallel_loop3A_1196, %parallel_loop3A_1202 : i32
      %parallel_loop3A_1204 = arith.index_cast %parallel_loop3A_1203 : i32 to index
      %parallel_loop3A_1205 = tpu.vector_load %arg7[%parallel_loop3A_1204] {strides = array<i32>} : memref<12288xf32, #tpu.memory_space<vmem>>, vector<16xf32>,
      %parallel_loop3A_1206 = vector.shape_cast %parallel_loop3A_1205 : vector<16xf32> to vector<16xf32>
      %parallel_loop3A_1207 = arith.mulf %parallel_loop3A_1206, %get3A_78 : vector<16xf32>
      %parallel_loop3A_1208 = arith.addf %parallel_loop3A_1201, %parallel_loop3A_1207 : vector<16xf32>
      %parallel_loop3A_1209 = arith.constant 32 : i32
      %parallel_loop3A_1210 = arith.addi %parallel_loop3A_1196, %parallel_loop3A_1209 : i32
      %parallel_loop3A_1211 = arith.index_cast %parallel_loop3A_1210 : i32 to index
      %parallel_loop3A_1212 = tpu.vector_load %arg7[%parallel_loop3A_1211] {strides = array<i32>} : memref<12288xf32, #tpu.memory_space<vmem>>, vector<16xf32>,
      %parallel_loop3A_1213 = vector.shape_cast %parallel_loop3A_1212 : vector<16xf32> to vector<16xf32>
      %parallel_loop3A_1214 = arith.mulf %parallel_loop3A_1213, %get3A_81 : vector<16xf32>
      %parallel_loop3A_1215 = arith.addf %parallel_loop3A_1208, %parallel_loop3A_1214 : vector<16xf32>
      %parallel_loop3A_1216 = arith.constant 48 : i32
      %parallel_loop3A_1217 = arith.addi %parallel_loop3A_1196, %parallel_loop3A_1216 : i32
      %parallel_loop3A_1218 = arith.index_cast %parallel_loop3A_1217 : i32 to index
      %parallel_loop3A_1219 = tpu.vector_load %arg7[%parallel_loop3A_1218] {strides = array<i32>} : memref<12288xf32, #tpu.memory_space<vmem>>, vector<16xf32>,
      %parallel_loop3A_1220 = vector.shape_cast %parallel_loop3A_1219 : vector<16xf32> to vector<16xf32>
      %parallel_loop3A_1221 = arith.mulf %parallel_loop3A_1220, %get3A_84 : vector<16xf32>
      %parallel_loop3A_1222 = arith.addf %parallel_loop3A_1215, %parallel_loop3A_1221 : vector<16xf32>
      %parallel_loop3A_1223 = arith.constant 64 : i32
      %parallel_loop3A_1224 = arith.addi %parallel_loop3A_1196, %parallel_loop3A_1223 : i32
      %parallel_loop3A_1225 = arith.index_cast %parallel_loop3A_1224 : i32 to index
      %parallel_loop3A_1226 = tpu.vector_load %arg7[%parallel_loop3A_1225] {strides = array<i32>} : memref<12288xf32, #tpu.memory_space<vmem>>, vector<16xf32>,
      %parallel_loop3A_1227 = vector.shape_cast %parallel_loop3A_1226 : vector<16xf32> to vector<16xf32>
      %parallel_loop3A_1228 = arith.mulf %parallel_loop3A_1227, %get3A_87 : vector<16xf32>
      %parallel_loop3A_1229 = arith.addf %parallel_loop3A_1222, %parallel_loop3A_1228 : vector<16xf32>
      %parallel_loop3A_1230 = arith.constant 80 : i32
      %parallel_loop3A_1231 = arith.addi %parallel_loop3A_1196, %parallel_loop3A_1230 : i32
      %parallel_loop3A_1232 = arith.index_cast %parallel_loop3A_1231 : i32 to index
      %parallel_loop3A_1233 = tpu.vector_load %arg7[%parallel_loop3A_1232] {strides = array<i32>} : memref<12288xf32, #tpu.memory_space<vmem>>, vector<16xf32>,
      %parallel_loop3A_1234 = vector.shape_cast %parallel_loop3A_1233 : vector<16xf32> to vector<16xf32>
      %parallel_loop3A_1235 = arith.mulf %parallel_loop3A_1234, %get3A_90 : vector<16xf32>
      %parallel_loop3A_1236 = arith.addf %parallel_loop3A_1229, %parallel_loop3A_1235 : vector<16xf32>
      %parallel_loop3A_1237 = arith.constant 96 : i32
      %parallel_loop3A_1238 = arith.addi %parallel_loop3A_1196, %parallel_loop3A_1237 : i32
      %parallel_loop3A_1239 = arith.index_cast %parallel_loop3A_1238 : i32 to index
      %parallel_loop3A_1240 = tpu.vector_load %arg7[%parallel_loop3A_1239] {strides = array<i32>} : memref<12288xf32, #tpu.memory_space<vmem>>, vector<16xf32>,
      %parallel_loop3A_1241 = vector.shape_cast %parallel_loop3A_1240 : vector<16xf32> to vector<16xf32>
      %parallel_loop3A_1242 = arith.mulf %parallel_loop3A_1241, %get3A_93 : vector<16xf32>
      %parallel_loop3A_1243 = arith.addf %parallel_loop3A_1236, %parallel_loop3A_1242 : vector<16xf32>
      %parallel_loop3A_1244 = arith.constant 112 : i32
      %parallel_loop3A_1245 = arith.addi %parallel_loop3A_1196, %parallel_loop3A_1244 : i32
      %parallel_loop3A_1246 = arith.index_cast %parallel_loop3A_1245 : i32 to index
      %parallel_loop3A_1247 = tpu.vector_load %arg7[%parallel_loop3A_1246] {strides = array<i32>} : memref<12288xf32, #tpu.memory_space<vmem>>, vector<16xf32>,
      %parallel_loop3A_1248 = vector.shape_cast %parallel_loop3A_1247 : vector<16xf32> to vector<16xf32>
      %parallel_loop3A_1249 = arith.mulf %parallel_loop3A_1248, %get3A_96 : vector<16xf32>
      %parallel_loop3A_1250 = arith.addf %parallel_loop3A_1243, %parallel_loop3A_1249 : vector<16xf32>
      %parallel_loop3A_1251 = arith.addf %parallel_loop3A_1197, %parallel_loop3A_1250 : vector<16xf32>
      scf.yield %parallel_loop3A_1251 : vector<16xf32>
    } {sc.loop_unroll_factor = 16 : i64, sc.parallel_access}
    %swap3A_595 = arith.constant 48 : index
    %swap3A_596 = tpu.vector_load %arg10[%swap3A_595] {strides = array<i32>} : memref<256xf32, #tpu.memory_space<vmem>>, vector<16xf32>,
    %swap3A_597 = vector.shape_cast %swap3A_596 : vector<16xf32> to vector<16xf32>
    %swap3A_598 = vector.shape_cast %parallel_loop3A_594 : vector<16xf32> to vector<16xf32>
    tpu.vector_store %arg10[%swap3A_595], %swap3A_598 {strides = array<i32>} : memref<256xf32, #tpu.memory_space<vmem>>, vector<16xf32>,
    %sub3A_599 = arith.subi %squeeze3A_107, %add3A_506 : i32
    %jit3A_600 = arith.constant 0 : i32
    %jit3A_601 = arith.constant 96 : i32
    %max3A_602 = arith.maxsi %jit3A_600, %sub3A_599 : i32
    %min3A_603 = arith.minsi %jit3A_601, %max3A_602 : i32
    %sub3A_604 = arith.subi %squeeze3A_109, %add3A_506 : i32
    %jit3A_605 = arith.constant 0 : i32
    %jit3A_606 = arith.constant 96 : i32
    %max3A_607 = arith.maxsi %jit3A_605, %sub3A_604 : i32
    %min3A_608 = arith.minsi %jit3A_606, %max3A_607 : i32
    %get3A_609 = arith.constant 64 : index
    %get3A_610 = tpu.vector_load %arg10[%get3A_609] {strides = array<i32>} : memref<256xf32, #tpu.memory_space<vmem>>, vector<16xf32>,
    %get3A_611 = vector.shape_cast %get3A_610 : vector<16xf32> to vector<16xf32>
    %mul3A_612 = arith.constant 128 : i32
    %mul3A_613 = arith.muli %min3A_603, %mul3A_612 : i32
    %mul3A_614 = arith.constant 128 : i32
    %mul3A_615 = arith.muli %min3A_608, %mul3A_614 : i32
    %parallel_loop3A_616 = arith.constant 128 : i32
    %parallel_loop3A_617 = scf.for %parallel_loop3A_1196 = %mul3A_613 to %mul3A_615 step %parallel_loop3A_616 iter_args(%parallel_loop3A_1197 = %get3A_611) -> (vector<16xf32>)  : i32 {
      %parallel_loop3A_1198 = arith.index_cast %parallel_loop3A_1196 : i32 to index
      %parallel_loop3A_1199 = tpu.vector_load %arg7[%parallel_loop3A_1198] {strides = array<i32>} : memref<12288xf32, #tpu.memory_space<vmem>>, vector<16xf32>,
      %parallel_loop3A_1200 = vector.shape_cast %parallel_loop3A_1199 : vector<16xf32> to vector<16xf32>
      %parallel_loop3A_1201 = arith.mulf %parallel_loop3A_1200, %get3A_75 : vector<16xf32>
      %parallel_loop3A_1202 = arith.constant 16 : i32
      %parallel_loop3A_1203 = arith.addi %parallel_loop3A_1196, %parallel_loop3A_1202 : i32
      %parallel_loop3A_1204 = arith.index_cast %parallel_loop3A_1203 : i32 to index
      %parallel_loop3A_1205 = tpu.vector_load %arg7[%parallel_loop3A_1204] {strides = array<i32>} : memref<12288xf32, #tpu.memory_space<vmem>>, vector<16xf32>,
      %parallel_loop3A_1206 = vector.shape_cast %parallel_loop3A_1205 : vector<16xf32> to vector<16xf32>
      %parallel_loop3A_1207 = arith.mulf %parallel_loop3A_1206, %get3A_78 : vector<16xf32>
      %parallel_loop3A_1208 = arith.addf %parallel_loop3A_1201, %parallel_loop3A_1207 : vector<16xf32>
      %parallel_loop3A_1209 = arith.constant 32 : i32
      %parallel_loop3A_1210 = arith.addi %parallel_loop3A_1196, %parallel_loop3A_1209 : i32
      %parallel_loop3A_1211 = arith.index_cast %parallel_loop3A_1210 : i32 to index
      %parallel_loop3A_1212 = tpu.vector_load %arg7[%parallel_loop3A_1211] {strides = array<i32>} : memref<12288xf32, #tpu.memory_space<vmem>>, vector<16xf32>,
      %parallel_loop3A_1213 = vector.shape_cast %parallel_loop3A_1212 : vector<16xf32> to vector<16xf32>
      %parallel_loop3A_1214 = arith.mulf %parallel_loop3A_1213, %get3A_81 : vector<16xf32>
      %parallel_loop3A_1215 = arith.addf %parallel_loop3A_1208, %parallel_loop3A_1214 : vector<16xf32>
      %parallel_loop3A_1216 = arith.constant 48 : i32
      %parallel_loop3A_1217 = arith.addi %parallel_loop3A_1196, %parallel_loop3A_1216 : i32
      %parallel_loop3A_1218 = arith.index_cast %parallel_loop3A_1217 : i32 to index
      %parallel_loop3A_1219 = tpu.vector_load %arg7[%parallel_loop3A_1218] {strides = array<i32>} : memref<12288xf32, #tpu.memory_space<vmem>>, vector<16xf32>,
      %parallel_loop3A_1220 = vector.shape_cast %parallel_loop3A_1219 : vector<16xf32> to vector<16xf32>
      %parallel_loop3A_1221 = arith.mulf %parallel_loop3A_1220, %get3A_84 : vector<16xf32>
      %parallel_loop3A_1222 = arith.addf %parallel_loop3A_1215, %parallel_loop3A_1221 : vector<16xf32>
      %parallel_loop3A_1223 = arith.constant 64 : i32
      %parallel_loop3A_1224 = arith.addi %parallel_loop3A_1196, %parallel_loop3A_1223 : i32
      %parallel_loop3A_1225 = arith.index_cast %parallel_loop3A_1224 : i32 to index
      %parallel_loop3A_1226 = tpu.vector_load %arg7[%parallel_loop3A_1225] {strides = array<i32>} : memref<12288xf32, #tpu.memory_space<vmem>>, vector<16xf32>,
      %parallel_loop3A_1227 = vector.shape_cast %parallel_loop3A_1226 : vector<16xf32> to vector<16xf32>
      %parallel_loop3A_1228 = arith.mulf %parallel_loop3A_1227, %get3A_87 : vector<16xf32>
      %parallel_loop3A_1229 = arith.addf %parallel_loop3A_1222, %parallel_loop3A_1228 : vector<16xf32>
      %parallel_loop3A_1230 = arith.constant 80 : i32
      %parallel_loop3A_1231 = arith.addi %parallel_loop3A_1196, %parallel_loop3A_1230 : i32
      %parallel_loop3A_1232 = arith.index_cast %parallel_loop3A_1231 : i32 to index
      %parallel_loop3A_1233 = tpu.vector_load %arg7[%parallel_loop3A_1232] {strides = array<i32>} : memref<12288xf32, #tpu.memory_space<vmem>>, vector<16xf32>,
      %parallel_loop3A_1234 = vector.shape_cast %parallel_loop3A_1233 : vector<16xf32> to vector<16xf32>
      %parallel_loop3A_1235 = arith.mulf %parallel_loop3A_1234, %get3A_90 : vector<16xf32>
      %parallel_loop3A_1236 = arith.addf %parallel_loop3A_1229, %parallel_loop3A_1235 : vector<16xf32>
      %parallel_loop3A_1237 = arith.constant 96 : i32
      %parallel_loop3A_1238 = arith.addi %parallel_loop3A_1196, %parallel_loop3A_1237 : i32
      %parallel_loop3A_1239 = arith.index_cast %parallel_loop3A_1238 : i32 to index
      %parallel_loop3A_1240 = tpu.vector_load %arg7[%parallel_loop3A_1239] {strides = array<i32>} : memref<12288xf32, #tpu.memory_space<vmem>>, vector<16xf32>,
      %parallel_loop3A_1241 = vector.shape_cast %parallel_loop3A_1240 : vector<16xf32> to vector<16xf32>
      %parallel_loop3A_1242 = arith.mulf %parallel_loop3A_1241, %get3A_93 : vector<16xf32>
      %parallel_loop3A_1243 = arith.addf %parallel_loop3A_1236, %parallel_loop3A_1242 : vector<16xf32>
      %parallel_loop3A_1244 = arith.constant 112 : i32
      %parallel_loop3A_1245 = arith.addi %parallel_loop3A_1196, %parallel_loop3A_1244 : i32
      %parallel_loop3A_1246 = arith.index_cast %parallel_loop3A_1245 : i32 to index
      %parallel_loop3A_1247 = tpu.vector_load %arg7[%parallel_loop3A_1246] {strides = array<i32>} : memref<12288xf32, #tpu.memory_space<vmem>>, vector<16xf32>,
      %parallel_loop3A_1248 = vector.shape_cast %parallel_loop3A_1247 : vector<16xf32> to vector<16xf32>
      %parallel_loop3A_1249 = arith.mulf %parallel_loop3A_1248, %get3A_96 : vector<16xf32>
      %parallel_loop3A_1250 = arith.addf %parallel_loop3A_1243, %parallel_loop3A_1249 : vector<16xf32>
      %parallel_loop3A_1251 = arith.addf %parallel_loop3A_1197, %parallel_loop3A_1250 : vector<16xf32>
      scf.yield %parallel_loop3A_1251 : vector<16xf32>
    } {sc.loop_unroll_factor = 16 : i64, sc.parallel_access}
    %swap3A_618 = arith.constant 64 : index
    %swap3A_619 = tpu.vector_load %arg10[%swap3A_618] {strides = array<i32>} : memref<256xf32, #tpu.memory_space<vmem>>, vector<16xf32>,
    %swap3A_620 = vector.shape_cast %swap3A_619 : vector<16xf32> to vector<16xf32>
    %swap3A_621 = vector.shape_cast %parallel_loop3A_617 : vector<16xf32> to vector<16xf32>
    tpu.vector_store %arg10[%swap3A_618], %swap3A_621 {strides = array<i32>} : memref<256xf32, #tpu.memory_space<vmem>>, vector<16xf32>,
    %sub3A_622 = arith.subi %squeeze3A_109, %add3A_506 : i32
    %jit3A_623 = arith.constant 0 : i32
    %jit3A_624 = arith.constant 96 : i32
    %max3A_625 = arith.maxsi %jit3A_623, %sub3A_622 : i32
    %min3A_626 = arith.minsi %jit3A_624, %max3A_625 : i32
    %sub3A_627 = arith.subi %squeeze3A_111, %add3A_506 : i32
    %jit3A_628 = arith.constant 0 : i32
    %jit3A_629 = arith.constant 96 : i32
    %max3A_630 = arith.maxsi %jit3A_628, %sub3A_627 : i32
    %min3A_631 = arith.minsi %jit3A_629, %max3A_630 : i32
    %get3A_632 = arith.constant 80 : index
    %get3A_633 = tpu.vector_load %arg10[%get3A_632] {strides = array<i32>} : memref<256xf32, #tpu.memory_space<vmem>>, vector<16xf32>,
    %get3A_634 = vector.shape_cast %get3A_633 : vector<16xf32> to vector<16xf32>
    %mul3A_635 = arith.constant 128 : i32
    %mul3A_636 = arith.muli %min3A_626, %mul3A_635 : i32
    %mul3A_637 = arith.constant 128 : i32
    %mul3A_638 = arith.muli %min3A_631, %mul3A_637 : i32
    %parallel_loop3A_639 = arith.constant 128 : i32
    %parallel_loop3A_640 = scf.for %parallel_loop3A_1196 = %mul3A_636 to %mul3A_638 step %parallel_loop3A_639 iter_args(%parallel_loop3A_1197 = %get3A_634) -> (vector<16xf32>)  : i32 {
      %parallel_loop3A_1198 = arith.index_cast %parallel_loop3A_1196 : i32 to index
      %parallel_loop3A_1199 = tpu.vector_load %arg7[%parallel_loop3A_1198] {strides = array<i32>} : memref<12288xf32, #tpu.memory_space<vmem>>, vector<16xf32>,
      %parallel_loop3A_1200 = vector.shape_cast %parallel_loop3A_1199 : vector<16xf32> to vector<16xf32>
      %parallel_loop3A_1201 = arith.mulf %parallel_loop3A_1200, %get3A_75 : vector<16xf32>
      %parallel_loop3A_1202 = arith.constant 16 : i32
      %parallel_loop3A_1203 = arith.addi %parallel_loop3A_1196, %parallel_loop3A_1202 : i32
      %parallel_loop3A_1204 = arith.index_cast %parallel_loop3A_1203 : i32 to index
      %parallel_loop3A_1205 = tpu.vector_load %arg7[%parallel_loop3A_1204] {strides = array<i32>} : memref<12288xf32, #tpu.memory_space<vmem>>, vector<16xf32>,
      %parallel_loop3A_1206 = vector.shape_cast %parallel_loop3A_1205 : vector<16xf32> to vector<16xf32>
      %parallel_loop3A_1207 = arith.mulf %parallel_loop3A_1206, %get3A_78 : vector<16xf32>
      %parallel_loop3A_1208 = arith.addf %parallel_loop3A_1201, %parallel_loop3A_1207 : vector<16xf32>
      %parallel_loop3A_1209 = arith.constant 32 : i32
      %parallel_loop3A_1210 = arith.addi %parallel_loop3A_1196, %parallel_loop3A_1209 : i32
      %parallel_loop3A_1211 = arith.index_cast %parallel_loop3A_1210 : i32 to index
      %parallel_loop3A_1212 = tpu.vector_load %arg7[%parallel_loop3A_1211] {strides = array<i32>} : memref<12288xf32, #tpu.memory_space<vmem>>, vector<16xf32>,
      %parallel_loop3A_1213 = vector.shape_cast %parallel_loop3A_1212 : vector<16xf32> to vector<16xf32>
      %parallel_loop3A_1214 = arith.mulf %parallel_loop3A_1213, %get3A_81 : vector<16xf32>
      %parallel_loop3A_1215 = arith.addf %parallel_loop3A_1208, %parallel_loop3A_1214 : vector<16xf32>
      %parallel_loop3A_1216 = arith.constant 48 : i32
      %parallel_loop3A_1217 = arith.addi %parallel_loop3A_1196, %parallel_loop3A_1216 : i32
      %parallel_loop3A_1218 = arith.index_cast %parallel_loop3A_1217 : i32 to index
      %parallel_loop3A_1219 = tpu.vector_load %arg7[%parallel_loop3A_1218] {strides = array<i32>} : memref<12288xf32, #tpu.memory_space<vmem>>, vector<16xf32>,
      %parallel_loop3A_1220 = vector.shape_cast %parallel_loop3A_1219 : vector<16xf32> to vector<16xf32>
      %parallel_loop3A_1221 = arith.mulf %parallel_loop3A_1220, %get3A_84 : vector<16xf32>
      %parallel_loop3A_1222 = arith.addf %parallel_loop3A_1215, %parallel_loop3A_1221 : vector<16xf32>
      %parallel_loop3A_1223 = arith.constant 64 : i32
      %parallel_loop3A_1224 = arith.addi %parallel_loop3A_1196, %parallel_loop3A_1223 : i32
      %parallel_loop3A_1225 = arith.index_cast %parallel_loop3A_1224 : i32 to index
      %parallel_loop3A_1226 = tpu.vector_load %arg7[%parallel_loop3A_1225] {strides = array<i32>} : memref<12288xf32, #tpu.memory_space<vmem>>, vector<16xf32>,
      %parallel_loop3A_1227 = vector.shape_cast %parallel_loop3A_1226 : vector<16xf32> to vector<16xf32>
      %parallel_loop3A_1228 = arith.mulf %parallel_loop3A_1227, %get3A_87 : vector<16xf32>
      %parallel_loop3A_1229 = arith.addf %parallel_loop3A_1222, %parallel_loop3A_1228 : vector<16xf32>
      %parallel_loop3A_1230 = arith.constant 80 : i32
      %parallel_loop3A_1231 = arith.addi %parallel_loop3A_1196, %parallel_loop3A_1230 : i32
      %parallel_loop3A_1232 = arith.index_cast %parallel_loop3A_1231 : i32 to index
      %parallel_loop3A_1233 = tpu.vector_load %arg7[%parallel_loop3A_1232] {strides = array<i32>} : memref<12288xf32, #tpu.memory_space<vmem>>, vector<16xf32>,
      %parallel_loop3A_1234 = vector.shape_cast %parallel_loop3A_1233 : vector<16xf32> to vector<16xf32>
      %parallel_loop3A_1235 = arith.mulf %parallel_loop3A_1234, %get3A_90 : vector<16xf32>
      %parallel_loop3A_1236 = arith.addf %parallel_loop3A_1229, %parallel_loop3A_1235 : vector<16xf32>
      %parallel_loop3A_1237 = arith.constant 96 : i32
      %parallel_loop3A_1238 = arith.addi %parallel_loop3A_1196, %parallel_loop3A_1237 : i32
      %parallel_loop3A_1239 = arith.index_cast %parallel_loop3A_1238 : i32 to index
      %parallel_loop3A_1240 = tpu.vector_load %arg7[%parallel_loop3A_1239] {strides = array<i32>} : memref<12288xf32, #tpu.memory_space<vmem>>, vector<16xf32>,
      %parallel_loop3A_1241 = vector.shape_cast %parallel_loop3A_1240 : vector<16xf32> to vector<16xf32>
      %parallel_loop3A_1242 = arith.mulf %parallel_loop3A_1241, %get3A_93 : vector<16xf32>
      %parallel_loop3A_1243 = arith.addf %parallel_loop3A_1236, %parallel_loop3A_1242 : vector<16xf32>
      %parallel_loop3A_1244 = arith.constant 112 : i32
      %parallel_loop3A_1245 = arith.addi %parallel_loop3A_1196, %parallel_loop3A_1244 : i32
      %parallel_loop3A_1246 = arith.index_cast %parallel_loop3A_1245 : i32 to index
      %parallel_loop3A_1247 = tpu.vector_load %arg7[%parallel_loop3A_1246] {strides = array<i32>} : memref<12288xf32, #tpu.memory_space<vmem>>, vector<16xf32>,
      %parallel_loop3A_1248 = vector.shape_cast %parallel_loop3A_1247 : vector<16xf32> to vector<16xf32>
      %parallel_loop3A_1249 = arith.mulf %parallel_loop3A_1248, %get3A_96 : vector<16xf32>
      %parallel_loop3A_1250 = arith.addf %parallel_loop3A_1243, %parallel_loop3A_1249 : vector<16xf32>
      %parallel_loop3A_1251 = arith.addf %parallel_loop3A_1197, %parallel_loop3A_1250 : vector<16xf32>
      scf.yield %parallel_loop3A_1251 : vector<16xf32>
    } {sc.loop_unroll_factor = 16 : i64, sc.parallel_access}
    %swap3A_641 = arith.constant 80 : index
    %swap3A_642 = tpu.vector_load %arg10[%swap3A_641] {strides = array<i32>} : memref<256xf32, #tpu.memory_space<vmem>>, vector<16xf32>,
    %swap3A_643 = vector.shape_cast %swap3A_642 : vector<16xf32> to vector<16xf32>
    %swap3A_644 = vector.shape_cast %parallel_loop3A_640 : vector<16xf32> to vector<16xf32>
    tpu.vector_store %arg10[%swap3A_641], %swap3A_644 {strides = array<i32>} : memref<256xf32, #tpu.memory_space<vmem>>, vector<16xf32>,
    %sub3A_645 = arith.subi %squeeze3A_111, %add3A_506 : i32
    %jit3A_646 = arith.constant 0 : i32
    %jit3A_647 = arith.constant 96 : i32
    %max3A_648 = arith.maxsi %jit3A_646, %sub3A_645 : i32
    %min3A_649 = arith.minsi %jit3A_647, %max3A_648 : i32
    %sub3A_650 = arith.subi %squeeze3A_113, %add3A_506 : i32
    %jit3A_651 = arith.constant 0 : i32
    %jit3A_652 = arith.constant 96 : i32
    %max3A_653 = arith.maxsi %jit3A_651, %sub3A_650 : i32
    %min3A_654 = arith.minsi %jit3A_652, %max3A_653 : i32
    %get3A_655 = arith.constant 96 : index
    %get3A_656 = tpu.vector_load %arg10[%get3A_655] {strides = array<i32>} : memref<256xf32, #tpu.memory_space<vmem>>, vector<16xf32>,
    %get3A_657 = vector.shape_cast %get3A_656 : vector<16xf32> to vector<16xf32>
    %mul3A_658 = arith.constant 128 : i32
    %mul3A_659 = arith.muli %min3A_649, %mul3A_658 : i32
    %mul3A_660 = arith.constant 128 : i32
    %mul3A_661 = arith.muli %min3A_654, %mul3A_660 : i32
    %parallel_loop3A_662 = arith.constant 128 : i32
    %parallel_loop3A_663 = scf.for %parallel_loop3A_1196 = %mul3A_659 to %mul3A_661 step %parallel_loop3A_662 iter_args(%parallel_loop3A_1197 = %get3A_657) -> (vector<16xf32>)  : i32 {
      %parallel_loop3A_1198 = arith.index_cast %parallel_loop3A_1196 : i32 to index
      %parallel_loop3A_1199 = tpu.vector_load %arg7[%parallel_loop3A_1198] {strides = array<i32>} : memref<12288xf32, #tpu.memory_space<vmem>>, vector<16xf32>,
      %parallel_loop3A_1200 = vector.shape_cast %parallel_loop3A_1199 : vector<16xf32> to vector<16xf32>
      %parallel_loop3A_1201 = arith.mulf %parallel_loop3A_1200, %get3A_75 : vector<16xf32>
      %parallel_loop3A_1202 = arith.constant 16 : i32
      %parallel_loop3A_1203 = arith.addi %parallel_loop3A_1196, %parallel_loop3A_1202 : i32
      %parallel_loop3A_1204 = arith.index_cast %parallel_loop3A_1203 : i32 to index
      %parallel_loop3A_1205 = tpu.vector_load %arg7[%parallel_loop3A_1204] {strides = array<i32>} : memref<12288xf32, #tpu.memory_space<vmem>>, vector<16xf32>,
      %parallel_loop3A_1206 = vector.shape_cast %parallel_loop3A_1205 : vector<16xf32> to vector<16xf32>
      %parallel_loop3A_1207 = arith.mulf %parallel_loop3A_1206, %get3A_78 : vector<16xf32>
      %parallel_loop3A_1208 = arith.addf %parallel_loop3A_1201, %parallel_loop3A_1207 : vector<16xf32>
      %parallel_loop3A_1209 = arith.constant 32 : i32
      %parallel_loop3A_1210 = arith.addi %parallel_loop3A_1196, %parallel_loop3A_1209 : i32
      %parallel_loop3A_1211 = arith.index_cast %parallel_loop3A_1210 : i32 to index
      %parallel_loop3A_1212 = tpu.vector_load %arg7[%parallel_loop3A_1211] {strides = array<i32>} : memref<12288xf32, #tpu.memory_space<vmem>>, vector<16xf32>,
      %parallel_loop3A_1213 = vector.shape_cast %parallel_loop3A_1212 : vector<16xf32> to vector<16xf32>
      %parallel_loop3A_1214 = arith.mulf %parallel_loop3A_1213, %get3A_81 : vector<16xf32>
      %parallel_loop3A_1215 = arith.addf %parallel_loop3A_1208, %parallel_loop3A_1214 : vector<16xf32>
      %parallel_loop3A_1216 = arith.constant 48 : i32
      %parallel_loop3A_1217 = arith.addi %parallel_loop3A_1196, %parallel_loop3A_1216 : i32
      %parallel_loop3A_1218 = arith.index_cast %parallel_loop3A_1217 : i32 to index
      %parallel_loop3A_1219 = tpu.vector_load %arg7[%parallel_loop3A_1218] {strides = array<i32>} : memref<12288xf32, #tpu.memory_space<vmem>>, vector<16xf32>,
      %parallel_loop3A_1220 = vector.shape_cast %parallel_loop3A_1219 : vector<16xf32> to vector<16xf32>
      %parallel_loop3A_1221 = arith.mulf %parallel_loop3A_1220, %get3A_84 : vector<16xf32>
      %parallel_loop3A_1222 = arith.addf %parallel_loop3A_1215, %parallel_loop3A_1221 : vector<16xf32>
      %parallel_loop3A_1223 = arith.constant 64 : i32
      %parallel_loop3A_1224 = arith.addi %parallel_loop3A_1196, %parallel_loop3A_1223 : i32
      %parallel_loop3A_1225 = arith.index_cast %parallel_loop3A_1224 : i32 to index
      %parallel_loop3A_1226 = tpu.vector_load %arg7[%parallel_loop3A_1225] {strides = array<i32>} : memref<12288xf32, #tpu.memory_space<vmem>>, vector<16xf32>,
      %parallel_loop3A_1227 = vector.shape_cast %parallel_loop3A_1226 : vector<16xf32> to vector<16xf32>
      %parallel_loop3A_1228 = arith.mulf %parallel_loop3A_1227, %get3A_87 : vector<16xf32>
      %parallel_loop3A_1229 = arith.addf %parallel_loop3A_1222, %parallel_loop3A_1228 : vector<16xf32>
      %parallel_loop3A_1230 = arith.constant 80 : i32
      %parallel_loop3A_1231 = arith.addi %parallel_loop3A_1196, %parallel_loop3A_1230 : i32
      %parallel_loop3A_1232 = arith.index_cast %parallel_loop3A_1231 : i32 to index
      %parallel_loop3A_1233 = tpu.vector_load %arg7[%parallel_loop3A_1232] {strides = array<i32>} : memref<12288xf32, #tpu.memory_space<vmem>>, vector<16xf32>,
      %parallel_loop3A_1234 = vector.shape_cast %parallel_loop3A_1233 : vector<16xf32> to vector<16xf32>
      %parallel_loop3A_1235 = arith.mulf %parallel_loop3A_1234, %get3A_90 : vector<16xf32>
      %parallel_loop3A_1236 = arith.addf %parallel_loop3A_1229, %parallel_loop3A_1235 : vector<16xf32>
      %parallel_loop3A_1237 = arith.constant 96 : i32
      %parallel_loop3A_1238 = arith.addi %parallel_loop3A_1196, %parallel_loop3A_1237 : i32
      %parallel_loop3A_1239 = arith.index_cast %parallel_loop3A_1238 : i32 to index
      %parallel_loop3A_1240 = tpu.vector_load %arg7[%parallel_loop3A_1239] {strides = array<i32>} : memref<12288xf32, #tpu.memory_space<vmem>>, vector<16xf32>,
      %parallel_loop3A_1241 = vector.shape_cast %parallel_loop3A_1240 : vector<16xf32> to vector<16xf32>
      %parallel_loop3A_1242 = arith.mulf %parallel_loop3A_1241, %get3A_93 : vector<16xf32>
      %parallel_loop3A_1243 = arith.addf %parallel_loop3A_1236, %parallel_loop3A_1242 : vector<16xf32>
      %parallel_loop3A_1244 = arith.constant 112 : i32
      %parallel_loop3A_1245 = arith.addi %parallel_loop3A_1196, %parallel_loop3A_1244 : i32
      %parallel_loop3A_1246 = arith.index_cast %parallel_loop3A_1245 : i32 to index
      %parallel_loop3A_1247 = tpu.vector_load %arg7[%parallel_loop3A_1246] {strides = array<i32>} : memref<12288xf32, #tpu.memory_space<vmem>>, vector<16xf32>,
      %parallel_loop3A_1248 = vector.shape_cast %parallel_loop3A_1247 : vector<16xf32> to vector<16xf32>
      %parallel_loop3A_1249 = arith.mulf %parallel_loop3A_1248, %get3A_96 : vector<16xf32>
      %parallel_loop3A_1250 = arith.addf %parallel_loop3A_1243, %parallel_loop3A_1249 : vector<16xf32>
      %parallel_loop3A_1251 = arith.addf %parallel_loop3A_1197, %parallel_loop3A_1250 : vector<16xf32>
      scf.yield %parallel_loop3A_1251 : vector<16xf32>
    } {sc.loop_unroll_factor = 16 : i64, sc.parallel_access}
    %swap3A_664 = arith.constant 96 : index
    %swap3A_665 = tpu.vector_load %arg10[%swap3A_664] {strides = array<i32>} : memref<256xf32, #tpu.memory_space<vmem>>, vector<16xf32>,
    %swap3A_666 = vector.shape_cast %swap3A_665 : vector<16xf32> to vector<16xf32>
    %swap3A_667 = vector.shape_cast %parallel_loop3A_663 : vector<16xf32> to vector<16xf32>
    tpu.vector_store %arg10[%swap3A_664], %swap3A_667 {strides = array<i32>} : memref<256xf32, #tpu.memory_space<vmem>>, vector<16xf32>,
    %sub3A_668 = arith.subi %squeeze3A_113, %add3A_506 : i32
    %jit3A_669 = arith.constant 0 : i32
    %jit3A_670 = arith.constant 96 : i32
    %max3A_671 = arith.maxsi %jit3A_669, %sub3A_668 : i32
    %min3A_672 = arith.minsi %jit3A_670, %max3A_671 : i32
    %sub3A_673 = arith.subi %squeeze3A_115, %add3A_506 : i32
    %jit3A_674 = arith.constant 0 : i32
    %jit3A_675 = arith.constant 96 : i32
    %max3A_676 = arith.maxsi %jit3A_674, %sub3A_673 : i32
    %min3A_677 = arith.minsi %jit3A_675, %max3A_676 : i32
    %get3A_678 = arith.constant 112 : index
    %get3A_679 = tpu.vector_load %arg10[%get3A_678] {strides = array<i32>} : memref<256xf32, #tpu.memory_space<vmem>>, vector<16xf32>,
    %get3A_680 = vector.shape_cast %get3A_679 : vector<16xf32> to vector<16xf32>
    %mul3A_681 = arith.constant 128 : i32
    %mul3A_682 = arith.muli %min3A_672, %mul3A_681 : i32
    %mul3A_683 = arith.constant 128 : i32
    %mul3A_684 = arith.muli %min3A_677, %mul3A_683 : i32
    %parallel_loop3A_685 = arith.constant 128 : i32
    %parallel_loop3A_686 = scf.for %parallel_loop3A_1196 = %mul3A_682 to %mul3A_684 step %parallel_loop3A_685 iter_args(%parallel_loop3A_1197 = %get3A_680) -> (vector<16xf32>)  : i32 {
      %parallel_loop3A_1198 = arith.index_cast %parallel_loop3A_1196 : i32 to index
      %parallel_loop3A_1199 = tpu.vector_load %arg7[%parallel_loop3A_1198] {strides = array<i32>} : memref<12288xf32, #tpu.memory_space<vmem>>, vector<16xf32>,
      %parallel_loop3A_1200 = vector.shape_cast %parallel_loop3A_1199 : vector<16xf32> to vector<16xf32>
      %parallel_loop3A_1201 = arith.mulf %parallel_loop3A_1200, %get3A_75 : vector<16xf32>
      %parallel_loop3A_1202 = arith.constant 16 : i32
      %parallel_loop3A_1203 = arith.addi %parallel_loop3A_1196, %parallel_loop3A_1202 : i32
      %parallel_loop3A_1204 = arith.index_cast %parallel_loop3A_1203 : i32 to index
      %parallel_loop3A_1205 = tpu.vector_load %arg7[%parallel_loop3A_1204] {strides = array<i32>} : memref<12288xf32, #tpu.memory_space<vmem>>, vector<16xf32>,
      %parallel_loop3A_1206 = vector.shape_cast %parallel_loop3A_1205 : vector<16xf32> to vector<16xf32>
      %parallel_loop3A_1207 = arith.mulf %parallel_loop3A_1206, %get3A_78 : vector<16xf32>
      %parallel_loop3A_1208 = arith.addf %parallel_loop3A_1201, %parallel_loop3A_1207 : vector<16xf32>
      %parallel_loop3A_1209 = arith.constant 32 : i32
      %parallel_loop3A_1210 = arith.addi %parallel_loop3A_1196, %parallel_loop3A_1209 : i32
      %parallel_loop3A_1211 = arith.index_cast %parallel_loop3A_1210 : i32 to index
      %parallel_loop3A_1212 = tpu.vector_load %arg7[%parallel_loop3A_1211] {strides = array<i32>} : memref<12288xf32, #tpu.memory_space<vmem>>, vector<16xf32>,
      %parallel_loop3A_1213 = vector.shape_cast %parallel_loop3A_1212 : vector<16xf32> to vector<16xf32>
      %parallel_loop3A_1214 = arith.mulf %parallel_loop3A_1213, %get3A_81 : vector<16xf32>
      %parallel_loop3A_1215 = arith.addf %parallel_loop3A_1208, %parallel_loop3A_1214 : vector<16xf32>
      %parallel_loop3A_1216 = arith.constant 48 : i32
      %parallel_loop3A_1217 = arith.addi %parallel_loop3A_1196, %parallel_loop3A_1216 : i32
      %parallel_loop3A_1218 = arith.index_cast %parallel_loop3A_1217 : i32 to index
      %parallel_loop3A_1219 = tpu.vector_load %arg7[%parallel_loop3A_1218] {strides = array<i32>} : memref<12288xf32, #tpu.memory_space<vmem>>, vector<16xf32>,
      %parallel_loop3A_1220 = vector.shape_cast %parallel_loop3A_1219 : vector<16xf32> to vector<16xf32>
      %parallel_loop3A_1221 = arith.mulf %parallel_loop3A_1220, %get3A_84 : vector<16xf32>
      %parallel_loop3A_1222 = arith.addf %parallel_loop3A_1215, %parallel_loop3A_1221 : vector<16xf32>
      %parallel_loop3A_1223 = arith.constant 64 : i32
      %parallel_loop3A_1224 = arith.addi %parallel_loop3A_1196, %parallel_loop3A_1223 : i32
      %parallel_loop3A_1225 = arith.index_cast %parallel_loop3A_1224 : i32 to index
      %parallel_loop3A_1226 = tpu.vector_load %arg7[%parallel_loop3A_1225] {strides = array<i32>} : memref<12288xf32, #tpu.memory_space<vmem>>, vector<16xf32>,
      %parallel_loop3A_1227 = vector.shape_cast %parallel_loop3A_1226 : vector<16xf32> to vector<16xf32>
      %parallel_loop3A_1228 = arith.mulf %parallel_loop3A_1227, %get3A_87 : vector<16xf32>
      %parallel_loop3A_1229 = arith.addf %parallel_loop3A_1222, %parallel_loop3A_1228 : vector<16xf32>
      %parallel_loop3A_1230 = arith.constant 80 : i32
      %parallel_loop3A_1231 = arith.addi %parallel_loop3A_1196, %parallel_loop3A_1230 : i32
      %parallel_loop3A_1232 = arith.index_cast %parallel_loop3A_1231 : i32 to index
      %parallel_loop3A_1233 = tpu.vector_load %arg7[%parallel_loop3A_1232] {strides = array<i32>} : memref<12288xf32, #tpu.memory_space<vmem>>, vector<16xf32>,
      %parallel_loop3A_1234 = vector.shape_cast %parallel_loop3A_1233 : vector<16xf32> to vector<16xf32>
      %parallel_loop3A_1235 = arith.mulf %parallel_loop3A_1234, %get3A_90 : vector<16xf32>
      %parallel_loop3A_1236 = arith.addf %parallel_loop3A_1229, %parallel_loop3A_1235 : vector<16xf32>
      %parallel_loop3A_1237 = arith.constant 96 : i32
      %parallel_loop3A_1238 = arith.addi %parallel_loop3A_1196, %parallel_loop3A_1237 : i32
      %parallel_loop3A_1239 = arith.index_cast %parallel_loop3A_1238 : i32 to index
      %parallel_loop3A_1240 = tpu.vector_load %arg7[%parallel_loop3A_1239] {strides = array<i32>} : memref<12288xf32, #tpu.memory_space<vmem>>, vector<16xf32>,
      %parallel_loop3A_1241 = vector.shape_cast %parallel_loop3A_1240 : vector<16xf32> to vector<16xf32>
      %parallel_loop3A_1242 = arith.mulf %parallel_loop3A_1241, %get3A_93 : vector<16xf32>
      %parallel_loop3A_1243 = arith.addf %parallel_loop3A_1236, %parallel_loop3A_1242 : vector<16xf32>
      %parallel_loop3A_1244 = arith.constant 112 : i32
      %parallel_loop3A_1245 = arith.addi %parallel_loop3A_1196, %parallel_loop3A_1244 : i32
      %parallel_loop3A_1246 = arith.index_cast %parallel_loop3A_1245 : i32 to index
      %parallel_loop3A_1247 = tpu.vector_load %arg7[%parallel_loop3A_1246] {strides = array<i32>} : memref<12288xf32, #tpu.memory_space<vmem>>, vector<16xf32>,
      %parallel_loop3A_1248 = vector.shape_cast %parallel_loop3A_1247 : vector<16xf32> to vector<16xf32>
      %parallel_loop3A_1249 = arith.mulf %parallel_loop3A_1248, %get3A_96 : vector<16xf32>
      %parallel_loop3A_1250 = arith.addf %parallel_loop3A_1243, %parallel_loop3A_1249 : vector<16xf32>
      %parallel_loop3A_1251 = arith.addf %parallel_loop3A_1197, %parallel_loop3A_1250 : vector<16xf32>
      scf.yield %parallel_loop3A_1251 : vector<16xf32>
    } {sc.loop_unroll_factor = 16 : i64, sc.parallel_access}
    %swap3A_687 = arith.constant 112 : index
    %swap3A_688 = tpu.vector_load %arg10[%swap3A_687] {strides = array<i32>} : memref<256xf32, #tpu.memory_space<vmem>>, vector<16xf32>,
    %swap3A_689 = vector.shape_cast %swap3A_688 : vector<16xf32> to vector<16xf32>
    %swap3A_690 = vector.shape_cast %parallel_loop3A_686 : vector<16xf32> to vector<16xf32>
    tpu.vector_store %arg10[%swap3A_687], %swap3A_690 {strides = array<i32>} : memref<256xf32, #tpu.memory_space<vmem>>, vector<16xf32>,
    %sub3A_691 = arith.subi %squeeze3A_115, %add3A_506 : i32
    %jit3A_692 = arith.constant 0 : i32
    %jit3A_693 = arith.constant 96 : i32
    %max3A_694 = arith.maxsi %jit3A_692, %sub3A_691 : i32
    %min3A_695 = arith.minsi %jit3A_693, %max3A_694 : i32
    %sub3A_696 = arith.subi %squeeze3A_117, %add3A_506 : i32
    %jit3A_697 = arith.constant 0 : i32
    %jit3A_698 = arith.constant 96 : i32
    %max3A_699 = arith.maxsi %jit3A_697, %sub3A_696 : i32
    %min3A_700 = arith.minsi %jit3A_698, %max3A_699 : i32
    %get3A_701 = arith.constant 128 : index
    %get3A_702 = tpu.vector_load %arg10[%get3A_701] {strides = array<i32>} : memref<256xf32, #tpu.memory_space<vmem>>, vector<16xf32>,
    %get3A_703 = vector.shape_cast %get3A_702 : vector<16xf32> to vector<16xf32>
    %mul3A_704 = arith.constant 128 : i32
    %mul3A_705 = arith.muli %min3A_695, %mul3A_704 : i32
    %mul3A_706 = arith.constant 128 : i32
    %mul3A_707 = arith.muli %min3A_700, %mul3A_706 : i32
    %parallel_loop3A_708 = arith.constant 128 : i32
    %parallel_loop3A_709 = scf.for %parallel_loop3A_1196 = %mul3A_705 to %mul3A_707 step %parallel_loop3A_708 iter_args(%parallel_loop3A_1197 = %get3A_703) -> (vector<16xf32>)  : i32 {
      %parallel_loop3A_1198 = arith.index_cast %parallel_loop3A_1196 : i32 to index
      %parallel_loop3A_1199 = tpu.vector_load %arg7[%parallel_loop3A_1198] {strides = array<i32>} : memref<12288xf32, #tpu.memory_space<vmem>>, vector<16xf32>,
      %parallel_loop3A_1200 = vector.shape_cast %parallel_loop3A_1199 : vector<16xf32> to vector<16xf32>
      %parallel_loop3A_1201 = arith.mulf %parallel_loop3A_1200, %get3A_75 : vector<16xf32>
      %parallel_loop3A_1202 = arith.constant 16 : i32
      %parallel_loop3A_1203 = arith.addi %parallel_loop3A_1196, %parallel_loop3A_1202 : i32
      %parallel_loop3A_1204 = arith.index_cast %parallel_loop3A_1203 : i32 to index
      %parallel_loop3A_1205 = tpu.vector_load %arg7[%parallel_loop3A_1204] {strides = array<i32>} : memref<12288xf32, #tpu.memory_space<vmem>>, vector<16xf32>,
      %parallel_loop3A_1206 = vector.shape_cast %parallel_loop3A_1205 : vector<16xf32> to vector<16xf32>
      %parallel_loop3A_1207 = arith.mulf %parallel_loop3A_1206, %get3A_78 : vector<16xf32>
      %parallel_loop3A_1208 = arith.addf %parallel_loop3A_1201, %parallel_loop3A_1207 : vector<16xf32>
      %parallel_loop3A_1209 = arith.constant 32 : i32
      %parallel_loop3A_1210 = arith.addi %parallel_loop3A_1196, %parallel_loop3A_1209 : i32
      %parallel_loop3A_1211 = arith.index_cast %parallel_loop3A_1210 : i32 to index
      %parallel_loop3A_1212 = tpu.vector_load %arg7[%parallel_loop3A_1211] {strides = array<i32>} : memref<12288xf32, #tpu.memory_space<vmem>>, vector<16xf32>,
      %parallel_loop3A_1213 = vector.shape_cast %parallel_loop3A_1212 : vector<16xf32> to vector<16xf32>
      %parallel_loop3A_1214 = arith.mulf %parallel_loop3A_1213, %get3A_81 : vector<16xf32>
      %parallel_loop3A_1215 = arith.addf %parallel_loop3A_1208, %parallel_loop3A_1214 : vector<16xf32>
      %parallel_loop3A_1216 = arith.constant 48 : i32
      %parallel_loop3A_1217 = arith.addi %parallel_loop3A_1196, %parallel_loop3A_1216 : i32
      %parallel_loop3A_1218 = arith.index_cast %parallel_loop3A_1217 : i32 to index
      %parallel_loop3A_1219 = tpu.vector_load %arg7[%parallel_loop3A_1218] {strides = array<i32>} : memref<12288xf32, #tpu.memory_space<vmem>>, vector<16xf32>,
      %parallel_loop3A_1220 = vector.shape_cast %parallel_loop3A_1219 : vector<16xf32> to vector<16xf32>
      %parallel_loop3A_1221 = arith.mulf %parallel_loop3A_1220, %get3A_84 : vector<16xf32>
      %parallel_loop3A_1222 = arith.addf %parallel_loop3A_1215, %parallel_loop3A_1221 : vector<16xf32>
      %parallel_loop3A_1223 = arith.constant 64 : i32
      %parallel_loop3A_1224 = arith.addi %parallel_loop3A_1196, %parallel_loop3A_1223 : i32
      %parallel_loop3A_1225 = arith.index_cast %parallel_loop3A_1224 : i32 to index
      %parallel_loop3A_1226 = tpu.vector_load %arg7[%parallel_loop3A_1225] {strides = array<i32>} : memref<12288xf32, #tpu.memory_space<vmem>>, vector<16xf32>,
      %parallel_loop3A_1227 = vector.shape_cast %parallel_loop3A_1226 : vector<16xf32> to vector<16xf32>
      %parallel_loop3A_1228 = arith.mulf %parallel_loop3A_1227, %get3A_87 : vector<16xf32>
      %parallel_loop3A_1229 = arith.addf %parallel_loop3A_1222, %parallel_loop3A_1228 : vector<16xf32>
      %parallel_loop3A_1230 = arith.constant 80 : i32
      %parallel_loop3A_1231 = arith.addi %parallel_loop3A_1196, %parallel_loop3A_1230 : i32
      %parallel_loop3A_1232 = arith.index_cast %parallel_loop3A_1231 : i32 to index
      %parallel_loop3A_1233 = tpu.vector_load %arg7[%parallel_loop3A_1232] {strides = array<i32>} : memref<12288xf32, #tpu.memory_space<vmem>>, vector<16xf32>,
      %parallel_loop3A_1234 = vector.shape_cast %parallel_loop3A_1233 : vector<16xf32> to vector<16xf32>
      %parallel_loop3A_1235 = arith.mulf %parallel_loop3A_1234, %get3A_90 : vector<16xf32>
      %parallel_loop3A_1236 = arith.addf %parallel_loop3A_1229, %parallel_loop3A_1235 : vector<16xf32>
      %parallel_loop3A_1237 = arith.constant 96 : i32
      %parallel_loop3A_1238 = arith.addi %parallel_loop3A_1196, %parallel_loop3A_1237 : i32
      %parallel_loop3A_1239 = arith.index_cast %parallel_loop3A_1238 : i32 to index
      %parallel_loop3A_1240 = tpu.vector_load %arg7[%parallel_loop3A_1239] {strides = array<i32>} : memref<12288xf32, #tpu.memory_space<vmem>>, vector<16xf32>,
      %parallel_loop3A_1241 = vector.shape_cast %parallel_loop3A_1240 : vector<16xf32> to vector<16xf32>
      %parallel_loop3A_1242 = arith.mulf %parallel_loop3A_1241, %get3A_93 : vector<16xf32>
      %parallel_loop3A_1243 = arith.addf %parallel_loop3A_1236, %parallel_loop3A_1242 : vector<16xf32>
      %parallel_loop3A_1244 = arith.constant 112 : i32
      %parallel_loop3A_1245 = arith.addi %parallel_loop3A_1196, %parallel_loop3A_1244 : i32
      %parallel_loop3A_1246 = arith.index_cast %parallel_loop3A_1245 : i32 to index
      %parallel_loop3A_1247 = tpu.vector_load %arg7[%parallel_loop3A_1246] {strides = array<i32>} : memref<12288xf32, #tpu.memory_space<vmem>>, vector<16xf32>,
      %parallel_loop3A_1248 = vector.shape_cast %parallel_loop3A_1247 : vector<16xf32> to vector<16xf32>
      %parallel_loop3A_1249 = arith.mulf %parallel_loop3A_1248, %get3A_96 : vector<16xf32>
      %parallel_loop3A_1250 = arith.addf %parallel_loop3A_1243, %parallel_loop3A_1249 : vector<16xf32>
      %parallel_loop3A_1251 = arith.addf %parallel_loop3A_1197, %parallel_loop3A_1250 : vector<16xf32>
      scf.yield %parallel_loop3A_1251 : vector<16xf32>
    } {sc.loop_unroll_factor = 16 : i64, sc.parallel_access}
    %swap3A_710 = arith.constant 128 : index
    %swap3A_711 = tpu.vector_load %arg10[%swap3A_710] {strides = array<i32>} : memref<256xf32, #tpu.memory_space<vmem>>, vector<16xf32>,
    %swap3A_712 = vector.shape_cast %swap3A_711 : vector<16xf32> to vector<16xf32>
    %swap3A_713 = vector.shape_cast %parallel_loop3A_709 : vector<16xf32> to vector<16xf32>
    tpu.vector_store %arg10[%swap3A_710], %swap3A_713 {strides = array<i32>} : memref<256xf32, #tpu.memory_space<vmem>>, vector<16xf32>,
    %sub3A_714 = arith.subi %squeeze3A_117, %add3A_506 : i32
    %jit3A_715 = arith.constant 0 : i32
    %jit3A_716 = arith.constant 96 : i32
    %max3A_717 = arith.maxsi %jit3A_715, %sub3A_714 : i32
    %min3A_718 = arith.minsi %jit3A_716, %max3A_717 : i32
    %sub3A_719 = arith.subi %squeeze3A_119, %add3A_506 : i32
    %jit3A_720 = arith.constant 0 : i32
    %jit3A_721 = arith.constant 96 : i32
    %max3A_722 = arith.maxsi %jit3A_720, %sub3A_719 : i32
    %min3A_723 = arith.minsi %jit3A_721, %max3A_722 : i32
    %get3A_724 = arith.constant 144 : index
    %get3A_725 = tpu.vector_load %arg10[%get3A_724] {strides = array<i32>} : memref<256xf32, #tpu.memory_space<vmem>>, vector<16xf32>,
    %get3A_726 = vector.shape_cast %get3A_725 : vector<16xf32> to vector<16xf32>
    %mul3A_727 = arith.constant 128 : i32
    %mul3A_728 = arith.muli %min3A_718, %mul3A_727 : i32
    %mul3A_729 = arith.constant 128 : i32
    %mul3A_730 = arith.muli %min3A_723, %mul3A_729 : i32
    %parallel_loop3A_731 = arith.constant 128 : i32
    %parallel_loop3A_732 = scf.for %parallel_loop3A_1196 = %mul3A_728 to %mul3A_730 step %parallel_loop3A_731 iter_args(%parallel_loop3A_1197 = %get3A_726) -> (vector<16xf32>)  : i32 {
      %parallel_loop3A_1198 = arith.index_cast %parallel_loop3A_1196 : i32 to index
      %parallel_loop3A_1199 = tpu.vector_load %arg7[%parallel_loop3A_1198] {strides = array<i32>} : memref<12288xf32, #tpu.memory_space<vmem>>, vector<16xf32>,
      %parallel_loop3A_1200 = vector.shape_cast %parallel_loop3A_1199 : vector<16xf32> to vector<16xf32>
      %parallel_loop3A_1201 = arith.mulf %parallel_loop3A_1200, %get3A_75 : vector<16xf32>
      %parallel_loop3A_1202 = arith.constant 16 : i32
      %parallel_loop3A_1203 = arith.addi %parallel_loop3A_1196, %parallel_loop3A_1202 : i32
      %parallel_loop3A_1204 = arith.index_cast %parallel_loop3A_1203 : i32 to index
      %parallel_loop3A_1205 = tpu.vector_load %arg7[%parallel_loop3A_1204] {strides = array<i32>} : memref<12288xf32, #tpu.memory_space<vmem>>, vector<16xf32>,
      %parallel_loop3A_1206 = vector.shape_cast %parallel_loop3A_1205 : vector<16xf32> to vector<16xf32>
      %parallel_loop3A_1207 = arith.mulf %parallel_loop3A_1206, %get3A_78 : vector<16xf32>
      %parallel_loop3A_1208 = arith.addf %parallel_loop3A_1201, %parallel_loop3A_1207 : vector<16xf32>
      %parallel_loop3A_1209 = arith.constant 32 : i32
      %parallel_loop3A_1210 = arith.addi %parallel_loop3A_1196, %parallel_loop3A_1209 : i32
      %parallel_loop3A_1211 = arith.index_cast %parallel_loop3A_1210 : i32 to index
      %parallel_loop3A_1212 = tpu.vector_load %arg7[%parallel_loop3A_1211] {strides = array<i32>} : memref<12288xf32, #tpu.memory_space<vmem>>, vector<16xf32>,
      %parallel_loop3A_1213 = vector.shape_cast %parallel_loop3A_1212 : vector<16xf32> to vector<16xf32>
      %parallel_loop3A_1214 = arith.mulf %parallel_loop3A_1213, %get3A_81 : vector<16xf32>
      %parallel_loop3A_1215 = arith.addf %parallel_loop3A_1208, %parallel_loop3A_1214 : vector<16xf32>
      %parallel_loop3A_1216 = arith.constant 48 : i32
      %parallel_loop3A_1217 = arith.addi %parallel_loop3A_1196, %parallel_loop3A_1216 : i32
      %parallel_loop3A_1218 = arith.index_cast %parallel_loop3A_1217 : i32 to index
      %parallel_loop3A_1219 = tpu.vector_load %arg7[%parallel_loop3A_1218] {strides = array<i32>} : memref<12288xf32, #tpu.memory_space<vmem>>, vector<16xf32>,
      %parallel_loop3A_1220 = vector.shape_cast %parallel_loop3A_1219 : vector<16xf32> to vector<16xf32>
      %parallel_loop3A_1221 = arith.mulf %parallel_loop3A_1220, %get3A_84 : vector<16xf32>
      %parallel_loop3A_1222 = arith.addf %parallel_loop3A_1215, %parallel_loop3A_1221 : vector<16xf32>
      %parallel_loop3A_1223 = arith.constant 64 : i32
      %parallel_loop3A_1224 = arith.addi %parallel_loop3A_1196, %parallel_loop3A_1223 : i32
      %parallel_loop3A_1225 = arith.index_cast %parallel_loop3A_1224 : i32 to index
      %parallel_loop3A_1226 = tpu.vector_load %arg7[%parallel_loop3A_1225] {strides = array<i32>} : memref<12288xf32, #tpu.memory_space<vmem>>, vector<16xf32>,
      %parallel_loop3A_1227 = vector.shape_cast %parallel_loop3A_1226 : vector<16xf32> to vector<16xf32>
      %parallel_loop3A_1228 = arith.mulf %parallel_loop3A_1227, %get3A_87 : vector<16xf32>
      %parallel_loop3A_1229 = arith.addf %parallel_loop3A_1222, %parallel_loop3A_1228 : vector<16xf32>
      %parallel_loop3A_1230 = arith.constant 80 : i32
      %parallel_loop3A_1231 = arith.addi %parallel_loop3A_1196, %parallel_loop3A_1230 : i32
      %parallel_loop3A_1232 = arith.index_cast %parallel_loop3A_1231 : i32 to index
      %parallel_loop3A_1233 = tpu.vector_load %arg7[%parallel_loop3A_1232] {strides = array<i32>} : memref<12288xf32, #tpu.memory_space<vmem>>, vector<16xf32>,
      %parallel_loop3A_1234 = vector.shape_cast %parallel_loop3A_1233 : vector<16xf32> to vector<16xf32>
      %parallel_loop3A_1235 = arith.mulf %parallel_loop3A_1234, %get3A_90 : vector<16xf32>
      %parallel_loop3A_1236 = arith.addf %parallel_loop3A_1229, %parallel_loop3A_1235 : vector<16xf32>
      %parallel_loop3A_1237 = arith.constant 96 : i32
      %parallel_loop3A_1238 = arith.addi %parallel_loop3A_1196, %parallel_loop3A_1237 : i32
      %parallel_loop3A_1239 = arith.index_cast %parallel_loop3A_1238 : i32 to index
      %parallel_loop3A_1240 = tpu.vector_load %arg7[%parallel_loop3A_1239] {strides = array<i32>} : memref<12288xf32, #tpu.memory_space<vmem>>, vector<16xf32>,
      %parallel_loop3A_1241 = vector.shape_cast %parallel_loop3A_1240 : vector<16xf32> to vector<16xf32>
      %parallel_loop3A_1242 = arith.mulf %parallel_loop3A_1241, %get3A_93 : vector<16xf32>
      %parallel_loop3A_1243 = arith.addf %parallel_loop3A_1236, %parallel_loop3A_1242 : vector<16xf32>
      %parallel_loop3A_1244 = arith.constant 112 : i32
      %parallel_loop3A_1245 = arith.addi %parallel_loop3A_1196, %parallel_loop3A_1244 : i32
      %parallel_loop3A_1246 = arith.index_cast %parallel_loop3A_1245 : i32 to index
      %parallel_loop3A_1247 = tpu.vector_load %arg7[%parallel_loop3A_1246] {strides = array<i32>} : memref<12288xf32, #tpu.memory_space<vmem>>, vector<16xf32>,
      %parallel_loop3A_1248 = vector.shape_cast %parallel_loop3A_1247 : vector<16xf32> to vector<16xf32>
      %parallel_loop3A_1249 = arith.mulf %parallel_loop3A_1248, %get3A_96 : vector<16xf32>
      %parallel_loop3A_1250 = arith.addf %parallel_loop3A_1243, %parallel_loop3A_1249 : vector<16xf32>
      %parallel_loop3A_1251 = arith.addf %parallel_loop3A_1197, %parallel_loop3A_1250 : vector<16xf32>
      scf.yield %parallel_loop3A_1251 : vector<16xf32>
    } {sc.loop_unroll_factor = 16 : i64, sc.parallel_access}
    %swap3A_733 = arith.constant 144 : index
    %swap3A_734 = tpu.vector_load %arg10[%swap3A_733] {strides = array<i32>} : memref<256xf32, #tpu.memory_space<vmem>>, vector<16xf32>,
    %swap3A_735 = vector.shape_cast %swap3A_734 : vector<16xf32> to vector<16xf32>
    %swap3A_736 = vector.shape_cast %parallel_loop3A_732 : vector<16xf32> to vector<16xf32>
    tpu.vector_store %arg10[%swap3A_733], %swap3A_736 {strides = array<i32>} : memref<256xf32, #tpu.memory_space<vmem>>, vector<16xf32>,
    %sub3A_737 = arith.subi %squeeze3A_119, %add3A_506 : i32
    %jit3A_738 = arith.constant 0 : i32
    %jit3A_739 = arith.constant 96 : i32
    %max3A_740 = arith.maxsi %jit3A_738, %sub3A_737 : i32
    %min3A_741 = arith.minsi %jit3A_739, %max3A_740 : i32
    %sub3A_742 = arith.subi %squeeze3A_121, %add3A_506 : i32
    %jit3A_743 = arith.constant 0 : i32
    %jit3A_744 = arith.constant 96 : i32
    %max3A_745 = arith.maxsi %jit3A_743, %sub3A_742 : i32
    %min3A_746 = arith.minsi %jit3A_744, %max3A_745 : i32
    %get3A_747 = arith.constant 160 : index
    %get3A_748 = tpu.vector_load %arg10[%get3A_747] {strides = array<i32>} : memref<256xf32, #tpu.memory_space<vmem>>, vector<16xf32>,
    %get3A_749 = vector.shape_cast %get3A_748 : vector<16xf32> to vector<16xf32>
    %mul3A_750 = arith.constant 128 : i32
    %mul3A_751 = arith.muli %min3A_741, %mul3A_750 : i32
    %mul3A_752 = arith.constant 128 : i32
    %mul3A_753 = arith.muli %min3A_746, %mul3A_752 : i32
    %parallel_loop3A_754 = arith.constant 128 : i32
    %parallel_loop3A_755 = scf.for %parallel_loop3A_1196 = %mul3A_751 to %mul3A_753 step %parallel_loop3A_754 iter_args(%parallel_loop3A_1197 = %get3A_749) -> (vector<16xf32>)  : i32 {
      %parallel_loop3A_1198 = arith.index_cast %parallel_loop3A_1196 : i32 to index
      %parallel_loop3A_1199 = tpu.vector_load %arg7[%parallel_loop3A_1198] {strides = array<i32>} : memref<12288xf32, #tpu.memory_space<vmem>>, vector<16xf32>,
      %parallel_loop3A_1200 = vector.shape_cast %parallel_loop3A_1199 : vector<16xf32> to vector<16xf32>
      %parallel_loop3A_1201 = arith.mulf %parallel_loop3A_1200, %get3A_75 : vector<16xf32>
      %parallel_loop3A_1202 = arith.constant 16 : i32
      %parallel_loop3A_1203 = arith.addi %parallel_loop3A_1196, %parallel_loop3A_1202 : i32
      %parallel_loop3A_1204 = arith.index_cast %parallel_loop3A_1203 : i32 to index
      %parallel_loop3A_1205 = tpu.vector_load %arg7[%parallel_loop3A_1204] {strides = array<i32>} : memref<12288xf32, #tpu.memory_space<vmem>>, vector<16xf32>,
      %parallel_loop3A_1206 = vector.shape_cast %parallel_loop3A_1205 : vector<16xf32> to vector<16xf32>
      %parallel_loop3A_1207 = arith.mulf %parallel_loop3A_1206, %get3A_78 : vector<16xf32>
      %parallel_loop3A_1208 = arith.addf %parallel_loop3A_1201, %parallel_loop3A_1207 : vector<16xf32>
      %parallel_loop3A_1209 = arith.constant 32 : i32
      %parallel_loop3A_1210 = arith.addi %parallel_loop3A_1196, %parallel_loop3A_1209 : i32
      %parallel_loop3A_1211 = arith.index_cast %parallel_loop3A_1210 : i32 to index
      %parallel_loop3A_1212 = tpu.vector_load %arg7[%parallel_loop3A_1211] {strides = array<i32>} : memref<12288xf32, #tpu.memory_space<vmem>>, vector<16xf32>,
      %parallel_loop3A_1213 = vector.shape_cast %parallel_loop3A_1212 : vector<16xf32> to vector<16xf32>
      %parallel_loop3A_1214 = arith.mulf %parallel_loop3A_1213, %get3A_81 : vector<16xf32>
      %parallel_loop3A_1215 = arith.addf %parallel_loop3A_1208, %parallel_loop3A_1214 : vector<16xf32>
      %parallel_loop3A_1216 = arith.constant 48 : i32
      %parallel_loop3A_1217 = arith.addi %parallel_loop3A_1196, %parallel_loop3A_1216 : i32
      %parallel_loop3A_1218 = arith.index_cast %parallel_loop3A_1217 : i32 to index
      %parallel_loop3A_1219 = tpu.vector_load %arg7[%parallel_loop3A_1218] {strides = array<i32>} : memref<12288xf32, #tpu.memory_space<vmem>>, vector<16xf32>,
      %parallel_loop3A_1220 = vector.shape_cast %parallel_loop3A_1219 : vector<16xf32> to vector<16xf32>
      %parallel_loop3A_1221 = arith.mulf %parallel_loop3A_1220, %get3A_84 : vector<16xf32>
      %parallel_loop3A_1222 = arith.addf %parallel_loop3A_1215, %parallel_loop3A_1221 : vector<16xf32>
      %parallel_loop3A_1223 = arith.constant 64 : i32
      %parallel_loop3A_1224 = arith.addi %parallel_loop3A_1196, %parallel_loop3A_1223 : i32
      %parallel_loop3A_1225 = arith.index_cast %parallel_loop3A_1224 : i32 to index
      %parallel_loop3A_1226 = tpu.vector_load %arg7[%parallel_loop3A_1225] {strides = array<i32>} : memref<12288xf32, #tpu.memory_space<vmem>>, vector<16xf32>,
      %parallel_loop3A_1227 = vector.shape_cast %parallel_loop3A_1226 : vector<16xf32> to vector<16xf32>
      %parallel_loop3A_1228 = arith.mulf %parallel_loop3A_1227, %get3A_87 : vector<16xf32>
      %parallel_loop3A_1229 = arith.addf %parallel_loop3A_1222, %parallel_loop3A_1228 : vector<16xf32>
      %parallel_loop3A_1230 = arith.constant 80 : i32
      %parallel_loop3A_1231 = arith.addi %parallel_loop3A_1196, %parallel_loop3A_1230 : i32
      %parallel_loop3A_1232 = arith.index_cast %parallel_loop3A_1231 : i32 to index
      %parallel_loop3A_1233 = tpu.vector_load %arg7[%parallel_loop3A_1232] {strides = array<i32>} : memref<12288xf32, #tpu.memory_space<vmem>>, vector<16xf32>,
      %parallel_loop3A_1234 = vector.shape_cast %parallel_loop3A_1233 : vector<16xf32> to vector<16xf32>
      %parallel_loop3A_1235 = arith.mulf %parallel_loop3A_1234, %get3A_90 : vector<16xf32>
      %parallel_loop3A_1236 = arith.addf %parallel_loop3A_1229, %parallel_loop3A_1235 : vector<16xf32>
      %parallel_loop3A_1237 = arith.constant 96 : i32
      %parallel_loop3A_1238 = arith.addi %parallel_loop3A_1196, %parallel_loop3A_1237 : i32
      %parallel_loop3A_1239 = arith.index_cast %parallel_loop3A_1238 : i32 to index
      %parallel_loop3A_1240 = tpu.vector_load %arg7[%parallel_loop3A_1239] {strides = array<i32>} : memref<12288xf32, #tpu.memory_space<vmem>>, vector<16xf32>,
      %parallel_loop3A_1241 = vector.shape_cast %parallel_loop3A_1240 : vector<16xf32> to vector<16xf32>
      %parallel_loop3A_1242 = arith.mulf %parallel_loop3A_1241, %get3A_93 : vector<16xf32>
      %parallel_loop3A_1243 = arith.addf %parallel_loop3A_1236, %parallel_loop3A_1242 : vector<16xf32>
      %parallel_loop3A_1244 = arith.constant 112 : i32
      %parallel_loop3A_1245 = arith.addi %parallel_loop3A_1196, %parallel_loop3A_1244 : i32
      %parallel_loop3A_1246 = arith.index_cast %parallel_loop3A_1245 : i32 to index
      %parallel_loop3A_1247 = tpu.vector_load %arg7[%parallel_loop3A_1246] {strides = array<i32>} : memref<12288xf32, #tpu.memory_space<vmem>>, vector<16xf32>,
      %parallel_loop3A_1248 = vector.shape_cast %parallel_loop3A_1247 : vector<16xf32> to vector<16xf32>
      %parallel_loop3A_1249 = arith.mulf %parallel_loop3A_1248, %get3A_96 : vector<16xf32>
      %parallel_loop3A_1250 = arith.addf %parallel_loop3A_1243, %parallel_loop3A_1249 : vector<16xf32>
      %parallel_loop3A_1251 = arith.addf %parallel_loop3A_1197, %parallel_loop3A_1250 : vector<16xf32>
      scf.yield %parallel_loop3A_1251 : vector<16xf32>
    } {sc.loop_unroll_factor = 16 : i64, sc.parallel_access}
    %swap3A_756 = arith.constant 160 : index
    %swap3A_757 = tpu.vector_load %arg10[%swap3A_756] {strides = array<i32>} : memref<256xf32, #tpu.memory_space<vmem>>, vector<16xf32>,
    %swap3A_758 = vector.shape_cast %swap3A_757 : vector<16xf32> to vector<16xf32>
    %swap3A_759 = vector.shape_cast %parallel_loop3A_755 : vector<16xf32> to vector<16xf32>
    tpu.vector_store %arg10[%swap3A_756], %swap3A_759 {strides = array<i32>} : memref<256xf32, #tpu.memory_space<vmem>>, vector<16xf32>,
    %sub3A_760 = arith.subi %squeeze3A_121, %add3A_506 : i32
    %jit3A_761 = arith.constant 0 : i32
    %jit3A_762 = arith.constant 96 : i32
    %max3A_763 = arith.maxsi %jit3A_761, %sub3A_760 : i32
    %min3A_764 = arith.minsi %jit3A_762, %max3A_763 : i32
    %sub3A_765 = arith.subi %squeeze3A_123, %add3A_506 : i32
    %jit3A_766 = arith.constant 0 : i32
    %jit3A_767 = arith.constant 96 : i32
    %max3A_768 = arith.maxsi %jit3A_766, %sub3A_765 : i32
    %min3A_769 = arith.minsi %jit3A_767, %max3A_768 : i32
    %get3A_770 = arith.constant 176 : index
    %get3A_771 = tpu.vector_load %arg10[%get3A_770] {strides = array<i32>} : memref<256xf32, #tpu.memory_space<vmem>>, vector<16xf32>,
    %get3A_772 = vector.shape_cast %get3A_771 : vector<16xf32> to vector<16xf32>
    %mul3A_773 = arith.constant 128 : i32
    %mul3A_774 = arith.muli %min3A_764, %mul3A_773 : i32
    %mul3A_775 = arith.constant 128 : i32
    %mul3A_776 = arith.muli %min3A_769, %mul3A_775 : i32
    %parallel_loop3A_777 = arith.constant 128 : i32
    %parallel_loop3A_778 = scf.for %parallel_loop3A_1196 = %mul3A_774 to %mul3A_776 step %parallel_loop3A_777 iter_args(%parallel_loop3A_1197 = %get3A_772) -> (vector<16xf32>)  : i32 {
      %parallel_loop3A_1198 = arith.index_cast %parallel_loop3A_1196 : i32 to index
      %parallel_loop3A_1199 = tpu.vector_load %arg7[%parallel_loop3A_1198] {strides = array<i32>} : memref<12288xf32, #tpu.memory_space<vmem>>, vector<16xf32>,
      %parallel_loop3A_1200 = vector.shape_cast %parallel_loop3A_1199 : vector<16xf32> to vector<16xf32>
      %parallel_loop3A_1201 = arith.mulf %parallel_loop3A_1200, %get3A_75 : vector<16xf32>
      %parallel_loop3A_1202 = arith.constant 16 : i32
      %parallel_loop3A_1203 = arith.addi %parallel_loop3A_1196, %parallel_loop3A_1202 : i32
      %parallel_loop3A_1204 = arith.index_cast %parallel_loop3A_1203 : i32 to index
      %parallel_loop3A_1205 = tpu.vector_load %arg7[%parallel_loop3A_1204] {strides = array<i32>} : memref<12288xf32, #tpu.memory_space<vmem>>, vector<16xf32>,
      %parallel_loop3A_1206 = vector.shape_cast %parallel_loop3A_1205 : vector<16xf32> to vector<16xf32>
      %parallel_loop3A_1207 = arith.mulf %parallel_loop3A_1206, %get3A_78 : vector<16xf32>
      %parallel_loop3A_1208 = arith.addf %parallel_loop3A_1201, %parallel_loop3A_1207 : vector<16xf32>
      %parallel_loop3A_1209 = arith.constant 32 : i32
      %parallel_loop3A_1210 = arith.addi %parallel_loop3A_1196, %parallel_loop3A_1209 : i32
      %parallel_loop3A_1211 = arith.index_cast %parallel_loop3A_1210 : i32 to index
      %parallel_loop3A_1212 = tpu.vector_load %arg7[%parallel_loop3A_1211] {strides = array<i32>} : memref<12288xf32, #tpu.memory_space<vmem>>, vector<16xf32>,
      %parallel_loop3A_1213 = vector.shape_cast %parallel_loop3A_1212 : vector<16xf32> to vector<16xf32>
      %parallel_loop3A_1214 = arith.mulf %parallel_loop3A_1213, %get3A_81 : vector<16xf32>
      %parallel_loop3A_1215 = arith.addf %parallel_loop3A_1208, %parallel_loop3A_1214 : vector<16xf32>
      %parallel_loop3A_1216 = arith.constant 48 : i32
      %parallel_loop3A_1217 = arith.addi %parallel_loop3A_1196, %parallel_loop3A_1216 : i32
      %parallel_loop3A_1218 = arith.index_cast %parallel_loop3A_1217 : i32 to index
      %parallel_loop3A_1219 = tpu.vector_load %arg7[%parallel_loop3A_1218] {strides = array<i32>} : memref<12288xf32, #tpu.memory_space<vmem>>, vector<16xf32>,
      %parallel_loop3A_1220 = vector.shape_cast %parallel_loop3A_1219 : vector<16xf32> to vector<16xf32>
      %parallel_loop3A_1221 = arith.mulf %parallel_loop3A_1220, %get3A_84 : vector<16xf32>
      %parallel_loop3A_1222 = arith.addf %parallel_loop3A_1215, %parallel_loop3A_1221 : vector<16xf32>
      %parallel_loop3A_1223 = arith.constant 64 : i32
      %parallel_loop3A_1224 = arith.addi %parallel_loop3A_1196, %parallel_loop3A_1223 : i32
      %parallel_loop3A_1225 = arith.index_cast %parallel_loop3A_1224 : i32 to index
      %parallel_loop3A_1226 = tpu.vector_load %arg7[%parallel_loop3A_1225] {strides = array<i32>} : memref<12288xf32, #tpu.memory_space<vmem>>, vector<16xf32>,
      %parallel_loop3A_1227 = vector.shape_cast %parallel_loop3A_1226 : vector<16xf32> to vector<16xf32>
      %parallel_loop3A_1228 = arith.mulf %parallel_loop3A_1227, %get3A_87 : vector<16xf32>
      %parallel_loop3A_1229 = arith.addf %parallel_loop3A_1222, %parallel_loop3A_1228 : vector<16xf32>
      %parallel_loop3A_1230 = arith.constant 80 : i32
      %parallel_loop3A_1231 = arith.addi %parallel_loop3A_1196, %parallel_loop3A_1230 : i32
      %parallel_loop3A_1232 = arith.index_cast %parallel_loop3A_1231 : i32 to index
      %parallel_loop3A_1233 = tpu.vector_load %arg7[%parallel_loop3A_1232] {strides = array<i32>} : memref<12288xf32, #tpu.memory_space<vmem>>, vector<16xf32>,
      %parallel_loop3A_1234 = vector.shape_cast %parallel_loop3A_1233 : vector<16xf32> to vector<16xf32>
      %parallel_loop3A_1235 = arith.mulf %parallel_loop3A_1234, %get3A_90 : vector<16xf32>
      %parallel_loop3A_1236 = arith.addf %parallel_loop3A_1229, %parallel_loop3A_1235 : vector<16xf32>
      %parallel_loop3A_1237 = arith.constant 96 : i32
      %parallel_loop3A_1238 = arith.addi %parallel_loop3A_1196, %parallel_loop3A_1237 : i32
      %parallel_loop3A_1239 = arith.index_cast %parallel_loop3A_1238 : i32 to index
      %parallel_loop3A_1240 = tpu.vector_load %arg7[%parallel_loop3A_1239] {strides = array<i32>} : memref<12288xf32, #tpu.memory_space<vmem>>, vector<16xf32>,
      %parallel_loop3A_1241 = vector.shape_cast %parallel_loop3A_1240 : vector<16xf32> to vector<16xf32>
      %parallel_loop3A_1242 = arith.mulf %parallel_loop3A_1241, %get3A_93 : vector<16xf32>
      %parallel_loop3A_1243 = arith.addf %parallel_loop3A_1236, %parallel_loop3A_1242 : vector<16xf32>
      %parallel_loop3A_1244 = arith.constant 112 : i32
      %parallel_loop3A_1245 = arith.addi %parallel_loop3A_1196, %parallel_loop3A_1244 : i32
      %parallel_loop3A_1246 = arith.index_cast %parallel_loop3A_1245 : i32 to index
      %parallel_loop3A_1247 = tpu.vector_load %arg7[%parallel_loop3A_1246] {strides = array<i32>} : memref<12288xf32, #tpu.memory_space<vmem>>, vector<16xf32>,
      %parallel_loop3A_1248 = vector.shape_cast %parallel_loop3A_1247 : vector<16xf32> to vector<16xf32>
      %parallel_loop3A_1249 = arith.mulf %parallel_loop3A_1248, %get3A_96 : vector<16xf32>
      %parallel_loop3A_1250 = arith.addf %parallel_loop3A_1243, %parallel_loop3A_1249 : vector<16xf32>
      %parallel_loop3A_1251 = arith.addf %parallel_loop3A_1197, %parallel_loop3A_1250 : vector<16xf32>
      scf.yield %parallel_loop3A_1251 : vector<16xf32>
    } {sc.loop_unroll_factor = 16 : i64, sc.parallel_access}
    %swap3A_779 = arith.constant 176 : index
    %swap3A_780 = tpu.vector_load %arg10[%swap3A_779] {strides = array<i32>} : memref<256xf32, #tpu.memory_space<vmem>>, vector<16xf32>,
    %swap3A_781 = vector.shape_cast %swap3A_780 : vector<16xf32> to vector<16xf32>
    %swap3A_782 = vector.shape_cast %parallel_loop3A_778 : vector<16xf32> to vector<16xf32>
    tpu.vector_store %arg10[%swap3A_779], %swap3A_782 {strides = array<i32>} : memref<256xf32, #tpu.memory_space<vmem>>, vector<16xf32>,
    %sub3A_783 = arith.subi %squeeze3A_123, %add3A_506 : i32
    %jit3A_784 = arith.constant 0 : i32
    %jit3A_785 = arith.constant 96 : i32
    %max3A_786 = arith.maxsi %jit3A_784, %sub3A_783 : i32
    %min3A_787 = arith.minsi %jit3A_785, %max3A_786 : i32
    %sub3A_788 = arith.subi %squeeze3A_125, %add3A_506 : i32
    %jit3A_789 = arith.constant 0 : i32
    %jit3A_790 = arith.constant 96 : i32
    %max3A_791 = arith.maxsi %jit3A_789, %sub3A_788 : i32
    %min3A_792 = arith.minsi %jit3A_790, %max3A_791 : i32
    %get3A_793 = arith.constant 192 : index
    %get3A_794 = tpu.vector_load %arg10[%get3A_793] {strides = array<i32>} : memref<256xf32, #tpu.memory_space<vmem>>, vector<16xf32>,
    %get3A_795 = vector.shape_cast %get3A_794 : vector<16xf32> to vector<16xf32>
    %mul3A_796 = arith.constant 128 : i32
    %mul3A_797 = arith.muli %min3A_787, %mul3A_796 : i32
    %mul3A_798 = arith.constant 128 : i32
    %mul3A_799 = arith.muli %min3A_792, %mul3A_798 : i32
    %parallel_loop3A_800 = arith.constant 128 : i32
    %parallel_loop3A_801 = scf.for %parallel_loop3A_1196 = %mul3A_797 to %mul3A_799 step %parallel_loop3A_800 iter_args(%parallel_loop3A_1197 = %get3A_795) -> (vector<16xf32>)  : i32 {
      %parallel_loop3A_1198 = arith.index_cast %parallel_loop3A_1196 : i32 to index
      %parallel_loop3A_1199 = tpu.vector_load %arg7[%parallel_loop3A_1198] {strides = array<i32>} : memref<12288xf32, #tpu.memory_space<vmem>>, vector<16xf32>,
      %parallel_loop3A_1200 = vector.shape_cast %parallel_loop3A_1199 : vector<16xf32> to vector<16xf32>
      %parallel_loop3A_1201 = arith.mulf %parallel_loop3A_1200, %get3A_75 : vector<16xf32>
      %parallel_loop3A_1202 = arith.constant 16 : i32
      %parallel_loop3A_1203 = arith.addi %parallel_loop3A_1196, %parallel_loop3A_1202 : i32
      %parallel_loop3A_1204 = arith.index_cast %parallel_loop3A_1203 : i32 to index
      %parallel_loop3A_1205 = tpu.vector_load %arg7[%parallel_loop3A_1204] {strides = array<i32>} : memref<12288xf32, #tpu.memory_space<vmem>>, vector<16xf32>,
      %parallel_loop3A_1206 = vector.shape_cast %parallel_loop3A_1205 : vector<16xf32> to vector<16xf32>
      %parallel_loop3A_1207 = arith.mulf %parallel_loop3A_1206, %get3A_78 : vector<16xf32>
      %parallel_loop3A_1208 = arith.addf %parallel_loop3A_1201, %parallel_loop3A_1207 : vector<16xf32>
      %parallel_loop3A_1209 = arith.constant 32 : i32
      %parallel_loop3A_1210 = arith.addi %parallel_loop3A_1196, %parallel_loop3A_1209 : i32
      %parallel_loop3A_1211 = arith.index_cast %parallel_loop3A_1210 : i32 to index
      %parallel_loop3A_1212 = tpu.vector_load %arg7[%parallel_loop3A_1211] {strides = array<i32>} : memref<12288xf32, #tpu.memory_space<vmem>>, vector<16xf32>,
      %parallel_loop3A_1213 = vector.shape_cast %parallel_loop3A_1212 : vector<16xf32> to vector<16xf32>
      %parallel_loop3A_1214 = arith.mulf %parallel_loop3A_1213, %get3A_81 : vector<16xf32>
      %parallel_loop3A_1215 = arith.addf %parallel_loop3A_1208, %parallel_loop3A_1214 : vector<16xf32>
      %parallel_loop3A_1216 = arith.constant 48 : i32
      %parallel_loop3A_1217 = arith.addi %parallel_loop3A_1196, %parallel_loop3A_1216 : i32
      %parallel_loop3A_1218 = arith.index_cast %parallel_loop3A_1217 : i32 to index
      %parallel_loop3A_1219 = tpu.vector_load %arg7[%parallel_loop3A_1218] {strides = array<i32>} : memref<12288xf32, #tpu.memory_space<vmem>>, vector<16xf32>,
      %parallel_loop3A_1220 = vector.shape_cast %parallel_loop3A_1219 : vector<16xf32> to vector<16xf32>
      %parallel_loop3A_1221 = arith.mulf %parallel_loop3A_1220, %get3A_84 : vector<16xf32>
      %parallel_loop3A_1222 = arith.addf %parallel_loop3A_1215, %parallel_loop3A_1221 : vector<16xf32>
      %parallel_loop3A_1223 = arith.constant 64 : i32
      %parallel_loop3A_1224 = arith.addi %parallel_loop3A_1196, %parallel_loop3A_1223 : i32
      %parallel_loop3A_1225 = arith.index_cast %parallel_loop3A_1224 : i32 to index
      %parallel_loop3A_1226 = tpu.vector_load %arg7[%parallel_loop3A_1225] {strides = array<i32>} : memref<12288xf32, #tpu.memory_space<vmem>>, vector<16xf32>,
      %parallel_loop3A_1227 = vector.shape_cast %parallel_loop3A_1226 : vector<16xf32> to vector<16xf32>
      %parallel_loop3A_1228 = arith.mulf %parallel_loop3A_1227, %get3A_87 : vector<16xf32>
      %parallel_loop3A_1229 = arith.addf %parallel_loop3A_1222, %parallel_loop3A_1228 : vector<16xf32>
      %parallel_loop3A_1230 = arith.constant 80 : i32
      %parallel_loop3A_1231 = arith.addi %parallel_loop3A_1196, %parallel_loop3A_1230 : i32
      %parallel_loop3A_1232 = arith.index_cast %parallel_loop3A_1231 : i32 to index
      %parallel_loop3A_1233 = tpu.vector_load %arg7[%parallel_loop3A_1232] {strides = array<i32>} : memref<12288xf32, #tpu.memory_space<vmem>>, vector<16xf32>,
      %parallel_loop3A_1234 = vector.shape_cast %parallel_loop3A_1233 : vector<16xf32> to vector<16xf32>
      %parallel_loop3A_1235 = arith.mulf %parallel_loop3A_1234, %get3A_90 : vector<16xf32>
      %parallel_loop3A_1236 = arith.addf %parallel_loop3A_1229, %parallel_loop3A_1235 : vector<16xf32>
      %parallel_loop3A_1237 = arith.constant 96 : i32
      %parallel_loop3A_1238 = arith.addi %parallel_loop3A_1196, %parallel_loop3A_1237 : i32
      %parallel_loop3A_1239 = arith.index_cast %parallel_loop3A_1238 : i32 to index
      %parallel_loop3A_1240 = tpu.vector_load %arg7[%parallel_loop3A_1239] {strides = array<i32>} : memref<12288xf32, #tpu.memory_space<vmem>>, vector<16xf32>,
      %parallel_loop3A_1241 = vector.shape_cast %parallel_loop3A_1240 : vector<16xf32> to vector<16xf32>
      %parallel_loop3A_1242 = arith.mulf %parallel_loop3A_1241, %get3A_93 : vector<16xf32>
      %parallel_loop3A_1243 = arith.addf %parallel_loop3A_1236, %parallel_loop3A_1242 : vector<16xf32>
      %parallel_loop3A_1244 = arith.constant 112 : i32
      %parallel_loop3A_1245 = arith.addi %parallel_loop3A_1196, %parallel_loop3A_1244 : i32
      %parallel_loop3A_1246 = arith.index_cast %parallel_loop3A_1245 : i32 to index
      %parallel_loop3A_1247 = tpu.vector_load %arg7[%parallel_loop3A_1246] {strides = array<i32>} : memref<12288xf32, #tpu.memory_space<vmem>>, vector<16xf32>,
      %parallel_loop3A_1248 = vector.shape_cast %parallel_loop3A_1247 : vector<16xf32> to vector<16xf32>
      %parallel_loop3A_1249 = arith.mulf %parallel_loop3A_1248, %get3A_96 : vector<16xf32>
      %parallel_loop3A_1250 = arith.addf %parallel_loop3A_1243, %parallel_loop3A_1249 : vector<16xf32>
      %parallel_loop3A_1251 = arith.addf %parallel_loop3A_1197, %parallel_loop3A_1250 : vector<16xf32>
      scf.yield %parallel_loop3A_1251 : vector<16xf32>
    } {sc.loop_unroll_factor = 16 : i64, sc.parallel_access}
    %swap3A_802 = arith.constant 192 : index
    %swap3A_803 = tpu.vector_load %arg10[%swap3A_802] {strides = array<i32>} : memref<256xf32, #tpu.memory_space<vmem>>, vector<16xf32>,
    %swap3A_804 = vector.shape_cast %swap3A_803 : vector<16xf32> to vector<16xf32>
    %swap3A_805 = vector.shape_cast %parallel_loop3A_801 : vector<16xf32> to vector<16xf32>
    tpu.vector_store %arg10[%swap3A_802], %swap3A_805 {strides = array<i32>} : memref<256xf32, #tpu.memory_space<vmem>>, vector<16xf32>,
    %sub3A_806 = arith.subi %squeeze3A_125, %add3A_506 : i32
    %jit3A_807 = arith.constant 0 : i32
    %jit3A_808 = arith.constant 96 : i32
    %max3A_809 = arith.maxsi %jit3A_807, %sub3A_806 : i32
    %min3A_810 = arith.minsi %jit3A_808, %max3A_809 : i32
    %sub3A_811 = arith.subi %squeeze3A_127, %add3A_506 : i32
    %jit3A_812 = arith.constant 0 : i32
    %jit3A_813 = arith.constant 96 : i32
    %max3A_814 = arith.maxsi %jit3A_812, %sub3A_811 : i32
    %min3A_815 = arith.minsi %jit3A_813, %max3A_814 : i32
    %get3A_816 = arith.constant 208 : index
    %get3A_817 = tpu.vector_load %arg10[%get3A_816] {strides = array<i32>} : memref<256xf32, #tpu.memory_space<vmem>>, vector<16xf32>,
    %get3A_818 = vector.shape_cast %get3A_817 : vector<16xf32> to vector<16xf32>
    %mul3A_819 = arith.constant 128 : i32
    %mul3A_820 = arith.muli %min3A_810, %mul3A_819 : i32
    %mul3A_821 = arith.constant 128 : i32
    %mul3A_822 = arith.muli %min3A_815, %mul3A_821 : i32
    %parallel_loop3A_823 = arith.constant 128 : i32
    %parallel_loop3A_824 = scf.for %parallel_loop3A_1196 = %mul3A_820 to %mul3A_822 step %parallel_loop3A_823 iter_args(%parallel_loop3A_1197 = %get3A_818) -> (vector<16xf32>)  : i32 {
      %parallel_loop3A_1198 = arith.index_cast %parallel_loop3A_1196 : i32 to index
      %parallel_loop3A_1199 = tpu.vector_load %arg7[%parallel_loop3A_1198] {strides = array<i32>} : memref<12288xf32, #tpu.memory_space<vmem>>, vector<16xf32>,
      %parallel_loop3A_1200 = vector.shape_cast %parallel_loop3A_1199 : vector<16xf32> to vector<16xf32>
      %parallel_loop3A_1201 = arith.mulf %parallel_loop3A_1200, %get3A_75 : vector<16xf32>
      %parallel_loop3A_1202 = arith.constant 16 : i32
      %parallel_loop3A_1203 = arith.addi %parallel_loop3A_1196, %parallel_loop3A_1202 : i32
      %parallel_loop3A_1204 = arith.index_cast %parallel_loop3A_1203 : i32 to index
      %parallel_loop3A_1205 = tpu.vector_load %arg7[%parallel_loop3A_1204] {strides = array<i32>} : memref<12288xf32, #tpu.memory_space<vmem>>, vector<16xf32>,
      %parallel_loop3A_1206 = vector.shape_cast %parallel_loop3A_1205 : vector<16xf32> to vector<16xf32>
      %parallel_loop3A_1207 = arith.mulf %parallel_loop3A_1206, %get3A_78 : vector<16xf32>
      %parallel_loop3A_1208 = arith.addf %parallel_loop3A_1201, %parallel_loop3A_1207 : vector<16xf32>
      %parallel_loop3A_1209 = arith.constant 32 : i32
      %parallel_loop3A_1210 = arith.addi %parallel_loop3A_1196, %parallel_loop3A_1209 : i32
      %parallel_loop3A_1211 = arith.index_cast %parallel_loop3A_1210 : i32 to index
      %parallel_loop3A_1212 = tpu.vector_load %arg7[%parallel_loop3A_1211] {strides = array<i32>} : memref<12288xf32, #tpu.memory_space<vmem>>, vector<16xf32>,
      %parallel_loop3A_1213 = vector.shape_cast %parallel_loop3A_1212 : vector<16xf32> to vector<16xf32>
      %parallel_loop3A_1214 = arith.mulf %parallel_loop3A_1213, %get3A_81 : vector<16xf32>
      %parallel_loop3A_1215 = arith.addf %parallel_loop3A_1208, %parallel_loop3A_1214 : vector<16xf32>
      %parallel_loop3A_1216 = arith.constant 48 : i32
      %parallel_loop3A_1217 = arith.addi %parallel_loop3A_1196, %parallel_loop3A_1216 : i32
      %parallel_loop3A_1218 = arith.index_cast %parallel_loop3A_1217 : i32 to index
      %parallel_loop3A_1219 = tpu.vector_load %arg7[%parallel_loop3A_1218] {strides = array<i32>} : memref<12288xf32, #tpu.memory_space<vmem>>, vector<16xf32>,
      %parallel_loop3A_1220 = vector.shape_cast %parallel_loop3A_1219 : vector<16xf32> to vector<16xf32>
      %parallel_loop3A_1221 = arith.mulf %parallel_loop3A_1220, %get3A_84 : vector<16xf32>
      %parallel_loop3A_1222 = arith.addf %parallel_loop3A_1215, %parallel_loop3A_1221 : vector<16xf32>
      %parallel_loop3A_1223 = arith.constant 64 : i32
      %parallel_loop3A_1224 = arith.addi %parallel_loop3A_1196, %parallel_loop3A_1223 : i32
      %parallel_loop3A_1225 = arith.index_cast %parallel_loop3A_1224 : i32 to index
      %parallel_loop3A_1226 = tpu.vector_load %arg7[%parallel_loop3A_1225] {strides = array<i32>} : memref<12288xf32, #tpu.memory_space<vmem>>, vector<16xf32>,
      %parallel_loop3A_1227 = vector.shape_cast %parallel_loop3A_1226 : vector<16xf32> to vector<16xf32>
      %parallel_loop3A_1228 = arith.mulf %parallel_loop3A_1227, %get3A_87 : vector<16xf32>
      %parallel_loop3A_1229 = arith.addf %parallel_loop3A_1222, %parallel_loop3A_1228 : vector<16xf32>
      %parallel_loop3A_1230 = arith.constant 80 : i32
      %parallel_loop3A_1231 = arith.addi %parallel_loop3A_1196, %parallel_loop3A_1230 : i32
      %parallel_loop3A_1232 = arith.index_cast %parallel_loop3A_1231 : i32 to index
      %parallel_loop3A_1233 = tpu.vector_load %arg7[%parallel_loop3A_1232] {strides = array<i32>} : memref<12288xf32, #tpu.memory_space<vmem>>, vector<16xf32>,
      %parallel_loop3A_1234 = vector.shape_cast %parallel_loop3A_1233 : vector<16xf32> to vector<16xf32>
      %parallel_loop3A_1235 = arith.mulf %parallel_loop3A_1234, %get3A_90 : vector<16xf32>
      %parallel_loop3A_1236 = arith.addf %parallel_loop3A_1229, %parallel_loop3A_1235 : vector<16xf32>
      %parallel_loop3A_1237 = arith.constant 96 : i32
      %parallel_loop3A_1238 = arith.addi %parallel_loop3A_1196, %parallel_loop3A_1237 : i32
      %parallel_loop3A_1239 = arith.index_cast %parallel_loop3A_1238 : i32 to index
      %parallel_loop3A_1240 = tpu.vector_load %arg7[%parallel_loop3A_1239] {strides = array<i32>} : memref<12288xf32, #tpu.memory_space<vmem>>, vector<16xf32>,
      %parallel_loop3A_1241 = vector.shape_cast %parallel_loop3A_1240 : vector<16xf32> to vector<16xf32>
      %parallel_loop3A_1242 = arith.mulf %parallel_loop3A_1241, %get3A_93 : vector<16xf32>
      %parallel_loop3A_1243 = arith.addf %parallel_loop3A_1236, %parallel_loop3A_1242 : vector<16xf32>
      %parallel_loop3A_1244 = arith.constant 112 : i32
      %parallel_loop3A_1245 = arith.addi %parallel_loop3A_1196, %parallel_loop3A_1244 : i32
      %parallel_loop3A_1246 = arith.index_cast %parallel_loop3A_1245 : i32 to index
      %parallel_loop3A_1247 = tpu.vector_load %arg7[%parallel_loop3A_1246] {strides = array<i32>} : memref<12288xf32, #tpu.memory_space<vmem>>, vector<16xf32>,
      %parallel_loop3A_1248 = vector.shape_cast %parallel_loop3A_1247 : vector<16xf32> to vector<16xf32>
      %parallel_loop3A_1249 = arith.mulf %parallel_loop3A_1248, %get3A_96 : vector<16xf32>
      %parallel_loop3A_1250 = arith.addf %parallel_loop3A_1243, %parallel_loop3A_1249 : vector<16xf32>
      %parallel_loop3A_1251 = arith.addf %parallel_loop3A_1197, %parallel_loop3A_1250 : vector<16xf32>
      scf.yield %parallel_loop3A_1251 : vector<16xf32>
    } {sc.loop_unroll_factor = 16 : i64, sc.parallel_access}
    %swap3A_825 = arith.constant 208 : index
    %swap3A_826 = tpu.vector_load %arg10[%swap3A_825] {strides = array<i32>} : memref<256xf32, #tpu.memory_space<vmem>>, vector<16xf32>,
    %swap3A_827 = vector.shape_cast %swap3A_826 : vector<16xf32> to vector<16xf32>
    %swap3A_828 = vector.shape_cast %parallel_loop3A_824 : vector<16xf32> to vector<16xf32>
    tpu.vector_store %arg10[%swap3A_825], %swap3A_828 {strides = array<i32>} : memref<256xf32, #tpu.memory_space<vmem>>, vector<16xf32>,
    %sub3A_829 = arith.subi %squeeze3A_127, %add3A_506 : i32
    %jit3A_830 = arith.constant 0 : i32
    %jit3A_831 = arith.constant 96 : i32
    %max3A_832 = arith.maxsi %jit3A_830, %sub3A_829 : i32
    %min3A_833 = arith.minsi %jit3A_831, %max3A_832 : i32
    %sub3A_834 = arith.subi %squeeze3A_129, %add3A_506 : i32
    %jit3A_835 = arith.constant 0 : i32
    %jit3A_836 = arith.constant 96 : i32
    %max3A_837 = arith.maxsi %jit3A_835, %sub3A_834 : i32
    %min3A_838 = arith.minsi %jit3A_836, %max3A_837 : i32
    %get3A_839 = arith.constant 224 : index
    %get3A_840 = tpu.vector_load %arg10[%get3A_839] {strides = array<i32>} : memref<256xf32, #tpu.memory_space<vmem>>, vector<16xf32>,
    %get3A_841 = vector.shape_cast %get3A_840 : vector<16xf32> to vector<16xf32>
    %mul3A_842 = arith.constant 128 : i32
    %mul3A_843 = arith.muli %min3A_833, %mul3A_842 : i32
    %mul3A_844 = arith.constant 128 : i32
    %mul3A_845 = arith.muli %min3A_838, %mul3A_844 : i32
    %parallel_loop3A_846 = arith.constant 128 : i32
    %parallel_loop3A_847 = scf.for %parallel_loop3A_1196 = %mul3A_843 to %mul3A_845 step %parallel_loop3A_846 iter_args(%parallel_loop3A_1197 = %get3A_841) -> (vector<16xf32>)  : i32 {
      %parallel_loop3A_1198 = arith.index_cast %parallel_loop3A_1196 : i32 to index
      %parallel_loop3A_1199 = tpu.vector_load %arg7[%parallel_loop3A_1198] {strides = array<i32>} : memref<12288xf32, #tpu.memory_space<vmem>>, vector<16xf32>,
      %parallel_loop3A_1200 = vector.shape_cast %parallel_loop3A_1199 : vector<16xf32> to vector<16xf32>
      %parallel_loop3A_1201 = arith.mulf %parallel_loop3A_1200, %get3A_75 : vector<16xf32>
      %parallel_loop3A_1202 = arith.constant 16 : i32
      %parallel_loop3A_1203 = arith.addi %parallel_loop3A_1196, %parallel_loop3A_1202 : i32
      %parallel_loop3A_1204 = arith.index_cast %parallel_loop3A_1203 : i32 to index
      %parallel_loop3A_1205 = tpu.vector_load %arg7[%parallel_loop3A_1204] {strides = array<i32>} : memref<12288xf32, #tpu.memory_space<vmem>>, vector<16xf32>,
      %parallel_loop3A_1206 = vector.shape_cast %parallel_loop3A_1205 : vector<16xf32> to vector<16xf32>
      %parallel_loop3A_1207 = arith.mulf %parallel_loop3A_1206, %get3A_78 : vector<16xf32>
      %parallel_loop3A_1208 = arith.addf %parallel_loop3A_1201, %parallel_loop3A_1207 : vector<16xf32>
      %parallel_loop3A_1209 = arith.constant 32 : i32
      %parallel_loop3A_1210 = arith.addi %parallel_loop3A_1196, %parallel_loop3A_1209 : i32
      %parallel_loop3A_1211 = arith.index_cast %parallel_loop3A_1210 : i32 to index
      %parallel_loop3A_1212 = tpu.vector_load %arg7[%parallel_loop3A_1211] {strides = array<i32>} : memref<12288xf32, #tpu.memory_space<vmem>>, vector<16xf32>,
      %parallel_loop3A_1213 = vector.shape_cast %parallel_loop3A_1212 : vector<16xf32> to vector<16xf32>
      %parallel_loop3A_1214 = arith.mulf %parallel_loop3A_1213, %get3A_81 : vector<16xf32>
      %parallel_loop3A_1215 = arith.addf %parallel_loop3A_1208, %parallel_loop3A_1214 : vector<16xf32>
      %parallel_loop3A_1216 = arith.constant 48 : i32
      %parallel_loop3A_1217 = arith.addi %parallel_loop3A_1196, %parallel_loop3A_1216 : i32
      %parallel_loop3A_1218 = arith.index_cast %parallel_loop3A_1217 : i32 to index
      %parallel_loop3A_1219 = tpu.vector_load %arg7[%parallel_loop3A_1218] {strides = array<i32>} : memref<12288xf32, #tpu.memory_space<vmem>>, vector<16xf32>,
      %parallel_loop3A_1220 = vector.shape_cast %parallel_loop3A_1219 : vector<16xf32> to vector<16xf32>
      %parallel_loop3A_1221 = arith.mulf %parallel_loop3A_1220, %get3A_84 : vector<16xf32>
      %parallel_loop3A_1222 = arith.addf %parallel_loop3A_1215, %parallel_loop3A_1221 : vector<16xf32>
      %parallel_loop3A_1223 = arith.constant 64 : i32
      %parallel_loop3A_1224 = arith.addi %parallel_loop3A_1196, %parallel_loop3A_1223 : i32
      %parallel_loop3A_1225 = arith.index_cast %parallel_loop3A_1224 : i32 to index
      %parallel_loop3A_1226 = tpu.vector_load %arg7[%parallel_loop3A_1225] {strides = array<i32>} : memref<12288xf32, #tpu.memory_space<vmem>>, vector<16xf32>,
      %parallel_loop3A_1227 = vector.shape_cast %parallel_loop3A_1226 : vector<16xf32> to vector<16xf32>
      %parallel_loop3A_1228 = arith.mulf %parallel_loop3A_1227, %get3A_87 : vector<16xf32>
      %parallel_loop3A_1229 = arith.addf %parallel_loop3A_1222, %parallel_loop3A_1228 : vector<16xf32>
      %parallel_loop3A_1230 = arith.constant 80 : i32
      %parallel_loop3A_1231 = arith.addi %parallel_loop3A_1196, %parallel_loop3A_1230 : i32
      %parallel_loop3A_1232 = arith.index_cast %parallel_loop3A_1231 : i32 to index
      %parallel_loop3A_1233 = tpu.vector_load %arg7[%parallel_loop3A_1232] {strides = array<i32>} : memref<12288xf32, #tpu.memory_space<vmem>>, vector<16xf32>,
      %parallel_loop3A_1234 = vector.shape_cast %parallel_loop3A_1233 : vector<16xf32> to vector<16xf32>
      %parallel_loop3A_1235 = arith.mulf %parallel_loop3A_1234, %get3A_90 : vector<16xf32>
      %parallel_loop3A_1236 = arith.addf %parallel_loop3A_1229, %parallel_loop3A_1235 : vector<16xf32>
      %parallel_loop3A_1237 = arith.constant 96 : i32
      %parallel_loop3A_1238 = arith.addi %parallel_loop3A_1196, %parallel_loop3A_1237 : i32
      %parallel_loop3A_1239 = arith.index_cast %parallel_loop3A_1238 : i32 to index
      %parallel_loop3A_1240 = tpu.vector_load %arg7[%parallel_loop3A_1239] {strides = array<i32>} : memref<12288xf32, #tpu.memory_space<vmem>>, vector<16xf32>,
      %parallel_loop3A_1241 = vector.shape_cast %parallel_loop3A_1240 : vector<16xf32> to vector<16xf32>
      %parallel_loop3A_1242 = arith.mulf %parallel_loop3A_1241, %get3A_93 : vector<16xf32>
      %parallel_loop3A_1243 = arith.addf %parallel_loop3A_1236, %parallel_loop3A_1242 : vector<16xf32>
      %parallel_loop3A_1244 = arith.constant 112 : i32
      %parallel_loop3A_1245 = arith.addi %parallel_loop3A_1196, %parallel_loop3A_1244 : i32
      %parallel_loop3A_1246 = arith.index_cast %parallel_loop3A_1245 : i32 to index
      %parallel_loop3A_1247 = tpu.vector_load %arg7[%parallel_loop3A_1246] {strides = array<i32>} : memref<12288xf32, #tpu.memory_space<vmem>>, vector<16xf32>,
      %parallel_loop3A_1248 = vector.shape_cast %parallel_loop3A_1247 : vector<16xf32> to vector<16xf32>
      %parallel_loop3A_1249 = arith.mulf %parallel_loop3A_1248, %get3A_96 : vector<16xf32>
      %parallel_loop3A_1250 = arith.addf %parallel_loop3A_1243, %parallel_loop3A_1249 : vector<16xf32>
      %parallel_loop3A_1251 = arith.addf %parallel_loop3A_1197, %parallel_loop3A_1250 : vector<16xf32>
      scf.yield %parallel_loop3A_1251 : vector<16xf32>
    } {sc.loop_unroll_factor = 16 : i64, sc.parallel_access}
    %swap3A_848 = arith.constant 224 : index
    %swap3A_849 = tpu.vector_load %arg10[%swap3A_848] {strides = array<i32>} : memref<256xf32, #tpu.memory_space<vmem>>, vector<16xf32>,
    %swap3A_850 = vector.shape_cast %swap3A_849 : vector<16xf32> to vector<16xf32>
    %swap3A_851 = vector.shape_cast %parallel_loop3A_847 : vector<16xf32> to vector<16xf32>
    tpu.vector_store %arg10[%swap3A_848], %swap3A_851 {strides = array<i32>} : memref<256xf32, #tpu.memory_space<vmem>>, vector<16xf32>,
    %sub3A_852 = arith.subi %squeeze3A_129, %add3A_506 : i32
    %jit3A_853 = arith.constant 0 : i32
    %jit3A_854 = arith.constant 96 : i32
    %max3A_855 = arith.maxsi %jit3A_853, %sub3A_852 : i32
    %min3A_856 = arith.minsi %jit3A_854, %max3A_855 : i32
    %sub3A_857 = arith.constant 32768 : i32
    %sub3A_858 = arith.subi %sub3A_857, %add3A_506 : i32
    %jit3A_859 = arith.constant 0 : i32
    %jit3A_860 = arith.constant 96 : i32
    %max3A_861 = arith.maxsi %jit3A_859, %sub3A_858 : i32
    %min3A_862 = arith.minsi %jit3A_860, %max3A_861 : i32
    %get3A_863 = arith.constant 240 : index
    %get3A_864 = tpu.vector_load %arg10[%get3A_863] {strides = array<i32>} : memref<256xf32, #tpu.memory_space<vmem>>, vector<16xf32>,
    %get3A_865 = vector.shape_cast %get3A_864 : vector<16xf32> to vector<16xf32>
    %mul3A_866 = arith.constant 128 : i32
    %mul3A_867 = arith.muli %min3A_856, %mul3A_866 : i32
    %mul3A_868 = arith.constant 128 : i32
    %mul3A_869 = arith.muli %min3A_862, %mul3A_868 : i32
    %parallel_loop3A_870 = arith.constant 128 : i32
    %parallel_loop3A_871 = scf.for %parallel_loop3A_1196 = %mul3A_867 to %mul3A_869 step %parallel_loop3A_870 iter_args(%parallel_loop3A_1197 = %get3A_865) -> (vector<16xf32>)  : i32 {
      %parallel_loop3A_1198 = arith.index_cast %parallel_loop3A_1196 : i32 to index
      %parallel_loop3A_1199 = tpu.vector_load %arg7[%parallel_loop3A_1198] {strides = array<i32>} : memref<12288xf32, #tpu.memory_space<vmem>>, vector<16xf32>,
      %parallel_loop3A_1200 = vector.shape_cast %parallel_loop3A_1199 : vector<16xf32> to vector<16xf32>
      %parallel_loop3A_1201 = arith.mulf %parallel_loop3A_1200, %get3A_75 : vector<16xf32>
      %parallel_loop3A_1202 = arith.constant 16 : i32
      %parallel_loop3A_1203 = arith.addi %parallel_loop3A_1196, %parallel_loop3A_1202 : i32
      %parallel_loop3A_1204 = arith.index_cast %parallel_loop3A_1203 : i32 to index
      %parallel_loop3A_1205 = tpu.vector_load %arg7[%parallel_loop3A_1204] {strides = array<i32>} : memref<12288xf32, #tpu.memory_space<vmem>>, vector<16xf32>,
      %parallel_loop3A_1206 = vector.shape_cast %parallel_loop3A_1205 : vector<16xf32> to vector<16xf32>
      %parallel_loop3A_1207 = arith.mulf %parallel_loop3A_1206, %get3A_78 : vector<16xf32>
      %parallel_loop3A_1208 = arith.addf %parallel_loop3A_1201, %parallel_loop3A_1207 : vector<16xf32>
      %parallel_loop3A_1209 = arith.constant 32 : i32
      %parallel_loop3A_1210 = arith.addi %parallel_loop3A_1196, %parallel_loop3A_1209 : i32
      %parallel_loop3A_1211 = arith.index_cast %parallel_loop3A_1210 : i32 to index
      %parallel_loop3A_1212 = tpu.vector_load %arg7[%parallel_loop3A_1211] {strides = array<i32>} : memref<12288xf32, #tpu.memory_space<vmem>>, vector<16xf32>,
      %parallel_loop3A_1213 = vector.shape_cast %parallel_loop3A_1212 : vector<16xf32> to vector<16xf32>
      %parallel_loop3A_1214 = arith.mulf %parallel_loop3A_1213, %get3A_81 : vector<16xf32>
      %parallel_loop3A_1215 = arith.addf %parallel_loop3A_1208, %parallel_loop3A_1214 : vector<16xf32>
      %parallel_loop3A_1216 = arith.constant 48 : i32
      %parallel_loop3A_1217 = arith.addi %parallel_loop3A_1196, %parallel_loop3A_1216 : i32
      %parallel_loop3A_1218 = arith.index_cast %parallel_loop3A_1217 : i32 to index
      %parallel_loop3A_1219 = tpu.vector_load %arg7[%parallel_loop3A_1218] {strides = array<i32>} : memref<12288xf32, #tpu.memory_space<vmem>>, vector<16xf32>,
      %parallel_loop3A_1220 = vector.shape_cast %parallel_loop3A_1219 : vector<16xf32> to vector<16xf32>
      %parallel_loop3A_1221 = arith.mulf %parallel_loop3A_1220, %get3A_84 : vector<16xf32>
      %parallel_loop3A_1222 = arith.addf %parallel_loop3A_1215, %parallel_loop3A_1221 : vector<16xf32>
      %parallel_loop3A_1223 = arith.constant 64 : i32
      %parallel_loop3A_1224 = arith.addi %parallel_loop3A_1196, %parallel_loop3A_1223 : i32
      %parallel_loop3A_1225 = arith.index_cast %parallel_loop3A_1224 : i32 to index
      %parallel_loop3A_1226 = tpu.vector_load %arg7[%parallel_loop3A_1225] {strides = array<i32>} : memref<12288xf32, #tpu.memory_space<vmem>>, vector<16xf32>,
      %parallel_loop3A_1227 = vector.shape_cast %parallel_loop3A_1226 : vector<16xf32> to vector<16xf32>
      %parallel_loop3A_1228 = arith.mulf %parallel_loop3A_1227, %get3A_87 : vector<16xf32>
      %parallel_loop3A_1229 = arith.addf %parallel_loop3A_1222, %parallel_loop3A_1228 : vector<16xf32>
      %parallel_loop3A_1230 = arith.constant 80 : i32
      %parallel_loop3A_1231 = arith.addi %parallel_loop3A_1196, %parallel_loop3A_1230 : i32
      %parallel_loop3A_1232 = arith.index_cast %parallel_loop3A_1231 : i32 to index
      %parallel_loop3A_1233 = tpu.vector_load %arg7[%parallel_loop3A_1232] {strides = array<i32>} : memref<12288xf32, #tpu.memory_space<vmem>>, vector<16xf32>,
      %parallel_loop3A_1234 = vector.shape_cast %parallel_loop3A_1233 : vector<16xf32> to vector<16xf32>
      %parallel_loop3A_1235 = arith.mulf %parallel_loop3A_1234, %get3A_90 : vector<16xf32>
      %parallel_loop3A_1236 = arith.addf %parallel_loop3A_1229, %parallel_loop3A_1235 : vector<16xf32>
      %parallel_loop3A_1237 = arith.constant 96 : i32
      %parallel_loop3A_1238 = arith.addi %parallel_loop3A_1196, %parallel_loop3A_1237 : i32
      %parallel_loop3A_1239 = arith.index_cast %parallel_loop3A_1238 : i32 to index
      %parallel_loop3A_1240 = tpu.vector_load %arg7[%parallel_loop3A_1239] {strides = array<i32>} : memref<12288xf32, #tpu.memory_space<vmem>>, vector<16xf32>,
      %parallel_loop3A_1241 = vector.shape_cast %parallel_loop3A_1240 : vector<16xf32> to vector<16xf32>
      %parallel_loop3A_1242 = arith.mulf %parallel_loop3A_1241, %get3A_93 : vector<16xf32>
      %parallel_loop3A_1243 = arith.addf %parallel_loop3A_1236, %parallel_loop3A_1242 : vector<16xf32>
      %parallel_loop3A_1244 = arith.constant 112 : i32
      %parallel_loop3A_1245 = arith.addi %parallel_loop3A_1196, %parallel_loop3A_1244 : i32
      %parallel_loop3A_1246 = arith.index_cast %parallel_loop3A_1245 : i32 to index
      %parallel_loop3A_1247 = tpu.vector_load %arg7[%parallel_loop3A_1246] {strides = array<i32>} : memref<12288xf32, #tpu.memory_space<vmem>>, vector<16xf32>,
      %parallel_loop3A_1248 = vector.shape_cast %parallel_loop3A_1247 : vector<16xf32> to vector<16xf32>
      %parallel_loop3A_1249 = arith.mulf %parallel_loop3A_1248, %get3A_96 : vector<16xf32>
      %parallel_loop3A_1250 = arith.addf %parallel_loop3A_1243, %parallel_loop3A_1249 : vector<16xf32>
      %parallel_loop3A_1251 = arith.addf %parallel_loop3A_1197, %parallel_loop3A_1250 : vector<16xf32>
      scf.yield %parallel_loop3A_1251 : vector<16xf32>
    } {sc.loop_unroll_factor = 16 : i64, sc.parallel_access}
    %swap3A_872 = arith.constant 240 : index
    %swap3A_873 = tpu.vector_load %arg10[%swap3A_872] {strides = array<i32>} : memref<256xf32, #tpu.memory_space<vmem>>, vector<16xf32>,
    %swap3A_874 = vector.shape_cast %swap3A_873 : vector<16xf32> to vector<16xf32>
    %swap3A_875 = vector.shape_cast %parallel_loop3A_871 : vector<16xf32> to vector<16xf32>
    tpu.vector_store %arg10[%swap3A_872], %swap3A_875 {strides = array<i32>} : memref<256xf32, #tpu.memory_space<vmem>>, vector<16xf32>,
    %mul3A_876 = arith.constant 16 : i32
    %mul3A_877 = arith.muli %add3A, %mul3A_876 : i32
    %dma_start3A_878 = arith.constant 0 : i32
    %dma_start3A_879 = arith.constant 0 : i32
    %dma_start3A_880 = tpu.memref_slice %arg10[%dma_start3A_879] : memref<256xf32, #tpu.memory_space<vmem>> -> memref<16xf32, #tpu.memory_space<vmem>>
    %dma_start3A_881 = tpu.memref_slice %arg5[%dma_start3A_878, %mul3A_877] : memref<16x512xf32, #tpu.memory_space<hbm>> -> memref<1x16xf32, #tpu.memory_space<hbm>>
    %dma_start3A_882 = tpu.memref_squeeze %dma_start3A_881 : memref<1x16xf32, #tpu.memory_space<hbm>> -> memref<16xf32, #tpu.memory_space<hbm>>
    %dma_start3A_883 = tpu.memref_slice %arg5[%dma_start3A_878, %mul3A_877] : memref<16x512xf32, #tpu.memory_space<hbm>> -> memref<1x16xf32, #tpu.memory_space<hbm>>
    %dma_start3A_884 = tpu.memref_squeeze %dma_start3A_883 : memref<1x16xf32, #tpu.memory_space<hbm>> -> memref<16xf32, #tpu.memory_space<hbm>>
    %dma_start3A_885 = arith.constant 0 : i32
    %dma_start3A_886 = tpu.memref_slice %arg10[%dma_start3A_885] : memref<256xf32, #tpu.memory_space<vmem>> -> memref<16xf32, #tpu.memory_space<vmem>>
    tpu.enqueue_dma source(%dma_start3A_886 : memref<16xf32, #tpu.memory_space<vmem>>) target(%dma_start3A_884 : memref<16xf32, #tpu.memory_space<hbm>>) target_semaphore(%arg11 : memref<!tpu.dma_semaphore, #tpu.memory_space<semaphore_mem>>)
    %mul3A_887 = arith.constant 16 : i32
    %mul3A_888 = arith.muli %add3A, %mul3A_887 : i32
    %dma_start3A_889 = arith.constant 1 : i32
    %dma_start3A_890 = arith.constant 16 : i32
    %dma_start3A_891 = tpu.memref_slice %arg10[%dma_start3A_890] : memref<256xf32, #tpu.memory_space<vmem>> -> memref<16xf32, #tpu.memory_space<vmem>>
    %dma_start3A_892 = tpu.memref_slice %arg5[%dma_start3A_889, %mul3A_888] : memref<16x512xf32, #tpu.memory_space<hbm>> -> memref<1x16xf32, #tpu.memory_space<hbm>>
    %dma_start3A_893 = tpu.memref_squeeze %dma_start3A_892 : memref<1x16xf32, #tpu.memory_space<hbm>> -> memref<16xf32, #tpu.memory_space<hbm>>
    %dma_start3A_894 = tpu.memref_slice %arg5[%dma_start3A_889, %mul3A_888] : memref<16x512xf32, #tpu.memory_space<hbm>> -> memref<1x16xf32, #tpu.memory_space<hbm>>
    %dma_start3A_895 = tpu.memref_squeeze %dma_start3A_894 : memref<1x16xf32, #tpu.memory_space<hbm>> -> memref<16xf32, #tpu.memory_space<hbm>>
    %dma_start3A_896 = arith.constant 16 : i32
    %dma_start3A_897 = tpu.memref_slice %arg10[%dma_start3A_896] : memref<256xf32, #tpu.memory_space<vmem>> -> memref<16xf32, #tpu.memory_space<vmem>>
    tpu.enqueue_dma source(%dma_start3A_897 : memref<16xf32, #tpu.memory_space<vmem>>) target(%dma_start3A_895 : memref<16xf32, #tpu.memory_space<hbm>>) target_semaphore(%arg11 : memref<!tpu.dma_semaphore, #tpu.memory_space<semaphore_mem>>)
    %mul3A_898 = arith.constant 16 : i32
    %mul3A_899 = arith.muli %add3A, %mul3A_898 : i32
    %dma_start3A_900 = arith.constant 2 : i32
    %dma_start3A_901 = arith.constant 32 : i32
    %dma_start3A_902 = tpu.memref_slice %arg10[%dma_start3A_901] : memref<256xf32, #tpu.memory_space<vmem>> -> memref<16xf32, #tpu.memory_space<vmem>>
    %dma_start3A_903 = tpu.memref_slice %arg5[%dma_start3A_900, %mul3A_899] : memref<16x512xf32, #tpu.memory_space<hbm>> -> memref<1x16xf32, #tpu.memory_space<hbm>>
    %dma_start3A_904 = tpu.memref_squeeze %dma_start3A_903 : memref<1x16xf32, #tpu.memory_space<hbm>> -> memref<16xf32, #tpu.memory_space<hbm>>
    %dma_start3A_905 = tpu.memref_slice %arg5[%dma_start3A_900, %mul3A_899] : memref<16x512xf32, #tpu.memory_space<hbm>> -> memref<1x16xf32, #tpu.memory_space<hbm>>
    %dma_start3A_906 = tpu.memref_squeeze %dma_start3A_905 : memref<1x16xf32, #tpu.memory_space<hbm>> -> memref<16xf32, #tpu.memory_space<hbm>>
    %dma_start3A_907 = arith.constant 32 : i32
    %dma_start3A_908 = tpu.memref_slice %arg10[%dma_start3A_907] : memref<256xf32, #tpu.memory_space<vmem>> -> memref<16xf32, #tpu.memory_space<vmem>>
    tpu.enqueue_dma source(%dma_start3A_908 : memref<16xf32, #tpu.memory_space<vmem>>) target(%dma_start3A_906 : memref<16xf32, #tpu.memory_space<hbm>>) target_semaphore(%arg11 : memref<!tpu.dma_semaphore, #tpu.memory_space<semaphore_mem>>)
    %mul3A_909 = arith.constant 16 : i32
    %mul3A_910 = arith.muli %add3A, %mul3A_909 : i32
    %dma_start3A_911 = arith.constant 3 : i32
    %dma_start3A_912 = arith.constant 48 : i32
    %dma_start3A_913 = tpu.memref_slice %arg10[%dma_start3A_912] : memref<256xf32, #tpu.memory_space<vmem>> -> memref<16xf32, #tpu.memory_space<vmem>>
    %dma_start3A_914 = tpu.memref_slice %arg5[%dma_start3A_911, %mul3A_910] : memref<16x512xf32, #tpu.memory_space<hbm>> -> memref<1x16xf32, #tpu.memory_space<hbm>>
    %dma_start3A_915 = tpu.memref_squeeze %dma_start3A_914 : memref<1x16xf32, #tpu.memory_space<hbm>> -> memref<16xf32, #tpu.memory_space<hbm>>
    %dma_start3A_916 = tpu.memref_slice %arg5[%dma_start3A_911, %mul3A_910] : memref<16x512xf32, #tpu.memory_space<hbm>> -> memref<1x16xf32, #tpu.memory_space<hbm>>
    %dma_start3A_917 = tpu.memref_squeeze %dma_start3A_916 : memref<1x16xf32, #tpu.memory_space<hbm>> -> memref<16xf32, #tpu.memory_space<hbm>>
    %dma_start3A_918 = arith.constant 48 : i32
    %dma_start3A_919 = tpu.memref_slice %arg10[%dma_start3A_918] : memref<256xf32, #tpu.memory_space<vmem>> -> memref<16xf32, #tpu.memory_space<vmem>>
    tpu.enqueue_dma source(%dma_start3A_919 : memref<16xf32, #tpu.memory_space<vmem>>) target(%dma_start3A_917 : memref<16xf32, #tpu.memory_space<hbm>>) target_semaphore(%arg11 : memref<!tpu.dma_semaphore, #tpu.memory_space<semaphore_mem>>)
    %mul3A_920 = arith.constant 16 : i32
    %mul3A_921 = arith.muli %add3A, %mul3A_920 : i32
    %dma_start3A_922 = arith.constant 4 : i32
    %dma_start3A_923 = arith.constant 64 : i32
    %dma_start3A_924 = tpu.memref_slice %arg10[%dma_start3A_923] : memref<256xf32, #tpu.memory_space<vmem>> -> memref<16xf32, #tpu.memory_space<vmem>>
    %dma_start3A_925 = tpu.memref_slice %arg5[%dma_start3A_922, %mul3A_921] : memref<16x512xf32, #tpu.memory_space<hbm>> -> memref<1x16xf32, #tpu.memory_space<hbm>>
    %dma_start3A_926 = tpu.memref_squeeze %dma_start3A_925 : memref<1x16xf32, #tpu.memory_space<hbm>> -> memref<16xf32, #tpu.memory_space<hbm>>
    %dma_start3A_927 = tpu.memref_slice %arg5[%dma_start3A_922, %mul3A_921] : memref<16x512xf32, #tpu.memory_space<hbm>> -> memref<1x16xf32, #tpu.memory_space<hbm>>
    %dma_start3A_928 = tpu.memref_squeeze %dma_start3A_927 : memref<1x16xf32, #tpu.memory_space<hbm>> -> memref<16xf32, #tpu.memory_space<hbm>>
    %dma_start3A_929 = arith.constant 64 : i32
    %dma_start3A_930 = tpu.memref_slice %arg10[%dma_start3A_929] : memref<256xf32, #tpu.memory_space<vmem>> -> memref<16xf32, #tpu.memory_space<vmem>>
    tpu.enqueue_dma source(%dma_start3A_930 : memref<16xf32, #tpu.memory_space<vmem>>) target(%dma_start3A_928 : memref<16xf32, #tpu.memory_space<hbm>>) target_semaphore(%arg11 : memref<!tpu.dma_semaphore, #tpu.memory_space<semaphore_mem>>)
    %mul3A_931 = arith.constant 16 : i32
    %mul3A_932 = arith.muli %add3A, %mul3A_931 : i32
    %dma_start3A_933 = arith.constant 5 : i32
    %dma_start3A_934 = arith.constant 80 : i32
    %dma_start3A_935 = tpu.memref_slice %arg10[%dma_start3A_934] : memref<256xf32, #tpu.memory_space<vmem>> -> memref<16xf32, #tpu.memory_space<vmem>>
    %dma_start3A_936 = tpu.memref_slice %arg5[%dma_start3A_933, %mul3A_932] : memref<16x512xf32, #tpu.memory_space<hbm>> -> memref<1x16xf32, #tpu.memory_space<hbm>>
    %dma_start3A_937 = tpu.memref_squeeze %dma_start3A_936 : memref<1x16xf32, #tpu.memory_space<hbm>> -> memref<16xf32, #tpu.memory_space<hbm>>
    %dma_start3A_938 = tpu.memref_slice %arg5[%dma_start3A_933, %mul3A_932] : memref<16x512xf32, #tpu.memory_space<hbm>> -> memref<1x16xf32, #tpu.memory_space<hbm>>
    %dma_start3A_939 = tpu.memref_squeeze %dma_start3A_938 : memref<1x16xf32, #tpu.memory_space<hbm>> -> memref<16xf32, #tpu.memory_space<hbm>>
    %dma_start3A_940 = arith.constant 80 : i32
    %dma_start3A_941 = tpu.memref_slice %arg10[%dma_start3A_940] : memref<256xf32, #tpu.memory_space<vmem>> -> memref<16xf32, #tpu.memory_space<vmem>>
    tpu.enqueue_dma source(%dma_start3A_941 : memref<16xf32, #tpu.memory_space<vmem>>) target(%dma_start3A_939 : memref<16xf32, #tpu.memory_space<hbm>>) target_semaphore(%arg11 : memref<!tpu.dma_semaphore, #tpu.memory_space<semaphore_mem>>)
    %mul3A_942 = arith.constant 16 : i32
    %mul3A_943 = arith.muli %add3A, %mul3A_942 : i32
    %dma_start3A_944 = arith.constant 6 : i32
    %dma_start3A_945 = arith.constant 96 : i32
    %dma_start3A_946 = tpu.memref_slice %arg10[%dma_start3A_945] : memref<256xf32, #tpu.memory_space<vmem>> -> memref<16xf32, #tpu.memory_space<vmem>>
    %dma_start3A_947 = tpu.memref_slice %arg5[%dma_start3A_944, %mul3A_943] : memref<16x512xf32, #tpu.memory_space<hbm>> -> memref<1x16xf32, #tpu.memory_space<hbm>>
    %dma_start3A_948 = tpu.memref_squeeze %dma_start3A_947 : memref<1x16xf32, #tpu.memory_space<hbm>> -> memref<16xf32, #tpu.memory_space<hbm>>
    %dma_start3A_949 = tpu.memref_slice %arg5[%dma_start3A_944, %mul3A_943] : memref<16x512xf32, #tpu.memory_space<hbm>> -> memref<1x16xf32, #tpu.memory_space<hbm>>
    %dma_start3A_950 = tpu.memref_squeeze %dma_start3A_949 : memref<1x16xf32, #tpu.memory_space<hbm>> -> memref<16xf32, #tpu.memory_space<hbm>>
    %dma_start3A_951 = arith.constant 96 : i32
    %dma_start3A_952 = tpu.memref_slice %arg10[%dma_start3A_951] : memref<256xf32, #tpu.memory_space<vmem>> -> memref<16xf32, #tpu.memory_space<vmem>>
    tpu.enqueue_dma source(%dma_start3A_952 : memref<16xf32, #tpu.memory_space<vmem>>) target(%dma_start3A_950 : memref<16xf32, #tpu.memory_space<hbm>>) target_semaphore(%arg11 : memref<!tpu.dma_semaphore, #tpu.memory_space<semaphore_mem>>)
    %mul3A_953 = arith.constant 16 : i32
    %mul3A_954 = arith.muli %add3A, %mul3A_953 : i32
    %dma_start3A_955 = arith.constant 7 : i32
    %dma_start3A_956 = arith.constant 112 : i32
    %dma_start3A_957 = tpu.memref_slice %arg10[%dma_start3A_956] : memref<256xf32, #tpu.memory_space<vmem>> -> memref<16xf32, #tpu.memory_space<vmem>>
    %dma_start3A_958 = tpu.memref_slice %arg5[%dma_start3A_955, %mul3A_954] : memref<16x512xf32, #tpu.memory_space<hbm>> -> memref<1x16xf32, #tpu.memory_space<hbm>>
    %dma_start3A_959 = tpu.memref_squeeze %dma_start3A_958 : memref<1x16xf32, #tpu.memory_space<hbm>> -> memref<16xf32, #tpu.memory_space<hbm>>
    %dma_start3A_960 = tpu.memref_slice %arg5[%dma_start3A_955, %mul3A_954] : memref<16x512xf32, #tpu.memory_space<hbm>> -> memref<1x16xf32, #tpu.memory_space<hbm>>
    %dma_start3A_961 = tpu.memref_squeeze %dma_start3A_960 : memref<1x16xf32, #tpu.memory_space<hbm>> -> memref<16xf32, #tpu.memory_space<hbm>>
    %dma_start3A_962 = arith.constant 112 : i32
    %dma_start3A_963 = tpu.memref_slice %arg10[%dma_start3A_962] : memref<256xf32, #tpu.memory_space<vmem>> -> memref<16xf32, #tpu.memory_space<vmem>>
    tpu.enqueue_dma source(%dma_start3A_963 : memref<16xf32, #tpu.memory_space<vmem>>) target(%dma_start3A_961 : memref<16xf32, #tpu.memory_space<hbm>>) target_semaphore(%arg11 : memref<!tpu.dma_semaphore, #tpu.memory_space<semaphore_mem>>)
    %mul3A_964 = arith.constant 16 : i32
    %mul3A_965 = arith.muli %add3A, %mul3A_964 : i32
    %dma_start3A_966 = arith.constant 8 : i32
    %dma_start3A_967 = arith.constant 128 : i32
    %dma_start3A_968 = tpu.memref_slice %arg10[%dma_start3A_967] : memref<256xf32, #tpu.memory_space<vmem>> -> memref<16xf32, #tpu.memory_space<vmem>>
    %dma_start3A_969 = tpu.memref_slice %arg5[%dma_start3A_966, %mul3A_965] : memref<16x512xf32, #tpu.memory_space<hbm>> -> memref<1x16xf32, #tpu.memory_space<hbm>>
    %dma_start3A_970 = tpu.memref_squeeze %dma_start3A_969 : memref<1x16xf32, #tpu.memory_space<hbm>> -> memref<16xf32, #tpu.memory_space<hbm>>
    %dma_start3A_971 = tpu.memref_slice %arg5[%dma_start3A_966, %mul3A_965] : memref<16x512xf32, #tpu.memory_space<hbm>> -> memref<1x16xf32, #tpu.memory_space<hbm>>
    %dma_start3A_972 = tpu.memref_squeeze %dma_start3A_971 : memref<1x16xf32, #tpu.memory_space<hbm>> -> memref<16xf32, #tpu.memory_space<hbm>>
    %dma_start3A_973 = arith.constant 128 : i32
    %dma_start3A_974 = tpu.memref_slice %arg10[%dma_start3A_973] : memref<256xf32, #tpu.memory_space<vmem>> -> memref<16xf32, #tpu.memory_space<vmem>>
    tpu.enqueue_dma source(%dma_start3A_974 : memref<16xf32, #tpu.memory_space<vmem>>) target(%dma_start3A_972 : memref<16xf32, #tpu.memory_space<hbm>>) target_semaphore(%arg11 : memref<!tpu.dma_semaphore, #tpu.memory_space<semaphore_mem>>)
    %mul3A_975 = arith.constant 16 : i32
    %mul3A_976 = arith.muli %add3A, %mul3A_975 : i32
    %dma_start3A_977 = arith.constant 9 : i32
    %dma_start3A_978 = arith.constant 144 : i32
    %dma_start3A_979 = tpu.memref_slice %arg10[%dma_start3A_978] : memref<256xf32, #tpu.memory_space<vmem>> -> memref<16xf32, #tpu.memory_space<vmem>>
    %dma_start3A_980 = tpu.memref_slice %arg5[%dma_start3A_977, %mul3A_976] : memref<16x512xf32, #tpu.memory_space<hbm>> -> memref<1x16xf32, #tpu.memory_space<hbm>>
    %dma_start3A_981 = tpu.memref_squeeze %dma_start3A_980 : memref<1x16xf32, #tpu.memory_space<hbm>> -> memref<16xf32, #tpu.memory_space<hbm>>
    %dma_start3A_982 = tpu.memref_slice %arg5[%dma_start3A_977, %mul3A_976] : memref<16x512xf32, #tpu.memory_space<hbm>> -> memref<1x16xf32, #tpu.memory_space<hbm>>
    %dma_start3A_983 = tpu.memref_squeeze %dma_start3A_982 : memref<1x16xf32, #tpu.memory_space<hbm>> -> memref<16xf32, #tpu.memory_space<hbm>>
    %dma_start3A_984 = arith.constant 144 : i32
    %dma_start3A_985 = tpu.memref_slice %arg10[%dma_start3A_984] : memref<256xf32, #tpu.memory_space<vmem>> -> memref<16xf32, #tpu.memory_space<vmem>>
    tpu.enqueue_dma source(%dma_start3A_985 : memref<16xf32, #tpu.memory_space<vmem>>) target(%dma_start3A_983 : memref<16xf32, #tpu.memory_space<hbm>>) target_semaphore(%arg11 : memref<!tpu.dma_semaphore, #tpu.memory_space<semaphore_mem>>)
    %mul3A_986 = arith.constant 16 : i32
    %mul3A_987 = arith.muli %add3A, %mul3A_986 : i32
    %dma_start3A_988 = arith.constant 10 : i32
    %dma_start3A_989 = arith.constant 160 : i32
    %dma_start3A_990 = tpu.memref_slice %arg10[%dma_start3A_989] : memref<256xf32, #tpu.memory_space<vmem>> -> memref<16xf32, #tpu.memory_space<vmem>>
    %dma_start3A_991 = tpu.memref_slice %arg5[%dma_start3A_988, %mul3A_987] : memref<16x512xf32, #tpu.memory_space<hbm>> -> memref<1x16xf32, #tpu.memory_space<hbm>>
    %dma_start3A_992 = tpu.memref_squeeze %dma_start3A_991 : memref<1x16xf32, #tpu.memory_space<hbm>> -> memref<16xf32, #tpu.memory_space<hbm>>
    %dma_start3A_993 = tpu.memref_slice %arg5[%dma_start3A_988, %mul3A_987] : memref<16x512xf32, #tpu.memory_space<hbm>> -> memref<1x16xf32, #tpu.memory_space<hbm>>
    %dma_start3A_994 = tpu.memref_squeeze %dma_start3A_993 : memref<1x16xf32, #tpu.memory_space<hbm>> -> memref<16xf32, #tpu.memory_space<hbm>>
    %dma_start3A_995 = arith.constant 160 : i32
    %dma_start3A_996 = tpu.memref_slice %arg10[%dma_start3A_995] : memref<256xf32, #tpu.memory_space<vmem>> -> memref<16xf32, #tpu.memory_space<vmem>>
    tpu.enqueue_dma source(%dma_start3A_996 : memref<16xf32, #tpu.memory_space<vmem>>) target(%dma_start3A_994 : memref<16xf32, #tpu.memory_space<hbm>>) target_semaphore(%arg11 : memref<!tpu.dma_semaphore, #tpu.memory_space<semaphore_mem>>)
    %mul3A_997 = arith.constant 16 : i32
    %mul3A_998 = arith.muli %add3A, %mul3A_997 : i32
    %dma_start3A_999 = arith.constant 11 : i32
    %dma_start3A_1000 = arith.constant 176 : i32
    %dma_start3A_1001 = tpu.memref_slice %arg10[%dma_start3A_1000] : memref<256xf32, #tpu.memory_space<vmem>> -> memref<16xf32, #tpu.memory_space<vmem>>
    %dma_start3A_1002 = tpu.memref_slice %arg5[%dma_start3A_999, %mul3A_998] : memref<16x512xf32, #tpu.memory_space<hbm>> -> memref<1x16xf32, #tpu.memory_space<hbm>>
    %dma_start3A_1003 = tpu.memref_squeeze %dma_start3A_1002 : memref<1x16xf32, #tpu.memory_space<hbm>> -> memref<16xf32, #tpu.memory_space<hbm>>
    %dma_start3A_1004 = tpu.memref_slice %arg5[%dma_start3A_999, %mul3A_998] : memref<16x512xf32, #tpu.memory_space<hbm>> -> memref<1x16xf32, #tpu.memory_space<hbm>>
    %dma_start3A_1005 = tpu.memref_squeeze %dma_start3A_1004 : memref<1x16xf32, #tpu.memory_space<hbm>> -> memref<16xf32, #tpu.memory_space<hbm>>
    %dma_start3A_1006 = arith.constant 176 : i32
    %dma_start3A_1007 = tpu.memref_slice %arg10[%dma_start3A_1006] : memref<256xf32, #tpu.memory_space<vmem>> -> memref<16xf32, #tpu.memory_space<vmem>>
    tpu.enqueue_dma source(%dma_start3A_1007 : memref<16xf32, #tpu.memory_space<vmem>>) target(%dma_start3A_1005 : memref<16xf32, #tpu.memory_space<hbm>>) target_semaphore(%arg11 : memref<!tpu.dma_semaphore, #tpu.memory_space<semaphore_mem>>)
    %mul3A_1008 = arith.constant 16 : i32
    %mul3A_1009 = arith.muli %add3A, %mul3A_1008 : i32
    %dma_start3A_1010 = arith.constant 12 : i32
    %dma_start3A_1011 = arith.constant 192 : i32
    %dma_start3A_1012 = tpu.memref_slice %arg10[%dma_start3A_1011] : memref<256xf32, #tpu.memory_space<vmem>> -> memref<16xf32, #tpu.memory_space<vmem>>
    %dma_start3A_1013 = tpu.memref_slice %arg5[%dma_start3A_1010, %mul3A_1009] : memref<16x512xf32, #tpu.memory_space<hbm>> -> memref<1x16xf32, #tpu.memory_space<hbm>>
    %dma_start3A_1014 = tpu.memref_squeeze %dma_start3A_1013 : memref<1x16xf32, #tpu.memory_space<hbm>> -> memref<16xf32, #tpu.memory_space<hbm>>
    %dma_start3A_1015 = tpu.memref_slice %arg5[%dma_start3A_1010, %mul3A_1009] : memref<16x512xf32, #tpu.memory_space<hbm>> -> memref<1x16xf32, #tpu.memory_space<hbm>>
    %dma_start3A_1016 = tpu.memref_squeeze %dma_start3A_1015 : memref<1x16xf32, #tpu.memory_space<hbm>> -> memref<16xf32, #tpu.memory_space<hbm>>
    %dma_start3A_1017 = arith.constant 192 : i32
    %dma_start3A_1018 = tpu.memref_slice %arg10[%dma_start3A_1017] : memref<256xf32, #tpu.memory_space<vmem>> -> memref<16xf32, #tpu.memory_space<vmem>>
    tpu.enqueue_dma source(%dma_start3A_1018 : memref<16xf32, #tpu.memory_space<vmem>>) target(%dma_start3A_1016 : memref<16xf32, #tpu.memory_space<hbm>>) target_semaphore(%arg11 : memref<!tpu.dma_semaphore, #tpu.memory_space<semaphore_mem>>)
    %mul3A_1019 = arith.constant 16 : i32
    %mul3A_1020 = arith.muli %add3A, %mul3A_1019 : i32
    %dma_start3A_1021 = arith.constant 13 : i32
    %dma_start3A_1022 = arith.constant 208 : i32
    %dma_start3A_1023 = tpu.memref_slice %arg10[%dma_start3A_1022] : memref<256xf32, #tpu.memory_space<vmem>> -> memref<16xf32, #tpu.memory_space<vmem>>
    %dma_start3A_1024 = tpu.memref_slice %arg5[%dma_start3A_1021, %mul3A_1020] : memref<16x512xf32, #tpu.memory_space<hbm>> -> memref<1x16xf32, #tpu.memory_space<hbm>>
    %dma_start3A_1025 = tpu.memref_squeeze %dma_start3A_1024 : memref<1x16xf32, #tpu.memory_space<hbm>> -> memref<16xf32, #tpu.memory_space<hbm>>
    %dma_start3A_1026 = tpu.memref_slice %arg5[%dma_start3A_1021, %mul3A_1020] : memref<16x512xf32, #tpu.memory_space<hbm>> -> memref<1x16xf32, #tpu.memory_space<hbm>>
    %dma_start3A_1027 = tpu.memref_squeeze %dma_start3A_1026 : memref<1x16xf32, #tpu.memory_space<hbm>> -> memref<16xf32, #tpu.memory_space<hbm>>
    %dma_start3A_1028 = arith.constant 208 : i32
    %dma_start3A_1029 = tpu.memref_slice %arg10[%dma_start3A_1028] : memref<256xf32, #tpu.memory_space<vmem>> -> memref<16xf32, #tpu.memory_space<vmem>>
    tpu.enqueue_dma source(%dma_start3A_1029 : memref<16xf32, #tpu.memory_space<vmem>>) target(%dma_start3A_1027 : memref<16xf32, #tpu.memory_space<hbm>>) target_semaphore(%arg11 : memref<!tpu.dma_semaphore, #tpu.memory_space<semaphore_mem>>)
    %mul3A_1030 = arith.constant 16 : i32
    %mul3A_1031 = arith.muli %add3A, %mul3A_1030 : i32
    %dma_start3A_1032 = arith.constant 14 : i32
    %dma_start3A_1033 = arith.constant 224 : i32
    %dma_start3A_1034 = tpu.memref_slice %arg10[%dma_start3A_1033] : memref<256xf32, #tpu.memory_space<vmem>> -> memref<16xf32, #tpu.memory_space<vmem>>
    %dma_start3A_1035 = tpu.memref_slice %arg5[%dma_start3A_1032, %mul3A_1031] : memref<16x512xf32, #tpu.memory_space<hbm>> -> memref<1x16xf32, #tpu.memory_space<hbm>>
    %dma_start3A_1036 = tpu.memref_squeeze %dma_start3A_1035 : memref<1x16xf32, #tpu.memory_space<hbm>> -> memref<16xf32, #tpu.memory_space<hbm>>
    %dma_start3A_1037 = tpu.memref_slice %arg5[%dma_start3A_1032, %mul3A_1031] : memref<16x512xf32, #tpu.memory_space<hbm>> -> memref<1x16xf32, #tpu.memory_space<hbm>>
    %dma_start3A_1038 = tpu.memref_squeeze %dma_start3A_1037 : memref<1x16xf32, #tpu.memory_space<hbm>> -> memref<16xf32, #tpu.memory_space<hbm>>
    %dma_start3A_1039 = arith.constant 224 : i32
    %dma_start3A_1040 = tpu.memref_slice %arg10[%dma_start3A_1039] : memref<256xf32, #tpu.memory_space<vmem>> -> memref<16xf32, #tpu.memory_space<vmem>>
    tpu.enqueue_dma source(%dma_start3A_1040 : memref<16xf32, #tpu.memory_space<vmem>>) target(%dma_start3A_1038 : memref<16xf32, #tpu.memory_space<hbm>>) target_semaphore(%arg11 : memref<!tpu.dma_semaphore, #tpu.memory_space<semaphore_mem>>)
    %mul3A_1041 = arith.constant 16 : i32
    %mul3A_1042 = arith.muli %add3A, %mul3A_1041 : i32
    %dma_start3A_1043 = arith.constant 15 : i32
    %dma_start3A_1044 = arith.constant 240 : i32
    %dma_start3A_1045 = tpu.memref_slice %arg10[%dma_start3A_1044] : memref<256xf32, #tpu.memory_space<vmem>> -> memref<16xf32, #tpu.memory_space<vmem>>
    %dma_start3A_1046 = tpu.memref_slice %arg5[%dma_start3A_1043, %mul3A_1042] : memref<16x512xf32, #tpu.memory_space<hbm>> -> memref<1x16xf32, #tpu.memory_space<hbm>>
    %dma_start3A_1047 = tpu.memref_squeeze %dma_start3A_1046 : memref<1x16xf32, #tpu.memory_space<hbm>> -> memref<16xf32, #tpu.memory_space<hbm>>
    %dma_start3A_1048 = tpu.memref_slice %arg5[%dma_start3A_1043, %mul3A_1042] : memref<16x512xf32, #tpu.memory_space<hbm>> -> memref<1x16xf32, #tpu.memory_space<hbm>>
    %dma_start3A_1049 = tpu.memref_squeeze %dma_start3A_1048 : memref<1x16xf32, #tpu.memory_space<hbm>> -> memref<16xf32, #tpu.memory_space<hbm>>
    %dma_start3A_1050 = arith.constant 240 : i32
    %dma_start3A_1051 = tpu.memref_slice %arg10[%dma_start3A_1050] : memref<256xf32, #tpu.memory_space<vmem>> -> memref<16xf32, #tpu.memory_space<vmem>>
    tpu.enqueue_dma source(%dma_start3A_1051 : memref<16xf32, #tpu.memory_space<vmem>>) target(%dma_start3A_1049 : memref<16xf32, #tpu.memory_space<hbm>>) target_semaphore(%arg11 : memref<!tpu.dma_semaphore, #tpu.memory_space<semaphore_mem>>)
    %dma_wait3A_1052 = arith.constant 0 : i32
    %dma_wait3A_1053 = arith.constant 0 : i32
    %dma_wait3A_1054 = tpu.memref_slice %arg10[%dma_wait3A_1053] : memref<256xf32, #tpu.memory_space<vmem>> -> memref<16xf32, #tpu.memory_space<vmem>>
    %dma_wait3A_1055 = tpu.memref_slice %arg5[%dma_wait3A_1052, %mul3A_877] : memref<16x512xf32, #tpu.memory_space<hbm>> -> memref<1x16xf32, #tpu.memory_space<hbm>>
    %dma_wait3A_1056 = tpu.memref_squeeze %dma_wait3A_1055 : memref<1x16xf32, #tpu.memory_space<hbm>> -> memref<16xf32, #tpu.memory_space<hbm>>
    %dma_wait3A_1057 = tpu.memref_slice %arg5[%dma_wait3A_1052, %mul3A_877] : memref<16x512xf32, #tpu.memory_space<hbm>> -> memref<1x16xf32, #tpu.memory_space<hbm>>
    %dma_wait3A_1058 = tpu.memref_squeeze %dma_wait3A_1057 : memref<1x16xf32, #tpu.memory_space<hbm>> -> memref<16xf32, #tpu.memory_space<hbm>>
    %dma_wait3A_1059 = arith.constant 0 : i32
    %dma_wait3A_1060 = tpu.memref_slice %arg10[%dma_wait3A_1059] : memref<256xf32, #tpu.memory_space<vmem>> -> memref<16xf32, #tpu.memory_space<vmem>>
    tpu.wait_dma2 semaphore(%arg11 : memref<!tpu.dma_semaphore, #tpu.memory_space<semaphore_mem>>) src(%dma_wait3A_1060 : memref<16xf32, #tpu.memory_space<vmem>>) dst(%dma_wait3A_1058 : memref<16xf32, #tpu.memory_space<hbm>>)
    %dma_wait3A_1061 = arith.constant 1 : i32
    %dma_wait3A_1062 = arith.constant 16 : i32
    %dma_wait3A_1063 = tpu.memref_slice %arg10[%dma_wait3A_1062] : memref<256xf32, #tpu.memory_space<vmem>> -> memref<16xf32, #tpu.memory_space<vmem>>
    %dma_wait3A_1064 = tpu.memref_slice %arg5[%dma_wait3A_1061, %mul3A_888] : memref<16x512xf32, #tpu.memory_space<hbm>> -> memref<1x16xf32, #tpu.memory_space<hbm>>
    %dma_wait3A_1065 = tpu.memref_squeeze %dma_wait3A_1064 : memref<1x16xf32, #tpu.memory_space<hbm>> -> memref<16xf32, #tpu.memory_space<hbm>>
    %dma_wait3A_1066 = tpu.memref_slice %arg5[%dma_wait3A_1061, %mul3A_888] : memref<16x512xf32, #tpu.memory_space<hbm>> -> memref<1x16xf32, #tpu.memory_space<hbm>>
    %dma_wait3A_1067 = tpu.memref_squeeze %dma_wait3A_1066 : memref<1x16xf32, #tpu.memory_space<hbm>> -> memref<16xf32, #tpu.memory_space<hbm>>
    %dma_wait3A_1068 = arith.constant 16 : i32
    %dma_wait3A_1069 = tpu.memref_slice %arg10[%dma_wait3A_1068] : memref<256xf32, #tpu.memory_space<vmem>> -> memref<16xf32, #tpu.memory_space<vmem>>
    tpu.wait_dma2 semaphore(%arg11 : memref<!tpu.dma_semaphore, #tpu.memory_space<semaphore_mem>>) src(%dma_wait3A_1069 : memref<16xf32, #tpu.memory_space<vmem>>) dst(%dma_wait3A_1067 : memref<16xf32, #tpu.memory_space<hbm>>)
    %dma_wait3A_1070 = arith.constant 2 : i32
    %dma_wait3A_1071 = arith.constant 32 : i32
    %dma_wait3A_1072 = tpu.memref_slice %arg10[%dma_wait3A_1071] : memref<256xf32, #tpu.memory_space<vmem>> -> memref<16xf32, #tpu.memory_space<vmem>>
    %dma_wait3A_1073 = tpu.memref_slice %arg5[%dma_wait3A_1070, %mul3A_899] : memref<16x512xf32, #tpu.memory_space<hbm>> -> memref<1x16xf32, #tpu.memory_space<hbm>>
    %dma_wait3A_1074 = tpu.memref_squeeze %dma_wait3A_1073 : memref<1x16xf32, #tpu.memory_space<hbm>> -> memref<16xf32, #tpu.memory_space<hbm>>
    %dma_wait3A_1075 = tpu.memref_slice %arg5[%dma_wait3A_1070, %mul3A_899] : memref<16x512xf32, #tpu.memory_space<hbm>> -> memref<1x16xf32, #tpu.memory_space<hbm>>
    %dma_wait3A_1076 = tpu.memref_squeeze %dma_wait3A_1075 : memref<1x16xf32, #tpu.memory_space<hbm>> -> memref<16xf32, #tpu.memory_space<hbm>>
    %dma_wait3A_1077 = arith.constant 32 : i32
    %dma_wait3A_1078 = tpu.memref_slice %arg10[%dma_wait3A_1077] : memref<256xf32, #tpu.memory_space<vmem>> -> memref<16xf32, #tpu.memory_space<vmem>>
    tpu.wait_dma2 semaphore(%arg11 : memref<!tpu.dma_semaphore, #tpu.memory_space<semaphore_mem>>) src(%dma_wait3A_1078 : memref<16xf32, #tpu.memory_space<vmem>>) dst(%dma_wait3A_1076 : memref<16xf32, #tpu.memory_space<hbm>>)
    %dma_wait3A_1079 = arith.constant 3 : i32
    %dma_wait3A_1080 = arith.constant 48 : i32
    %dma_wait3A_1081 = tpu.memref_slice %arg10[%dma_wait3A_1080] : memref<256xf32, #tpu.memory_space<vmem>> -> memref<16xf32, #tpu.memory_space<vmem>>
    %dma_wait3A_1082 = tpu.memref_slice %arg5[%dma_wait3A_1079, %mul3A_910] : memref<16x512xf32, #tpu.memory_space<hbm>> -> memref<1x16xf32, #tpu.memory_space<hbm>>
    %dma_wait3A_1083 = tpu.memref_squeeze %dma_wait3A_1082 : memref<1x16xf32, #tpu.memory_space<hbm>> -> memref<16xf32, #tpu.memory_space<hbm>>
    %dma_wait3A_1084 = tpu.memref_slice %arg5[%dma_wait3A_1079, %mul3A_910] : memref<16x512xf32, #tpu.memory_space<hbm>> -> memref<1x16xf32, #tpu.memory_space<hbm>>
    %dma_wait3A_1085 = tpu.memref_squeeze %dma_wait3A_1084 : memref<1x16xf32, #tpu.memory_space<hbm>> -> memref<16xf32, #tpu.memory_space<hbm>>
    %dma_wait3A_1086 = arith.constant 48 : i32
    %dma_wait3A_1087 = tpu.memref_slice %arg10[%dma_wait3A_1086] : memref<256xf32, #tpu.memory_space<vmem>> -> memref<16xf32, #tpu.memory_space<vmem>>
    tpu.wait_dma2 semaphore(%arg11 : memref<!tpu.dma_semaphore, #tpu.memory_space<semaphore_mem>>) src(%dma_wait3A_1087 : memref<16xf32, #tpu.memory_space<vmem>>) dst(%dma_wait3A_1085 : memref<16xf32, #tpu.memory_space<hbm>>)
    %dma_wait3A_1088 = arith.constant 4 : i32
    %dma_wait3A_1089 = arith.constant 64 : i32
    %dma_wait3A_1090 = tpu.memref_slice %arg10[%dma_wait3A_1089] : memref<256xf32, #tpu.memory_space<vmem>> -> memref<16xf32, #tpu.memory_space<vmem>>
    %dma_wait3A_1091 = tpu.memref_slice %arg5[%dma_wait3A_1088, %mul3A_921] : memref<16x512xf32, #tpu.memory_space<hbm>> -> memref<1x16xf32, #tpu.memory_space<hbm>>
    %dma_wait3A_1092 = tpu.memref_squeeze %dma_wait3A_1091 : memref<1x16xf32, #tpu.memory_space<hbm>> -> memref<16xf32, #tpu.memory_space<hbm>>
    %dma_wait3A_1093 = tpu.memref_slice %arg5[%dma_wait3A_1088, %mul3A_921] : memref<16x512xf32, #tpu.memory_space<hbm>> -> memref<1x16xf32, #tpu.memory_space<hbm>>
    %dma_wait3A_1094 = tpu.memref_squeeze %dma_wait3A_1093 : memref<1x16xf32, #tpu.memory_space<hbm>> -> memref<16xf32, #tpu.memory_space<hbm>>
    %dma_wait3A_1095 = arith.constant 64 : i32
    %dma_wait3A_1096 = tpu.memref_slice %arg10[%dma_wait3A_1095] : memref<256xf32, #tpu.memory_space<vmem>> -> memref<16xf32, #tpu.memory_space<vmem>>
    tpu.wait_dma2 semaphore(%arg11 : memref<!tpu.dma_semaphore, #tpu.memory_space<semaphore_mem>>) src(%dma_wait3A_1096 : memref<16xf32, #tpu.memory_space<vmem>>) dst(%dma_wait3A_1094 : memref<16xf32, #tpu.memory_space<hbm>>)
    %dma_wait3A_1097 = arith.constant 5 : i32
    %dma_wait3A_1098 = arith.constant 80 : i32
    %dma_wait3A_1099 = tpu.memref_slice %arg10[%dma_wait3A_1098] : memref<256xf32, #tpu.memory_space<vmem>> -> memref<16xf32, #tpu.memory_space<vmem>>
    %dma_wait3A_1100 = tpu.memref_slice %arg5[%dma_wait3A_1097, %mul3A_932] : memref<16x512xf32, #tpu.memory_space<hbm>> -> memref<1x16xf32, #tpu.memory_space<hbm>>
    %dma_wait3A_1101 = tpu.memref_squeeze %dma_wait3A_1100 : memref<1x16xf32, #tpu.memory_space<hbm>> -> memref<16xf32, #tpu.memory_space<hbm>>
    %dma_wait3A_1102 = tpu.memref_slice %arg5[%dma_wait3A_1097, %mul3A_932] : memref<16x512xf32, #tpu.memory_space<hbm>> -> memref<1x16xf32, #tpu.memory_space<hbm>>
    %dma_wait3A_1103 = tpu.memref_squeeze %dma_wait3A_1102 : memref<1x16xf32, #tpu.memory_space<hbm>> -> memref<16xf32, #tpu.memory_space<hbm>>
    %dma_wait3A_1104 = arith.constant 80 : i32
    %dma_wait3A_1105 = tpu.memref_slice %arg10[%dma_wait3A_1104] : memref<256xf32, #tpu.memory_space<vmem>> -> memref<16xf32, #tpu.memory_space<vmem>>
    tpu.wait_dma2 semaphore(%arg11 : memref<!tpu.dma_semaphore, #tpu.memory_space<semaphore_mem>>) src(%dma_wait3A_1105 : memref<16xf32, #tpu.memory_space<vmem>>) dst(%dma_wait3A_1103 : memref<16xf32, #tpu.memory_space<hbm>>)
    %dma_wait3A_1106 = arith.constant 6 : i32
    %dma_wait3A_1107 = arith.constant 96 : i32
    %dma_wait3A_1108 = tpu.memref_slice %arg10[%dma_wait3A_1107] : memref<256xf32, #tpu.memory_space<vmem>> -> memref<16xf32, #tpu.memory_space<vmem>>
    %dma_wait3A_1109 = tpu.memref_slice %arg5[%dma_wait3A_1106, %mul3A_943] : memref<16x512xf32, #tpu.memory_space<hbm>> -> memref<1x16xf32, #tpu.memory_space<hbm>>
    %dma_wait3A_1110 = tpu.memref_squeeze %dma_wait3A_1109 : memref<1x16xf32, #tpu.memory_space<hbm>> -> memref<16xf32, #tpu.memory_space<hbm>>
    %dma_wait3A_1111 = tpu.memref_slice %arg5[%dma_wait3A_1106, %mul3A_943] : memref<16x512xf32, #tpu.memory_space<hbm>> -> memref<1x16xf32, #tpu.memory_space<hbm>>
    %dma_wait3A_1112 = tpu.memref_squeeze %dma_wait3A_1111 : memref<1x16xf32, #tpu.memory_space<hbm>> -> memref<16xf32, #tpu.memory_space<hbm>>
    %dma_wait3A_1113 = arith.constant 96 : i32
    %dma_wait3A_1114 = tpu.memref_slice %arg10[%dma_wait3A_1113] : memref<256xf32, #tpu.memory_space<vmem>> -> memref<16xf32, #tpu.memory_space<vmem>>
    tpu.wait_dma2 semaphore(%arg11 : memref<!tpu.dma_semaphore, #tpu.memory_space<semaphore_mem>>) src(%dma_wait3A_1114 : memref<16xf32, #tpu.memory_space<vmem>>) dst(%dma_wait3A_1112 : memref<16xf32, #tpu.memory_space<hbm>>)
    %dma_wait3A_1115 = arith.constant 7 : i32
    %dma_wait3A_1116 = arith.constant 112 : i32
    %dma_wait3A_1117 = tpu.memref_slice %arg10[%dma_wait3A_1116] : memref<256xf32, #tpu.memory_space<vmem>> -> memref<16xf32, #tpu.memory_space<vmem>>
    %dma_wait3A_1118 = tpu.memref_slice %arg5[%dma_wait3A_1115, %mul3A_954] : memref<16x512xf32, #tpu.memory_space<hbm>> -> memref<1x16xf32, #tpu.memory_space<hbm>>
    %dma_wait3A_1119 = tpu.memref_squeeze %dma_wait3A_1118 : memref<1x16xf32, #tpu.memory_space<hbm>> -> memref<16xf32, #tpu.memory_space<hbm>>
    %dma_wait3A_1120 = tpu.memref_slice %arg5[%dma_wait3A_1115, %mul3A_954] : memref<16x512xf32, #tpu.memory_space<hbm>> -> memref<1x16xf32, #tpu.memory_space<hbm>>
    %dma_wait3A_1121 = tpu.memref_squeeze %dma_wait3A_1120 : memref<1x16xf32, #tpu.memory_space<hbm>> -> memref<16xf32, #tpu.memory_space<hbm>>
    %dma_wait3A_1122 = arith.constant 112 : i32
    %dma_wait3A_1123 = tpu.memref_slice %arg10[%dma_wait3A_1122] : memref<256xf32, #tpu.memory_space<vmem>> -> memref<16xf32, #tpu.memory_space<vmem>>
    tpu.wait_dma2 semaphore(%arg11 : memref<!tpu.dma_semaphore, #tpu.memory_space<semaphore_mem>>) src(%dma_wait3A_1123 : memref<16xf32, #tpu.memory_space<vmem>>) dst(%dma_wait3A_1121 : memref<16xf32, #tpu.memory_space<hbm>>)
    %dma_wait3A_1124 = arith.constant 8 : i32
    %dma_wait3A_1125 = arith.constant 128 : i32
    %dma_wait3A_1126 = tpu.memref_slice %arg10[%dma_wait3A_1125] : memref<256xf32, #tpu.memory_space<vmem>> -> memref<16xf32, #tpu.memory_space<vmem>>
    %dma_wait3A_1127 = tpu.memref_slice %arg5[%dma_wait3A_1124, %mul3A_965] : memref<16x512xf32, #tpu.memory_space<hbm>> -> memref<1x16xf32, #tpu.memory_space<hbm>>
    %dma_wait3A_1128 = tpu.memref_squeeze %dma_wait3A_1127 : memref<1x16xf32, #tpu.memory_space<hbm>> -> memref<16xf32, #tpu.memory_space<hbm>>
    %dma_wait3A_1129 = tpu.memref_slice %arg5[%dma_wait3A_1124, %mul3A_965] : memref<16x512xf32, #tpu.memory_space<hbm>> -> memref<1x16xf32, #tpu.memory_space<hbm>>
    %dma_wait3A_1130 = tpu.memref_squeeze %dma_wait3A_1129 : memref<1x16xf32, #tpu.memory_space<hbm>> -> memref<16xf32, #tpu.memory_space<hbm>>
    %dma_wait3A_1131 = arith.constant 128 : i32
    %dma_wait3A_1132 = tpu.memref_slice %arg10[%dma_wait3A_1131] : memref<256xf32, #tpu.memory_space<vmem>> -> memref<16xf32, #tpu.memory_space<vmem>>
    tpu.wait_dma2 semaphore(%arg11 : memref<!tpu.dma_semaphore, #tpu.memory_space<semaphore_mem>>) src(%dma_wait3A_1132 : memref<16xf32, #tpu.memory_space<vmem>>) dst(%dma_wait3A_1130 : memref<16xf32, #tpu.memory_space<hbm>>)
    %dma_wait3A_1133 = arith.constant 9 : i32
    %dma_wait3A_1134 = arith.constant 144 : i32
    %dma_wait3A_1135 = tpu.memref_slice %arg10[%dma_wait3A_1134] : memref<256xf32, #tpu.memory_space<vmem>> -> memref<16xf32, #tpu.memory_space<vmem>>
    %dma_wait3A_1136 = tpu.memref_slice %arg5[%dma_wait3A_1133, %mul3A_976] : memref<16x512xf32, #tpu.memory_space<hbm>> -> memref<1x16xf32, #tpu.memory_space<hbm>>
    %dma_wait3A_1137 = tpu.memref_squeeze %dma_wait3A_1136 : memref<1x16xf32, #tpu.memory_space<hbm>> -> memref<16xf32, #tpu.memory_space<hbm>>
    %dma_wait3A_1138 = tpu.memref_slice %arg5[%dma_wait3A_1133, %mul3A_976] : memref<16x512xf32, #tpu.memory_space<hbm>> -> memref<1x16xf32, #tpu.memory_space<hbm>>
    %dma_wait3A_1139 = tpu.memref_squeeze %dma_wait3A_1138 : memref<1x16xf32, #tpu.memory_space<hbm>> -> memref<16xf32, #tpu.memory_space<hbm>>
    %dma_wait3A_1140 = arith.constant 144 : i32
    %dma_wait3A_1141 = tpu.memref_slice %arg10[%dma_wait3A_1140] : memref<256xf32, #tpu.memory_space<vmem>> -> memref<16xf32, #tpu.memory_space<vmem>>
    tpu.wait_dma2 semaphore(%arg11 : memref<!tpu.dma_semaphore, #tpu.memory_space<semaphore_mem>>) src(%dma_wait3A_1141 : memref<16xf32, #tpu.memory_space<vmem>>) dst(%dma_wait3A_1139 : memref<16xf32, #tpu.memory_space<hbm>>)
    %dma_wait3A_1142 = arith.constant 10 : i32
    %dma_wait3A_1143 = arith.constant 160 : i32
    %dma_wait3A_1144 = tpu.memref_slice %arg10[%dma_wait3A_1143] : memref<256xf32, #tpu.memory_space<vmem>> -> memref<16xf32, #tpu.memory_space<vmem>>
    %dma_wait3A_1145 = tpu.memref_slice %arg5[%dma_wait3A_1142, %mul3A_987] : memref<16x512xf32, #tpu.memory_space<hbm>> -> memref<1x16xf32, #tpu.memory_space<hbm>>
    %dma_wait3A_1146 = tpu.memref_squeeze %dma_wait3A_1145 : memref<1x16xf32, #tpu.memory_space<hbm>> -> memref<16xf32, #tpu.memory_space<hbm>>
    %dma_wait3A_1147 = tpu.memref_slice %arg5[%dma_wait3A_1142, %mul3A_987] : memref<16x512xf32, #tpu.memory_space<hbm>> -> memref<1x16xf32, #tpu.memory_space<hbm>>
    %dma_wait3A_1148 = tpu.memref_squeeze %dma_wait3A_1147 : memref<1x16xf32, #tpu.memory_space<hbm>> -> memref<16xf32, #tpu.memory_space<hbm>>
    %dma_wait3A_1149 = arith.constant 160 : i32
    %dma_wait3A_1150 = tpu.memref_slice %arg10[%dma_wait3A_1149] : memref<256xf32, #tpu.memory_space<vmem>> -> memref<16xf32, #tpu.memory_space<vmem>>
    tpu.wait_dma2 semaphore(%arg11 : memref<!tpu.dma_semaphore, #tpu.memory_space<semaphore_mem>>) src(%dma_wait3A_1150 : memref<16xf32, #tpu.memory_space<vmem>>) dst(%dma_wait3A_1148 : memref<16xf32, #tpu.memory_space<hbm>>)
    %dma_wait3A_1151 = arith.constant 11 : i32
    %dma_wait3A_1152 = arith.constant 176 : i32
    %dma_wait3A_1153 = tpu.memref_slice %arg10[%dma_wait3A_1152] : memref<256xf32, #tpu.memory_space<vmem>> -> memref<16xf32, #tpu.memory_space<vmem>>
    %dma_wait3A_1154 = tpu.memref_slice %arg5[%dma_wait3A_1151, %mul3A_998] : memref<16x512xf32, #tpu.memory_space<hbm>> -> memref<1x16xf32, #tpu.memory_space<hbm>>
    %dma_wait3A_1155 = tpu.memref_squeeze %dma_wait3A_1154 : memref<1x16xf32, #tpu.memory_space<hbm>> -> memref<16xf32, #tpu.memory_space<hbm>>
    %dma_wait3A_1156 = tpu.memref_slice %arg5[%dma_wait3A_1151, %mul3A_998] : memref<16x512xf32, #tpu.memory_space<hbm>> -> memref<1x16xf32, #tpu.memory_space<hbm>>
    %dma_wait3A_1157 = tpu.memref_squeeze %dma_wait3A_1156 : memref<1x16xf32, #tpu.memory_space<hbm>> -> memref<16xf32, #tpu.memory_space<hbm>>
    %dma_wait3A_1158 = arith.constant 176 : i32
    %dma_wait3A_1159 = tpu.memref_slice %arg10[%dma_wait3A_1158] : memref<256xf32, #tpu.memory_space<vmem>> -> memref<16xf32, #tpu.memory_space<vmem>>
    tpu.wait_dma2 semaphore(%arg11 : memref<!tpu.dma_semaphore, #tpu.memory_space<semaphore_mem>>) src(%dma_wait3A_1159 : memref<16xf32, #tpu.memory_space<vmem>>) dst(%dma_wait3A_1157 : memref<16xf32, #tpu.memory_space<hbm>>)
    %dma_wait3A_1160 = arith.constant 12 : i32
    %dma_wait3A_1161 = arith.constant 192 : i32
    %dma_wait3A_1162 = tpu.memref_slice %arg10[%dma_wait3A_1161] : memref<256xf32, #tpu.memory_space<vmem>> -> memref<16xf32, #tpu.memory_space<vmem>>
    %dma_wait3A_1163 = tpu.memref_slice %arg5[%dma_wait3A_1160, %mul3A_1009] : memref<16x512xf32, #tpu.memory_space<hbm>> -> memref<1x16xf32, #tpu.memory_space<hbm>>
    %dma_wait3A_1164 = tpu.memref_squeeze %dma_wait3A_1163 : memref<1x16xf32, #tpu.memory_space<hbm>> -> memref<16xf32, #tpu.memory_space<hbm>>
    %dma_wait3A_1165 = tpu.memref_slice %arg5[%dma_wait3A_1160, %mul3A_1009] : memref<16x512xf32, #tpu.memory_space<hbm>> -> memref<1x16xf32, #tpu.memory_space<hbm>>
    %dma_wait3A_1166 = tpu.memref_squeeze %dma_wait3A_1165 : memref<1x16xf32, #tpu.memory_space<hbm>> -> memref<16xf32, #tpu.memory_space<hbm>>
    %dma_wait3A_1167 = arith.constant 192 : i32
    %dma_wait3A_1168 = tpu.memref_slice %arg10[%dma_wait3A_1167] : memref<256xf32, #tpu.memory_space<vmem>> -> memref<16xf32, #tpu.memory_space<vmem>>
    tpu.wait_dma2 semaphore(%arg11 : memref<!tpu.dma_semaphore, #tpu.memory_space<semaphore_mem>>) src(%dma_wait3A_1168 : memref<16xf32, #tpu.memory_space<vmem>>) dst(%dma_wait3A_1166 : memref<16xf32, #tpu.memory_space<hbm>>)
    %dma_wait3A_1169 = arith.constant 13 : i32
    %dma_wait3A_1170 = arith.constant 208 : i32
    %dma_wait3A_1171 = tpu.memref_slice %arg10[%dma_wait3A_1170] : memref<256xf32, #tpu.memory_space<vmem>> -> memref<16xf32, #tpu.memory_space<vmem>>
    %dma_wait3A_1172 = tpu.memref_slice %arg5[%dma_wait3A_1169, %mul3A_1020] : memref<16x512xf32, #tpu.memory_space<hbm>> -> memref<1x16xf32, #tpu.memory_space<hbm>>
    %dma_wait3A_1173 = tpu.memref_squeeze %dma_wait3A_1172 : memref<1x16xf32, #tpu.memory_space<hbm>> -> memref<16xf32, #tpu.memory_space<hbm>>
    %dma_wait3A_1174 = tpu.memref_slice %arg5[%dma_wait3A_1169, %mul3A_1020] : memref<16x512xf32, #tpu.memory_space<hbm>> -> memref<1x16xf32, #tpu.memory_space<hbm>>
    %dma_wait3A_1175 = tpu.memref_squeeze %dma_wait3A_1174 : memref<1x16xf32, #tpu.memory_space<hbm>> -> memref<16xf32, #tpu.memory_space<hbm>>
    %dma_wait3A_1176 = arith.constant 208 : i32
    %dma_wait3A_1177 = tpu.memref_slice %arg10[%dma_wait3A_1176] : memref<256xf32, #tpu.memory_space<vmem>> -> memref<16xf32, #tpu.memory_space<vmem>>
    tpu.wait_dma2 semaphore(%arg11 : memref<!tpu.dma_semaphore, #tpu.memory_space<semaphore_mem>>) src(%dma_wait3A_1177 : memref<16xf32, #tpu.memory_space<vmem>>) dst(%dma_wait3A_1175 : memref<16xf32, #tpu.memory_space<hbm>>)
    %dma_wait3A_1178 = arith.constant 14 : i32
    %dma_wait3A_1179 = arith.constant 224 : i32
    %dma_wait3A_1180 = tpu.memref_slice %arg10[%dma_wait3A_1179] : memref<256xf32, #tpu.memory_space<vmem>> -> memref<16xf32, #tpu.memory_space<vmem>>
    %dma_wait3A_1181 = tpu.memref_slice %arg5[%dma_wait3A_1178, %mul3A_1031] : memref<16x512xf32, #tpu.memory_space<hbm>> -> memref<1x16xf32, #tpu.memory_space<hbm>>
    %dma_wait3A_1182 = tpu.memref_squeeze %dma_wait3A_1181 : memref<1x16xf32, #tpu.memory_space<hbm>> -> memref<16xf32, #tpu.memory_space<hbm>>
    %dma_wait3A_1183 = tpu.memref_slice %arg5[%dma_wait3A_1178, %mul3A_1031] : memref<16x512xf32, #tpu.memory_space<hbm>> -> memref<1x16xf32, #tpu.memory_space<hbm>>
    %dma_wait3A_1184 = tpu.memref_squeeze %dma_wait3A_1183 : memref<1x16xf32, #tpu.memory_space<hbm>> -> memref<16xf32, #tpu.memory_space<hbm>>
    %dma_wait3A_1185 = arith.constant 224 : i32
    %dma_wait3A_1186 = tpu.memref_slice %arg10[%dma_wait3A_1185] : memref<256xf32, #tpu.memory_space<vmem>> -> memref<16xf32, #tpu.memory_space<vmem>>
    tpu.wait_dma2 semaphore(%arg11 : memref<!tpu.dma_semaphore, #tpu.memory_space<semaphore_mem>>) src(%dma_wait3A_1186 : memref<16xf32, #tpu.memory_space<vmem>>) dst(%dma_wait3A_1184 : memref<16xf32, #tpu.memory_space<hbm>>)
    %dma_wait3A_1187 = arith.constant 15 : i32
    %dma_wait3A_1188 = arith.constant 240 : i32
    %dma_wait3A_1189 = tpu.memref_slice %arg10[%dma_wait3A_1188] : memref<256xf32, #tpu.memory_space<vmem>> -> memref<16xf32, #tpu.memory_space<vmem>>
    %dma_wait3A_1190 = tpu.memref_slice %arg5[%dma_wait3A_1187, %mul3A_1042] : memref<16x512xf32, #tpu.memory_space<hbm>> -> memref<1x16xf32, #tpu.memory_space<hbm>>
    %dma_wait3A_1191 = tpu.memref_squeeze %dma_wait3A_1190 : memref<1x16xf32, #tpu.memory_space<hbm>> -> memref<16xf32, #tpu.memory_space<hbm>>
    %dma_wait3A_1192 = tpu.memref_slice %arg5[%dma_wait3A_1187, %mul3A_1042] : memref<16x512xf32, #tpu.memory_space<hbm>> -> memref<1x16xf32, #tpu.memory_space<hbm>>
    %dma_wait3A_1193 = tpu.memref_squeeze %dma_wait3A_1192 : memref<1x16xf32, #tpu.memory_space<hbm>> -> memref<16xf32, #tpu.memory_space<hbm>>
    %dma_wait3A_1194 = arith.constant 240 : i32
    %dma_wait3A_1195 = tpu.memref_slice %arg10[%dma_wait3A_1194] : memref<256xf32, #tpu.memory_space<vmem>> -> memref<16xf32, #tpu.memory_space<vmem>>
    tpu.wait_dma2 semaphore(%arg11 : memref<!tpu.dma_semaphore, #tpu.memory_space<semaphore_mem>>) src(%dma_wait3A_1195 : memref<16xf32, #tpu.memory_space<vmem>>) dst(%dma_wait3A_1193 : memref<16xf32, #tpu.memory_space<hbm>>)
    return
  }
}

module attributes {stable_mosaic.version = 14 : i64} {
  func.func @_epilogue(%arg0: memref<16x512xf32, #tpu.memory_space<vmem>>, %arg1: memref<16x1xf32, #tpu.memory_space<vmem>>, %arg2: memref<17xi32, #tpu.memory_space<smem>>, %arg3: memref<1xf32, #tpu.memory_space<smem>>, %arg4: memref<16x1xf32, #tpu.memory_space<vmem>>) attributes {dimension_semantics = [], scalar_prefetch = 0 : i64, scratch_operands = 0 : i64, tpu.core_type = #tpu.core_type<tc>} {
    %get3A = arith.constant 0 : index
    %get3A_0 = arith.constant 0 : index
    %get3A_1 = vector.load %arg0[%get3A, %get3A_0] : memref<16x512xf32, #tpu.memory_space<vmem>>, vector<16x512xf32>
    %reduce_sum3A = arith.constant dense<0.000000e+00> : vector<16xf32>
    %reduce_sum3A_2 = vector.multi_reduction <add>, %get3A_1, %reduce_sum3A [1] : vector<16x512xf32> to vector<16xf32>
    %broadcast_in_dim3A = vector.shape_cast %reduce_sum3A_2 : vector<16xf32> to vector<16x1xf32>
    %iota3A = tpu.iota {dimensions = array<i32: 0>} : vector<16x1xi32>
    %broadcast_in_dim3A_3 = arith.constant 0 : i32
    %broadcast_in_dim3A_4 = vector.broadcast %broadcast_in_dim3A_3 : i32 to vector<16x1xi32>
    %broadcast_in_dim3A_5 = arith.constant 0 : i32
    %broadcast_in_dim3A_6 = vector.broadcast %broadcast_in_dim3A_5 : i32 to vector<16x1xi32>
    %eq3A = arith.constant 0 : i32
    %eq3A_7 = vector.broadcast %eq3A : i32 to vector<16x1xi32>
    %eq3A_8 = arith.cmpi eq, %iota3A, %eq3A_7 : vector<16x1xi32>
    %get3A_9 = arith.constant 0 : index
    %get3A_10 = memref.load %arg2[%get3A_9] : memref<17xi32, #tpu.memory_space<smem>>
    %broadcast_in_dim3A_11 = vector.broadcast %get3A_10 : i32 to vector<16x1xi32>
    %select_n3A = arith.select %eq3A_8, %broadcast_in_dim3A_11, %broadcast_in_dim3A_4 : vector<16x1xi1>, vector<16x1xi32>
    %eq3A_12 = arith.constant 0 : i32
    %eq3A_13 = vector.broadcast %eq3A_12 : i32 to vector<16x1xi32>
    %eq3A_14 = arith.cmpi eq, %iota3A, %eq3A_13 : vector<16x1xi32>
    %get3A_15 = arith.constant 1 : index
    %get3A_16 = memref.load %arg2[%get3A_15] : memref<17xi32, #tpu.memory_space<smem>>
    %broadcast_in_dim3A_17 = vector.broadcast %get3A_16 : i32 to vector<16x1xi32>
    %select_n3A_18 = arith.select %eq3A_14, %broadcast_in_dim3A_17, %broadcast_in_dim3A_6 : vector<16x1xi1>, vector<16x1xi32>
    %eq3A_19 = arith.constant 1 : i32
    %eq3A_20 = vector.broadcast %eq3A_19 : i32 to vector<16x1xi32>
    %eq3A_21 = arith.cmpi eq, %iota3A, %eq3A_20 : vector<16x1xi32>
    %get3A_22 = arith.constant 1 : index
    %get3A_23 = memref.load %arg2[%get3A_22] : memref<17xi32, #tpu.memory_space<smem>>
    %broadcast_in_dim3A_24 = vector.broadcast %get3A_23 : i32 to vector<16x1xi32>
    %select_n3A_25 = arith.select %eq3A_21, %broadcast_in_dim3A_24, %select_n3A : vector<16x1xi1>, vector<16x1xi32>
    %eq3A_26 = arith.constant 1 : i32
    %eq3A_27 = vector.broadcast %eq3A_26 : i32 to vector<16x1xi32>
    %eq3A_28 = arith.cmpi eq, %iota3A, %eq3A_27 : vector<16x1xi32>
    %get3A_29 = arith.constant 2 : index
    %get3A_30 = memref.load %arg2[%get3A_29] : memref<17xi32, #tpu.memory_space<smem>>
    %broadcast_in_dim3A_31 = vector.broadcast %get3A_30 : i32 to vector<16x1xi32>
    %select_n3A_32 = arith.select %eq3A_28, %broadcast_in_dim3A_31, %select_n3A_18 : vector<16x1xi1>, vector<16x1xi32>
    %eq3A_33 = arith.constant 2 : i32
    %eq3A_34 = vector.broadcast %eq3A_33 : i32 to vector<16x1xi32>
    %eq3A_35 = arith.cmpi eq, %iota3A, %eq3A_34 : vector<16x1xi32>
    %get3A_36 = arith.constant 2 : index
    %get3A_37 = memref.load %arg2[%get3A_36] : memref<17xi32, #tpu.memory_space<smem>>
    %broadcast_in_dim3A_38 = vector.broadcast %get3A_37 : i32 to vector<16x1xi32>
    %select_n3A_39 = arith.select %eq3A_35, %broadcast_in_dim3A_38, %select_n3A_25 : vector<16x1xi1>, vector<16x1xi32>
    %eq3A_40 = arith.constant 2 : i32
    %eq3A_41 = vector.broadcast %eq3A_40 : i32 to vector<16x1xi32>
    %eq3A_42 = arith.cmpi eq, %iota3A, %eq3A_41 : vector<16x1xi32>
    %get3A_43 = arith.constant 3 : index
    %get3A_44 = memref.load %arg2[%get3A_43] : memref<17xi32, #tpu.memory_space<smem>>
    %broadcast_in_dim3A_45 = vector.broadcast %get3A_44 : i32 to vector<16x1xi32>
    %select_n3A_46 = arith.select %eq3A_42, %broadcast_in_dim3A_45, %select_n3A_32 : vector<16x1xi1>, vector<16x1xi32>
    %eq3A_47 = arith.constant 3 : i32
    %eq3A_48 = vector.broadcast %eq3A_47 : i32 to vector<16x1xi32>
    %eq3A_49 = arith.cmpi eq, %iota3A, %eq3A_48 : vector<16x1xi32>
    %get3A_50 = arith.constant 3 : index
    %get3A_51 = memref.load %arg2[%get3A_50] : memref<17xi32, #tpu.memory_space<smem>>
    %broadcast_in_dim3A_52 = vector.broadcast %get3A_51 : i32 to vector<16x1xi32>
    %select_n3A_53 = arith.select %eq3A_49, %broadcast_in_dim3A_52, %select_n3A_39 : vector<16x1xi1>, vector<16x1xi32>
    %eq3A_54 = arith.constant 3 : i32
    %eq3A_55 = vector.broadcast %eq3A_54 : i32 to vector<16x1xi32>
    %eq3A_56 = arith.cmpi eq, %iota3A, %eq3A_55 : vector<16x1xi32>
    %get3A_57 = arith.constant 4 : index
    %get3A_58 = memref.load %arg2[%get3A_57] : memref<17xi32, #tpu.memory_space<smem>>
    %broadcast_in_dim3A_59 = vector.broadcast %get3A_58 : i32 to vector<16x1xi32>
    %select_n3A_60 = arith.select %eq3A_56, %broadcast_in_dim3A_59, %select_n3A_46 : vector<16x1xi1>, vector<16x1xi32>
    %eq3A_61 = arith.constant 4 : i32
    %eq3A_62 = vector.broadcast %eq3A_61 : i32 to vector<16x1xi32>
    %eq3A_63 = arith.cmpi eq, %iota3A, %eq3A_62 : vector<16x1xi32>
    %get3A_64 = arith.constant 4 : index
    %get3A_65 = memref.load %arg2[%get3A_64] : memref<17xi32, #tpu.memory_space<smem>>
    %broadcast_in_dim3A_66 = vector.broadcast %get3A_65 : i32 to vector<16x1xi32>
    %select_n3A_67 = arith.select %eq3A_63, %broadcast_in_dim3A_66, %select_n3A_53 : vector<16x1xi1>, vector<16x1xi32>
    %eq3A_68 = arith.constant 4 : i32
    %eq3A_69 = vector.broadcast %eq3A_68 : i32 to vector<16x1xi32>
    %eq3A_70 = arith.cmpi eq, %iota3A, %eq3A_69 : vector<16x1xi32>
    %get3A_71 = arith.constant 5 : index
    %get3A_72 = memref.load %arg2[%get3A_71] : memref<17xi32, #tpu.memory_space<smem>>
    %broadcast_in_dim3A_73 = vector.broadcast %get3A_72 : i32 to vector<16x1xi32>
    %select_n3A_74 = arith.select %eq3A_70, %broadcast_in_dim3A_73, %select_n3A_60 : vector<16x1xi1>, vector<16x1xi32>
    %eq3A_75 = arith.constant 5 : i32
    %eq3A_76 = vector.broadcast %eq3A_75 : i32 to vector<16x1xi32>
    %eq3A_77 = arith.cmpi eq, %iota3A, %eq3A_76 : vector<16x1xi32>
    %get3A_78 = arith.constant 5 : index
    %get3A_79 = memref.load %arg2[%get3A_78] : memref<17xi32, #tpu.memory_space<smem>>
    %broadcast_in_dim3A_80 = vector.broadcast %get3A_79 : i32 to vector<16x1xi32>
    %select_n3A_81 = arith.select %eq3A_77, %broadcast_in_dim3A_80, %select_n3A_67 : vector<16x1xi1>, vector<16x1xi32>
    %eq3A_82 = arith.constant 5 : i32
    %eq3A_83 = vector.broadcast %eq3A_82 : i32 to vector<16x1xi32>
    %eq3A_84 = arith.cmpi eq, %iota3A, %eq3A_83 : vector<16x1xi32>
    %get3A_85 = arith.constant 6 : index
    %get3A_86 = memref.load %arg2[%get3A_85] : memref<17xi32, #tpu.memory_space<smem>>
    %broadcast_in_dim3A_87 = vector.broadcast %get3A_86 : i32 to vector<16x1xi32>
    %select_n3A_88 = arith.select %eq3A_84, %broadcast_in_dim3A_87, %select_n3A_74 : vector<16x1xi1>, vector<16x1xi32>
    %eq3A_89 = arith.constant 6 : i32
    %eq3A_90 = vector.broadcast %eq3A_89 : i32 to vector<16x1xi32>
    %eq3A_91 = arith.cmpi eq, %iota3A, %eq3A_90 : vector<16x1xi32>
    %get3A_92 = arith.constant 6 : index
    %get3A_93 = memref.load %arg2[%get3A_92] : memref<17xi32, #tpu.memory_space<smem>>
    %broadcast_in_dim3A_94 = vector.broadcast %get3A_93 : i32 to vector<16x1xi32>
    %select_n3A_95 = arith.select %eq3A_91, %broadcast_in_dim3A_94, %select_n3A_81 : vector<16x1xi1>, vector<16x1xi32>
    %eq3A_96 = arith.constant 6 : i32
    %eq3A_97 = vector.broadcast %eq3A_96 : i32 to vector<16x1xi32>
    %eq3A_98 = arith.cmpi eq, %iota3A, %eq3A_97 : vector<16x1xi32>
    %get3A_99 = arith.constant 7 : index
    %get3A_100 = memref.load %arg2[%get3A_99] : memref<17xi32, #tpu.memory_space<smem>>
    %broadcast_in_dim3A_101 = vector.broadcast %get3A_100 : i32 to vector<16x1xi32>
    %select_n3A_102 = arith.select %eq3A_98, %broadcast_in_dim3A_101, %select_n3A_88 : vector<16x1xi1>, vector<16x1xi32>
    %eq3A_103 = arith.constant 7 : i32
    %eq3A_104 = vector.broadcast %eq3A_103 : i32 to vector<16x1xi32>
    %eq3A_105 = arith.cmpi eq, %iota3A, %eq3A_104 : vector<16x1xi32>
    %get3A_106 = arith.constant 7 : index
    %get3A_107 = memref.load %arg2[%get3A_106] : memref<17xi32, #tpu.memory_space<smem>>
    %broadcast_in_dim3A_108 = vector.broadcast %get3A_107 : i32 to vector<16x1xi32>
    %select_n3A_109 = arith.select %eq3A_105, %broadcast_in_dim3A_108, %select_n3A_95 : vector<16x1xi1>, vector<16x1xi32>
    %eq3A_110 = arith.constant 7 : i32
    %eq3A_111 = vector.broadcast %eq3A_110 : i32 to vector<16x1xi32>
    %eq3A_112 = arith.cmpi eq, %iota3A, %eq3A_111 : vector<16x1xi32>
    %get3A_113 = arith.constant 8 : index
    %get3A_114 = memref.load %arg2[%get3A_113] : memref<17xi32, #tpu.memory_space<smem>>
    %broadcast_in_dim3A_115 = vector.broadcast %get3A_114 : i32 to vector<16x1xi32>
    %select_n3A_116 = arith.select %eq3A_112, %broadcast_in_dim3A_115, %select_n3A_102 : vector<16x1xi1>, vector<16x1xi32>
    %eq3A_117 = arith.constant 8 : i32
    %eq3A_118 = vector.broadcast %eq3A_117 : i32 to vector<16x1xi32>
    %eq3A_119 = arith.cmpi eq, %iota3A, %eq3A_118 : vector<16x1xi32>
    %get3A_120 = arith.constant 8 : index
    %get3A_121 = memref.load %arg2[%get3A_120] : memref<17xi32, #tpu.memory_space<smem>>
    %broadcast_in_dim3A_122 = vector.broadcast %get3A_121 : i32 to vector<16x1xi32>
    %select_n3A_123 = arith.select %eq3A_119, %broadcast_in_dim3A_122, %select_n3A_109 : vector<16x1xi1>, vector<16x1xi32>
    %eq3A_124 = arith.constant 8 : i32
    %eq3A_125 = vector.broadcast %eq3A_124 : i32 to vector<16x1xi32>
    %eq3A_126 = arith.cmpi eq, %iota3A, %eq3A_125 : vector<16x1xi32>
    %get3A_127 = arith.constant 9 : index
    %get3A_128 = memref.load %arg2[%get3A_127] : memref<17xi32, #tpu.memory_space<smem>>
    %broadcast_in_dim3A_129 = vector.broadcast %get3A_128 : i32 to vector<16x1xi32>
    %select_n3A_130 = arith.select %eq3A_126, %broadcast_in_dim3A_129, %select_n3A_116 : vector<16x1xi1>, vector<16x1xi32>
    %eq3A_131 = arith.constant 9 : i32
    %eq3A_132 = vector.broadcast %eq3A_131 : i32 to vector<16x1xi32>
    %eq3A_133 = arith.cmpi eq, %iota3A, %eq3A_132 : vector<16x1xi32>
    %get3A_134 = arith.constant 9 : index
    %get3A_135 = memref.load %arg2[%get3A_134] : memref<17xi32, #tpu.memory_space<smem>>
    %broadcast_in_dim3A_136 = vector.broadcast %get3A_135 : i32 to vector<16x1xi32>
    %select_n3A_137 = arith.select %eq3A_133, %broadcast_in_dim3A_136, %select_n3A_123 : vector<16x1xi1>, vector<16x1xi32>
    %eq3A_138 = arith.constant 9 : i32
    %eq3A_139 = vector.broadcast %eq3A_138 : i32 to vector<16x1xi32>
    %eq3A_140 = arith.cmpi eq, %iota3A, %eq3A_139 : vector<16x1xi32>
    %get3A_141 = arith.constant 10 : index
    %get3A_142 = memref.load %arg2[%get3A_141] : memref<17xi32, #tpu.memory_space<smem>>
    %broadcast_in_dim3A_143 = vector.broadcast %get3A_142 : i32 to vector<16x1xi32>
    %select_n3A_144 = arith.select %eq3A_140, %broadcast_in_dim3A_143, %select_n3A_130 : vector<16x1xi1>, vector<16x1xi32>
    %eq3A_145 = arith.constant 10 : i32
    %eq3A_146 = vector.broadcast %eq3A_145 : i32 to vector<16x1xi32>
    %eq3A_147 = arith.cmpi eq, %iota3A, %eq3A_146 : vector<16x1xi32>
    %get3A_148 = arith.constant 10 : index
    %get3A_149 = memref.load %arg2[%get3A_148] : memref<17xi32, #tpu.memory_space<smem>>
    %broadcast_in_dim3A_150 = vector.broadcast %get3A_149 : i32 to vector<16x1xi32>
    %select_n3A_151 = arith.select %eq3A_147, %broadcast_in_dim3A_150, %select_n3A_137 : vector<16x1xi1>, vector<16x1xi32>
    %eq3A_152 = arith.constant 10 : i32
    %eq3A_153 = vector.broadcast %eq3A_152 : i32 to vector<16x1xi32>
    %eq3A_154 = arith.cmpi eq, %iota3A, %eq3A_153 : vector<16x1xi32>
    %get3A_155 = arith.constant 11 : index
    %get3A_156 = memref.load %arg2[%get3A_155] : memref<17xi32, #tpu.memory_space<smem>>
    %broadcast_in_dim3A_157 = vector.broadcast %get3A_156 : i32 to vector<16x1xi32>
    %select_n3A_158 = arith.select %eq3A_154, %broadcast_in_dim3A_157, %select_n3A_144 : vector<16x1xi1>, vector<16x1xi32>
    %eq3A_159 = arith.constant 11 : i32
    %eq3A_160 = vector.broadcast %eq3A_159 : i32 to vector<16x1xi32>
    %eq3A_161 = arith.cmpi eq, %iota3A, %eq3A_160 : vector<16x1xi32>
    %get3A_162 = arith.constant 11 : index
    %get3A_163 = memref.load %arg2[%get3A_162] : memref<17xi32, #tpu.memory_space<smem>>
    %broadcast_in_dim3A_164 = vector.broadcast %get3A_163 : i32 to vector<16x1xi32>
    %select_n3A_165 = arith.select %eq3A_161, %broadcast_in_dim3A_164, %select_n3A_151 : vector<16x1xi1>, vector<16x1xi32>
    %eq3A_166 = arith.constant 11 : i32
    %eq3A_167 = vector.broadcast %eq3A_166 : i32 to vector<16x1xi32>
    %eq3A_168 = arith.cmpi eq, %iota3A, %eq3A_167 : vector<16x1xi32>
    %get3A_169 = arith.constant 12 : index
    %get3A_170 = memref.load %arg2[%get3A_169] : memref<17xi32, #tpu.memory_space<smem>>
    %broadcast_in_dim3A_171 = vector.broadcast %get3A_170 : i32 to vector<16x1xi32>
    %select_n3A_172 = arith.select %eq3A_168, %broadcast_in_dim3A_171, %select_n3A_158 : vector<16x1xi1>, vector<16x1xi32>
    %eq3A_173 = arith.constant 12 : i32
    %eq3A_174 = vector.broadcast %eq3A_173 : i32 to vector<16x1xi32>
    %eq3A_175 = arith.cmpi eq, %iota3A, %eq3A_174 : vector<16x1xi32>
    %get3A_176 = arith.constant 12 : index
    %get3A_177 = memref.load %arg2[%get3A_176] : memref<17xi32, #tpu.memory_space<smem>>
    %broadcast_in_dim3A_178 = vector.broadcast %get3A_177 : i32 to vector<16x1xi32>
    %select_n3A_179 = arith.select %eq3A_175, %broadcast_in_dim3A_178, %select_n3A_165 : vector<16x1xi1>, vector<16x1xi32>
    %eq3A_180 = arith.constant 12 : i32
    %eq3A_181 = vector.broadcast %eq3A_180 : i32 to vector<16x1xi32>
    %eq3A_182 = arith.cmpi eq, %iota3A, %eq3A_181 : vector<16x1xi32>
    %get3A_183 = arith.constant 13 : index
    %get3A_184 = memref.load %arg2[%get3A_183] : memref<17xi32, #tpu.memory_space<smem>>
    %broadcast_in_dim3A_185 = vector.broadcast %get3A_184 : i32 to vector<16x1xi32>
    %select_n3A_186 = arith.select %eq3A_182, %broadcast_in_dim3A_185, %select_n3A_172 : vector<16x1xi1>, vector<16x1xi32>
    %eq3A_187 = arith.constant 13 : i32
    %eq3A_188 = vector.broadcast %eq3A_187 : i32 to vector<16x1xi32>
    %eq3A_189 = arith.cmpi eq, %iota3A, %eq3A_188 : vector<16x1xi32>
    %get3A_190 = arith.constant 13 : index
    %get3A_191 = memref.load %arg2[%get3A_190] : memref<17xi32, #tpu.memory_space<smem>>
    %broadcast_in_dim3A_192 = vector.broadcast %get3A_191 : i32 to vector<16x1xi32>
    %select_n3A_193 = arith.select %eq3A_189, %broadcast_in_dim3A_192, %select_n3A_179 : vector<16x1xi1>, vector<16x1xi32>
    %eq3A_194 = arith.constant 13 : i32
    %eq3A_195 = vector.broadcast %eq3A_194 : i32 to vector<16x1xi32>
    %eq3A_196 = arith.cmpi eq, %iota3A, %eq3A_195 : vector<16x1xi32>
    %get3A_197 = arith.constant 14 : index
    %get3A_198 = memref.load %arg2[%get3A_197] : memref<17xi32, #tpu.memory_space<smem>>
    %broadcast_in_dim3A_199 = vector.broadcast %get3A_198 : i32 to vector<16x1xi32>
    %select_n3A_200 = arith.select %eq3A_196, %broadcast_in_dim3A_199, %select_n3A_186 : vector<16x1xi1>, vector<16x1xi32>
    %eq3A_201 = arith.constant 14 : i32
    %eq3A_202 = vector.broadcast %eq3A_201 : i32 to vector<16x1xi32>
    %eq3A_203 = arith.cmpi eq, %iota3A, %eq3A_202 : vector<16x1xi32>
    %get3A_204 = arith.constant 14 : index
    %get3A_205 = memref.load %arg2[%get3A_204] : memref<17xi32, #tpu.memory_space<smem>>
    %broadcast_in_dim3A_206 = vector.broadcast %get3A_205 : i32 to vector<16x1xi32>
    %select_n3A_207 = arith.select %eq3A_203, %broadcast_in_dim3A_206, %select_n3A_193 : vector<16x1xi1>, vector<16x1xi32>
    %eq3A_208 = arith.constant 14 : i32
    %eq3A_209 = vector.broadcast %eq3A_208 : i32 to vector<16x1xi32>
    %eq3A_210 = arith.cmpi eq, %iota3A, %eq3A_209 : vector<16x1xi32>
    %get3A_211 = arith.constant 15 : index
    %get3A_212 = memref.load %arg2[%get3A_211] : memref<17xi32, #tpu.memory_space<smem>>
    %broadcast_in_dim3A_213 = vector.broadcast %get3A_212 : i32 to vector<16x1xi32>
    %select_n3A_214 = arith.select %eq3A_210, %broadcast_in_dim3A_213, %select_n3A_200 : vector<16x1xi1>, vector<16x1xi32>
    %eq3A_215 = arith.constant 15 : i32
    %eq3A_216 = vector.broadcast %eq3A_215 : i32 to vector<16x1xi32>
    %eq3A_217 = arith.cmpi eq, %iota3A, %eq3A_216 : vector<16x1xi32>
    %get3A_218 = arith.constant 15 : index
    %get3A_219 = memref.load %arg2[%get3A_218] : memref<17xi32, #tpu.memory_space<smem>>
    %broadcast_in_dim3A_220 = vector.broadcast %get3A_219 : i32 to vector<16x1xi32>
    %select_n3A_221 = arith.select %eq3A_217, %broadcast_in_dim3A_220, %select_n3A_207 : vector<16x1xi1>, vector<16x1xi32>
    %eq3A_222 = arith.constant 15 : i32
    %eq3A_223 = vector.broadcast %eq3A_222 : i32 to vector<16x1xi32>
    %eq3A_224 = arith.cmpi eq, %iota3A, %eq3A_223 : vector<16x1xi32>
    %get3A_225 = arith.constant 16 : index
    %get3A_226 = memref.load %arg2[%get3A_225] : memref<17xi32, #tpu.memory_space<smem>>
    %broadcast_in_dim3A_227 = vector.broadcast %get3A_226 : i32 to vector<16x1xi32>
    %select_n3A_228 = arith.select %eq3A_224, %broadcast_in_dim3A_227, %select_n3A_214 : vector<16x1xi1>, vector<16x1xi32>
    %sub3A = arith.subi %select_n3A_228, %select_n3A_221 : vector<16x1xi32>
    %convert_element_type3A = arith.sitofp %sub3A : vector<16x1xi32> to vector<16x1xf32>
    %get3A_229 = arith.constant 0 : index
    %get3A_230 = arith.constant 0 : index
    %get3A_231 = vector.load %arg1[%get3A_229, %get3A_230] : memref<16x1xf32, #tpu.memory_space<vmem>>, vector<16x1xf32>
    %add3A = arith.addf %broadcast_in_dim3A, %get3A_231 : vector<16x1xf32>
    %div3A = arith.divf %add3A, %convert_element_type3A : vector<16x1xf32>
    %get3A_232 = arith.constant 0 : index
    %get3A_233 = memref.load %arg3[%get3A_232] : memref<1xf32, #tpu.memory_space<smem>>
    %add3A_234 = vector.broadcast %get3A_233 : f32 to vector<16x1xf32>
    %add3A_235 = arith.addf %div3A, %add3A_234 : vector<16x1xf32>
    %swap3A = arith.constant 0 : index
    %swap3A_236 = arith.constant 0 : index
    %swap3A_237 = vector.load %arg4[%swap3A, %swap3A_236] : memref<16x1xf32, #tpu.memory_space<vmem>>, vector<16x1xf32>
    tpu.vector_store %arg4[%swap3A, %swap3A_236], %add3A_235 {strides = array<i32>} : memref<16x1xf32, #tpu.memory_space<vmem>>, vector<16x1xf32>,
    return
  }
}

module attributes {stable_mosaic.version = 14 : i64} {
  func.func @_tc_partials(%arg0: i32, %arg1: memref<3328x128xf32, #tpu.memory_space<vmem>>, %arg2: memref<17xi32, #tpu.memory_space<smem>>, %arg3: memref<128x1xf32, #tpu.memory_space<vmem>>, %arg4: memref<16x1xf32, #tpu.memory_space<vmem>>) attributes {dimension_semantics = [#tpu.dimension_semantics<arbitrary>], iteration_bounds = array<i64: 8>, scalar_prefetch = 0 : i64, scratch_operands = 0 : i64, tpu.core_type = #tpu.core_type<tc>, window_params = [{transform_indices = @transform_0, window_bounds = array<i64: 3328, 128>}, {transform_indices = @transform_1, window_bounds = array<i64: 17>}, {pipeline_mode = #tpu.pipeline_mode<synchronous>, transform_indices = @transform_2, window_bounds = array<i64: 128, 1>}, {pipeline_mode = #tpu.pipeline_mode<synchronous>, transform_indices = @transform_3, window_bounds = array<i64: 16, 1>}]} {
    %get3A = arith.constant 0 : index
    %get3A_0 = arith.constant 0 : index
    %get3A_1 = vector.load %arg1[%get3A, %get3A_0] : memref<3328x128xf32, #tpu.memory_space<vmem>>, vector<3328x128xf32>
    %get3A_2 = arith.constant 0 : index
    %get3A_3 = arith.constant 0 : index
    %get3A_4 = vector.load %arg3[%get3A_2, %get3A_3] : memref<128x1xf32, #tpu.memory_space<vmem>>, vector<128x1xf32>
    %dot_general3A = arith.constant dense<0.000000e+00> : vector<3328x1xf32>
    %dot_general3A_5 = tpu.matmul %get3A_1, %get3A_4, %dot_general3A {dimension_numbers = #tpu.dot_dimension_numbers<[1], [0], [0], [1], [0, 0, 1, 1], [], []>, transpose_lhs_hint = false} : vector<3328x128xf32>, vector<128x1xf32>, vector<3328x1xf32> -> vector<3328x1xf32>
    %mul3A = arith.constant 3328 : i32
    %mul3A_6 = arith.muli %arg0, %mul3A : i32
    %iota3A = tpu.iota {dimensions = array<i32: 1>} : vector<16x3328xi32>
    %add3A = vector.broadcast %mul3A_6 : i32 to vector<16x3328xi32>
    %add3A_7 = arith.addi %add3A, %iota3A : vector<16x3328xi32>
    %iota3A_8 = tpu.iota {dimensions = array<i32: 0>} : vector<16x1xi32>
    %broadcast_in_dim3A = arith.constant 0 : i32
    %broadcast_in_dim3A_9 = vector.broadcast %broadcast_in_dim3A : i32 to vector<16x1xi32>
    %broadcast_in_dim3A_10 = arith.constant 0 : i32
    %broadcast_in_dim3A_11 = vector.broadcast %broadcast_in_dim3A_10 : i32 to vector<16x1xi32>
    %eq3A = arith.constant 0 : i32
    %eq3A_12 = vector.broadcast %eq3A : i32 to vector<16x1xi32>
    %eq3A_13 = arith.cmpi eq, %iota3A_8, %eq3A_12 : vector<16x1xi32>
    %get3A_14 = arith.constant 0 : index
    %get3A_15 = memref.load %arg2[%get3A_14] : memref<17xi32, #tpu.memory_space<smem>>
    %broadcast_in_dim3A_16 = vector.broadcast %get3A_15 : i32 to vector<16x1xi32>
    %select_n3A = arith.select %eq3A_13, %broadcast_in_dim3A_16, %broadcast_in_dim3A_9 : vector<16x1xi1>, vector<16x1xi32>
    %eq3A_17 = arith.constant 0 : i32
    %eq3A_18 = vector.broadcast %eq3A_17 : i32 to vector<16x1xi32>
    %eq3A_19 = arith.cmpi eq, %iota3A_8, %eq3A_18 : vector<16x1xi32>
    %get3A_20 = arith.constant 1 : index
    %get3A_21 = memref.load %arg2[%get3A_20] : memref<17xi32, #tpu.memory_space<smem>>
    %broadcast_in_dim3A_22 = vector.broadcast %get3A_21 : i32 to vector<16x1xi32>
    %select_n3A_23 = arith.select %eq3A_19, %broadcast_in_dim3A_22, %broadcast_in_dim3A_11 : vector<16x1xi1>, vector<16x1xi32>
    %eq3A_24 = arith.constant 1 : i32
    %eq3A_25 = vector.broadcast %eq3A_24 : i32 to vector<16x1xi32>
    %eq3A_26 = arith.cmpi eq, %iota3A_8, %eq3A_25 : vector<16x1xi32>
    %get3A_27 = arith.constant 1 : index
    %get3A_28 = memref.load %arg2[%get3A_27] : memref<17xi32, #tpu.memory_space<smem>>
    %broadcast_in_dim3A_29 = vector.broadcast %get3A_28 : i32 to vector<16x1xi32>
    %select_n3A_30 = arith.select %eq3A_26, %broadcast_in_dim3A_29, %select_n3A : vector<16x1xi1>, vector<16x1xi32>
    %eq3A_31 = arith.constant 1 : i32
    %eq3A_32 = vector.broadcast %eq3A_31 : i32 to vector<16x1xi32>
    %eq3A_33 = arith.cmpi eq, %iota3A_8, %eq3A_32 : vector<16x1xi32>
    %get3A_34 = arith.constant 2 : index
    %get3A_35 = memref.load %arg2[%get3A_34] : memref<17xi32, #tpu.memory_space<smem>>
    %broadcast_in_dim3A_36 = vector.broadcast %get3A_35 : i32 to vector<16x1xi32>
    %select_n3A_37 = arith.select %eq3A_33, %broadcast_in_dim3A_36, %select_n3A_23 : vector<16x1xi1>, vector<16x1xi32>
    %eq3A_38 = arith.constant 2 : i32
    %eq3A_39 = vector.broadcast %eq3A_38 : i32 to vector<16x1xi32>
    %eq3A_40 = arith.cmpi eq, %iota3A_8, %eq3A_39 : vector<16x1xi32>
    %get3A_41 = arith.constant 2 : index
    %get3A_42 = memref.load %arg2[%get3A_41] : memref<17xi32, #tpu.memory_space<smem>>
    %broadcast_in_dim3A_43 = vector.broadcast %get3A_42 : i32 to vector<16x1xi32>
    %select_n3A_44 = arith.select %eq3A_40, %broadcast_in_dim3A_43, %select_n3A_30 : vector<16x1xi1>, vector<16x1xi32>
    %eq3A_45 = arith.constant 2 : i32
    %eq3A_46 = vector.broadcast %eq3A_45 : i32 to vector<16x1xi32>
    %eq3A_47 = arith.cmpi eq, %iota3A_8, %eq3A_46 : vector<16x1xi32>
    %get3A_48 = arith.constant 3 : index
    %get3A_49 = memref.load %arg2[%get3A_48] : memref<17xi32, #tpu.memory_space<smem>>
    %broadcast_in_dim3A_50 = vector.broadcast %get3A_49 : i32 to vector<16x1xi32>
    %select_n3A_51 = arith.select %eq3A_47, %broadcast_in_dim3A_50, %select_n3A_37 : vector<16x1xi1>, vector<16x1xi32>
    %eq3A_52 = arith.constant 3 : i32
    %eq3A_53 = vector.broadcast %eq3A_52 : i32 to vector<16x1xi32>
    %eq3A_54 = arith.cmpi eq, %iota3A_8, %eq3A_53 : vector<16x1xi32>
    %get3A_55 = arith.constant 3 : index
    %get3A_56 = memref.load %arg2[%get3A_55] : memref<17xi32, #tpu.memory_space<smem>>
    %broadcast_in_dim3A_57 = vector.broadcast %get3A_56 : i32 to vector<16x1xi32>
    %select_n3A_58 = arith.select %eq3A_54, %broadcast_in_dim3A_57, %select_n3A_44 : vector<16x1xi1>, vector<16x1xi32>
    %eq3A_59 = arith.constant 3 : i32
    %eq3A_60 = vector.broadcast %eq3A_59 : i32 to vector<16x1xi32>
    %eq3A_61 = arith.cmpi eq, %iota3A_8, %eq3A_60 : vector<16x1xi32>
    %get3A_62 = arith.constant 4 : index
    %get3A_63 = memref.load %arg2[%get3A_62] : memref<17xi32, #tpu.memory_space<smem>>
    %broadcast_in_dim3A_64 = vector.broadcast %get3A_63 : i32 to vector<16x1xi32>
    %select_n3A_65 = arith.select %eq3A_61, %broadcast_in_dim3A_64, %select_n3A_51 : vector<16x1xi1>, vector<16x1xi32>
    %eq3A_66 = arith.constant 4 : i32
    %eq3A_67 = vector.broadcast %eq3A_66 : i32 to vector<16x1xi32>
    %eq3A_68 = arith.cmpi eq, %iota3A_8, %eq3A_67 : vector<16x1xi32>
    %get3A_69 = arith.constant 4 : index
    %get3A_70 = memref.load %arg2[%get3A_69] : memref<17xi32, #tpu.memory_space<smem>>
    %broadcast_in_dim3A_71 = vector.broadcast %get3A_70 : i32 to vector<16x1xi32>
    %select_n3A_72 = arith.select %eq3A_68, %broadcast_in_dim3A_71, %select_n3A_58 : vector<16x1xi1>, vector<16x1xi32>
    %eq3A_73 = arith.constant 4 : i32
    %eq3A_74 = vector.broadcast %eq3A_73 : i32 to vector<16x1xi32>
    %eq3A_75 = arith.cmpi eq, %iota3A_8, %eq3A_74 : vector<16x1xi32>
    %get3A_76 = arith.constant 5 : index
    %get3A_77 = memref.load %arg2[%get3A_76] : memref<17xi32, #tpu.memory_space<smem>>
    %broadcast_in_dim3A_78 = vector.broadcast %get3A_77 : i32 to vector<16x1xi32>
    %select_n3A_79 = arith.select %eq3A_75, %broadcast_in_dim3A_78, %select_n3A_65 : vector<16x1xi1>, vector<16x1xi32>
    %eq3A_80 = arith.constant 5 : i32
    %eq3A_81 = vector.broadcast %eq3A_80 : i32 to vector<16x1xi32>
    %eq3A_82 = arith.cmpi eq, %iota3A_8, %eq3A_81 : vector<16x1xi32>
    %get3A_83 = arith.constant 5 : index
    %get3A_84 = memref.load %arg2[%get3A_83] : memref<17xi32, #tpu.memory_space<smem>>
    %broadcast_in_dim3A_85 = vector.broadcast %get3A_84 : i32 to vector<16x1xi32>
    %select_n3A_86 = arith.select %eq3A_82, %broadcast_in_dim3A_85, %select_n3A_72 : vector<16x1xi1>, vector<16x1xi32>
    %eq3A_87 = arith.constant 5 : i32
    %eq3A_88 = vector.broadcast %eq3A_87 : i32 to vector<16x1xi32>
    %eq3A_89 = arith.cmpi eq, %iota3A_8, %eq3A_88 : vector<16x1xi32>
    %get3A_90 = arith.constant 6 : index
    %get3A_91 = memref.load %arg2[%get3A_90] : memref<17xi32, #tpu.memory_space<smem>>
    %broadcast_in_dim3A_92 = vector.broadcast %get3A_91 : i32 to vector<16x1xi32>
    %select_n3A_93 = arith.select %eq3A_89, %broadcast_in_dim3A_92, %select_n3A_79 : vector<16x1xi1>, vector<16x1xi32>
    %eq3A_94 = arith.constant 6 : i32
    %eq3A_95 = vector.broadcast %eq3A_94 : i32 to vector<16x1xi32>
    %eq3A_96 = arith.cmpi eq, %iota3A_8, %eq3A_95 : vector<16x1xi32>
    %get3A_97 = arith.constant 6 : index
    %get3A_98 = memref.load %arg2[%get3A_97] : memref<17xi32, #tpu.memory_space<smem>>
    %broadcast_in_dim3A_99 = vector.broadcast %get3A_98 : i32 to vector<16x1xi32>
    %select_n3A_100 = arith.select %eq3A_96, %broadcast_in_dim3A_99, %select_n3A_86 : vector<16x1xi1>, vector<16x1xi32>
    %eq3A_101 = arith.constant 6 : i32
    %eq3A_102 = vector.broadcast %eq3A_101 : i32 to vector<16x1xi32>
    %eq3A_103 = arith.cmpi eq, %iota3A_8, %eq3A_102 : vector<16x1xi32>
    %get3A_104 = arith.constant 7 : index
    %get3A_105 = memref.load %arg2[%get3A_104] : memref<17xi32, #tpu.memory_space<smem>>
    %broadcast_in_dim3A_106 = vector.broadcast %get3A_105 : i32 to vector<16x1xi32>
    %select_n3A_107 = arith.select %eq3A_103, %broadcast_in_dim3A_106, %select_n3A_93 : vector<16x1xi1>, vector<16x1xi32>
    %eq3A_108 = arith.constant 7 : i32
    %eq3A_109 = vector.broadcast %eq3A_108 : i32 to vector<16x1xi32>
    %eq3A_110 = arith.cmpi eq, %iota3A_8, %eq3A_109 : vector<16x1xi32>
    %get3A_111 = arith.constant 7 : index
    %get3A_112 = memref.load %arg2[%get3A_111] : memref<17xi32, #tpu.memory_space<smem>>
    %broadcast_in_dim3A_113 = vector.broadcast %get3A_112 : i32 to vector<16x1xi32>
    %select_n3A_114 = arith.select %eq3A_110, %broadcast_in_dim3A_113, %select_n3A_100 : vector<16x1xi1>, vector<16x1xi32>
    %eq3A_115 = arith.constant 7 : i32
    %eq3A_116 = vector.broadcast %eq3A_115 : i32 to vector<16x1xi32>
    %eq3A_117 = arith.cmpi eq, %iota3A_8, %eq3A_116 : vector<16x1xi32>
    %get3A_118 = arith.constant 8 : index
    %get3A_119 = memref.load %arg2[%get3A_118] : memref<17xi32, #tpu.memory_space<smem>>
    %broadcast_in_dim3A_120 = vector.broadcast %get3A_119 : i32 to vector<16x1xi32>
    %select_n3A_121 = arith.select %eq3A_117, %broadcast_in_dim3A_120, %select_n3A_107 : vector<16x1xi1>, vector<16x1xi32>
    %eq3A_122 = arith.constant 8 : i32
    %eq3A_123 = vector.broadcast %eq3A_122 : i32 to vector<16x1xi32>
    %eq3A_124 = arith.cmpi eq, %iota3A_8, %eq3A_123 : vector<16x1xi32>
    %get3A_125 = arith.constant 8 : index
    %get3A_126 = memref.load %arg2[%get3A_125] : memref<17xi32, #tpu.memory_space<smem>>
    %broadcast_in_dim3A_127 = vector.broadcast %get3A_126 : i32 to vector<16x1xi32>
    %select_n3A_128 = arith.select %eq3A_124, %broadcast_in_dim3A_127, %select_n3A_114 : vector<16x1xi1>, vector<16x1xi32>
    %eq3A_129 = arith.constant 8 : i32
    %eq3A_130 = vector.broadcast %eq3A_129 : i32 to vector<16x1xi32>
    %eq3A_131 = arith.cmpi eq, %iota3A_8, %eq3A_130 : vector<16x1xi32>
    %get3A_132 = arith.constant 9 : index
    %get3A_133 = memref.load %arg2[%get3A_132] : memref<17xi32, #tpu.memory_space<smem>>
    %broadcast_in_dim3A_134 = vector.broadcast %get3A_133 : i32 to vector<16x1xi32>
    %select_n3A_135 = arith.select %eq3A_131, %broadcast_in_dim3A_134, %select_n3A_121 : vector<16x1xi1>, vector<16x1xi32>
    %eq3A_136 = arith.constant 9 : i32
    %eq3A_137 = vector.broadcast %eq3A_136 : i32 to vector<16x1xi32>
    %eq3A_138 = arith.cmpi eq, %iota3A_8, %eq3A_137 : vector<16x1xi32>
    %get3A_139 = arith.constant 9 : index
    %get3A_140 = memref.load %arg2[%get3A_139] : memref<17xi32, #tpu.memory_space<smem>>
    %broadcast_in_dim3A_141 = vector.broadcast %get3A_140 : i32 to vector<16x1xi32>
    %select_n3A_142 = arith.select %eq3A_138, %broadcast_in_dim3A_141, %select_n3A_128 : vector<16x1xi1>, vector<16x1xi32>
    %eq3A_143 = arith.constant 9 : i32
    %eq3A_144 = vector.broadcast %eq3A_143 : i32 to vector<16x1xi32>
    %eq3A_145 = arith.cmpi eq, %iota3A_8, %eq3A_144 : vector<16x1xi32>
    %get3A_146 = arith.constant 10 : index
    %get3A_147 = memref.load %arg2[%get3A_146] : memref<17xi32, #tpu.memory_space<smem>>
    %broadcast_in_dim3A_148 = vector.broadcast %get3A_147 : i32 to vector<16x1xi32>
    %select_n3A_149 = arith.select %eq3A_145, %broadcast_in_dim3A_148, %select_n3A_135 : vector<16x1xi1>, vector<16x1xi32>
    %eq3A_150 = arith.constant 10 : i32
    %eq3A_151 = vector.broadcast %eq3A_150 : i32 to vector<16x1xi32>
    %eq3A_152 = arith.cmpi eq, %iota3A_8, %eq3A_151 : vector<16x1xi32>
    %get3A_153 = arith.constant 10 : index
    %get3A_154 = memref.load %arg2[%get3A_153] : memref<17xi32, #tpu.memory_space<smem>>
    %broadcast_in_dim3A_155 = vector.broadcast %get3A_154 : i32 to vector<16x1xi32>
    %select_n3A_156 = arith.select %eq3A_152, %broadcast_in_dim3A_155, %select_n3A_142 : vector<16x1xi1>, vector<16x1xi32>
    %eq3A_157 = arith.constant 10 : i32
    %eq3A_158 = vector.broadcast %eq3A_157 : i32 to vector<16x1xi32>
    %eq3A_159 = arith.cmpi eq, %iota3A_8, %eq3A_158 : vector<16x1xi32>
    %get3A_160 = arith.constant 11 : index
    %get3A_161 = memref.load %arg2[%get3A_160] : memref<17xi32, #tpu.memory_space<smem>>
    %broadcast_in_dim3A_162 = vector.broadcast %get3A_161 : i32 to vector<16x1xi32>
    %select_n3A_163 = arith.select %eq3A_159, %broadcast_in_dim3A_162, %select_n3A_149 : vector<16x1xi1>, vector<16x1xi32>
    %eq3A_164 = arith.constant 11 : i32
    %eq3A_165 = vector.broadcast %eq3A_164 : i32 to vector<16x1xi32>
    %eq3A_166 = arith.cmpi eq, %iota3A_8, %eq3A_165 : vector<16x1xi32>
    %get3A_167 = arith.constant 11 : index
    %get3A_168 = memref.load %arg2[%get3A_167] : memref<17xi32, #tpu.memory_space<smem>>
    %broadcast_in_dim3A_169 = vector.broadcast %get3A_168 : i32 to vector<16x1xi32>
    %select_n3A_170 = arith.select %eq3A_166, %broadcast_in_dim3A_169, %select_n3A_156 : vector<16x1xi1>, vector<16x1xi32>
    %eq3A_171 = arith.constant 11 : i32
    %eq3A_172 = vector.broadcast %eq3A_171 : i32 to vector<16x1xi32>
    %eq3A_173 = arith.cmpi eq, %iota3A_8, %eq3A_172 : vector<16x1xi32>
    %get3A_174 = arith.constant 12 : index
    %get3A_175 = memref.load %arg2[%get3A_174] : memref<17xi32, #tpu.memory_space<smem>>
    %broadcast_in_dim3A_176 = vector.broadcast %get3A_175 : i32 to vector<16x1xi32>
    %select_n3A_177 = arith.select %eq3A_173, %broadcast_in_dim3A_176, %select_n3A_163 : vector<16x1xi1>, vector<16x1xi32>
    %eq3A_178 = arith.constant 12 : i32
    %eq3A_179 = vector.broadcast %eq3A_178 : i32 to vector<16x1xi32>
    %eq3A_180 = arith.cmpi eq, %iota3A_8, %eq3A_179 : vector<16x1xi32>
    %get3A_181 = arith.constant 12 : index
    %get3A_182 = memref.load %arg2[%get3A_181] : memref<17xi32, #tpu.memory_space<smem>>
    %broadcast_in_dim3A_183 = vector.broadcast %get3A_182 : i32 to vector<16x1xi32>
    %select_n3A_184 = arith.select %eq3A_180, %broadcast_in_dim3A_183, %select_n3A_170 : vector<16x1xi1>, vector<16x1xi32>
    %eq3A_185 = arith.constant 12 : i32
    %eq3A_186 = vector.broadcast %eq3A_185 : i32 to vector<16x1xi32>
    %eq3A_187 = arith.cmpi eq, %iota3A_8, %eq3A_186 : vector<16x1xi32>
    %get3A_188 = arith.constant 13 : index
    %get3A_189 = memref.load %arg2[%get3A_188] : memref<17xi32, #tpu.memory_space<smem>>
    %broadcast_in_dim3A_190 = vector.broadcast %get3A_189 : i32 to vector<16x1xi32>
    %select_n3A_191 = arith.select %eq3A_187, %broadcast_in_dim3A_190, %select_n3A_177 : vector<16x1xi1>, vector<16x1xi32>
    %eq3A_192 = arith.constant 13 : i32
    %eq3A_193 = vector.broadcast %eq3A_192 : i32 to vector<16x1xi32>
    %eq3A_194 = arith.cmpi eq, %iota3A_8, %eq3A_193 : vector<16x1xi32>
    %get3A_195 = arith.constant 13 : index
    %get3A_196 = memref.load %arg2[%get3A_195] : memref<17xi32, #tpu.memory_space<smem>>
    %broadcast_in_dim3A_197 = vector.broadcast %get3A_196 : i32 to vector<16x1xi32>
    %select_n3A_198 = arith.select %eq3A_194, %broadcast_in_dim3A_197, %select_n3A_184 : vector<16x1xi1>, vector<16x1xi32>
    %eq3A_199 = arith.constant 13 : i32
    %eq3A_200 = vector.broadcast %eq3A_199 : i32 to vector<16x1xi32>
    %eq3A_201 = arith.cmpi eq, %iota3A_8, %eq3A_200 : vector<16x1xi32>
    %get3A_202 = arith.constant 14 : index
    %get3A_203 = memref.load %arg2[%get3A_202] : memref<17xi32, #tpu.memory_space<smem>>
    %broadcast_in_dim3A_204 = vector.broadcast %get3A_203 : i32 to vector<16x1xi32>
    %select_n3A_205 = arith.select %eq3A_201, %broadcast_in_dim3A_204, %select_n3A_191 : vector<16x1xi1>, vector<16x1xi32>
    %eq3A_206 = arith.constant 14 : i32
    %eq3A_207 = vector.broadcast %eq3A_206 : i32 to vector<16x1xi32>
    %eq3A_208 = arith.cmpi eq, %iota3A_8, %eq3A_207 : vector<16x1xi32>
    %get3A_209 = arith.constant 14 : index
    %get3A_210 = memref.load %arg2[%get3A_209] : memref<17xi32, #tpu.memory_space<smem>>
    %broadcast_in_dim3A_211 = vector.broadcast %get3A_210 : i32 to vector<16x1xi32>
    %select_n3A_212 = arith.select %eq3A_208, %broadcast_in_dim3A_211, %select_n3A_198 : vector<16x1xi1>, vector<16x1xi32>
    %eq3A_213 = arith.constant 14 : i32
    %eq3A_214 = vector.broadcast %eq3A_213 : i32 to vector<16x1xi32>
    %eq3A_215 = arith.cmpi eq, %iota3A_8, %eq3A_214 : vector<16x1xi32>
    %get3A_216 = arith.constant 15 : index
    %get3A_217 = memref.load %arg2[%get3A_216] : memref<17xi32, #tpu.memory_space<smem>>
    %broadcast_in_dim3A_218 = vector.broadcast %get3A_217 : i32 to vector<16x1xi32>
    %select_n3A_219 = arith.select %eq3A_215, %broadcast_in_dim3A_218, %select_n3A_205 : vector<16x1xi1>, vector<16x1xi32>
    %eq3A_220 = arith.constant 15 : i32
    %eq3A_221 = vector.broadcast %eq3A_220 : i32 to vector<16x1xi32>
    %eq3A_222 = arith.cmpi eq, %iota3A_8, %eq3A_221 : vector<16x1xi32>
    %get3A_223 = arith.constant 15 : index
    %get3A_224 = memref.load %arg2[%get3A_223] : memref<17xi32, #tpu.memory_space<smem>>
    %broadcast_in_dim3A_225 = vector.broadcast %get3A_224 : i32 to vector<16x1xi32>
    %select_n3A_226 = arith.select %eq3A_222, %broadcast_in_dim3A_225, %select_n3A_212 : vector<16x1xi1>, vector<16x1xi32>
    %eq3A_227 = arith.constant 15 : i32
    %eq3A_228 = vector.broadcast %eq3A_227 : i32 to vector<16x1xi32>
    %eq3A_229 = arith.cmpi eq, %iota3A_8, %eq3A_228 : vector<16x1xi32>
    %get3A_230 = arith.constant 16 : index
    %get3A_231 = memref.load %arg2[%get3A_230] : memref<17xi32, #tpu.memory_space<smem>>
    %broadcast_in_dim3A_232 = vector.broadcast %get3A_231 : i32 to vector<16x1xi32>
    %select_n3A_233 = arith.select %eq3A_229, %broadcast_in_dim3A_232, %select_n3A_219 : vector<16x1xi1>, vector<16x1xi32>
    %ge3A = vector.broadcast %select_n3A_226 : vector<16x1xi32> to vector<16x3328xi32>
    %ge3A_234 = arith.cmpi sge, %add3A_7, %ge3A : vector<16x3328xi32>
    %lt3A = vector.broadcast %select_n3A_233 : vector<16x1xi32> to vector<16x3328xi32>
    %lt3A_235 = arith.cmpi slt, %add3A_7, %lt3A : vector<16x3328xi32>
    %and3A = arith.andi %ge3A_234, %lt3A_235 : vector<16x3328xi1>
    %convert_element_type3A = arith.extui %and3A : vector<16x3328xi1> to vector<16x3328xi32>
    %convert_element_type3A_236 = arith.sitofp %convert_element_type3A : vector<16x3328xi32> to vector<16x3328xf32>
    %dot_general3A_237 = arith.constant dense<0.000000e+00> : vector<16x1xf32>
    %dot_general3A_238 = tpu.matmul %convert_element_type3A_236, %dot_general3A_5, %dot_general3A_237 {dimension_numbers = #tpu.dot_dimension_numbers<[1], [0], [0], [1], [0, 0, 1, 1], [], []>, transpose_lhs_hint = false} : vector<16x3328xf32>, vector<3328x1xf32>, vector<16x1xf32> -> vector<16x1xf32>
    %eq3A_239 = arith.constant 0 : i32
    %eq3A_240 = arith.cmpi eq, %arg0, %eq3A_239 : i32
    %convert_element_type3A_241 = arith.extui %eq3A_240 : i1 to i32
    %cond3A = arith.constant 0 : i32
    %cond3A_242 = arith.cmpi ne, %convert_element_type3A_241, %cond3A : i32
    scf.if %cond3A_242 {
      %swap3A = arith.constant 0 : index
      %swap3A_247 = arith.constant 0 : index
      %swap3A_248 = vector.load %arg4[%swap3A, %swap3A_247] : memref<16x1xf32, #tpu.memory_space<vmem>>, vector<16x1xf32>
      tpu.vector_store %arg4[%swap3A, %swap3A_247], %dot_general3A_238 {strides = array<i32>} : memref<16x1xf32, #tpu.memory_space<vmem>>, vector<16x1xf32>,
    } else {
    }
    %gt3A = arith.constant 0 : i32
    %gt3A_243 = arith.cmpi sgt, %arg0, %gt3A : i32
    %convert_element_type3A_244 = arith.extui %gt3A_243 : i1 to i32
    %cond3A_245 = arith.constant 0 : i32
    %cond3A_246 = arith.cmpi ne, %convert_element_type3A_244, %cond3A_245 : i32
    scf.if %cond3A_246 {
      %get3A_247 = arith.constant 0 : index
      %get3A_248 = arith.constant 0 : index
      %get3A_249 = vector.load %arg4[%get3A_247, %get3A_248] : memref<16x1xf32, #tpu.memory_space<vmem>>, vector<16x1xf32>
      %add3A_250 = arith.addf %get3A_249, %dot_general3A_238 : vector<16x1xf32>
      %swap3A = arith.constant 0 : index
      %swap3A_251 = arith.constant 0 : index
      %swap3A_252 = vector.load %arg4[%swap3A, %swap3A_251] : memref<16x1xf32, #tpu.memory_space<vmem>>, vector<16x1xf32>
      tpu.vector_store %arg4[%swap3A, %swap3A_251], %add3A_250 {strides = array<i32>} : memref<16x1xf32, #tpu.memory_space<vmem>>, vector<16x1xf32>,
    } else {
    }
    return
  }
  func.func @transform_0(%arg0: i32) -> (i32, i32) {
    %c0_i32 = arith.constant 0 : i32
    %c0_i32_0 = arith.constant 0 : i32
    return %arg0, %c0_i32 : i32, i32
  }
  func.func @transform_1(%arg0: i32) -> i32 {
    %c0_i32 = arith.constant 0 : i32
    %c0_i32_0 = arith.constant 0 : i32
    return %c0_i32 : i32
  }
  func.func @transform_2(%arg0: i32) -> (i32, i32) {
    %c0_i32 = arith.constant 0 : i32
    %c0_i32_0 = arith.constant 0 : i32
    %c0_i32_1 = arith.constant 0 : i32
    return %c0_i32, %c0_i32_0 : i32, i32
  }
  func.func @transform_3(%arg0: i32) -> (i32, i32) {
    %c0_i32 = arith.constant 0 : i32
    %c0_i32_0 = arith.constant 0 : i32
    %c0_i32_1 = arith.constant 0 : i32
    return %c0_i32, %c0_i32_0 : i32, i32
  }
}

</mosaic_0001>

<sc_bundles>
// kernel: kernel.5.cloned.1.call-start
scs
__scs_entry_jumppad:
0x0: {  	(pc) =	sbr.rel $0x88, $3  }
0x1: {  	(tag) =	ssettag $0x0;
	lr =	simm.s32 $0x1  }
0x2: {  	[smem:$0x3F9D] =	sst lr;
	_ =	strace $0xD0000000  }
0x3: {  	_ = 	snop  }
0x4: {  	_ = 	snop  }
0x5: {  	_ = 	snop  }
0x6: {  	_ = 	snop  }
0x7: {  	_ = 	snop  }
__scs_overlays_trampoline_lowered:
0x8: {  	[smem:$0x3FAC] =	sst s0  }
0x9: {  	[smem:$0x3FAD] =	sst s1  }
0xa: {  	[smem:$0x3FAE] =	sst s2  }
0xb: {  	[smem:$0x3FAF] =	sst s3  }
0xc: {  	[smem:$0x3FB0] =	sst s4  }
0xd: {  	[smem:$0x3FB1] =	sst s5  }
0xe: {  	[smem:$0x3FB2] =	sst s6  }
0xf: {  	[smem:$0x3FB3] =	sst s7  }
0x10: {  	[smem:$0x3FB4] =	sst s8  }
0x11: {  	[smem:$0x3FB5] =	sst s9;
	s0 =	simm.s32 @!p0 $0x0  }
0x12: {  	s1 =	sld [smem:$0x3F9B];
	s0 =	simm.s32 @p0 $0x1  }
0x13: {  	[smem:$0x3FB6] =	sst s0;
	s0 =	simm.s32 @!p1 $0x0  }
0x14: {  	s2 =	sld [smem:$0x3F9A];
	s0 =	simm.s32 @p1 $0x1  }
0x15: {  	[smem:$0x3FB7] =	sst s0;
	s0 =	simm.s32 @!p2 $0x0  }
0x16: {  	s3 =	sld [smem:$0x3FDB];
	s0 =	simm.s32 @p2 $0x1  }
0x17: {  	s4 =	simm.s32 $0x1BF5;
	[smem:$0x3FB9] =	sst s0  }
0x18: {  	s0 =	sld [smem:$0x3F9C];
	_ =	swait.ge [sflag:s4], $0x0  }
0x19: {  	s7 =	sld [smem:$0x3F9D]  }
0x1a: {  	s8 =	sadd.s32 $0xFFFFE003, lr  }
0x1b: {  	s9 =	sadd.s32 $0xFFFFFEF7, lr;
	s5 =	simm.s32 $0xFFFFFFFF;
	p2 =	slt.u32 s8, $0xFFFFF086  }
0x1c: {  	p1 =	slt.u32 s9, $0xF7A;
	s5 =	simm.s32 @!p2 $0x0  }
0x1d: {  	s5 =	simm.s32 @p1 $0x1;
	p0 =	seq.s32 s7, s2  }
0x1e: {  	s7 =	smul.u32 @!p0 $0xF7A, s2;
	p2 =	seq.s32 @!p0 s5, $0x0  }
0x1f: {  	s9 =	smul.u32 $0xF7A, s1;
	s8 =	simm.s32 @!p0 $0x1BF5;
	p2 =	por !p2, p0  }
0x20: {  	[sflag:s8] =	ssyncset.s32 @!p0 $0xFFFFF086;
	s6 =	sadd.s32 @!p0 s3, s7;
	s7 =	simm.s32 @!p0 $0x108  }
0x21: {  	s3 =	sadd.s32 s3, s9;
	s6 =	sadd.s32 @!p0 $0x88, s6;
	s7 =	simm.s32 @p2 $0x1082  }
0x22: {  	[simem:s7], [sflag:s8] =	dma.local @!p0 [hbm:s6], $0xF7A  }
0x23: {  	s9 =	sor.u32 $0xD0000000, s2;
	s6 =	simm.s32 $0x108;
	_ =	swait.ge @!p0 [sflag:s8], $0x0  }
0x24: {  	s3 =	sadd.s32 $0x88, s3;
	s6 =	simm.s32 @!p1 $0x1082;
	[sflag:s4] =	ssyncset.s32 $0xFFFFF086  }
0x25: {  	[simem:s6], [sflag:s4] =	dma.local [hbm:s3], $0xF7A  }
0x26: {  	[smem:$0x3F9D] =	sst s1;
	(tag) =	ssettag s2;
	_ =	strace s9  }
0x27: {  	s1 =	sld [smem:$0x3FAD]  }
0x28: {  	s2 =	sld [smem:$0x3FAE]  }
0x29: {  	s4 =	sld [smem:$0x3FB0]  }
0x2a: {  	p0 =	seq.s32 s5, $0x0;
	s5 =	sld [smem:$0x3FB1]  }
0x2b: {  	s6 =	sld [smem:$0x3FB2]  }
0x2c: {  	s7 =	sld [smem:$0x3FB3]  }
0x2d: {  	s3 =	simm.s32 $0x108;
	s8 =	sld [smem:$0x3FB4]  }
0x2e: {  	s3 =	simm.s32 @!p0 $0x1082;
	s9 =	sld [smem:$0x3FB5]  }
0x2f: {  	lr =	sadd.s32 s0, s3;
	s0 =	sld [smem:$0x3FAC]  }
0x30: {  	s3 =	sld [smem:$0x3FAF]  }
0x31: {  	[smem:$0x3FB8] =	sst s10  }
0x32: {  	s10 =	sld [smem:$0x3FB6];
	_ =	sdelay $0x3  }
0x33: {  	p0 =	seq.s32 s10, $0x1;
	s10 =	sld [smem:$0x3FB8];
	_ =	sdelay $0x3  }
0x34: {  	[smem:$0x3FB8] =	sst s10  }
0x35: {  	s10 =	sld [smem:$0x3FB7];
	_ =	sdelay $0x3  }
0x36: {  	p1 =	seq.s32 s10, $0x1;
	s10 =	sld [smem:$0x3FB8];
	_ =	sdelay $0x3  }
0x37: {  	[smem:$0x3FB8] =	sst s10  }
0x38: {  	s10 =	sld [smem:$0x3FB9]  }
0x39: {  	_ = 	snop;
	(pc) =	sbr.ind lr, $3  }
0x3a: {  	_ = 	snop  }
0x3b: {  	_ = 	snop  }
0x3c: {  	p2 =	seq.s32 s10, $0x1;
	s10 =	sld [smem:$0x3FB8]  }
0x3d: {  	_ =	shalt  }
0x3e: {  	_ =	shalt  }
0x3f: {  	_ =	shalt  }
0x40: {  	_ =	shalt  }
0x41: {  	_ =	shalt  }
0x42: {  	_ =	shalt  }
0x43: {  	_ =	shalt  }
0x44: {  	_ =	shalt  }
0x45: {  	_ =	shalt  }
0x46: {  	_ =	shalt  }
0x47: {  	_ =	shalt  }
0x48: {  	_ =	shalt  }
0x49: {  	_ =	shalt  }
0x4a: {  	_ =	shalt  }
0x4b: {  	_ =	shalt  }
0x4c: {  	_ =	shalt  }
0x4d: {  	_ =	shalt  }
0x4e: {  	_ =	shalt  }
0x4f: {  	_ =	shalt  }
0x50: {  	_ =	shalt  }
0x51: {  	_ =	shalt  }
0x52: {  	_ =	shalt  }
0x53: {  	_ =	shalt  }
0x54: {  	_ =	shalt  }
0x55: {  	_ =	shalt  }
0x56: {  	_ =	shalt  }
0x57: {  	_ =	shalt  }
0x58: {  	_ =	shalt  }
0x59: {  	_ =	shalt  }
0x5a: {  	_ =	shalt  }
0x5b: {  	_ =	shalt  }
0x5c: {  	_ =	shalt  }
0x5d: {  	_ =	shalt  }
0x5e: {  	_ =	shalt  }
0x5f: {  	_ =	shalt  }
0x60: {  	_ =	shalt  }
0x61: {  	_ =	shalt  }
0x62: {  	_ =	shalt  }
0x63: {  	_ =	shalt  }
0x64: {  	_ =	shalt  }
0x65: {  	_ =	shalt  }
0x66: {  	_ =	shalt  }
0x67: {  	_ =	shalt  }
0x68: {  	_ =	shalt  }
0x69: {  	_ =	shalt  }
0x6a: {  	_ =	shalt  }
0x6b: {  	_ =	shalt  }
0x6c: {  	_ =	shalt  }
0x6d: {  	_ =	shalt  }
0x6e: {  	_ =	shalt  }
0x6f: {  	_ =	shalt  }
0x70: {  	_ =	shalt  }
0x71: {  	_ =	shalt  }
0x72: {  	_ =	shalt  }
0x73: {  	_ =	shalt  }
0x74: {  	_ =	shalt  }
0x75: {  	_ =	shalt  }
0x76: {  	_ =	shalt  }
0x77: {  	_ =	shalt  }
0x78: {  	_ =	shalt  }
0x79: {  	_ =	shalt  }
0x7a: {  	_ =	shalt  }
0x7b: {  	_ =	shalt  }
0x7c: {  	_ =	shalt  }
0x7d: {  	_ =	shalt  }
0x7e: {  	_ =	shalt  }
0x7f: {  	_ =	shalt  }
0x80: {  	_ =	shalt  }
0x81: {  	_ =	shalt  }
0x82: {  	_ =	shalt  }
0x83: {  	_ =	shalt  }
0x84: {  	_ =	shalt  }
0x85: {  	_ =	shalt  }
0x86: {  	_ =	shalt  }
0x87: {  	_ =	shalt  }
.Lfunc_end0:
.L_simem_size_0:
called_computation_lowered:
.L_overlay_start_0:
0x88: {  	s2 =	sld [smem:$0x3FD9]  }
0x89: {  	s3 =	sld [smem:$0x3FFE];
	_ =	sdelay $0x1  }
0x8a: {  	s1 =	srdreg.scid  }
0x8b: {  	s0 =	sand.u32 $0x1, s1  }
0x8c: {  	s17 =	sshll.u32 s0, $0xA;
	s2 =	sadd.s32 s3, s2  }
0x8d: {  	s2 =	sadd.s32 s2, s17  }
0x8e: {  	[smem:$0x3FC4] =	sst s2  }
0x8f: {  	_ = 	snop  }
0x90: {  	s2 =	sld [smem:$0x3FC9]  }
0x91: {  	s18 =	sld [smem:$0x3FC8]  }
0x92: {  	s4 =	sld [smem:$0x3FC6];
	(tm) =	ssettm $0x1  }
0x93: {  	s5 =	sld [smem:$0x3FFB];
	_ =	sdelay $0x3  }
0x94: {  	_ =	strace s5  }
0x95: {  	s5 =	sld [smem:$0x3FFC];
	_ =	sdelay $0x3  }
0x96: {  	_ =	strace s5  }
0x97: {  	s5 =	sld [smem:$0x3FFD];
	_ =	sdelay $0x3  }
0x98: {  	_ =	strace s5  }
0x99: {  	_ =	strace $0x8FFFFFFF  }
0x9a: {  	s19 =	sld [smem:$0x3FDB];
	_ =	sdelay $0x1  }
0x9b: {  	s6 =	simm.s32 $_scs_section_size  }
0x9c: {  	s7 =	simm.s32 $_size__tile_overlayer_lowered;
	s8 =	simm.s32 $_tile_overlayer_lowered  }
0x9d: {  	s22 =	simm.s32 $0x1BFF;
	s21 =	sshll.u32 s8, $0x1;
	s5 =	sadd.s32 s6, s19  }
0x9e: {  	s9 =	simm.s32 $0x0;
	s20 =	sshll.u32 s7, $0x1;
	s7 =	sadd.s32 s21, s5  }
0x9f: {  	[timem:s9], [sflag:s22] =	dma.local [hbm:s7], s20  }
0xa0: {  	_ =	swait.ge [sflag:s22], s20  }
0xa1: {  	s6 =	ssub.s32 $0x0, s20;
	[sflag:s22] =	ssyncset.done $0x0  }
0xa2: {  	[sflag:s22] =	ssyncadd.s32 s6;
	_ =	sdelay $0x1  }
0xa3: {  	s23 =	simm.s32 $0x1B8B  }
0xa4: {  	_ =	swait.ge [sflag:s23], $0x1  }
0xa5: {  	[sflag:s23] =	ssyncset.done $0x0  }
0xa6: {  	s25 =	simm.s32 $0x1B8E;
	s24 =	sld [smem:$0x3FFE];
	[sflag:s23] =	ssyncadd.s32 $0xFFFFFFFF  }
0xa7: {  	s26 =	simm.s32 $execute0_lowered;
	[smem:$0x3FD2] =	sst s25  }
0xa8: {  	s7 =	sshll.u32 s26, $0x1;
	_ =	strace $0x80000046;
	[dreg:$0x1] =	wrdreg $0xFFFFFFFF  }
0xa9: {  	s28 =	simm.s32 $_size_execute0_lowered;
	s5 =	sadd.s32 s5, s7;
	[dreg:$0x0] =	wrdreg $0x0  }
0xaa: {  	s7 =	sshll.u32 s28, $0x1;
	[dreg:$0x2] =	wrdreg s5  }
0xab: {  	[dreg:$0x3] =	wrdreg s7  }
0xac: {  	[dreg:$0x4] =	wrdreg $0xC0  }
0xad: {  	_ =	task [dreg:s9], $0x5FFFF  }
0xae: {  	[dreg:$0x1] =	wrdreg $0xFFFFFFFF  }
0xaf: {  	[dreg:$0x0] =	wrdreg $0x60  }
0xb0: {  	[dreg:$0x2] =	wrdreg s2  }
0xb1: {  	[dreg:$0x3] =	wrdreg s4  }
0xb2: {  	[dreg:$0x4] =	wrdreg s18  }
0xb3: {  	[dreg:$0x5] =	wrdreg s24  }
0xb4: {  	[dreg:$0x6] =	wrdreg $0x9  }
0xb5: {  	_ =	task.clear_ibuf [dreg:s9], $0x7FFFF;
	_ =	strace $0x90000046  }
0xb6: {  	s29 =	simm.s32 $0x9;
	_ =	strace $0x80000048  }
0xb7: {  	_ =	swait.ge [sflag:s29], $0x1  }
0xb8: {  	[sflag:s29] =	ssyncadd.s32 $0xFFFFFFFF  }
0xb9: {  	_ =	strace $0x90000048  }
0xba: {  	_ =	sfence  }
0xbb: {  	s30 =	sld [smem:$0x0];
	_ =	sdelay $0x2  }
0xbc: {  	s31 =	sshll.u32 s1, $0xD;
	s1 =	sshrl.u32 s1, $0x2  }
0xbd: {  	s3 =	sand.u32 $0x4000, s31;
	s1 =	sadd.s32 s1, s30  }
0xbe: {  	s0 =	sor.u32 s3, s0;
	s1 =	sshll.u32 s1, $0x11  }
0xbf: {  	s0 =	sor.u32 s1, s0  }
0xc0: {  	s0 =	sadd.s32 $0x8F2B, s0  }
0xc1: {  	[sflag:s0] =	ssyncadd.remote.s32 $0x1  }
0xc2: {  	_ =	sfence.sel $0xFFFF  }
0xc3: {  	[dreg:$0x0] =	wrdreg $0xFFFFFFFF;
	(pc) =	sbr.abs _section_cstart, $3  }
0xc4: {  	[dreg:$0x1] =	wrdreg $0xFFFFFFFF  }
0xc5: {  	_ =	task.clear_ibuf [dreg:s9], $0x2FFFF;
	_ =	strace $0x9FFFFFFF  }
0xc6: {  	(tm) =	ssettm $0x7FFFFFFF  }
0xc7: {  	_ =	shalt  }
tec
execute0_lowered:
.L_overlay_start_1:
0x0: {  	(tag) =	ssettag $0x1  }
0x1: {  	s0 =	rddreg [dreg:$0x0]  }
0x2: {  	s23 =	rddreg [dreg:$0x1]  }
0x3: {  	s1 =	srdreg.scid;
	s3 =	stileid.u32  }
0x4: {  	s24 =	rddreg [dreg:$0x2];
	s1 =	sand.u32 $0x1, s1;
	s3 =	sshll.u32 s3, $0x1  }
0x5: {  	s2 =	rddreg [dreg:$0x3];
	s3 =	sor.u32 s1, s3;
	s1 =	ssub.s32 $0x2, s1  }
0x6: {  	s6 =	smul.u32 $0xC0, s3;
	s8 =	sshll.u32 s3, $0x4;
	s3 =	sshll.u32 s3, $0x7  }
0x7: {  	s4 =	simm.s32 $0x0;
	s7 =	sshrl.u32 s1, $0x1;
	s9 =	sor.u32 s8, s3  }
0x8: {  	s2 =	sadd.s32 $0xC00, s2;
	s1 =	ssub.s32 s1, s7;
	s22 =	sand.u32 $0xC70, s9  }
0x9: {  	s5 =	sadd.s32 $0x6800, s6;
	s7 =	sadd.s32 $0x6860, s6;
	s6 =	sshrl.u32 s22, $0x3  }
0xa: {  	s31 =	simm.s32 $0x1;
	[smem:$0x7FF] =	sst s4;
	s6 =	sadd.s32 s2, s6  }
0xb: {  	_ =	strace $0x80000047;
	s11 =	sadd.s32 $0x10, s6;
	[dreg:$0x5] =	wrdreg s6  }
0xc: {  	s29 =	simm.s32 $0x0;
	s12 =	sadd.s32 $0x20, s6;
	[dreg:$0x6] =	wrdreg s11  }
0xd: {  	s8 =	sand.u32 $0x70, s8;
	s13 =	sadd.s32 $0x30, s6;
	[dreg:$0x7] =	wrdreg s12  }
0xe: {  	s10 =	sor.u32 s3, s8;
	s14 =	sadd.s32 $0x40, s6;
	[dreg:$0x8] =	wrdreg s13  }
0xf: {  	s30 =	smax.u32 s1, $0x1;
	s16 =	sadd.s32 $0x50, s6;
	[dreg:$0x9] =	wrdreg s14  }
0x10: {  	s21 =	sshll.u32 s5, $0x4;
	s17 =	sadd.s32 $0x60, s6;
	[dreg:$0xa] =	wrdreg s16  }
0x11: {  	s26 =	sshll.u32 s7, $0x4;
	s18 =	sadd.s32 $0x200, s6;
	[dreg:$0xb] =	wrdreg s17  }
0x12: {  	s25 =	sadd.s32 s0, s21;
	s19 =	sadd.s32 $0x210, s6;
	[dreg:$0xd] =	wrdreg s18  }
0x13: {  	s9 =	sadd.s32 s0, s26;
	s20 =	sadd.s32 $0x220, s6;
	[dreg:$0xe] =	wrdreg s19  }
.Ltmp0:
0x14: {  	s21 =	sadd.s32 $0x230, s6;
	[dreg:$0xf] =	wrdreg s20;
	(pc) =	sbr.rel .LBB2_1-.Ltmp0, $4  }
0x15: {  	s0 =	sshrl.u32 s10, $0x3;
	s22 =	sadd.s32 $0x240, s6;
	[dreg:$0x10] =	wrdreg s21  }
0x16: {  	s15 =	sor.u32 $0x70, s0;
	s26 =	sadd.s32 $0x250, s6;
	[dreg:$0x11] =	wrdreg s22  }
0x17: {  	s0 =	sor.u32 $0x270, s0;
	s3 =	sadd.s32 s2, s15;
	[dreg:$0x12] =	wrdreg s26  }
0x18: {  	v0 =	vimm.f32 $0.0e+00;
	s28 =	sadd.s32 $0x260, s6;
	s2 =	sadd.s32 s2, s0;
	[dreg:$0xc] =	wrdreg s3  }
.LBB2_254:
0x19: {  	v14 =	vmov v24  }
.LBB2_259:
0x1a: {  	v7 =	vadd.f32 v18, v15;
	v1 =	vmul.f32 v10, v1;
	_ =	sdelay $0x1  }
0x1b: {  	v4 =	vmul.f32 v11, v4;
	v1 =	vadd.f32 v1, v7  }
0x1c: {  	v62 =	vld [tilespmem:s3+$0x20]  }
0x1d: {  	v63 =	vmul.f32 v12, v5;
	v1 =	vadd.f32 v4, v1  }
0x1e: {  	v8 =	vld [tilespmem:s3+$0x30];
	v5 =	vadd.f32 @p0 v16, v19  }
0x1f: {  	v6 =	vmul.f32 v9, v6;
	v1 =	vadd.f32 v63, v1  }
0x20: {  	v4 =	vmul.f32 @p0 v13, v3;
	v5 =	vadd.f32 @p0 v17, v5  }
0x21: {  	v2 =	vmul.f32 v62, v2;
	v1 =	vadd.f32 v6, v1  }
0x22: {  	v4 =	vadd.f32 @p0 v4, v5  }
0x23: {  	v3 =	vmul.f32 v8, v3;
	v1 =	vadd.f32 v2, v1  }
0x24: {  	v2 =	vadd.f32 @p0 v4, v14  }
0x25: {  	v1 =	vadd.f32 v3, v1  }
0x26: {  	v2 =	vpsel p0, v2, v24  }
0x27: {  	v24 =	vadd.f32 v1, v2  }
.LBB2_260:
0x28: {  	_ = 	snop  }
0x29: {  	s0 =	rddreg [dreg:$0x5];
	s1 =	simm.s32 $0x6100;
	[tilespmem:$0x61F0] =	vst v24  }
0x2a: {  	[hbm4b:s0+s4] =	stream.linear.scatter [tilespmem:s1], [sflag:$0x1], $0x10, $0x38;
	[tilespmem:$0x6200] =	vst v63  }
0x2b: {  	s14 =	rddreg [dreg:$0x6];
	s15 =	simm.s32 $0x6110  }
0x2c: {  	[hbm4b:s14+s4] =	stream.linear.scatter [tilespmem:s15], [sflag:$0x1], $0x10, $0x38;
	[tilespmem:$0x6200] =	vst v63  }
0x2d: {  	s16 =	rddreg [dreg:$0x7];
	s17 =	simm.s32 $0x6120  }
0x2e: {  	[hbm4b:s16+s4] =	stream.linear.scatter [tilespmem:s17], [sflag:$0x1], $0x10, $0x38;
	[tilespmem:$0x6200] =	vst v63  }
0x2f: {  	s18 =	rddreg [dreg:$0x8];
	s19 =	simm.s32 $0x6130  }
0x30: {  	[hbm4b:s18+s4] =	stream.linear.scatter [tilespmem:s19], [sflag:$0x1], $0x10, $0x38;
	[tilespmem:$0x6200] =	vst v63  }
0x31: {  	s20 =	rddreg [dreg:$0x9];
	s21 =	simm.s32 $0x6140  }
0x32: {  	[hbm4b:s20+s4] =	stream.linear.scatter [tilespmem:s21], [sflag:$0x1], $0x10, $0x38;
	[tilespmem:$0x6200] =	vst v63  }
0x33: {  	s22 =	rddreg [dreg:$0xa];
	s26 =	simm.s32 $0x6150  }
0x34: {  	[hbm4b:s22+s4] =	stream.linear.scatter [tilespmem:s26], [sflag:$0x1], $0x10, $0x38;
	[tilespmem:$0x6200] =	vst v63  }
0x35: {  	s3 =	simm.s32 $0x6160;
	s1 =	rddreg [dreg:$0xb]  }
0x36: {  	[hbm4b:s1+s4] =	stream.linear.scatter [tilespmem:s3], [sflag:$0x1], $0x10, $0x38;
	[tilespmem:$0x6200] =	vst v63  }
0x37: {  	s6 =	rddreg [dreg:$0xc];
	s8 =	simm.s32 $0x6170  }
0x38: {  	[hbm4b:s6+s4] =	stream.linear.scatter [tilespmem:s8], [sflag:$0x1], $0x10, $0x38;
	[tilespmem:$0x6200] =	vst v63  }
0x39: {  	s10 =	rddreg [dreg:$0xd];
	s11 =	simm.s32 $0x6180  }
0x3a: {  	[hbm4b:s10+s4] =	stream.linear.scatter [tilespmem:s11], [sflag:$0x1], $0x10, $0x38;
	[tilespmem:$0x6200] =	vst v63  }
0x3b: {  	s12 =	rddreg [dreg:$0xe];
	s13 =	simm.s32 $0x6190  }
0x3c: {  	[hbm4b:s12+s4] =	stream.linear.scatter [tilespmem:s13], [sflag:$0x1], $0x10, $0x38;
	[tilespmem:$0x6200] =	vst v63  }
0x3d: {  	s14 =	rddreg [dreg:$0xf];
	s15 =	simm.s32 $0x61A0  }
0x3e: {  	[hbm4b:s14+s4] =	stream.linear.scatter [tilespmem:s15], [sflag:$0x1], $0x10, $0x38;
	[tilespmem:$0x6200] =	vst v63  }
0x3f: {  	s16 =	rddreg [dreg:$0x10];
	s17 =	simm.s32 $0x61B0  }
0x40: {  	[hbm4b:s16+s4] =	stream.linear.scatter [tilespmem:s17], [sflag:$0x1], $0x10, $0x38;
	[tilespmem:$0x6200] =	vst v63  }
0x41: {  	s18 =	rddreg [dreg:$0x11];
	s19 =	simm.s32 $0x61C0  }
0x42: {  	[hbm4b:s18+s4] =	stream.linear.scatter [tilespmem:s19], [sflag:$0x1], $0x10, $0x38;
	[tilespmem:$0x6200] =	vst v63  }
0x43: {  	s20 =	rddreg [dreg:$0x12];
	s21 =	simm.s32 $0x61D0  }
0x44: {  	[hbm4b:s20+s4] =	stream.linear.scatter [tilespmem:s21], [sflag:$0x1], $0x10, $0x38;
	[tilespmem:$0x6200] =	vst v63  }
0x45: {  	s22 =	simm.s32 $0x61E0  }
0x46: {  	[hbm4b:s28+s4] =	stream.linear.scatter [tilespmem:s22], [sflag:$0x1], $0x10, $0x38;
	[tilespmem:$0x6200] =	vst v63  }
0x47: {  	s26 =	simm.s32 $0x61F0  }
0x48: {  	[hbm4b:s2+s4] =	stream.linear.scatter [tilespmem:s26], [sflag:$0x1], $0x10, $0x38;
	[tilespmem:$0x6200] =	vst v63  }
0x49: {  	_ =	swait.ge [sflag:s31], $0x10  }
0x4a: {  	[sflag:s31] =	ssyncset.done $0x0  }
0x4b: {  	[sflag:s31] =	ssyncadd.s32 $0xFFFFFFF0  }
0x4c: {  	_ =	swait.ge [sflag:s31], $0x10  }
0x4d: {  	[sflag:s31] =	ssyncset.done $0x0  }
0x4e: {  	[sflag:s31] =	ssyncadd.s32 $0xFFFFFFF0  }
0x4f: {  	_ =	swait.ge [sflag:s31], $0x10  }
0x50: {  	[sflag:s31] =	ssyncset.done $0x0  }
0x51: {  	[sflag:s31] =	ssyncadd.s32 $0xFFFFFFF0  }
0x52: {  	_ =	swait.ge [sflag:s31], $0x10  }
0x53: {  	[sflag:s31] =	ssyncset.done $0x0  }
0x54: {  	[sflag:s31] =	ssyncadd.s32 $0xFFFFFFF0  }
0x55: {  	_ =	swait.ge [sflag:s31], $0x10  }
0x56: {  	[sflag:s31] =	ssyncset.done $0x0  }
0x57: {  	[sflag:s31] =	ssyncadd.s32 $0xFFFFFFF0  }
0x58: {  	_ =	swait.ge [sflag:s31], $0x10  }
0x59: {  	[sflag:s31] =	ssyncset.done $0x0  }
0x5a: {  	[sflag:s31] =	ssyncadd.s32 $0xFFFFFFF0  }
0x5b: {  	_ =	swait.ge [sflag:s31], $0x10  }
0x5c: {  	[sflag:s31] =	ssyncset.done $0x0  }
0x5d: {  	[sflag:s31] =	ssyncadd.s32 $0xFFFFFFF0  }
0x5e: {  	_ =	swait.ge [sflag:s31], $0x10  }
0x5f: {  	[sflag:s31] =	ssyncset.done $0x0  }
0x60: {  	[sflag:s31] =	ssyncadd.s32 $0xFFFFFFF0  }
0x61: {  	_ =	swait.ge [sflag:s31], $0x10  }
0x62: {  	[sflag:s31] =	ssyncset.done $0x0  }
0x63: {  	[sflag:s31] =	ssyncadd.s32 $0xFFFFFFF0  }
0x64: {  	_ =	swait.ge [sflag:s31], $0x10  }
0x65: {  	[sflag:s31] =	ssyncset.done $0x0  }
0x66: {  	[sflag:s31] =	ssyncadd.s32 $0xFFFFFFF0  }
0x67: {  	_ =	swait.ge [sflag:s31], $0x10  }
0x68: {  	[sflag:s31] =	ssyncset.done $0x0  }
0x69: {  	[sflag:s31] =	ssyncadd.s32 $0xFFFFFFF0  }
0x6a: {  	_ =	swait.ge [sflag:s31], $0x10  }
0x6b: {  	[sflag:s31] =	ssyncset.done $0x0  }
0x6c: {  	[sflag:s31] =	ssyncadd.s32 $0xFFFFFFF0  }
0x6d: {  	_ =	swait.ge [sflag:s31], $0x10  }
0x6e: {  	[sflag:s31] =	ssyncset.done $0x0  }
0x6f: {  	[sflag:s31] =	ssyncadd.s32 $0xFFFFFFF0  }
0x70: {  	_ =	swait.ge [sflag:s31], $0x10  }
0x71: {  	[sflag:s31] =	ssyncset.done $0x0  }
0x72: {  	s29 =	sadd.s32 $0x1, s29;
	[sflag:s31] =	ssyncadd.s32 $0xFFFFFFF0  }
0x73: {  	p0 =	sne.s32 s29, s30;
	_ =	swait.ge [sflag:s31], $0x10  }
.Ltmp1:
0x74: {  	[sflag:s31] =	ssyncset.done $0x0;
	(pc) =	sbr.rel @!p0 .LBB2_261-.Ltmp1, $4  }
0x75: {  	[sflag:s31] =	ssyncadd.s32 $0xFFFFFFF0  }
0x76: {  	_ =	swait.ge [sflag:s31], $0x10  }
0x77: {  	[sflag:s31] =	ssyncset.done $0x0  }
0x78: {  	[sflag:s31] =	ssyncadd.s32 $0xFFFFFFF0  }
.LBB2_1:
0x79: {  	[tilespmem:s4], [sflag:$0x1] =	stream.linear.gather [hbm4b:s25+s4], $0x3000, $0x38;
	[tilespmem:$0x6200] =	vst v63  }
0x7a: {  	s0 =	simm.s32 $0x6000;
	s20 =	simm.s32 $0x3  }
0x7b: {  	[tilespmem:s0], [sflag:$0x3] =	stream.linear.gather [hbm4b:s24+s4], $0x80, $0x38;
	[tilespmem:$0x6200] =	vst v63  }
0x7c: {  	_ =	swait.ge [sflag:s20], $0x80  }
0x7d: {  	[sflag:s20] =	ssyncset.done $0x0  }
0x7e: {  	s1 =	simm.s32 $0x6080;
	[sflag:s20] =	ssyncadd.s32 $0xFFFFFF80  }
0x7f: {  	[tilespmem:s1], [sflag:$0x3] =	stream.linear.gather [hbm4b:s23+s4], $0x10, $0x38;
	[tilespmem:$0x6200] =	vst v63  }
0x80: {  	_ =	swait.ge [sflag:s20], $0x10  }
0x81: {  	[sflag:s20] =	ssyncset.done $0x0  }
0x82: {  	[sflag:s20] =	ssyncadd.s32 $0xFFFFFFF0  }
0x83: {  	v1 =	vld [tilespmem:$0x6080];
	_ =	sdelay $0x4  }
0x84: {  	(v2sf) =	vpush v1, $0x0  }
0x85: {  	[tilespmem:$0x6100] =	vst v0;
	(v2sf) =	vpush v1, $0x1  }
0x86: {  	[tilespmem:$0x6110] =	vst v0  }
0x87: {  	[tilespmem:$0x6120] =	vst v0;
	(v2sf) =	vpush v1, $0x2  }
0x88: {  	[tilespmem:$0x6130] =	vst v0;
	(v2sf) =	vpush v1, $0x3  }
0x89: {  	[tilespmem:$0x6140] =	vst v0;
	(v2sf) =	vpush v1, $0x4  }
0x8a: {  	[tilespmem:$0x6150] =	vst v0;
	(v2sf) =	vpush v1, $0x5  }
0x8b: {  	[tilespmem:$0x6160] =	vst v0;
	(v2sf) =	vpush v1, $0x6  }
0x8c: {  	[tilespmem:$0x6170] =	vst v0;
	(v2sf) =	vpush v1, $0x7  }
0x8d: {  	[tilespmem:$0x6180] =	vst v0;
	(v2sf) =	vpush v1, $0x8  }
0x8e: {  	v7 =	vld [tilespmem:$0x6000];
	[tilespmem:$0x6190] =	vst v0;
	(v2sf) =	vpush v1, $0x9  }
0x8f: {  	v8 =	vld [tilespmem:$0x6010];
	[tilespmem:$0x61A0] =	vst v0;
	(v2sf) =	vpush v1, $0xA  }
0x90: {  	[tilespmem:$0x61B0] =	vst v0;
	v4 =	vld [tilespmem:$0x6030];
	(v2sf) =	vpush v1, $0xB  }
0x91: {  	[tilespmem:$0x61C0] =	vst v0;
	v5 =	vld [tilespmem:$0x6040];
	(v2sf) =	vpush v1, $0xC  }
0x92: {  	[tilespmem:$0x61D0] =	vst v0;
	v6 =	vld [tilespmem:$0x6050];
	(v2sf) =	vpush v1, $0xD  }
0x93: {  	[tilespmem:$0x61E0] =	vst v0;
	v2 =	vld [tilespmem:$0x6060];
	s17 =	spop (v2sf);
	(v2sf) =	vpush v1, $0xE  }
0x94: {  	s22 =	simm.s32 $0x3000;
	[tilespmem:$0x61F0] =	vst v0;
	v3 =	vld [tilespmem:$0x6070];
	s18 =	spop (v2sf)  }
0x95: {  	(v2sf) =	vpush v1, $0xF;
	v1 =	vld [tilespmem:$0x6020];
	[tilespmem:s22], [sflag:$0x2] =	stream.linear.gather [hbm4b:s9+s4], $0x3000, $0x38  }
0x96: {  	s16 =	spop (v2sf)  }
0x97: {  	s15 =	spop (v2sf)  }
0x98: {  	s14 =	spop (v2sf)  }
0x99: {  	s13 =	spop (v2sf)  }
0x9a: {  	s12 =	spop (v2sf)  }
0x9b: {  	s11 =	spop (v2sf)  }
0x9c: {  	s10 =	spop (v2sf)  }
0x9d: {  	s19 =	ssub.s32 s17, s5;
	s8 =	spop (v2sf)  }
0x9e: {  	p0 =	sgt.s32 s19, $0x0;
	s20 =	ssub.s32 s18, s5;
	s6 =	spop (v2sf)  }
0x9f: {  	s19 =	simm.s32 @!p0 $0x0;
	p0 =	sgt.s32 s20, $0x0;
	s21 =	spop (v2sf)  }
0xa0: {  	s20 =	simm.s32 @!p0 $0x0;
	s19 =	smin.u32 s19, $0x60;
	s3 =	spop (v2sf)  }
0xa1: {  	[dreg:$0x14] =	wrdreg s21;
	s21 =	smin.u32 s20, $0x60;
	s1 =	spop (v2sf)  }
0xa2: {  	s20 =	sshll.u32 s19, $0x7;
	s19 =	sshll.u32 s21, $0x7;
	s26 =	spop (v2sf)  }
0xa3: {  	p0 =	sge.u32 s20, s19;
	[dreg:$0x13] =	wrdreg s26  }
.Ltmp2:
0xa4: {  	s0 =	spop (v2sf);
	(pc) =	sbr.rel @p0 .LBB2_9-.Ltmp2, $4  }
0xa5: {  	_ =	swait.ge [sflag:s31], $0x3000  }
0xa6: {  	[sflag:s31] =	ssyncset.done $0x0  }
0xa7: {  	[sflag:s31] =	ssyncadd.s32 $0xFFFFD000  }
0xa8: {  	v9 =	vld [tilespmem:$0x6100]  }
0xa9: {  	s21 =	sor.u32 $0x40, s20  }
0xaa: {  	s22 =	sadd.s32 $0x80, s20;
	v13 =	vld [tilespmem:s21+$0xFFFFFFC0]  }
0xab: {  	v14 =	vld [tilespmem:s21+$0xFFFFFFD0];
	p1 =	slt.u32 s22, s19  }
.Ltmp3:
0xac: {  	_ = 	snop;
	(pc) =	sbr.rel @!p1 .LBB2_3-.Ltmp3, $4  }
0xad: {  	v11 =	vld [tilespmem:s21+$0xFFFFFFE0]  }
0xae: {  	v12 =	vld [tilespmem:s21+$0xFFFFFFF0]  }
0xaf: {  	v10 =	vld [tilespmem:s21+$0x10]  }
0xb0: {  	p0 =	por $0x0, $0x0;
	s20 =	sadd.s32 $0x80, s21;
	v16 =	vmul.f32 v13, v7;
	v19 =	vmul.f32 v14, v8;
	v13 =	vld [tilespmem:s21+$0x0]  }
0xb1: {  	v15 =	vld [tilespmem:s20+$0xFFFFFFC0]  }
0xb2: {  	v18 =	vld [tilespmem:s20+$0xFFFFFFD0];
	v14 =	vadd.f32 v19, v16;
	v11 =	vmul.f32 v11, v1  }
0xb3: {  	v21 =	vld [tilespmem:s21+$0x20]  }
0xb4: {  	v16 =	vadd.f32 v11, v14;
	v14 =	vld [tilespmem:s21+$0x30];
	s21 =	sadd.s32 $0x80, s22  }
0xb5: {  	v12 =	vmul.f32 v12, v4;
	p1 =	slt.u32 s21, s19  }
.Ltmp4:
0xb6: {  	v11 =	vld [tilespmem:s20+$0xFFFFFFE0];
	(pc) =	sbr.rel @!p1 .LBB2_5-.Ltmp4, $4  }
0xb7: {  	v13 =	vmul.f32 v13, v5;
	v20 =	vadd.f32 v12, v16  }
0xb8: {  	v17 =	vmul.f32 v10, v6;
	v12 =	vld [tilespmem:s20+$0xFFFFFFF0]  }
0xb9: {  	v10 =	vld [tilespmem:s20+$0x10];
	v16 =	vmul.f32 v15, v7;
	v19 =	vmul.f32 v18, v8;
	v20 =	vadd.f32 v13, v20  }
0xba: {  	p0 =	por $0x1, $0x1;
	s22 =	sadd.s32 $0x80, s20;
	v18 =	vmul.f32 v21, v2;
	v15 =	vmov v9;
	v13 =	vld [tilespmem:s20+$0x0]  }
.LBB2_6:
0xbb: {  	v21 =	vld [tilespmem:s22+$0xFFFFFFC0];
	v16 =	vadd.f32 v19, v16;
	v11 =	vmul.f32 v11, v1;
	v17 =	vadd.f32 v17, v20  }
0xbc: {  	s21 =	sadd.s32 $0x80, s21;
	v19 =	vld [tilespmem:s22+$0xFFFFFFD0];
	v20 =	vmul.f32 v14, v3  }
0xbd: {  	p1 =	slt.u32 s21, s19;
	v14 =	vadd.f32 v11, v16;
	v12 =	vmul.f32 v12, v4;
	v22 =	vld [tilespmem:s20+$0x20];
	v16 =	vadd.f32 v18, v17  }
.Ltmp5:
0xbe: {  	v11 =	vld [tilespmem:s22+$0xFFFFFFE0];
	(pc) =	sbr.rel @p1 .LBB2_6-.Ltmp5, $4  }
0xbf: {  	v18 =	vadd.f32 v12, v14;
	v13 =	vmul.f32 v13, v5;
	v14 =	vld [tilespmem:s20+$0x30];
	v23 =	vadd.f32 v20, v16;
	s20 =	smov.u32 s22  }
0xc0: {  	v17 =	vmul.f32 v10, v6;
	v16 =	vmul.f32 v21, v7;
	v12 =	vld [tilespmem:s22+$0xFFFFFFF0]  }
0xc1: {  	v19 =	vmul.f32 v19, v8;
	v10 =	vld [tilespmem:s22+$0x10];
	v20 =	vadd.f32 v13, v18;
	v15 =	vadd.f32 v23, v15  }
0xc2: {  	s22 =	sadd.s32 $0x80, s22;
	v13 =	vld [tilespmem:s20+$0x0];
	v18 =	vmul.f32 v22, v2  }
0xc3: {  	s21 =	smov.u32 s20  }
.LBB2_8:
0xc4: {  	v16 =	vadd.f32 v19, v16;
	v11 =	vmul.f32 v11, v1;
	_ =	sdelay $0x1  }
0xc5: {  	v12 =	vmul.f32 v12, v4;
	v11 =	vadd.f32 v11, v16  }
0xc6: {  	v59 =	vld [tilespmem:s21+$0x20]  }
0xc7: {  	v60 =	vmul.f32 v13, v5;
	v11 =	vadd.f32 v12, v11  }
0xc8: {  	v61 =	vld [tilespmem:s21+$0x30];
	v13 =	vadd.f32 @p0 v17, v20  }
0xc9: {  	v10 =	vmul.f32 v10, v6;
	v11 =	vadd.f32 v60, v11  }
0xca: {  	v12 =	vmul.f32 @p0 v14, v3;
	v13 =	vadd.f32 @p0 v18, v13  }
0xcb: {  	v62 =	vmul.f32 v59, v2;
	v10 =	vadd.f32 v10, v11  }
0xcc: {  	v11 =	vadd.f32 @p0 v12, v13  }
0xcd: {  	v63 =	vmul.f32 v61, v3;
	v10 =	vadd.f32 v62, v10  }
0xce: {  	v11 =	vadd.f32 @p0 v11, v15  }
0xcf: {  	v10 =	vadd.f32 v63, v10  }
0xd0: {  	v9 =	vpsel p0, v11, v9  }
0xd1: {  	v9 =	vadd.f32 v10, v9  }
.LBB2_9:
0xd2: {  	s20 =	ssub.s32 s16, s5  }
0xd3: {  	p0 =	sgt.s32 s20, $0x0  }
0xd4: {  	s20 =	simm.s32 @!p0 $0x0  }
0xd5: {  	s20 =	smin.u32 s20, $0x60  }
0xd6: {  	s20 =	sshll.u32 s20, $0x7  }
0xd7: {  	p0 =	sge.u32 s19, s20  }
.Ltmp6:
0xd8: {  	_ = 	snop;
	(pc) =	sbr.rel @p0 .LBB2_17-.Ltmp6, $2  }
0xd9: {  	_ =	sdelay $0x2  }
0xda: {  	v10 =	vld [tilespmem:$0x6110];
	[tilespmem:$0x6100] =	vst v9  }
0xdb: {  	s21 =	sor.u32 $0x40, s19  }
0xdc: {  	s22 =	sadd.s32 $0x80, s19;
	v14 =	vld [tilespmem:s21+$0xFFFFFFC0]  }
0xdd: {  	v15 =	vld [tilespmem:s21+$0xFFFFFFD0];
	p1 =	slt.u32 s22, s20  }
.Ltmp7:
0xde: {  	_ = 	snop;
	(pc) =	sbr.rel @!p1 .LBB2_11-.Ltmp7, $4  }
0xdf: {  	v12 =	vld [tilespmem:s21+$0xFFFFFFE0]  }
0xe0: {  	v13 =	vld [tilespmem:s21+$0xFFFFFFF0]  }
0xe1: {  	v11 =	vld [tilespmem:s21+$0x10]  }
0xe2: {  	p0 =	por $0x0, $0x0;
	s19 =	sadd.s32 $0x80, s21;
	v17 =	vmul.f32 v14, v7;
	v20 =	vmul.f32 v15, v8;
	v14 =	vld [tilespmem:s21+$0x0]  }
0xe3: {  	v16 =	vld [tilespmem:s19+$0xFFFFFFC0]  }
0xe4: {  	v19 =	vld [tilespmem:s19+$0xFFFFFFD0];
	v15 =	vadd.f32 v20, v17;
	v12 =	vmul.f32 v12, v1  }
0xe5: {  	v22 =	vld [tilespmem:s21+$0x20]  }
0xe6: {  	v17 =	vadd.f32 v12, v15;
	v15 =	vld [tilespmem:s21+$0x30];
	s21 =	sadd.s32 $0x80, s22  }
0xe7: {  	v13 =	vmul.f32 v13, v4;
	p1 =	slt.u32 s21, s20  }
.Ltmp8:
0xe8: {  	v12 =	vld [tilespmem:s19+$0xFFFFFFE0];
	(pc) =	sbr.rel @!p1 .LBB2_13-.Ltmp8, $4  }
0xe9: {  	v14 =	vmul.f32 v14, v5;
	v21 =	vadd.f32 v13, v17  }
0xea: {  	v18 =	vmul.f32 v11, v6;
	v13 =	vld [tilespmem:s19+$0xFFFFFFF0]  }
0xeb: {  	v11 =	vld [tilespmem:s19+$0x10];
	v17 =	vmul.f32 v16, v7;
	v20 =	vmul.f32 v19, v8;
	v21 =	vadd.f32 v14, v21  }
0xec: {  	p0 =	por $0x1, $0x1;
	s22 =	sadd.s32 $0x80, s19;
	v19 =	vmul.f32 v22, v2;
	v16 =	vmov v10;
	v14 =	vld [tilespmem:s19+$0x0]  }
.LBB2_14:
0xed: {  	v22 =	vld [tilespmem:s22+$0xFFFFFFC0];
	v17 =	vadd.f32 v20, v17;
	v12 =	vmul.f32 v12, v1;
	v18 =	vadd.f32 v18, v21  }
0xee: {  	s21 =	sadd.s32 $0x80, s21;
	v20 =	vld [tilespmem:s22+$0xFFFFFFD0];
	v21 =	vmul.f32 v15, v3  }
0xef: {  	p1 =	slt.u32 s21, s20;
	v15 =	vadd.f32 v12, v17;
	v13 =	vmul.f32 v13, v4;
	v23 =	vld [tilespmem:s19+$0x20];
	v17 =	vadd.f32 v19, v18  }
.Ltmp9:
0xf0: {  	v12 =	vld [tilespmem:s22+$0xFFFFFFE0];
	(pc) =	sbr.rel @p1 .LBB2_14-.Ltmp9, $4  }
0xf1: {  	v19 =	vadd.f32 v13, v15;
	v14 =	vmul.f32 v14, v5;
	v15 =	vld [tilespmem:s19+$0x30];
	v24 =	vadd.f32 v21, v17;
	s19 =	smov.u32 s22  }
0xf2: {  	v18 =	vmul.f32 v11, v6;
	v17 =	vmul.f32 v22, v7;
	v13 =	vld [tilespmem:s22+$0xFFFFFFF0]  }
0xf3: {  	v20 =	vmul.f32 v20, v8;
	v11 =	vld [tilespmem:s22+$0x10];
	v21 =	vadd.f32 v14, v19;
	v16 =	vadd.f32 v24, v16  }
0xf4: {  	s22 =	sadd.s32 $0x80, s22;
	v14 =	vld [tilespmem:s19+$0x0];
	v19 =	vmul.f32 v23, v2  }
0xf5: {  	s21 =	smov.u32 s19  }
.LBB2_16:
0xf6: {  	v17 =	vadd.f32 v20, v17;
	v12 =	vmul.f32 v12, v1;
	_ =	sdelay $0x1  }
0xf7: {  	v13 =	vmul.f32 v13, v4;
	v12 =	vadd.f32 v12, v17  }
0xf8: {  	v59 =	vld [tilespmem:s21+$0x20]  }
0xf9: {  	v60 =	vmul.f32 v14, v5;
	v12 =	vadd.f32 v13, v12  }
0xfa: {  	v61 =	vld [tilespmem:s21+$0x30];
	v14 =	vadd.f32 @p0 v18, v21  }
0xfb: {  	v11 =	vmul.f32 v11, v6;
	v12 =	vadd.f32 v60, v12  }
0xfc: {  	v13 =	vmul.f32 @p0 v15, v3;
	v14 =	vadd.f32 @p0 v19, v14  }
0xfd: {  	v62 =	vmul.f32 v59, v2;
	v11 =	vadd.f32 v11, v12  }
0xfe: {  	v12 =	vadd.f32 @p0 v13, v14  }
0xff: {  	v63 =	vmul.f32 v61, v3;
	v11 =	vadd.f32 v62, v11  }
0x100: {  	v12 =	vadd.f32 @p0 v12, v16  }
0x101: {  	v11 =	vadd.f32 v63, v11  }
0x102: {  	v10 =	vpsel p0, v12, v10  }
0x103: {  	v10 =	vadd.f32 v11, v10  }
.LBB2_17:
0x104: {  	s19 =	ssub.s32 s15, s5  }
0x105: {  	p0 =	sgt.s32 s19, $0x0  }
0x106: {  	s19 =	simm.s32 @!p0 $0x0  }
0x107: {  	s19 =	smin.u32 s19, $0x60  }
0x108: {  	s19 =	sshll.u32 s19, $0x7  }
0x109: {  	p0 =	sge.u32 s20, s19  }
.Ltmp10:
0x10a: {  	_ = 	snop;
	(pc) =	sbr.rel @p0 .LBB2_25-.Ltmp10, $2  }
0x10b: {  	_ =	sdelay $0x2  }
0x10c: {  	v11 =	vld [tilespmem:$0x6120];
	[tilespmem:$0x6110] =	vst v10  }
0x10d: {  	s21 =	sor.u32 $0x40, s20  }
0x10e: {  	s22 =	sadd.s32 $0x80, s20;
	v15 =	vld [tilespmem:s21+$0xFFFFFFC0]  }
0x10f: {  	v16 =	vld [tilespmem:s21+$0xFFFFFFD0];
	p1 =	slt.u32 s22, s19  }
.Ltmp11:
0x110: {  	_ = 	snop;
	(pc) =	sbr.rel @!p1 .LBB2_19-.Ltmp11, $4  }
0x111: {  	v13 =	vld [tilespmem:s21+$0xFFFFFFE0]  }
0x112: {  	v14 =	vld [tilespmem:s21+$0xFFFFFFF0]  }
0x113: {  	v12 =	vld [tilespmem:s21+$0x10]  }
0x114: {  	p0 =	por $0x0, $0x0;
	s20 =	sadd.s32 $0x80, s21;
	v18 =	vmul.f32 v15, v7;
	v21 =	vmul.f32 v16, v8;
	v15 =	vld [tilespmem:s21+$0x0]  }
0x115: {  	v17 =	vld [tilespmem:s20+$0xFFFFFFC0]  }
0x116: {  	v20 =	vld [tilespmem:s20+$0xFFFFFFD0];
	v16 =	vadd.f32 v21, v18;
	v13 =	vmul.f32 v13, v1  }
0x117: {  	v23 =	vld [tilespmem:s21+$0x20]  }
0x118: {  	v18 =	vadd.f32 v13, v16;
	v16 =	vld [tilespmem:s21+$0x30];
	s21 =	sadd.s32 $0x80, s22  }
0x119: {  	v14 =	vmul.f32 v14, v4;
	p1 =	slt.u32 s21, s19  }
.Ltmp12:
0x11a: {  	v13 =	vld [tilespmem:s20+$0xFFFFFFE0];
	(pc) =	sbr.rel @!p1 .LBB2_21-.Ltmp12, $4  }
0x11b: {  	v15 =	vmul.f32 v15, v5;
	v22 =	vadd.f32 v14, v18  }
0x11c: {  	v19 =	vmul.f32 v12, v6;
	v14 =	vld [tilespmem:s20+$0xFFFFFFF0]  }
0x11d: {  	v12 =	vld [tilespmem:s20+$0x10];
	v18 =	vmul.f32 v17, v7;
	v21 =	vmul.f32 v20, v8;
	v22 =	vadd.f32 v15, v22  }
0x11e: {  	p0 =	por $0x1, $0x1;
	s22 =	sadd.s32 $0x80, s20;
	v20 =	vmul.f32 v23, v2;
	v17 =	vmov v11;
	v15 =	vld [tilespmem:s20+$0x0]  }
.LBB2_22:
0x11f: {  	v23 =	vld [tilespmem:s22+$0xFFFFFFC0];
	v18 =	vadd.f32 v21, v18;
	v13 =	vmul.f32 v13, v1;
	v19 =	vadd.f32 v19, v22  }
0x120: {  	s21 =	sadd.s32 $0x80, s21;
	v21 =	vld [tilespmem:s22+$0xFFFFFFD0];
	v22 =	vmul.f32 v16, v3  }
0x121: {  	p1 =	slt.u32 s21, s19;
	v16 =	vadd.f32 v13, v18;
	v14 =	vmul.f32 v14, v4;
	v24 =	vld [tilespmem:s20+$0x20];
	v18 =	vadd.f32 v20, v19  }
.Ltmp13:
0x122: {  	v13 =	vld [tilespmem:s22+$0xFFFFFFE0];
	(pc) =	sbr.rel @p1 .LBB2_22-.Ltmp13, $4  }
0x123: {  	v20 =	vadd.f32 v14, v16;
	v15 =	vmul.f32 v15, v5;
	v16 =	vld [tilespmem:s20+$0x30];
	v25 =	vadd.f32 v22, v18;
	s20 =	smov.u32 s22  }
0x124: {  	v19 =	vmul.f32 v12, v6;
	v18 =	vmul.f32 v23, v7;
	v14 =	vld [tilespmem:s22+$0xFFFFFFF0]  }
0x125: {  	v21 =	vmul.f32 v21, v8;
	v12 =	vld [tilespmem:s22+$0x10];
	v22 =	vadd.f32 v15, v20;
	v17 =	vadd.f32 v25, v17  }
0x126: {  	s22 =	sadd.s32 $0x80, s22;
	v15 =	vld [tilespmem:s20+$0x0];
	v20 =	vmul.f32 v24, v2  }
0x127: {  	s21 =	smov.u32 s20  }
.LBB2_24:
0x128: {  	v18 =	vadd.f32 v21, v18;
	v13 =	vmul.f32 v13, v1;
	_ =	sdelay $0x1  }
0x129: {  	v14 =	vmul.f32 v14, v4;
	v13 =	vadd.f32 v13, v18  }
0x12a: {  	v59 =	vld [tilespmem:s21+$0x20]  }
0x12b: {  	v60 =	vmul.f32 v15, v5;
	v13 =	vadd.f32 v14, v13  }
0x12c: {  	v61 =	vld [tilespmem:s21+$0x30];
	v15 =	vadd.f32 @p0 v19, v22  }
0x12d: {  	v12 =	vmul.f32 v12, v6;
	v13 =	vadd.f32 v60, v13  }
0x12e: {  	v14 =	vmul.f32 @p0 v16, v3;
	v15 =	vadd.f32 @p0 v20, v15  }
0x12f: {  	v62 =	vmul.f32 v59, v2;
	v12 =	vadd.f32 v12, v13  }
0x130: {  	v13 =	vadd.f32 @p0 v14, v15  }
0x131: {  	v63 =	vmul.f32 v61, v3;
	v12 =	vadd.f32 v62, v12  }
0x132: {  	v13 =	vadd.f32 @p0 v13, v17  }
0x133: {  	v12 =	vadd.f32 v63, v12  }
0x134: {  	v11 =	vpsel p0, v13, v11  }
0x135: {  	v11 =	vadd.f32 v12, v11  }
.LBB2_25:
0x136: {  	s20 =	ssub.s32 s14, s5  }
0x137: {  	p0 =	sgt.s32 s20, $0x0  }
0x138: {  	s20 =	simm.s32 @!p0 $0x0  }
0x139: {  	s20 =	smin.u32 s20, $0x60  }
0x13a: {  	s20 =	sshll.u32 s20, $0x7  }
0x13b: {  	p0 =	sge.u32 s19, s20  }
.Ltmp14:
0x13c: {  	_ = 	snop;
	(pc) =	sbr.rel @p0 .LBB2_33-.Ltmp14, $2  }
0x13d: {  	_ =	sdelay $0x2  }
0x13e: {  	v12 =	vld [tilespmem:$0x6130];
	[tilespmem:$0x6120] =	vst v11  }
0x13f: {  	s21 =	sor.u32 $0x40, s19  }
0x140: {  	s22 =	sadd.s32 $0x80, s19;
	v16 =	vld [tilespmem:s21+$0xFFFFFFC0]  }
0x141: {  	v17 =	vld [tilespmem:s21+$0xFFFFFFD0];
	p1 =	slt.u32 s22, s20  }
.Ltmp15:
0x142: {  	_ = 	snop;
	(pc) =	sbr.rel @!p1 .LBB2_27-.Ltmp15, $4  }
0x143: {  	v14 =	vld [tilespmem:s21+$0xFFFFFFE0]  }
0x144: {  	v15 =	vld [tilespmem:s21+$0xFFFFFFF0]  }
0x145: {  	v13 =	vld [tilespmem:s21+$0x10]  }
0x146: {  	p0 =	por $0x0, $0x0;
	s19 =	sadd.s32 $0x80, s21;
	v19 =	vmul.f32 v16, v7;
	v22 =	vmul.f32 v17, v8;
	v16 =	vld [tilespmem:s21+$0x0]  }
0x147: {  	v18 =	vld [tilespmem:s19+$0xFFFFFFC0]  }
0x148: {  	v21 =	vld [tilespmem:s19+$0xFFFFFFD0];
	v17 =	vadd.f32 v22, v19;
	v14 =	vmul.f32 v14, v1  }
0x149: {  	v24 =	vld [tilespmem:s21+$0x20]  }
0x14a: {  	v19 =	vadd.f32 v14, v17;
	v17 =	vld [tilespmem:s21+$0x30];
	s21 =	sadd.s32 $0x80, s22  }
0x14b: {  	v15 =	vmul.f32 v15, v4;
	p1 =	slt.u32 s21, s20  }
.Ltmp16:
0x14c: {  	v14 =	vld [tilespmem:s19+$0xFFFFFFE0];
	(pc) =	sbr.rel @!p1 .LBB2_29-.Ltmp16, $4  }
0x14d: {  	v16 =	vmul.f32 v16, v5;
	v23 =	vadd.f32 v15, v19  }
0x14e: {  	v20 =	vmul.f32 v13, v6;
	v15 =	vld [tilespmem:s19+$0xFFFFFFF0]  }
0x14f: {  	v13 =	vld [tilespmem:s19+$0x10];
	v19 =	vmul.f32 v18, v7;
	v22 =	vmul.f32 v21, v8;
	v23 =	vadd.f32 v16, v23  }
0x150: {  	p0 =	por $0x1, $0x1;
	s22 =	sadd.s32 $0x80, s19;
	v21 =	vmul.f32 v24, v2;
	v18 =	vmov v12;
	v16 =	vld [tilespmem:s19+$0x0]  }
.LBB2_30:
0x151: {  	v24 =	vld [tilespmem:s22+$0xFFFFFFC0];
	v19 =	vadd.f32 v22, v19;
	v14 =	vmul.f32 v14, v1;
	v20 =	vadd.f32 v20, v23  }
0x152: {  	s21 =	sadd.s32 $0x80, s21;
	v22 =	vld [tilespmem:s22+$0xFFFFFFD0];
	v23 =	vmul.f32 v17, v3  }
0x153: {  	p1 =	slt.u32 s21, s20;
	v17 =	vadd.f32 v14, v19;
	v15 =	vmul.f32 v15, v4;
	v25 =	vld [tilespmem:s19+$0x20];
	v19 =	vadd.f32 v21, v20  }
.Ltmp17:
0x154: {  	v14 =	vld [tilespmem:s22+$0xFFFFFFE0];
	(pc) =	sbr.rel @p1 .LBB2_30-.Ltmp17, $4  }
0x155: {  	v21 =	vadd.f32 v15, v17;
	v16 =	vmul.f32 v16, v5;
	v17 =	vld [tilespmem:s19+$0x30];
	v26 =	vadd.f32 v23, v19;
	s19 =	smov.u32 s22  }
0x156: {  	v20 =	vmul.f32 v13, v6;
	v19 =	vmul.f32 v24, v7;
	v15 =	vld [tilespmem:s22+$0xFFFFFFF0]  }
0x157: {  	v22 =	vmul.f32 v22, v8;
	v13 =	vld [tilespmem:s22+$0x10];
	v23 =	vadd.f32 v16, v21;
	v18 =	vadd.f32 v26, v18  }
0x158: {  	s22 =	sadd.s32 $0x80, s22;
	v16 =	vld [tilespmem:s19+$0x0];
	v21 =	vmul.f32 v25, v2  }
0x159: {  	s21 =	smov.u32 s19  }
.LBB2_32:
0x15a: {  	v19 =	vadd.f32 v22, v19;
	v14 =	vmul.f32 v14, v1;
	_ =	sdelay $0x1  }
0x15b: {  	v15 =	vmul.f32 v15, v4;
	v14 =	vadd.f32 v14, v19  }
0x15c: {  	v61 =	vld [tilespmem:s21+$0x20]  }
0x15d: {  	v14 =	vadd.f32 v15, v14;
	v15 =	vmul.f32 v16, v5  }
0x15e: {  	v62 =	vld [tilespmem:s21+$0x30];
	v16 =	vadd.f32 @p0 v20, v23  }
0x15f: {  	v13 =	vmul.f32 v13, v6;
	v14 =	vadd.f32 v15, v14  }
0x160: {  	v15 =	vmul.f32 @p0 v17, v3;
	v16 =	vadd.f32 @p0 v21, v16  }
0x161: {  	v63 =	vmul.f32 v61, v2;
	v13 =	vadd.f32 v13, v14  }
0x162: {  	v14 =	vadd.f32 @p0 v15, v16  }
0x163: {  	v15 =	vmul.f32 v62, v3;
	v13 =	vadd.f32 v63, v13  }
0x164: {  	v14 =	vadd.f32 @p0 v14, v18  }
0x165: {  	v13 =	vadd.f32 v15, v13  }
0x166: {  	v12 =	vpsel p0, v14, v12  }
0x167: {  	v12 =	vadd.f32 v13, v12  }
.LBB2_33:
0x168: {  	s19 =	ssub.s32 s13, s5  }
0x169: {  	p0 =	sgt.s32 s19, $0x0  }
0x16a: {  	s19 =	simm.s32 @!p0 $0x0  }
0x16b: {  	s19 =	smin.u32 s19, $0x60  }
0x16c: {  	s19 =	sshll.u32 s19, $0x7  }
0x16d: {  	p0 =	sge.u32 s20, s19  }
.Ltmp18:
0x16e: {  	_ = 	snop;
	(pc) =	sbr.rel @p0 .LBB2_41-.Ltmp18, $2  }
0x16f: {  	_ =	sdelay $0x2  }
0x170: {  	v13 =	vld [tilespmem:$0x6140];
	[tilespmem:$0x6130] =	vst v12  }
0x171: {  	s21 =	sor.u32 $0x40, s20  }
0x172: {  	s22 =	sadd.s32 $0x80, s20;
	v17 =	vld [tilespmem:s21+$0xFFFFFFC0]  }
0x173: {  	v18 =	vld [tilespmem:s21+$0xFFFFFFD0];
	p1 =	slt.u32 s22, s19  }
.Ltmp19:
0x174: {  	_ = 	snop;
	(pc) =	sbr.rel @!p1 .LBB2_35-.Ltmp19, $4  }
0x175: {  	v15 =	vld [tilespmem:s21+$0xFFFFFFE0]  }
0x176: {  	v16 =	vld [tilespmem:s21+$0xFFFFFFF0]  }
0x177: {  	v14 =	vld [tilespmem:s21+$0x10]  }
0x178: {  	p0 =	por $0x0, $0x0;
	s20 =	sadd.s32 $0x80, s21;
	v20 =	vmul.f32 v17, v7;
	v23 =	vmul.f32 v18, v8;
	v17 =	vld [tilespmem:s21+$0x0]  }
0x179: {  	v19 =	vld [tilespmem:s20+$0xFFFFFFC0]  }
0x17a: {  	v22 =	vld [tilespmem:s20+$0xFFFFFFD0];
	v18 =	vadd.f32 v23, v20;
	v15 =	vmul.f32 v15, v1  }
0x17b: {  	v25 =	vld [tilespmem:s21+$0x20]  }
0x17c: {  	v20 =	vadd.f32 v15, v18;
	v18 =	vld [tilespmem:s21+$0x30];
	s21 =	sadd.s32 $0x80, s22  }
0x17d: {  	v16 =	vmul.f32 v16, v4;
	p1 =	slt.u32 s21, s19  }
.Ltmp20:
0x17e: {  	v15 =	vld [tilespmem:s20+$0xFFFFFFE0];
	(pc) =	sbr.rel @!p1 .LBB2_37-.Ltmp20, $4  }
0x17f: {  	v17 =	vmul.f32 v17, v5;
	v24 =	vadd.f32 v16, v20  }
0x180: {  	v21 =	vmul.f32 v14, v6;
	v16 =	vld [tilespmem:s20+$0xFFFFFFF0]  }
0x181: {  	v14 =	vld [tilespmem:s20+$0x10];
	v20 =	vmul.f32 v19, v7;
	v23 =	vmul.f32 v22, v8;
	v24 =	vadd.f32 v17, v24  }
0x182: {  	p0 =	por $0x1, $0x1;
	s22 =	sadd.s32 $0x80, s20;
	v22 =	vmul.f32 v25, v2;
	v19 =	vmov v13;
	v17 =	vld [tilespmem:s20+$0x0]  }
.LBB2_38:
0x183: {  	v25 =	vld [tilespmem:s22+$0xFFFFFFC0];
	v20 =	vadd.f32 v23, v20;
	v15 =	vmul.f32 v15, v1;
	v21 =	vadd.f32 v21, v24  }
0x184: {  	s21 =	sadd.s32 $0x80, s21;
	v23 =	vld [tilespmem:s22+$0xFFFFFFD0];
	v24 =	vmul.f32 v18, v3  }
0x185: {  	p1 =	slt.u32 s21, s19;
	v18 =	vadd.f32 v15, v20;
	v16 =	vmul.f32 v16, v4;
	v26 =	vld [tilespmem:s20+$0x20];
	v20 =	vadd.f32 v22, v21  }
.Ltmp21:
0x186: {  	v15 =	vld [tilespmem:s22+$0xFFFFFFE0];
	(pc) =	sbr.rel @p1 .LBB2_38-.Ltmp21, $4  }
0x187: {  	v22 =	vadd.f32 v16, v18;
	v17 =	vmul.f32 v17, v5;
	v18 =	vld [tilespmem:s20+$0x30];
	v27 =	vadd.f32 v24, v20;
	s20 =	smov.u32 s22  }
0x188: {  	v21 =	vmul.f32 v14, v6;
	v20 =	vmul.f32 v25, v7;
	v16 =	vld [tilespmem:s22+$0xFFFFFFF0]  }
0x189: {  	v23 =	vmul.f32 v23, v8;
	v14 =	vld [tilespmem:s22+$0x10];
	v24 =	vadd.f32 v17, v22;
	v19 =	vadd.f32 v27, v19  }
0x18a: {  	s22 =	sadd.s32 $0x80, s22;
	v17 =	vld [tilespmem:s20+$0x0];
	v22 =	vmul.f32 v26, v2  }
0x18b: {  	s21 =	smov.u32 s20  }
.LBB2_40:
0x18c: {  	v20 =	vadd.f32 v23, v20;
	v15 =	vmul.f32 v15, v1;
	_ =	sdelay $0x1  }
0x18d: {  	v16 =	vmul.f32 v16, v4;
	v15 =	vadd.f32 v15, v20  }
0x18e: {  	v59 =	vld [tilespmem:s21+$0x20]  }
0x18f: {  	v60 =	vmul.f32 v17, v5;
	v15 =	vadd.f32 v16, v15  }
0x190: {  	v61 =	vld [tilespmem:s21+$0x30];
	v17 =	vadd.f32 @p0 v21, v24  }
0x191: {  	v14 =	vmul.f32 v14, v6;
	v15 =	vadd.f32 v60, v15  }
0x192: {  	v16 =	vmul.f32 @p0 v18, v3;
	v17 =	vadd.f32 @p0 v22, v17  }
0x193: {  	v62 =	vmul.f32 v59, v2;
	v14 =	vadd.f32 v14, v15  }
0x194: {  	v15 =	vadd.f32 @p0 v16, v17  }
0x195: {  	v63 =	vmul.f32 v61, v3;
	v14 =	vadd.f32 v62, v14  }
0x196: {  	v15 =	vadd.f32 @p0 v15, v19  }
0x197: {  	v14 =	vadd.f32 v63, v14  }
0x198: {  	v13 =	vpsel p0, v15, v13  }
0x199: {  	v13 =	vadd.f32 v14, v13  }
.LBB2_41:
0x19a: {  	s20 =	ssub.s32 s12, s5  }
0x19b: {  	p0 =	sgt.s32 s20, $0x0  }
0x19c: {  	s20 =	simm.s32 @!p0 $0x0  }
0x19d: {  	s20 =	smin.u32 s20, $0x60  }
0x19e: {  	s20 =	sshll.u32 s20, $0x7  }
0x19f: {  	p0 =	sge.u32 s19, s20  }
.Ltmp22:
0x1a0: {  	_ = 	snop;
	(pc) =	sbr.rel @p0 .LBB2_49-.Ltmp22, $2  }
0x1a1: {  	_ =	sdelay $0x2  }
0x1a2: {  	v14 =	vld [tilespmem:$0x6150];
	[tilespmem:$0x6140] =	vst v13  }
0x1a3: {  	s21 =	sor.u32 $0x40, s19  }
0x1a4: {  	s22 =	sadd.s32 $0x80, s19;
	v18 =	vld [tilespmem:s21+$0xFFFFFFC0]  }
0x1a5: {  	v19 =	vld [tilespmem:s21+$0xFFFFFFD0];
	p1 =	slt.u32 s22, s20  }
.Ltmp23:
0x1a6: {  	_ = 	snop;
	(pc) =	sbr.rel @!p1 .LBB2_43-.Ltmp23, $4  }
0x1a7: {  	v16 =	vld [tilespmem:s21+$0xFFFFFFE0]  }
0x1a8: {  	v17 =	vld [tilespmem:s21+$0xFFFFFFF0]  }
0x1a9: {  	v15 =	vld [tilespmem:s21+$0x10]  }
0x1aa: {  	p0 =	por $0x0, $0x0;
	s19 =	sadd.s32 $0x80, s21;
	v21 =	vmul.f32 v18, v7;
	v24 =	vmul.f32 v19, v8;
	v18 =	vld [tilespmem:s21+$0x0]  }
0x1ab: {  	v20 =	vld [tilespmem:s19+$0xFFFFFFC0]  }
0x1ac: {  	v23 =	vld [tilespmem:s19+$0xFFFFFFD0];
	v19 =	vadd.f32 v24, v21;
	v16 =	vmul.f32 v16, v1  }
0x1ad: {  	v26 =	vld [tilespmem:s21+$0x20]  }
0x1ae: {  	v21 =	vadd.f32 v16, v19;
	v19 =	vld [tilespmem:s21+$0x30];
	s21 =	sadd.s32 $0x80, s22  }
0x1af: {  	v17 =	vmul.f32 v17, v4;
	p1 =	slt.u32 s21, s20  }
.Ltmp24:
0x1b0: {  	v16 =	vld [tilespmem:s19+$0xFFFFFFE0];
	(pc) =	sbr.rel @!p1 .LBB2_45-.Ltmp24, $4  }
0x1b1: {  	v18 =	vmul.f32 v18, v5;
	v25 =	vadd.f32 v17, v21  }
0x1b2: {  	v22 =	vmul.f32 v15, v6;
	v17 =	vld [tilespmem:s19+$0xFFFFFFF0]  }
0x1b3: {  	v15 =	vld [tilespmem:s19+$0x10];
	v21 =	vmul.f32 v20, v7;
	v24 =	vmul.f32 v23, v8;
	v25 =	vadd.f32 v18, v25  }
0x1b4: {  	p0 =	por $0x1, $0x1;
	s22 =	sadd.s32 $0x80, s19;
	v23 =	vmul.f32 v26, v2;
	v20 =	vmov v14;
	v18 =	vld [tilespmem:s19+$0x0]  }
.LBB2_46:
0x1b5: {  	v26 =	vld [tilespmem:s22+$0xFFFFFFC0];
	v21 =	vadd.f32 v24, v21;
	v16 =	vmul.f32 v16, v1;
	v22 =	vadd.f32 v22, v25  }
0x1b6: {  	s21 =	sadd.s32 $0x80, s21;
	v24 =	vld [tilespmem:s22+$0xFFFFFFD0];
	v25 =	vmul.f32 v19, v3  }
0x1b7: {  	p1 =	slt.u32 s21, s20;
	v19 =	vadd.f32 v16, v21;
	v17 =	vmul.f32 v17, v4;
	v27 =	vld [tilespmem:s19+$0x20];
	v21 =	vadd.f32 v23, v22  }
.Ltmp25:
0x1b8: {  	v16 =	vld [tilespmem:s22+$0xFFFFFFE0];
	(pc) =	sbr.rel @p1 .LBB2_46-.Ltmp25, $4  }
0x1b9: {  	v23 =	vadd.f32 v17, v19;
	v18 =	vmul.f32 v18, v5;
	v19 =	vld [tilespmem:s19+$0x30];
	v28 =	vadd.f32 v25, v21;
	s19 =	smov.u32 s22  }
0x1ba: {  	v22 =	vmul.f32 v15, v6;
	v21 =	vmul.f32 v26, v7;
	v17 =	vld [tilespmem:s22+$0xFFFFFFF0]  }
0x1bb: {  	v24 =	vmul.f32 v24, v8;
	v15 =	vld [tilespmem:s22+$0x10];
	v25 =	vadd.f32 v18, v23;
	v20 =	vadd.f32 v28, v20  }
0x1bc: {  	s22 =	sadd.s32 $0x80, s22;
	v18 =	vld [tilespmem:s19+$0x0];
	v23 =	vmul.f32 v27, v2  }
0x1bd: {  	s21 =	smov.u32 s19  }
.LBB2_48:
0x1be: {  	v21 =	vadd.f32 v24, v21;
	v16 =	vmul.f32 v16, v1;
	_ =	sdelay $0x1  }
0x1bf: {  	v17 =	vmul.f32 v17, v4;
	v16 =	vadd.f32 v16, v21  }
0x1c0: {  	v59 =	vld [tilespmem:s21+$0x20]  }
0x1c1: {  	v60 =	vmul.f32 v18, v5;
	v16 =	vadd.f32 v17, v16  }
0x1c2: {  	v61 =	vld [tilespmem:s21+$0x30];
	v18 =	vadd.f32 @p0 v22, v25  }
0x1c3: {  	v15 =	vmul.f32 v15, v6;
	v16 =	vadd.f32 v60, v16  }
0x1c4: {  	v17 =	vmul.f32 @p0 v19, v3;
	v18 =	vadd.f32 @p0 v23, v18  }
0x1c5: {  	v62 =	vmul.f32 v59, v2;
	v15 =	vadd.f32 v15, v16  }
0x1c6: {  	v16 =	vadd.f32 @p0 v17, v18  }
0x1c7: {  	v63 =	vmul.f32 v61, v3;
	v15 =	vadd.f32 v62, v15  }
0x1c8: {  	v16 =	vadd.f32 @p0 v16, v20  }
0x1c9: {  	v15 =	vadd.f32 v63, v15  }
0x1ca: {  	v14 =	vpsel p0, v16, v14  }
0x1cb: {  	v14 =	vadd.f32 v15, v14  }
.LBB2_49:
0x1cc: {  	s19 =	ssub.s32 s11, s5  }
0x1cd: {  	p0 =	sgt.s32 s19, $0x0  }
0x1ce: {  	s19 =	simm.s32 @!p0 $0x0  }
0x1cf: {  	s19 =	smin.u32 s19, $0x60  }
0x1d0: {  	s19 =	sshll.u32 s19, $0x7  }
0x1d1: {  	p0 =	sge.u32 s20, s19  }
.Ltmp26:
0x1d2: {  	_ = 	snop;
	(pc) =	sbr.rel @p0 .LBB2_57-.Ltmp26, $2  }
0x1d3: {  	_ =	sdelay $0x2  }
0x1d4: {  	v15 =	vld [tilespmem:$0x6160];
	[tilespmem:$0x6150] =	vst v14  }
0x1d5: {  	s21 =	sor.u32 $0x40, s20  }
0x1d6: {  	s22 =	sadd.s32 $0x80, s20;
	v19 =	vld [tilespmem:s21+$0xFFFFFFC0]  }
0x1d7: {  	v20 =	vld [tilespmem:s21+$0xFFFFFFD0];
	p1 =	slt.u32 s22, s19  }
.Ltmp27:
0x1d8: {  	_ = 	snop;
	(pc) =	sbr.rel @!p1 .LBB2_51-.Ltmp27, $4  }
0x1d9: {  	v17 =	vld [tilespmem:s21+$0xFFFFFFE0]  }
0x1da: {  	v18 =	vld [tilespmem:s21+$0xFFFFFFF0]  }
0x1db: {  	v16 =	vld [tilespmem:s21+$0x10]  }
0x1dc: {  	p0 =	por $0x0, $0x0;
	s20 =	sadd.s32 $0x80, s21;
	v22 =	vmul.f32 v19, v7;
	v25 =	vmul.f32 v20, v8;
	v19 =	vld [tilespmem:s21+$0x0]  }
0x1dd: {  	v21 =	vld [tilespmem:s20+$0xFFFFFFC0]  }
0x1de: {  	v24 =	vld [tilespmem:s20+$0xFFFFFFD0];
	v20 =	vadd.f32 v25, v22;
	v17 =	vmul.f32 v17, v1  }
0x1df: {  	v27 =	vld [tilespmem:s21+$0x20]  }
0x1e0: {  	v22 =	vadd.f32 v17, v20;
	v20 =	vld [tilespmem:s21+$0x30];
	s21 =	sadd.s32 $0x80, s22  }
0x1e1: {  	v18 =	vmul.f32 v18, v4;
	p1 =	slt.u32 s21, s19  }
.Ltmp28:
0x1e2: {  	v17 =	vld [tilespmem:s20+$0xFFFFFFE0];
	(pc) =	sbr.rel @!p1 .LBB2_53-.Ltmp28, $4  }
0x1e3: {  	v19 =	vmul.f32 v19, v5;
	v26 =	vadd.f32 v18, v22  }
0x1e4: {  	v23 =	vmul.f32 v16, v6;
	v18 =	vld [tilespmem:s20+$0xFFFFFFF0]  }
0x1e5: {  	v16 =	vld [tilespmem:s20+$0x10];
	v22 =	vmul.f32 v21, v7;
	v25 =	vmul.f32 v24, v8;
	v26 =	vadd.f32 v19, v26  }
0x1e6: {  	p0 =	por $0x1, $0x1;
	s22 =	sadd.s32 $0x80, s20;
	v24 =	vmul.f32 v27, v2;
	v21 =	vmov v15;
	v19 =	vld [tilespmem:s20+$0x0]  }
.LBB2_54:
0x1e7: {  	v27 =	vld [tilespmem:s22+$0xFFFFFFC0];
	v22 =	vadd.f32 v25, v22;
	v17 =	vmul.f32 v17, v1;
	v23 =	vadd.f32 v23, v26  }
0x1e8: {  	s21 =	sadd.s32 $0x80, s21;
	v25 =	vld [tilespmem:s22+$0xFFFFFFD0];
	v26 =	vmul.f32 v20, v3  }
0x1e9: {  	p1 =	slt.u32 s21, s19;
	v20 =	vadd.f32 v17, v22;
	v18 =	vmul.f32 v18, v4;
	v28 =	vld [tilespmem:s20+$0x20];
	v22 =	vadd.f32 v24, v23  }
.Ltmp29:
0x1ea: {  	v17 =	vld [tilespmem:s22+$0xFFFFFFE0];
	(pc) =	sbr.rel @p1 .LBB2_54-.Ltmp29, $4  }
0x1eb: {  	v24 =	vadd.f32 v18, v20;
	v19 =	vmul.f32 v19, v5;
	v20 =	vld [tilespmem:s20+$0x30];
	v29 =	vadd.f32 v26, v22;
	s20 =	smov.u32 s22  }
0x1ec: {  	v23 =	vmul.f32 v16, v6;
	v22 =	vmul.f32 v27, v7;
	v18 =	vld [tilespmem:s22+$0xFFFFFFF0]  }
0x1ed: {  	v25 =	vmul.f32 v25, v8;
	v16 =	vld [tilespmem:s22+$0x10];
	v26 =	vadd.f32 v19, v24;
	v21 =	vadd.f32 v29, v21  }
0x1ee: {  	s22 =	sadd.s32 $0x80, s22;
	v19 =	vld [tilespmem:s20+$0x0];
	v24 =	vmul.f32 v28, v2  }
0x1ef: {  	s21 =	smov.u32 s20  }
.LBB2_56:
0x1f0: {  	v22 =	vadd.f32 v25, v22;
	v17 =	vmul.f32 v17, v1;
	_ =	sdelay $0x1  }
0x1f1: {  	v18 =	vmul.f32 v18, v4;
	v17 =	vadd.f32 v17, v22  }
0x1f2: {  	v59 =	vld [tilespmem:s21+$0x20]  }
0x1f3: {  	v60 =	vmul.f32 v19, v5;
	v17 =	vadd.f32 v18, v17  }
0x1f4: {  	v61 =	vld [tilespmem:s21+$0x30];
	v19 =	vadd.f32 @p0 v23, v26  }
0x1f5: {  	v16 =	vmul.f32 v16, v6;
	v17 =	vadd.f32 v60, v17  }
0x1f6: {  	v18 =	vmul.f32 @p0 v20, v3;
	v19 =	vadd.f32 @p0 v24, v19  }
0x1f7: {  	v62 =	vmul.f32 v59, v2;
	v16 =	vadd.f32 v16, v17  }
0x1f8: {  	v17 =	vadd.f32 @p0 v18, v19  }
0x1f9: {  	v63 =	vmul.f32 v61, v3;
	v16 =	vadd.f32 v62, v16  }
0x1fa: {  	v17 =	vadd.f32 @p0 v17, v21  }
0x1fb: {  	v16 =	vadd.f32 v63, v16  }
0x1fc: {  	v15 =	vpsel p0, v17, v15  }
0x1fd: {  	v15 =	vadd.f32 v16, v15  }
.LBB2_57:
0x1fe: {  	s20 =	ssub.s32 s10, s5  }
0x1ff: {  	p0 =	sgt.s32 s20, $0x0  }
0x200: {  	s20 =	simm.s32 @!p0 $0x0  }
0x201: {  	s20 =	smin.u32 s20, $0x60  }
0x202: {  	s20 =	sshll.u32 s20, $0x7  }
0x203: {  	p0 =	sge.u32 s19, s20  }
.Ltmp30:
0x204: {  	_ = 	snop;
	(pc) =	sbr.rel @p0 .LBB2_65-.Ltmp30, $2  }
0x205: {  	_ =	sdelay $0x2  }
0x206: {  	v16 =	vld [tilespmem:$0x6170];
	[tilespmem:$0x6160] =	vst v15  }
0x207: {  	s21 =	sor.u32 $0x40, s19  }
0x208: {  	s22 =	sadd.s32 $0x80, s19;
	v20 =	vld [tilespmem:s21+$0xFFFFFFC0]  }
0x209: {  	v21 =	vld [tilespmem:s21+$0xFFFFFFD0];
	p1 =	slt.u32 s22, s20  }
.Ltmp31:
0x20a: {  	_ = 	snop;
	(pc) =	sbr.rel @!p1 .LBB2_59-.Ltmp31, $4  }
0x20b: {  	v18 =	vld [tilespmem:s21+$0xFFFFFFE0]  }
0x20c: {  	v19 =	vld [tilespmem:s21+$0xFFFFFFF0]  }
0x20d: {  	v17 =	vld [tilespmem:s21+$0x10]  }
0x20e: {  	p0 =	por $0x0, $0x0;
	s19 =	sadd.s32 $0x80, s21;
	v23 =	vmul.f32 v20, v7;
	v26 =	vmul.f32 v21, v8;
	v20 =	vld [tilespmem:s21+$0x0]  }
0x20f: {  	v22 =	vld [tilespmem:s19+$0xFFFFFFC0]  }
0x210: {  	v25 =	vld [tilespmem:s19+$0xFFFFFFD0];
	v21 =	vadd.f32 v26, v23;
	v18 =	vmul.f32 v18, v1  }
0x211: {  	v28 =	vld [tilespmem:s21+$0x20]  }
0x212: {  	v23 =	vadd.f32 v18, v21;
	v21 =	vld [tilespmem:s21+$0x30];
	s21 =	sadd.s32 $0x80, s22  }
0x213: {  	v19 =	vmul.f32 v19, v4;
	p1 =	slt.u32 s21, s20  }
.Ltmp32:
0x214: {  	v18 =	vld [tilespmem:s19+$0xFFFFFFE0];
	(pc) =	sbr.rel @!p1 .LBB2_61-.Ltmp32, $4  }
0x215: {  	v20 =	vmul.f32 v20, v5;
	v27 =	vadd.f32 v19, v23  }
0x216: {  	v24 =	vmul.f32 v17, v6;
	v19 =	vld [tilespmem:s19+$0xFFFFFFF0]  }
0x217: {  	v17 =	vld [tilespmem:s19+$0x10];
	v23 =	vmul.f32 v22, v7;
	v26 =	vmul.f32 v25, v8;
	v27 =	vadd.f32 v20, v27  }
0x218: {  	p0 =	por $0x1, $0x1;
	s22 =	sadd.s32 $0x80, s19;
	v25 =	vmul.f32 v28, v2;
	v22 =	vmov v16;
	v20 =	vld [tilespmem:s19+$0x0]  }
.LBB2_62:
0x219: {  	v28 =	vld [tilespmem:s22+$0xFFFFFFC0];
	v23 =	vadd.f32 v26, v23;
	v18 =	vmul.f32 v18, v1;
	v24 =	vadd.f32 v24, v27  }
0x21a: {  	s21 =	sadd.s32 $0x80, s21;
	v26 =	vld [tilespmem:s22+$0xFFFFFFD0];
	v27 =	vmul.f32 v21, v3  }
0x21b: {  	p1 =	slt.u32 s21, s20;
	v21 =	vadd.f32 v18, v23;
	v19 =	vmul.f32 v19, v4;
	v29 =	vld [tilespmem:s19+$0x20];
	v23 =	vadd.f32 v25, v24  }
.Ltmp33:
0x21c: {  	v18 =	vld [tilespmem:s22+$0xFFFFFFE0];
	(pc) =	sbr.rel @p1 .LBB2_62-.Ltmp33, $4  }
0x21d: {  	v25 =	vadd.f32 v19, v21;
	v20 =	vmul.f32 v20, v5;
	v21 =	vld [tilespmem:s19+$0x30];
	v30 =	vadd.f32 v27, v23;
	s19 =	smov.u32 s22  }
0x21e: {  	v24 =	vmul.f32 v17, v6;
	v23 =	vmul.f32 v28, v7;
	v19 =	vld [tilespmem:s22+$0xFFFFFFF0]  }
0x21f: {  	v26 =	vmul.f32 v26, v8;
	v17 =	vld [tilespmem:s22+$0x10];
	v27 =	vadd.f32 v20, v25;
	v22 =	vadd.f32 v30, v22  }
0x220: {  	s22 =	sadd.s32 $0x80, s22;
	v20 =	vld [tilespmem:s19+$0x0];
	v25 =	vmul.f32 v29, v2  }
0x221: {  	s21 =	smov.u32 s19  }
.LBB2_64:
0x222: {  	v23 =	vadd.f32 v26, v23;
	v18 =	vmul.f32 v18, v1;
	_ =	sdelay $0x1  }
0x223: {  	v19 =	vmul.f32 v19, v4;
	v18 =	vadd.f32 v18, v23  }
0x224: {  	v61 =	vld [tilespmem:s21+$0x20]  }
0x225: {  	v18 =	vadd.f32 v19, v18;
	v19 =	vmul.f32 v20, v5  }
0x226: {  	v62 =	vld [tilespmem:s21+$0x30];
	v20 =	vadd.f32 @p0 v24, v27  }
0x227: {  	v17 =	vmul.f32 v17, v6;
	v18 =	vadd.f32 v19, v18  }
0x228: {  	v19 =	vmul.f32 @p0 v21, v3;
	v20 =	vadd.f32 @p0 v25, v20  }
0x229: {  	v63 =	vmul.f32 v61, v2;
	v17 =	vadd.f32 v17, v18  }
0x22a: {  	v18 =	vadd.f32 @p0 v19, v20  }
0x22b: {  	v19 =	vmul.f32 v62, v3;
	v17 =	vadd.f32 v63, v17  }
0x22c: {  	v18 =	vadd.f32 @p0 v18, v22  }
0x22d: {  	v17 =	vadd.f32 v19, v17  }
0x22e: {  	v16 =	vpsel p0, v18, v16  }
0x22f: {  	v16 =	vadd.f32 v17, v16  }
.LBB2_65:
0x230: {  	s19 =	ssub.s32 s8, s5  }
0x231: {  	p0 =	sgt.s32 s19, $0x0  }
0x232: {  	s19 =	simm.s32 @!p0 $0x0  }
0x233: {  	s19 =	smin.u32 s19, $0x60  }
0x234: {  	s19 =	sshll.u32 s19, $0x7  }
0x235: {  	p0 =	sge.u32 s20, s19  }
.Ltmp34:
0x236: {  	_ = 	snop;
	(pc) =	sbr.rel @p0 .LBB2_73-.Ltmp34, $2  }
0x237: {  	_ =	sdelay $0x2  }
0x238: {  	v17 =	vld [tilespmem:$0x6180];
	[tilespmem:$0x6170] =	vst v16  }
0x239: {  	s21 =	sor.u32 $0x40, s20  }
0x23a: {  	s22 =	sadd.s32 $0x80, s20;
	v21 =	vld [tilespmem:s21+$0xFFFFFFC0]  }
0x23b: {  	v22 =	vld [tilespmem:s21+$0xFFFFFFD0];
	p1 =	slt.u32 s22, s19  }
.Ltmp35:
0x23c: {  	_ = 	snop;
	(pc) =	sbr.rel @!p1 .LBB2_67-.Ltmp35, $4  }
0x23d: {  	v19 =	vld [tilespmem:s21+$0xFFFFFFE0]  }
0x23e: {  	v20 =	vld [tilespmem:s21+$0xFFFFFFF0]  }
0x23f: {  	v18 =	vld [tilespmem:s21+$0x10]  }
0x240: {  	p0 =	por $0x0, $0x0;
	s20 =	sadd.s32 $0x80, s21;
	v24 =	vmul.f32 v21, v7;
	v27 =	vmul.f32 v22, v8;
	v21 =	vld [tilespmem:s21+$0x0]  }
0x241: {  	v23 =	vld [tilespmem:s20+$0xFFFFFFC0]  }
0x242: {  	v26 =	vld [tilespmem:s20+$0xFFFFFFD0];
	v22 =	vadd.f32 v27, v24;
	v19 =	vmul.f32 v19, v1  }
0x243: {  	v29 =	vld [tilespmem:s21+$0x20]  }
0x244: {  	v24 =	vadd.f32 v19, v22;
	v22 =	vld [tilespmem:s21+$0x30];
	s21 =	sadd.s32 $0x80, s22  }
0x245: {  	v20 =	vmul.f32 v20, v4;
	p1 =	slt.u32 s21, s19  }
.Ltmp36:
0x246: {  	v19 =	vld [tilespmem:s20+$0xFFFFFFE0];
	(pc) =	sbr.rel @!p1 .LBB2_69-.Ltmp36, $4  }
0x247: {  	v21 =	vmul.f32 v21, v5;
	v28 =	vadd.f32 v20, v24  }
0x248: {  	v25 =	vmul.f32 v18, v6;
	v20 =	vld [tilespmem:s20+$0xFFFFFFF0]  }
0x249: {  	v18 =	vld [tilespmem:s20+$0x10];
	v24 =	vmul.f32 v23, v7;
	v27 =	vmul.f32 v26, v8;
	v28 =	vadd.f32 v21, v28  }
0x24a: {  	p0 =	por $0x1, $0x1;
	s22 =	sadd.s32 $0x80, s20;
	v26 =	vmul.f32 v29, v2;
	v23 =	vmov v17;
	v21 =	vld [tilespmem:s20+$0x0]  }
.LBB2_70:
0x24b: {  	v29 =	vld [tilespmem:s22+$0xFFFFFFC0];
	v24 =	vadd.f32 v27, v24;
	v19 =	vmul.f32 v19, v1;
	v25 =	vadd.f32 v25, v28  }
0x24c: {  	s21 =	sadd.s32 $0x80, s21;
	v27 =	vld [tilespmem:s22+$0xFFFFFFD0];
	v28 =	vmul.f32 v22, v3  }
0x24d: {  	p1 =	slt.u32 s21, s19;
	v22 =	vadd.f32 v19, v24;
	v20 =	vmul.f32 v20, v4;
	v30 =	vld [tilespmem:s20+$0x20];
	v24 =	vadd.f32 v26, v25  }
.Ltmp37:
0x24e: {  	v19 =	vld [tilespmem:s22+$0xFFFFFFE0];
	(pc) =	sbr.rel @p1 .LBB2_70-.Ltmp37, $4  }
0x24f: {  	v26 =	vadd.f32 v20, v22;
	v21 =	vmul.f32 v21, v5;
	v22 =	vld [tilespmem:s20+$0x30];
	v31 =	vadd.f32 v28, v24;
	s20 =	smov.u32 s22  }
0x250: {  	v25 =	vmul.f32 v18, v6;
	v24 =	vmul.f32 v29, v7;
	v20 =	vld [tilespmem:s22+$0xFFFFFFF0]  }
0x251: {  	v27 =	vmul.f32 v27, v8;
	v18 =	vld [tilespmem:s22+$0x10];
	v28 =	vadd.f32 v21, v26;
	v23 =	vadd.f32 v31, v23  }
0x252: {  	s22 =	sadd.s32 $0x80, s22;
	v21 =	vld [tilespmem:s20+$0x0];
	v26 =	vmul.f32 v30, v2  }
0x253: {  	s21 =	smov.u32 s20  }
.LBB2_72:
0x254: {  	v24 =	vadd.f32 v27, v24;
	v19 =	vmul.f32 v19, v1;
	_ =	sdelay $0x1  }
0x255: {  	v20 =	vmul.f32 v20, v4;
	v19 =	vadd.f32 v19, v24  }
0x256: {  	v59 =	vld [tilespmem:s21+$0x20]  }
0x257: {  	v60 =	vmul.f32 v21, v5;
	v19 =	vadd.f32 v20, v19  }
0x258: {  	v61 =	vld [tilespmem:s21+$0x30];
	v21 =	vadd.f32 @p0 v25, v28  }
0x259: {  	v18 =	vmul.f32 v18, v6;
	v19 =	vadd.f32 v60, v19  }
0x25a: {  	v20 =	vmul.f32 @p0 v22, v3;
	v21 =	vadd.f32 @p0 v26, v21  }
0x25b: {  	v62 =	vmul.f32 v59, v2;
	v18 =	vadd.f32 v18, v19  }
0x25c: {  	v19 =	vadd.f32 @p0 v20, v21  }
0x25d: {  	v63 =	vmul.f32 v61, v3;
	v18 =	vadd.f32 v62, v18  }
0x25e: {  	v19 =	vadd.f32 @p0 v19, v23  }
0x25f: {  	v18 =	vadd.f32 v63, v18  }
0x260: {  	v17 =	vpsel p0, v19, v17  }
0x261: {  	v17 =	vadd.f32 v18, v17  }
.LBB2_73:
0x262: {  	s20 =	ssub.s32 s6, s5  }
0x263: {  	p0 =	sgt.s32 s20, $0x0  }
0x264: {  	s20 =	simm.s32 @!p0 $0x0  }
0x265: {  	s20 =	smin.u32 s20, $0x60  }
0x266: {  	s20 =	sshll.u32 s20, $0x7  }
0x267: {  	p0 =	sge.u32 s19, s20  }
.Ltmp38:
0x268: {  	_ = 	snop;
	(pc) =	sbr.rel @p0 .LBB2_81-.Ltmp38, $2  }
0x269: {  	_ =	sdelay $0x2  }
0x26a: {  	v18 =	vld [tilespmem:$0x6190];
	[tilespmem:$0x6180] =	vst v17  }
0x26b: {  	s21 =	sor.u32 $0x40, s19  }
0x26c: {  	s22 =	sadd.s32 $0x80, s19;
	v22 =	vld [tilespmem:s21+$0xFFFFFFC0]  }
0x26d: {  	v23 =	vld [tilespmem:s21+$0xFFFFFFD0];
	p1 =	slt.u32 s22, s20  }
.Ltmp39:
0x26e: {  	_ = 	snop;
	(pc) =	sbr.rel @!p1 .LBB2_75-.Ltmp39, $4  }
0x26f: {  	v20 =	vld [tilespmem:s21+$0xFFFFFFE0]  }
0x270: {  	v21 =	vld [tilespmem:s21+$0xFFFFFFF0]  }
0x271: {  	v19 =	vld [tilespmem:s21+$0x10]  }
0x272: {  	p0 =	por $0x0, $0x0;
	s19 =	sadd.s32 $0x80, s21;
	v25 =	vmul.f32 v22, v7;
	v28 =	vmul.f32 v23, v8;
	v22 =	vld [tilespmem:s21+$0x0]  }
0x273: {  	v24 =	vld [tilespmem:s19+$0xFFFFFFC0]  }
0x274: {  	v27 =	vld [tilespmem:s19+$0xFFFFFFD0];
	v23 =	vadd.f32 v28, v25;
	v20 =	vmul.f32 v20, v1  }
0x275: {  	v30 =	vld [tilespmem:s21+$0x20]  }
0x276: {  	v25 =	vadd.f32 v20, v23;
	v23 =	vld [tilespmem:s21+$0x30];
	s21 =	sadd.s32 $0x80, s22  }
0x277: {  	v21 =	vmul.f32 v21, v4;
	p1 =	slt.u32 s21, s20  }
.Ltmp40:
0x278: {  	v20 =	vld [tilespmem:s19+$0xFFFFFFE0];
	(pc) =	sbr.rel @!p1 .LBB2_77-.Ltmp40, $4  }
0x279: {  	v22 =	vmul.f32 v22, v5;
	v29 =	vadd.f32 v21, v25  }
0x27a: {  	v26 =	vmul.f32 v19, v6;
	v21 =	vld [tilespmem:s19+$0xFFFFFFF0]  }
0x27b: {  	v19 =	vld [tilespmem:s19+$0x10];
	v25 =	vmul.f32 v24, v7;
	v28 =	vmul.f32 v27, v8;
	v29 =	vadd.f32 v22, v29  }
0x27c: {  	p0 =	por $0x1, $0x1;
	s22 =	sadd.s32 $0x80, s19;
	v27 =	vmul.f32 v30, v2;
	v24 =	vmov v18;
	v22 =	vld [tilespmem:s19+$0x0]  }
.LBB2_78:
0x27d: {  	v30 =	vld [tilespmem:s22+$0xFFFFFFC0];
	v25 =	vadd.f32 v28, v25;
	v20 =	vmul.f32 v20, v1;
	v26 =	vadd.f32 v26, v29  }
0x27e: {  	s21 =	sadd.s32 $0x80, s21;
	v28 =	vld [tilespmem:s22+$0xFFFFFFD0];
	v29 =	vmul.f32 v23, v3  }
0x27f: {  	p1 =	slt.u32 s21, s20;
	v23 =	vadd.f32 v20, v25;
	v21 =	vmul.f32 v21, v4;
	v31 =	vld [tilespmem:s19+$0x20];
	v25 =	vadd.f32 v27, v26  }
.Ltmp41:
0x280: {  	v20 =	vld [tilespmem:s22+$0xFFFFFFE0];
	(pc) =	sbr.rel @p1 .LBB2_78-.Ltmp41, $4  }
0x281: {  	v27 =	vadd.f32 v21, v23;
	v22 =	vmul.f32 v22, v5;
	v23 =	vld [tilespmem:s19+$0x30];
	v32 =	vadd.f32 v29, v25;
	s19 =	smov.u32 s22  }
0x282: {  	v26 =	vmul.f32 v19, v6;
	v25 =	vmul.f32 v30, v7;
	v21 =	vld [tilespmem:s22+$0xFFFFFFF0]  }
0x283: {  	v28 =	vmul.f32 v28, v8;
	v19 =	vld [tilespmem:s22+$0x10];
	v29 =	vadd.f32 v22, v27;
	v24 =	vadd.f32 v32, v24  }
0x284: {  	s22 =	sadd.s32 $0x80, s22;
	v22 =	vld [tilespmem:s19+$0x0];
	v27 =	vmul.f32 v31, v2  }
0x285: {  	s21 =	smov.u32 s19  }
.LBB2_80:
0x286: {  	v25 =	vadd.f32 v28, v25;
	v20 =	vmul.f32 v20, v1;
	_ =	sdelay $0x1  }
0x287: {  	v21 =	vmul.f32 v21, v4;
	v20 =	vadd.f32 v20, v25  }
0x288: {  	v59 =	vld [tilespmem:s21+$0x20]  }
0x289: {  	v60 =	vmul.f32 v22, v5;
	v20 =	vadd.f32 v21, v20  }
0x28a: {  	v61 =	vld [tilespmem:s21+$0x30];
	v22 =	vadd.f32 @p0 v26, v29  }
0x28b: {  	v19 =	vmul.f32 v19, v6;
	v20 =	vadd.f32 v60, v20  }
0x28c: {  	v21 =	vmul.f32 @p0 v23, v3;
	v22 =	vadd.f32 @p0 v27, v22  }
0x28d: {  	v62 =	vmul.f32 v59, v2;
	v19 =	vadd.f32 v19, v20  }
0x28e: {  	v20 =	vadd.f32 @p0 v21, v22  }
0x28f: {  	v63 =	vmul.f32 v61, v3;
	v19 =	vadd.f32 v62, v19  }
0x290: {  	v20 =	vadd.f32 @p0 v20, v24  }
0x291: {  	v19 =	vadd.f32 v63, v19  }
0x292: {  	v18 =	vpsel p0, v20, v18  }
0x293: {  	v18 =	vadd.f32 v19, v18  }
.LBB2_81:
0x294: {  	s19 =	rddreg [dreg:$0x14]  }
0x295: {  	s19 =	ssub.s32 s19, s5  }
0x296: {  	p0 =	sgt.s32 s19, $0x0  }
0x297: {  	s19 =	simm.s32 @!p0 $0x0  }
0x298: {  	s19 =	smin.u32 s19, $0x60  }
0x299: {  	s19 =	sshll.u32 s19, $0x7  }
0x29a: {  	p0 =	sge.u32 s20, s19  }
.Ltmp42:
0x29b: {  	_ = 	snop;
	(pc) =	sbr.rel @p0 .LBB2_89-.Ltmp42, $2  }
0x29c: {  	_ =	sdelay $0x2  }
0x29d: {  	v19 =	vld [tilespmem:$0x61A0];
	[tilespmem:$0x6190] =	vst v18  }
0x29e: {  	s21 =	sor.u32 $0x40, s20  }
0x29f: {  	s22 =	sadd.s32 $0x80, s20;
	v23 =	vld [tilespmem:s21+$0xFFFFFFC0]  }
0x2a0: {  	v24 =	vld [tilespmem:s21+$0xFFFFFFD0];
	p1 =	slt.u32 s22, s19  }
.Ltmp43:
0x2a1: {  	_ = 	snop;
	(pc) =	sbr.rel @!p1 .LBB2_83-.Ltmp43, $4  }
0x2a2: {  	v21 =	vld [tilespmem:s21+$0xFFFFFFE0]  }
0x2a3: {  	v22 =	vld [tilespmem:s21+$0xFFFFFFF0]  }
0x2a4: {  	v20 =	vld [tilespmem:s21+$0x10]  }
0x2a5: {  	p0 =	por $0x0, $0x0;
	s20 =	sadd.s32 $0x80, s21;
	v26 =	vmul.f32 v23, v7;
	v29 =	vmul.f32 v24, v8;
	v23 =	vld [tilespmem:s21+$0x0]  }
0x2a6: {  	v25 =	vld [tilespmem:s20+$0xFFFFFFC0]  }
0x2a7: {  	v28 =	vld [tilespmem:s20+$0xFFFFFFD0];
	v24 =	vadd.f32 v29, v26;
	v21 =	vmul.f32 v21, v1  }
0x2a8: {  	v31 =	vld [tilespmem:s21+$0x20]  }
0x2a9: {  	v26 =	vadd.f32 v21, v24;
	v24 =	vld [tilespmem:s21+$0x30];
	s21 =	sadd.s32 $0x80, s22  }
0x2aa: {  	v22 =	vmul.f32 v22, v4;
	p1 =	slt.u32 s21, s19  }
.Ltmp44:
0x2ab: {  	v21 =	vld [tilespmem:s20+$0xFFFFFFE0];
	(pc) =	sbr.rel @!p1 .LBB2_85-.Ltmp44, $4  }
0x2ac: {  	v23 =	vmul.f32 v23, v5;
	v30 =	vadd.f32 v22, v26  }
0x2ad: {  	v27 =	vmul.f32 v20, v6;
	v22 =	vld [tilespmem:s20+$0xFFFFFFF0]  }
0x2ae: {  	v20 =	vld [tilespmem:s20+$0x10];
	v26 =	vmul.f32 v25, v7;
	v29 =	vmul.f32 v28, v8;
	v30 =	vadd.f32 v23, v30  }
0x2af: {  	p0 =	por $0x1, $0x1;
	s22 =	sadd.s32 $0x80, s20;
	v28 =	vmul.f32 v31, v2;
	v25 =	vmov v19;
	v23 =	vld [tilespmem:s20+$0x0]  }
.LBB2_86:
0x2b0: {  	v31 =	vld [tilespmem:s22+$0xFFFFFFC0];
	v26 =	vadd.f32 v29, v26;
	v21 =	vmul.f32 v21, v1;
	v27 =	vadd.f32 v27, v30  }
0x2b1: {  	s21 =	sadd.s32 $0x80, s21;
	v29 =	vld [tilespmem:s22+$0xFFFFFFD0];
	v30 =	vmul.f32 v24, v3  }
0x2b2: {  	p1 =	slt.u32 s21, s19;
	v24 =	vadd.f32 v21, v26;
	v22 =	vmul.f32 v22, v4;
	v32 =	vld [tilespmem:s20+$0x20];
	v26 =	vadd.f32 v28, v27  }
.Ltmp45:
0x2b3: {  	v21 =	vld [tilespmem:s22+$0xFFFFFFE0];
	(pc) =	sbr.rel @p1 .LBB2_86-.Ltmp45, $4  }
0x2b4: {  	v28 =	vadd.f32 v22, v24;
	v23 =	vmul.f32 v23, v5;
	v24 =	vld [tilespmem:s20+$0x30];
	v33 =	vadd.f32 v30, v26;
	s20 =	smov.u32 s22  }
0x2b5: {  	v27 =	vmul.f32 v20, v6;
	v26 =	vmul.f32 v31, v7;
	v22 =	vld [tilespmem:s22+$0xFFFFFFF0]  }
0x2b6: {  	v29 =	vmul.f32 v29, v8;
	v20 =	vld [tilespmem:s22+$0x10];
	v30 =	vadd.f32 v23, v28;
	v25 =	vadd.f32 v33, v25  }
0x2b7: {  	s22 =	sadd.s32 $0x80, s22;
	v23 =	vld [tilespmem:s20+$0x0];
	v28 =	vmul.f32 v32, v2  }
0x2b8: {  	s21 =	smov.u32 s20  }
.LBB2_88:
0x2b9: {  	v26 =	vadd.f32 v29, v26;
	v21 =	vmul.f32 v21, v1;
	_ =	sdelay $0x1  }
0x2ba: {  	v22 =	vmul.f32 v22, v4;
	v21 =	vadd.f32 v21, v26  }
0x2bb: {  	v59 =	vld [tilespmem:s21+$0x20]  }
0x2bc: {  	v60 =	vmul.f32 v23, v5;
	v21 =	vadd.f32 v22, v21  }
0x2bd: {  	v61 =	vld [tilespmem:s21+$0x30];
	v23 =	vadd.f32 @p0 v27, v30  }
0x2be: {  	v20 =	vmul.f32 v20, v6;
	v21 =	vadd.f32 v60, v21  }
0x2bf: {  	v22 =	vmul.f32 @p0 v24, v3;
	v23 =	vadd.f32 @p0 v28, v23  }
0x2c0: {  	v62 =	vmul.f32 v59, v2;
	v20 =	vadd.f32 v20, v21  }
0x2c1: {  	v21 =	vadd.f32 @p0 v22, v23  }
0x2c2: {  	v63 =	vmul.f32 v61, v3;
	v20 =	vadd.f32 v62, v20  }
0x2c3: {  	v21 =	vadd.f32 @p0 v21, v25  }
0x2c4: {  	v20 =	vadd.f32 v63, v20  }
0x2c5: {  	v19 =	vpsel p0, v21, v19  }
0x2c6: {  	v19 =	vadd.f32 v20, v19  }
.LBB2_89:
0x2c7: {  	s20 =	ssub.s32 s3, s5  }
0x2c8: {  	p0 =	sgt.s32 s20, $0x0  }
0x2c9: {  	s20 =	simm.s32 @!p0 $0x0  }
0x2ca: {  	s20 =	smin.u32 s20, $0x60  }
0x2cb: {  	s20 =	sshll.u32 s20, $0x7  }
0x2cc: {  	p0 =	sge.u32 s19, s20  }
.Ltmp46:
0x2cd: {  	_ = 	snop;
	(pc) =	sbr.rel @p0 .LBB2_97-.Ltmp46, $2  }
0x2ce: {  	_ =	sdelay $0x2  }
0x2cf: {  	v20 =	vld [tilespmem:$0x61B0];
	[tilespmem:$0x61A0] =	vst v19  }
0x2d0: {  	s21 =	sor.u32 $0x40, s19  }
0x2d1: {  	s22 =	sadd.s32 $0x80, s19;
	v24 =	vld [tilespmem:s21+$0xFFFFFFC0]  }
0x2d2: {  	v25 =	vld [tilespmem:s21+$0xFFFFFFD0];
	p1 =	slt.u32 s22, s20  }
.Ltmp47:
0x2d3: {  	_ = 	snop;
	(pc) =	sbr.rel @!p1 .LBB2_91-.Ltmp47, $4  }
0x2d4: {  	v22 =	vld [tilespmem:s21+$0xFFFFFFE0]  }
0x2d5: {  	v23 =	vld [tilespmem:s21+$0xFFFFFFF0]  }
0x2d6: {  	v21 =	vld [tilespmem:s21+$0x10]  }
0x2d7: {  	p0 =	por $0x0, $0x0;
	s19 =	sadd.s32 $0x80, s21;
	v27 =	vmul.f32 v24, v7;
	v30 =	vmul.f32 v25, v8;
	v24 =	vld [tilespmem:s21+$0x0]  }
0x2d8: {  	v26 =	vld [tilespmem:s19+$0xFFFFFFC0]  }
0x2d9: {  	v29 =	vld [tilespmem:s19+$0xFFFFFFD0];
	v25 =	vadd.f32 v30, v27;
	v22 =	vmul.f32 v22, v1  }
0x2da: {  	v32 =	vld [tilespmem:s21+$0x20]  }
0x2db: {  	v27 =	vadd.f32 v22, v25;
	v25 =	vld [tilespmem:s21+$0x30];
	s21 =	sadd.s32 $0x80, s22  }
0x2dc: {  	v23 =	vmul.f32 v23, v4;
	p1 =	slt.u32 s21, s20  }
.Ltmp48:
0x2dd: {  	v22 =	vld [tilespmem:s19+$0xFFFFFFE0];
	(pc) =	sbr.rel @!p1 .LBB2_93-.Ltmp48, $4  }
0x2de: {  	v24 =	vmul.f32 v24, v5;
	v31 =	vadd.f32 v23, v27  }
0x2df: {  	v28 =	vmul.f32 v21, v6;
	v23 =	vld [tilespmem:s19+$0xFFFFFFF0]  }
0x2e0: {  	v21 =	vld [tilespmem:s19+$0x10];
	v27 =	vmul.f32 v26, v7;
	v30 =	vmul.f32 v29, v8;
	v31 =	vadd.f32 v24, v31  }
0x2e1: {  	p0 =	por $0x1, $0x1;
	s22 =	sadd.s32 $0x80, s19;
	v29 =	vmul.f32 v32, v2;
	v26 =	vmov v20;
	v24 =	vld [tilespmem:s19+$0x0]  }
.LBB2_94:
0x2e2: {  	v32 =	vld [tilespmem:s22+$0xFFFFFFC0];
	v27 =	vadd.f32 v30, v27;
	v22 =	vmul.f32 v22, v1;
	v28 =	vadd.f32 v28, v31  }
0x2e3: {  	s21 =	sadd.s32 $0x80, s21;
	v30 =	vld [tilespmem:s22+$0xFFFFFFD0];
	v31 =	vmul.f32 v25, v3  }
0x2e4: {  	p1 =	slt.u32 s21, s20;
	v25 =	vadd.f32 v22, v27;
	v23 =	vmul.f32 v23, v4;
	v33 =	vld [tilespmem:s19+$0x20];
	v27 =	vadd.f32 v29, v28  }
.Ltmp49:
0x2e5: {  	v22 =	vld [tilespmem:s22+$0xFFFFFFE0];
	(pc) =	sbr.rel @p1 .LBB2_94-.Ltmp49, $4  }
0x2e6: {  	v29 =	vadd.f32 v23, v25;
	v24 =	vmul.f32 v24, v5;
	v25 =	vld [tilespmem:s19+$0x30];
	v34 =	vadd.f32 v31, v27;
	s19 =	smov.u32 s22  }
0x2e7: {  	v28 =	vmul.f32 v21, v6;
	v27 =	vmul.f32 v32, v7;
	v23 =	vld [tilespmem:s22+$0xFFFFFFF0]  }
0x2e8: {  	v30 =	vmul.f32 v30, v8;
	v21 =	vld [tilespmem:s22+$0x10];
	v31 =	vadd.f32 v24, v29;
	v26 =	vadd.f32 v34, v26  }
0x2e9: {  	s22 =	sadd.s32 $0x80, s22;
	v24 =	vld [tilespmem:s19+$0x0];
	v29 =	vmul.f32 v33, v2  }
0x2ea: {  	s21 =	smov.u32 s19  }
.LBB2_96:
0x2eb: {  	v27 =	vadd.f32 v30, v27;
	v22 =	vmul.f32 v22, v1;
	_ =	sdelay $0x1  }
0x2ec: {  	v23 =	vmul.f32 v23, v4;
	v22 =	vadd.f32 v22, v27  }
0x2ed: {  	v61 =	vld [tilespmem:s21+$0x20]  }
0x2ee: {  	v22 =	vadd.f32 v23, v22;
	v23 =	vmul.f32 v24, v5  }
0x2ef: {  	v62 =	vld [tilespmem:s21+$0x30];
	v24 =	vadd.f32 @p0 v28, v31  }
0x2f0: {  	v21 =	vmul.f32 v21, v6;
	v22 =	vadd.f32 v23, v22  }
0x2f1: {  	v23 =	vmul.f32 @p0 v25, v3;
	v24 =	vadd.f32 @p0 v29, v24  }
0x2f2: {  	v63 =	vmul.f32 v61, v2;
	v21 =	vadd.f32 v21, v22  }
0x2f3: {  	v22 =	vadd.f32 @p0 v23, v24  }
0x2f4: {  	v23 =	vmul.f32 v62, v3;
	v21 =	vadd.f32 v63, v21  }
0x2f5: {  	v22 =	vadd.f32 @p0 v22, v26  }
0x2f6: {  	v21 =	vadd.f32 v23, v21  }
0x2f7: {  	v20 =	vpsel p0, v22, v20  }
0x2f8: {  	v20 =	vadd.f32 v21, v20  }
.LBB2_97:
0x2f9: {  	s19 =	ssub.s32 s1, s5  }
0x2fa: {  	p0 =	sgt.s32 s19, $0x0  }
0x2fb: {  	s19 =	simm.s32 @!p0 $0x0  }
0x2fc: {  	s19 =	smin.u32 s19, $0x60  }
0x2fd: {  	s21 =	sshll.u32 s19, $0x7  }
0x2fe: {  	p0 =	sge.u32 s20, s21  }
.Ltmp50:
0x2ff: {  	_ = 	snop;
	(pc) =	sbr.rel @p0 .LBB2_98-.Ltmp50, $2  }
0x300: {  	_ =	sdelay $0x2  }
0x301: {  	v21 =	vld [tilespmem:$0x61C0];
	s26 =	smov.u32 s23;
	[tilespmem:$0x61B0] =	vst v20  }
0x302: {  	s22 =	sor.u32 $0x40, s20  }
0x303: {  	s20 =	sadd.s32 $0x80, s20;
	v25 =	vld [tilespmem:s22+$0xFFFFFFC0]  }
0x304: {  	v26 =	vld [tilespmem:s22+$0xFFFFFFD0];
	p1 =	slt.u32 s20, s21  }
.Ltmp51:
0x305: {  	_ = 	snop;
	(pc) =	sbr.rel @!p1 .LBB2_100-.Ltmp51, $4  }
0x306: {  	v23 =	vld [tilespmem:s22+$0xFFFFFFE0]  }
0x307: {  	v24 =	vld [tilespmem:s22+$0xFFFFFFF0]  }
0x308: {  	v22 =	vld [tilespmem:s22+$0x10]  }
0x309: {  	p0 =	por $0x0, $0x0;
	s23 =	smov.u32 s3;
	s19 =	sadd.s32 $0x80, s22;
	v28 =	vmul.f32 v25, v7;
	v31 =	vmul.f32 v26, v8;
	v25 =	vld [tilespmem:s22+$0x0]  }
0x30a: {  	_ = 	snop  }
0x30b: {  	v27 =	vld [tilespmem:s19+$0xFFFFFFC0];
	v26 =	vadd.f32 v31, v28;
	v23 =	vmul.f32 v23, v1  }
0x30c: {  	v30 =	vld [tilespmem:s19+$0xFFFFFFD0];
	s20 =	sadd.s32 $0x80, s20  }
0x30d: {  	v33 =	vld [tilespmem:s22+$0x20];
	p1 =	slt.u32 s20, s21;
	v24 =	vmul.f32 v24, v4;
	v28 =	vadd.f32 v23, v26  }
.Ltmp52:
0x30e: {  	v23 =	vld [tilespmem:s19+$0xFFFFFFE0];
	(pc) =	sbr.rel @!p1 .LBB2_102-.Ltmp52, $4  }
0x30f: {  	v26 =	vld [tilespmem:s22+$0x30];
	v25 =	vmul.f32 v25, v5;
	v32 =	vadd.f32 v24, v28  }
0x310: {  	v29 =	vmul.f32 v22, v6;
	v24 =	vld [tilespmem:s19+$0xFFFFFFF0]  }
0x311: {  	v22 =	vld [tilespmem:s19+$0x10];
	v28 =	vmul.f32 v27, v7;
	v31 =	vmul.f32 v30, v8;
	v32 =	vadd.f32 v25, v32  }
0x312: {  	p0 =	por $0x1, $0x1;
	s22 =	sadd.s32 $0x80, s19;
	v30 =	vmul.f32 v33, v2;
	v27 =	vmov v21;
	v25 =	vld [tilespmem:s19+$0x0]  }
.LBB2_103:
0x313: {  	v33 =	vld [tilespmem:s22+$0xFFFFFFC0];
	v28 =	vadd.f32 v31, v28;
	v23 =	vmul.f32 v23, v1;
	v29 =	vadd.f32 v29, v32  }
0x314: {  	s20 =	sadd.s32 $0x80, s20;
	v31 =	vld [tilespmem:s22+$0xFFFFFFD0];
	v32 =	vmul.f32 v26, v3  }
0x315: {  	p1 =	slt.u32 s20, s21;
	v26 =	vadd.f32 v23, v28;
	v24 =	vmul.f32 v24, v4;
	v34 =	vld [tilespmem:s19+$0x20];
	v28 =	vadd.f32 v30, v29  }
.Ltmp53:
0x316: {  	v23 =	vld [tilespmem:s22+$0xFFFFFFE0];
	(pc) =	sbr.rel @p1 .LBB2_103-.Ltmp53, $4  }
0x317: {  	v30 =	vadd.f32 v24, v26;
	v25 =	vmul.f32 v25, v5;
	v26 =	vld [tilespmem:s19+$0x30];
	v35 =	vadd.f32 v32, v28;
	s19 =	smov.u32 s22  }
0x318: {  	v29 =	vmul.f32 v22, v6;
	v28 =	vmul.f32 v33, v7;
	v24 =	vld [tilespmem:s22+$0xFFFFFFF0]  }
0x319: {  	v31 =	vmul.f32 v31, v8;
	v22 =	vld [tilespmem:s22+$0x10];
	v32 =	vadd.f32 v25, v30;
	v27 =	vadd.f32 v35, v27  }
0x31a: {  	s22 =	sadd.s32 $0x80, s22;
	v25 =	vld [tilespmem:s19+$0x0];
	v30 =	vmul.f32 v34, v2  }
0x31b: {  	s3 =	smov.u32 s1;
	s22 =	smov.u32 s19  }
.LBB2_105:
0x31c: {  	v28 =	vadd.f32 v31, v28;
	v23 =	vmul.f32 v23, v1;
	_ =	sdelay $0x1  }
0x31d: {  	v24 =	vmul.f32 v24, v4;
	v23 =	vadd.f32 v23, v28  }
0x31e: {  	v59 =	vld [tilespmem:s22+$0x20]  }
0x31f: {  	v60 =	vmul.f32 v25, v5;
	v23 =	vadd.f32 v24, v23  }
0x320: {  	v61 =	vld [tilespmem:s22+$0x30];
	v25 =	vadd.f32 @p0 v29, v32  }
0x321: {  	v22 =	vmul.f32 v22, v6;
	v23 =	vadd.f32 v60, v23  }
0x322: {  	v24 =	vmul.f32 @p0 v26, v3;
	v25 =	vadd.f32 @p0 v30, v25  }
0x323: {  	v62 =	vmul.f32 v59, v2;
	v22 =	vadd.f32 v22, v23  }
0x324: {  	v23 =	vadd.f32 @p0 v24, v25  }
.Ltmp54:
0x325: {  	v63 =	vmul.f32 v61, v3;
	v22 =	vadd.f32 v62, v22;
	(pc) =	sbr.rel .LBB2_106-.Ltmp54, $4  }
0x326: {  	v23 =	vadd.f32 @p0 v23, v27  }
0x327: {  	v22 =	vadd.f32 v63, v22  }
0x328: {  	v21 =	vpsel p0, v23, v21  }
0x329: {  	v21 =	vadd.f32 v22, v21  }
.LBB2_98:
0x32a: {  	s23 =	smov.u32 s3;
	s3 =	smov.u32 s1  }
.LBB2_106:
0x32b: {  	s1 =	rddreg [dreg:$0x13]  }
0x32c: {  	s19 =	ssub.s32 s1, s5  }
0x32d: {  	p0 =	sgt.s32 s19, $0x0  }
0x32e: {  	s19 =	simm.s32 @!p0 $0x0  }
0x32f: {  	s19 =	smin.u32 s19, $0x60  }
0x330: {  	s19 =	sshll.u32 s19, $0x7  }
0x331: {  	p0 =	sge.u32 s21, s19  }
.Ltmp55:
0x332: {  	_ = 	snop;
	(pc) =	sbr.rel @p0 .LBB2_107-.Ltmp55, $2  }
0x333: {  	_ =	sdelay $0x2  }
0x334: {  	v22 =	vld [tilespmem:$0x61D0];
	[tilespmem:$0x61C0] =	vst v21  }
0x335: {  	s22 =	sor.u32 $0x40, s21  }
0x336: {  	s21 =	sadd.s32 $0x80, s21;
	v26 =	vld [tilespmem:s22+$0xFFFFFFC0]  }
0x337: {  	v27 =	vld [tilespmem:s22+$0xFFFFFFD0];
	p1 =	slt.u32 s21, s19  }
.Ltmp56:
0x338: {  	_ = 	snop;
	(pc) =	sbr.rel @!p1 .LBB2_109-.Ltmp56, $4  }
0x339: {  	v24 =	vld [tilespmem:s22+$0xFFFFFFE0]  }
0x33a: {  	v25 =	vld [tilespmem:s22+$0xFFFFFFF0]  }
0x33b: {  	v23 =	vld [tilespmem:s22+$0x10]  }
0x33c: {  	p0 =	por $0x0, $0x0;
	s1 =	smov.u32 s3;
	s20 =	sadd.s32 $0x80, s22;
	v29 =	vmul.f32 v26, v7;
	v32 =	vmul.f32 v27, v8;
	v26 =	vld [tilespmem:s22+$0x0]  }
0x33d: {  	_ = 	snop  }
0x33e: {  	v28 =	vld [tilespmem:s20+$0xFFFFFFC0];
	v27 =	vadd.f32 v32, v29;
	v24 =	vmul.f32 v24, v1  }
0x33f: {  	v31 =	vld [tilespmem:s20+$0xFFFFFFD0];
	s21 =	sadd.s32 $0x80, s21  }
0x340: {  	v34 =	vld [tilespmem:s22+$0x20];
	p1 =	slt.u32 s21, s19;
	v25 =	vmul.f32 v25, v4;
	v29 =	vadd.f32 v24, v27  }
.Ltmp57:
0x341: {  	v24 =	vld [tilespmem:s20+$0xFFFFFFE0];
	(pc) =	sbr.rel @!p1 .LBB2_111-.Ltmp57, $4  }
0x342: {  	v27 =	vld [tilespmem:s22+$0x30];
	v26 =	vmul.f32 v26, v5;
	v33 =	vadd.f32 v25, v29  }
0x343: {  	v30 =	vmul.f32 v23, v6;
	v25 =	vld [tilespmem:s20+$0xFFFFFFF0]  }
0x344: {  	v23 =	vld [tilespmem:s20+$0x10];
	v29 =	vmul.f32 v28, v7;
	v32 =	vmul.f32 v31, v8;
	v33 =	vadd.f32 v26, v33  }
0x345: {  	p0 =	por $0x1, $0x1;
	s3 =	smov.u32 s23;
	s22 =	sadd.s32 $0x80, s20;
	v31 =	vmul.f32 v34, v2;
	v28 =	vmov v22;
	v26 =	vld [tilespmem:s20+$0x0]  }
.LBB2_112:
0x346: {  	v34 =	vld [tilespmem:s22+$0xFFFFFFC0];
	v29 =	vadd.f32 v32, v29;
	v24 =	vmul.f32 v24, v1;
	v30 =	vadd.f32 v30, v33  }
0x347: {  	s21 =	sadd.s32 $0x80, s21;
	v32 =	vld [tilespmem:s22+$0xFFFFFFD0];
	v33 =	vmul.f32 v27, v3  }
0x348: {  	p1 =	slt.u32 s21, s19;
	v27 =	vadd.f32 v24, v29;
	v25 =	vmul.f32 v25, v4;
	v35 =	vld [tilespmem:s20+$0x20];
	v29 =	vadd.f32 v31, v30  }
.Ltmp58:
0x349: {  	v24 =	vld [tilespmem:s22+$0xFFFFFFE0];
	(pc) =	sbr.rel @p1 .LBB2_112-.Ltmp58, $4  }
0x34a: {  	v31 =	vadd.f32 v25, v27;
	v26 =	vmul.f32 v26, v5;
	v27 =	vld [tilespmem:s20+$0x30];
	v36 =	vadd.f32 v33, v29;
	s20 =	smov.u32 s22  }
0x34b: {  	v30 =	vmul.f32 v23, v6;
	v29 =	vmul.f32 v34, v7;
	v25 =	vld [tilespmem:s22+$0xFFFFFFF0]  }
0x34c: {  	v32 =	vmul.f32 v32, v8;
	v23 =	vld [tilespmem:s22+$0x10];
	v33 =	vadd.f32 v26, v31;
	v28 =	vadd.f32 v36, v28  }
0x34d: {  	s22 =	sadd.s32 $0x80, s22;
	v26 =	vld [tilespmem:s20+$0x0];
	v31 =	vmul.f32 v35, v2  }
0x34e: {  	s22 =	smov.u32 s20;
	s23 =	smov.u32 s26  }
.LBB2_114:
0x34f: {  	v29 =	vadd.f32 v32, v29;
	v24 =	vmul.f32 v24, v1;
	_ =	sdelay $0x1  }
0x350: {  	v25 =	vmul.f32 v25, v4;
	v24 =	vadd.f32 v24, v29  }
0x351: {  	v59 =	vld [tilespmem:s22+$0x20]  }
0x352: {  	v60 =	vmul.f32 v26, v5;
	v24 =	vadd.f32 v25, v24  }
0x353: {  	v61 =	vld [tilespmem:s22+$0x30];
	v26 =	vadd.f32 @p0 v30, v33  }
0x354: {  	v23 =	vmul.f32 v23, v6;
	v24 =	vadd.f32 v60, v24  }
0x355: {  	v25 =	vmul.f32 @p0 v27, v3;
	v26 =	vadd.f32 @p0 v31, v26  }
0x356: {  	v62 =	vmul.f32 v59, v2;
	v23 =	vadd.f32 v23, v24  }
0x357: {  	v24 =	vadd.f32 @p0 v25, v26  }
.Ltmp59:
0x358: {  	v63 =	vmul.f32 v61, v3;
	v23 =	vadd.f32 v62, v23;
	(pc) =	sbr.rel .LBB2_115-.Ltmp59, $4  }
0x359: {  	v24 =	vadd.f32 @p0 v24, v28  }
0x35a: {  	v23 =	vadd.f32 v63, v23  }
0x35b: {  	v22 =	vpsel p0, v24, v22  }
0x35c: {  	v22 =	vadd.f32 v23, v22  }
.LBB2_107:
0x35d: {  	s1 =	smov.u32 s3;
	s3 =	smov.u32 s23;
	s23 =	smov.u32 s26  }
.LBB2_115:
0x35e: {  	s21 =	ssub.s32 s0, s5  }
0x35f: {  	p0 =	sgt.s32 s21, $0x0;
	s20 =	smov.u32 s21  }
0x360: {  	s20 =	simm.s32 @!p0 $0x0  }
0x361: {  	s20 =	smin.u32 s20, $0x60  }
0x362: {  	s20 =	sshll.u32 s20, $0x7  }
0x363: {  	p0 =	sge.u32 s19, s20  }
.Ltmp60:
0x364: {  	_ = 	snop;
	(pc) =	sbr.rel @p0 .LBB2_123-.Ltmp60, $2  }
0x365: {  	_ =	sdelay $0x2  }
0x366: {  	v23 =	vld [tilespmem:$0x61E0];
	[tilespmem:$0x61D0] =	vst v22  }
0x367: {  	s26 =	smov.u32 s3;
	s3 =	smov.u32 s1;
	s1 =	smov.u32 s0  }
0x368: {  	s0 =	smov.u32 s30;
	s30 =	smov.u32 s28;
	s28 =	smov.u32 s2  }
0x369: {  	s2 =	smov.u32 s9;
	s9 =	smov.u32 s25;
	s22 =	sor.u32 $0x40, s19  }
0x36a: {  	s25 =	smov.u32 s24;
	s24 =	smov.u32 s23;
	s23 =	sadd.s32 $0x80, s19;
	v27 =	vld [tilespmem:s22+$0xFFFFFFC0]  }
0x36b: {  	v28 =	vld [tilespmem:s22+$0xFFFFFFD0];
	p1 =	slt.u32 s23, s20  }
.Ltmp61:
0x36c: {  	_ = 	snop;
	(pc) =	sbr.rel @!p1 .LBB2_117-.Ltmp61, $4  }
0x36d: {  	v25 =	vld [tilespmem:s22+$0xFFFFFFE0]  }
0x36e: {  	v26 =	vld [tilespmem:s22+$0xFFFFFFF0]  }
0x36f: {  	v24 =	vld [tilespmem:s22+$0x10]  }
0x370: {  	p0 =	por $0x0, $0x0;
	s19 =	sadd.s32 $0x80, s22;
	v30 =	vmul.f32 v27, v7;
	v33 =	vmul.f32 v28, v8;
	v27 =	vld [tilespmem:s22+$0x0]  }
0x371: {  	v29 =	vld [tilespmem:s19+$0xFFFFFFC0]  }
0x372: {  	v32 =	vld [tilespmem:s19+$0xFFFFFFD0];
	v28 =	vadd.f32 v33, v30;
	v25 =	vmul.f32 v25, v1  }
0x373: {  	v35 =	vld [tilespmem:s22+$0x20]  }
0x374: {  	v30 =	vadd.f32 v25, v28;
	v28 =	vld [tilespmem:s22+$0x30];
	s22 =	sadd.s32 $0x80, s23  }
0x375: {  	v26 =	vmul.f32 v26, v4;
	p1 =	slt.u32 s22, s20  }
.Ltmp62:
0x376: {  	v25 =	vld [tilespmem:s19+$0xFFFFFFE0];
	(pc) =	sbr.rel @!p1 .LBB2_119-.Ltmp62, $4  }
0x377: {  	v27 =	vmul.f32 v27, v5;
	v34 =	vadd.f32 v26, v30  }
0x378: {  	v31 =	vmul.f32 v24, v6;
	v26 =	vld [tilespmem:s19+$0xFFFFFFF0]  }
0x379: {  	v24 =	vld [tilespmem:s19+$0x10];
	v30 =	vmul.f32 v29, v7;
	v33 =	vmul.f32 v32, v8;
	v34 =	vadd.f32 v27, v34  }
0x37a: {  	p0 =	por $0x1, $0x1;
	s23 =	sadd.s32 $0x80, s19;
	v32 =	vmul.f32 v35, v2;
	v29 =	vmov v23;
	v27 =	vld [tilespmem:s19+$0x0]  }
.LBB2_120:
0x37b: {  	v35 =	vld [tilespmem:s23+$0xFFFFFFC0];
	v30 =	vadd.f32 v33, v30;
	v25 =	vmul.f32 v25, v1;
	v31 =	vadd.f32 v31, v34  }
0x37c: {  	s22 =	sadd.s32 $0x80, s22;
	v33 =	vld [tilespmem:s23+$0xFFFFFFD0];
	v34 =	vmul.f32 v28, v3  }
0x37d: {  	p1 =	slt.u32 s22, s20;
	v28 =	vadd.f32 v25, v30;
	v26 =	vmul.f32 v26, v4;
	v36 =	vld [tilespmem:s19+$0x20];
	v30 =	vadd.f32 v32, v31  }
.Ltmp63:
0x37e: {  	v25 =	vld [tilespmem:s23+$0xFFFFFFE0];
	(pc) =	sbr.rel @p1 .LBB2_120-.Ltmp63, $4  }
0x37f: {  	v32 =	vadd.f32 v26, v28;
	v27 =	vmul.f32 v27, v5;
	v28 =	vld [tilespmem:s19+$0x30];
	v37 =	vadd.f32 v34, v30;
	s19 =	smov.u32 s23  }
0x380: {  	v31 =	vmul.f32 v24, v6;
	v30 =	vmul.f32 v35, v7;
	v26 =	vld [tilespmem:s23+$0xFFFFFFF0]  }
0x381: {  	v33 =	vmul.f32 v33, v8;
	v24 =	vld [tilespmem:s23+$0x10];
	v34 =	vadd.f32 v27, v32;
	v29 =	vadd.f32 v37, v29  }
0x382: {  	s23 =	sadd.s32 $0x80, s23;
	v27 =	vld [tilespmem:s19+$0x0];
	v32 =	vmul.f32 v36, v2  }
0x383: {  	s22 =	smov.u32 s19  }
.LBB2_122:
0x384: {  	v30 =	vadd.f32 v33, v30;
	v25 =	vmul.f32 v25, v1;
	_ =	sdelay $0x1  }
0x385: {  	v26 =	vmul.f32 v26, v4;
	v25 =	vadd.f32 v25, v30  }
0x386: {  	v59 =	vld [tilespmem:s22+$0x20]  }
0x387: {  	v60 =	vmul.f32 v27, v5;
	v25 =	vadd.f32 v26, v25  }
0x388: {  	v61 =	vld [tilespmem:s22+$0x30];
	v27 =	vadd.f32 @p0 v31, v34  }
0x389: {  	v24 =	vmul.f32 v24, v6;
	v25 =	vadd.f32 v60, v25  }
0x38a: {  	v26 =	vmul.f32 @p0 v28, v3;
	v27 =	vadd.f32 @p0 v32, v27  }
0x38b: {  	v62 =	vmul.f32 v59, v2;
	v24 =	vadd.f32 v24, v25  }
0x38c: {  	v25 =	vadd.f32 @p0 v26, v27  }
0x38d: {  	v63 =	vmul.f32 v61, v3;
	v24 =	vadd.f32 v62, v24  }
0x38e: {  	s23 =	smov.u32 s24;
	v25 =	vadd.f32 @p0 v25, v29  }
0x38f: {  	s24 =	smov.u32 s25;
	s25 =	smov.u32 s9;
	s9 =	smov.u32 s2;
	v24 =	vadd.f32 v63, v24  }
0x390: {  	s2 =	smov.u32 s28;
	s28 =	smov.u32 s30;
	s30 =	smov.u32 s0;
	v23 =	vpsel p0, v25, v23  }
0x391: {  	s0 =	smov.u32 s1;
	s1 =	smov.u32 s3;
	s3 =	smov.u32 s26;
	v23 =	vadd.f32 v24, v23  }
.LBB2_123:
0x392: {  	p0 =	sgt.s32 s21, $0x5F  }
.Ltmp64:
0x393: {  	v24 =	vld [tilespmem:$0x61F0];
	(pc) =	sbr.rel @p0 .LBB2_124-.Ltmp64, $2  }
0x394: {  	_ =	sdelay $0x2  }
0x395: {  	[tilespmem:$0x61E0] =	vst v23  }
0x396: {  	s21 =	sor.u32 $0x40, s20;
	s19 =	sadd.s32 $0xFFFFFF80, s20  }
0x397: {  	v28 =	vld [tilespmem:s21+$0xFFFFFFC0];
	s20 =	sadd.s32 $0x80, s19  }
0x398: {  	v29 =	vld [tilespmem:s21+$0xFFFFFFD0];
	p1 =	slt.u32 s20, $0x2F80  }
.Ltmp65:
0x399: {  	_ = 	snop;
	(pc) =	sbr.rel @!p1 .LBB2_126-.Ltmp65, $4  }
0x39a: {  	v26 =	vld [tilespmem:s21+$0xFFFFFFE0]  }
0x39b: {  	v27 =	vld [tilespmem:s21+$0xFFFFFFF0]  }
0x39c: {  	v25 =	vld [tilespmem:s21+$0x10]  }
0x39d: {  	p0 =	por $0x0, $0x0;
	s19 =	sadd.s32 $0x80, s21;
	v31 =	vmul.f32 v28, v7;
	v34 =	vmul.f32 v29, v8;
	v28 =	vld [tilespmem:s21+$0x0]  }
0x39e: {  	_ = 	snop  }
0x39f: {  	v30 =	vld [tilespmem:s19+$0xFFFFFFC0];
	v29 =	vadd.f32 v34, v31;
	v26 =	vmul.f32 v26, v1  }
0x3a0: {  	v33 =	vld [tilespmem:s19+$0xFFFFFFD0];
	s20 =	sadd.s32 $0x80, s20  }
0x3a1: {  	v36 =	vld [tilespmem:s21+$0x20];
	p1 =	slt.u32 s20, $0x2F80;
	v27 =	vmul.f32 v27, v4;
	v31 =	vadd.f32 v26, v29  }
.Ltmp66:
0x3a2: {  	v26 =	vld [tilespmem:s19+$0xFFFFFFE0];
	(pc) =	sbr.rel @!p1 .LBB2_128-.Ltmp66, $4  }
0x3a3: {  	v29 =	vld [tilespmem:s21+$0x30];
	v28 =	vmul.f32 v28, v5;
	v35 =	vadd.f32 v27, v31  }
0x3a4: {  	v32 =	vmul.f32 v25, v6;
	v27 =	vld [tilespmem:s19+$0xFFFFFFF0]  }
0x3a5: {  	v25 =	vld [tilespmem:s19+$0x10];
	v31 =	vmul.f32 v30, v7;
	v34 =	vmul.f32 v33, v8;
	v35 =	vadd.f32 v28, v35  }
0x3a6: {  	p0 =	por $0x1, $0x1;
	s21 =	sadd.s32 $0x80, s19;
	v33 =	vmul.f32 v36, v2;
	v30 =	vmov v24;
	v28 =	vld [tilespmem:s19+$0x0]  }
.LBB2_129:
0x3a7: {  	v36 =	vld [tilespmem:s21+$0xFFFFFFC0];
	v31 =	vadd.f32 v34, v31;
	v26 =	vmul.f32 v26, v1;
	v32 =	vadd.f32 v32, v35  }
0x3a8: {  	s20 =	sadd.s32 $0x80, s20;
	v34 =	vld [tilespmem:s21+$0xFFFFFFD0];
	v35 =	vmul.f32 v29, v3  }
0x3a9: {  	p1 =	slt.u32 s20, $0x2F80;
	v29 =	vadd.f32 v26, v31;
	v27 =	vmul.f32 v27, v4;
	v37 =	vld [tilespmem:s19+$0x20];
	v31 =	vadd.f32 v33, v32  }
.Ltmp67:
0x3aa: {  	v26 =	vld [tilespmem:s21+$0xFFFFFFE0];
	(pc) =	sbr.rel @p1 .LBB2_129-.Ltmp67, $4  }
0x3ab: {  	v33 =	vadd.f32 v27, v29;
	v28 =	vmul.f32 v28, v5;
	v29 =	vld [tilespmem:s19+$0x30];
	v38 =	vadd.f32 v35, v31;
	s19 =	smov.u32 s21  }
0x3ac: {  	v32 =	vmul.f32 v25, v6;
	v31 =	vmul.f32 v36, v7;
	v27 =	vld [tilespmem:s21+$0xFFFFFFF0]  }
0x3ad: {  	v34 =	vmul.f32 v34, v8;
	v25 =	vld [tilespmem:s21+$0x10];
	v35 =	vadd.f32 v28, v33;
	v30 =	vadd.f32 v38, v30  }
0x3ae: {  	s21 =	sadd.s32 $0x80, s21;
	v28 =	vld [tilespmem:s19+$0x0];
	v33 =	vmul.f32 v37, v2  }
0x3af: {  	s22 =	smov.u32 s0;
	s21 =	smov.u32 s19  }
.LBB2_131:
0x3b0: {  	v31 =	vadd.f32 v34, v31;
	v26 =	vmul.f32 v26, v1;
	_ =	sdelay $0x1  }
0x3b1: {  	v27 =	vmul.f32 v27, v4;
	v26 =	vadd.f32 v26, v31  }
0x3b2: {  	v61 =	vld [tilespmem:s21+$0x20]  }
0x3b3: {  	v26 =	vadd.f32 v27, v26;
	v27 =	vmul.f32 v28, v5  }
0x3b4: {  	v62 =	vld [tilespmem:s21+$0x30];
	v28 =	vadd.f32 @p0 v32, v35  }
0x3b5: {  	v25 =	vmul.f32 v25, v6;
	v26 =	vadd.f32 v27, v26  }
0x3b6: {  	v27 =	vmul.f32 @p0 v29, v3;
	v28 =	vadd.f32 @p0 v33, v28  }
0x3b7: {  	v63 =	vmul.f32 v61, v2;
	v25 =	vadd.f32 v25, v26  }
0x3b8: {  	v26 =	vadd.f32 @p0 v27, v28  }
0x3b9: {  	v27 =	vmul.f32 v62, v3;
	v25 =	vadd.f32 v63, v25  }
.Ltmp68:
0x3ba: {  	v26 =	vadd.f32 @p0 v26, v30;
	(pc) =	sbr.rel .LBB2_132-.Ltmp68, $3  }
0x3bb: {  	v25 =	vadd.f32 v27, v25  }
0x3bc: {  	v24 =	vpsel p0, v26, v24  }
0x3bd: {  	v24 =	vadd.f32 v25, v24;
	_ =	sdelay $0x1  }
.LBB2_124:
0x3be: {  	s22 =	smov.u32 s0  }
.LBB2_132:
0x3bf: {  	s17 =	ssub.s32 s17, s7;
	s18 =	ssub.s32 s18, s7  }
0x3c0: {  	p0 =	sgt.s32 s17, $0x0;
	p1 =	sgt.s32 s18, $0x0  }
0x3c1: {  	s17 =	simm.s32 @!p0 $0x0;
	s18 =	simm.s32 @!p1 $0x0  }
0x3c2: {  	s17 =	smin.u32 s17, $0x60;
	s19 =	smin.u32 s18, $0x60  }
0x3c3: {  	s18 =	sshll.u32 s17, $0x7;
	s17 =	sshll.u32 s19, $0x7  }
0x3c4: {  	p0 =	sge.u32 s18, s17  }
.Ltmp69:
0x3c5: {  	_ = 	snop;
	(pc) =	sbr.rel @p0 .LBB2_140-.Ltmp69, $4  }
0x3c6: {  	[tilespmem:$0x61F0] =	vst v24;
	s0 =	simm.s32 $0x2  }
0x3c7: {  	_ =	swait.ge [sflag:s0], $0x3000  }
0x3c8: {  	[sflag:s0] =	ssyncset.done $0x0  }
0x3c9: {  	[sflag:s0] =	ssyncadd.s32 $0xFFFFD000  }
0x3ca: {  	s19 =	sadd.s32 $0x3040, s18  }
0x3cb: {  	s20 =	sadd.s32 $0x80, s18;
	v28 =	vld [tilespmem:s19+$0xFFFFFFC0]  }
0x3cc: {  	v29 =	vld [tilespmem:s19+$0xFFFFFFD0];
	p1 =	slt.u32 s20, s17  }
.Ltmp70:
0x3cd: {  	_ = 	snop;
	(pc) =	sbr.rel @!p1 .LBB2_134-.Ltmp70, $4  }
0x3ce: {  	v26 =	vld [tilespmem:s19+$0xFFFFFFE0]  }
0x3cf: {  	v27 =	vld [tilespmem:s19+$0xFFFFFFF0]  }
0x3d0: {  	v25 =	vld [tilespmem:s19+$0x10]  }
0x3d1: {  	p0 =	por $0x0, $0x0;
	s18 =	sadd.s32 $0x80, s19;
	v31 =	vmul.f32 v28, v7;
	v34 =	vmul.f32 v29, v8;
	v28 =	vld [tilespmem:s19+$0x0]  }
0x3d2: {  	v30 =	vld [tilespmem:s18+$0xFFFFFFC0]  }
0x3d3: {  	v33 =	vld [tilespmem:s18+$0xFFFFFFD0];
	v29 =	vadd.f32 v34, v31;
	v26 =	vmul.f32 v26, v1  }
0x3d4: {  	v36 =	vld [tilespmem:s19+$0x20]  }
0x3d5: {  	v31 =	vadd.f32 v26, v29;
	v29 =	vld [tilespmem:s19+$0x30];
	s19 =	sadd.s32 $0x80, s20  }
0x3d6: {  	v27 =	vmul.f32 v27, v4;
	p1 =	slt.u32 s19, s17  }
.Ltmp71:
0x3d7: {  	v26 =	vld [tilespmem:s18+$0xFFFFFFE0];
	(pc) =	sbr.rel @!p1 .LBB2_136-.Ltmp71, $4  }
0x3d8: {  	v28 =	vmul.f32 v28, v5;
	v35 =	vadd.f32 v27, v31  }
0x3d9: {  	v32 =	vmul.f32 v25, v6;
	v27 =	vld [tilespmem:s18+$0xFFFFFFF0]  }
0x3da: {  	v25 =	vld [tilespmem:s18+$0x10];
	v31 =	vmul.f32 v30, v7;
	v34 =	vmul.f32 v33, v8;
	v35 =	vadd.f32 v28, v35  }
0x3db: {  	p0 =	por $0x1, $0x1;
	s20 =	sadd.s32 $0x80, s18;
	v33 =	vmul.f32 v36, v2;
	v30 =	vmov v9;
	v28 =	vld [tilespmem:s18+$0x0]  }
.LBB2_137:
0x3dc: {  	v36 =	vld [tilespmem:s20+$0xFFFFFFC0];
	v31 =	vadd.f32 v34, v31;
	v26 =	vmul.f32 v26, v1;
	v32 =	vadd.f32 v32, v35  }
0x3dd: {  	s19 =	sadd.s32 $0x80, s19;
	v34 =	vld [tilespmem:s20+$0xFFFFFFD0];
	v35 =	vmul.f32 v29, v3  }
0x3de: {  	p1 =	slt.u32 s19, s17;
	v29 =	vadd.f32 v26, v31;
	v27 =	vmul.f32 v27, v4;
	v37 =	vld [tilespmem:s18+$0x20];
	v31 =	vadd.f32 v33, v32  }
.Ltmp72:
0x3df: {  	v26 =	vld [tilespmem:s20+$0xFFFFFFE0];
	(pc) =	sbr.rel @p1 .LBB2_137-.Ltmp72, $4  }
0x3e0: {  	v33 =	vadd.f32 v27, v29;
	v28 =	vmul.f32 v28, v5;
	v29 =	vld [tilespmem:s18+$0x30];
	v38 =	vadd.f32 v35, v31;
	s18 =	smov.u32 s20  }
0x3e1: {  	v32 =	vmul.f32 v25, v6;
	v31 =	vmul.f32 v36, v7;
	v27 =	vld [tilespmem:s20+$0xFFFFFFF0]  }
0x3e2: {  	v34 =	vmul.f32 v34, v8;
	v25 =	vld [tilespmem:s20+$0x10];
	v35 =	vadd.f32 v28, v33;
	v30 =	vadd.f32 v38, v30  }
0x3e3: {  	s20 =	sadd.s32 $0x80, s20;
	v28 =	vld [tilespmem:s18+$0x0];
	v33 =	vmul.f32 v37, v2  }
0x3e4: {  	s19 =	smov.u32 s18  }
.LBB2_139:
0x3e5: {  	v31 =	vadd.f32 v34, v31;
	v26 =	vmul.f32 v26, v1;
	_ =	sdelay $0x1  }
0x3e6: {  	v27 =	vmul.f32 v27, v4;
	v26 =	vadd.f32 v26, v31  }
0x3e7: {  	v61 =	vld [tilespmem:s19+$0x20]  }
0x3e8: {  	v26 =	vadd.f32 v27, v26;
	v27 =	vmul.f32 v28, v5  }
0x3e9: {  	v62 =	vld [tilespmem:s19+$0x30];
	v28 =	vadd.f32 @p0 v32, v35  }
0x3ea: {  	v25 =	vmul.f32 v25, v6;
	v26 =	vadd.f32 v27, v26  }
0x3eb: {  	v27 =	vmul.f32 @p0 v29, v3;
	v28 =	vadd.f32 @p0 v33, v28  }
0x3ec: {  	v63 =	vmul.f32 v61, v2;
	v25 =	vadd.f32 v25, v26  }
0x3ed: {  	v26 =	vadd.f32 @p0 v27, v28  }
0x3ee: {  	v27 =	vmul.f32 v62, v3;
	v25 =	vadd.f32 v63, v25  }
0x3ef: {  	v26 =	vadd.f32 @p0 v26, v30  }
0x3f0: {  	v25 =	vadd.f32 v27, v25  }
0x3f1: {  	v9 =	vpsel p0, v26, v9  }
0x3f2: {  	v9 =	vadd.f32 v25, v9  }
.LBB2_140:
0x3f3: {  	s16 =	ssub.s32 s16, s7  }
0x3f4: {  	p0 =	sgt.s32 s16, $0x0  }
0x3f5: {  	s16 =	simm.s32 @!p0 $0x0  }
0x3f6: {  	s16 =	smin.u32 s16, $0x60  }
0x3f7: {  	s16 =	sshll.u32 s16, $0x7  }
0x3f8: {  	p0 =	sge.u32 s17, s16  }
.Ltmp73:
0x3f9: {  	_ = 	snop;
	(pc) =	sbr.rel @p0 .LBB2_148-.Ltmp73, $2  }
0x3fa: {  	_ =	sdelay $0x2  }
0x3fb: {  	[tilespmem:$0x6100] =	vst v9  }
0x3fc: {  	s18 =	sadd.s32 $0x3040, s17  }
0x3fd: {  	s19 =	sadd.s32 $0x80, s17;
	v27 =	vld [tilespmem:s18+$0xFFFFFFC0]  }
0x3fe: {  	v28 =	vld [tilespmem:s18+$0xFFFFFFD0];
	p1 =	slt.u32 s19, s16  }
.Ltmp74:
0x3ff: {  	_ = 	snop;
	(pc) =	sbr.rel @!p1 .LBB2_142-.Ltmp74, $4  }
0x400: {  	v25 =	vld [tilespmem:s18+$0xFFFFFFE0]  }
0x401: {  	v26 =	vld [tilespmem:s18+$0xFFFFFFF0]  }
0x402: {  	v9 =	vld [tilespmem:s18+$0x10]  }
0x403: {  	p0 =	por $0x0, $0x0;
	s17 =	sadd.s32 $0x80, s18;
	v30 =	vmul.f32 v27, v7;
	v33 =	vmul.f32 v28, v8;
	v27 =	vld [tilespmem:s18+$0x0]  }
0x404: {  	v29 =	vld [tilespmem:s17+$0xFFFFFFC0]  }
0x405: {  	v32 =	vld [tilespmem:s17+$0xFFFFFFD0];
	v28 =	vadd.f32 v33, v30;
	v25 =	vmul.f32 v25, v1  }
0x406: {  	v35 =	vld [tilespmem:s18+$0x20]  }
0x407: {  	v30 =	vadd.f32 v25, v28;
	v28 =	vld [tilespmem:s18+$0x30];
	s18 =	sadd.s32 $0x80, s19  }
0x408: {  	v26 =	vmul.f32 v26, v4;
	p1 =	slt.u32 s18, s16  }
.Ltmp75:
0x409: {  	v25 =	vld [tilespmem:s17+$0xFFFFFFE0];
	(pc) =	sbr.rel @!p1 .LBB2_144-.Ltmp75, $4  }
0x40a: {  	v27 =	vmul.f32 v27, v5;
	v34 =	vadd.f32 v26, v30  }
0x40b: {  	v31 =	vmul.f32 v9, v6;
	v26 =	vld [tilespmem:s17+$0xFFFFFFF0]  }
0x40c: {  	v9 =	vld [tilespmem:s17+$0x10];
	v30 =	vmul.f32 v29, v7;
	v33 =	vmul.f32 v32, v8;
	v34 =	vadd.f32 v27, v34  }
0x40d: {  	p0 =	por $0x1, $0x1;
	s19 =	sadd.s32 $0x80, s17;
	v32 =	vmul.f32 v35, v2;
	v29 =	vmov v10;
	v27 =	vld [tilespmem:s17+$0x0]  }
.LBB2_145:
0x40e: {  	v35 =	vld [tilespmem:s19+$0xFFFFFFC0];
	v30 =	vadd.f32 v33, v30;
	v25 =	vmul.f32 v25, v1;
	v31 =	vadd.f32 v31, v34  }
0x40f: {  	s18 =	sadd.s32 $0x80, s18;
	v33 =	vld [tilespmem:s19+$0xFFFFFFD0];
	v34 =	vmul.f32 v28, v3  }
0x410: {  	p1 =	slt.u32 s18, s16;
	v28 =	vadd.f32 v25, v30;
	v26 =	vmul.f32 v26, v4;
	v36 =	vld [tilespmem:s17+$0x20];
	v30 =	vadd.f32 v32, v31  }
.Ltmp76:
0x411: {  	v25 =	vld [tilespmem:s19+$0xFFFFFFE0];
	(pc) =	sbr.rel @p1 .LBB2_145-.Ltmp76, $4  }
0x412: {  	v32 =	vadd.f32 v26, v28;
	v27 =	vmul.f32 v27, v5;
	v28 =	vld [tilespmem:s17+$0x30];
	v37 =	vadd.f32 v34, v30;
	s17 =	smov.u32 s19  }
0x413: {  	v31 =	vmul.f32 v9, v6;
	v30 =	vmul.f32 v35, v7;
	v26 =	vld [tilespmem:s19+$0xFFFFFFF0]  }
0x414: {  	v33 =	vmul.f32 v33, v8;
	v9 =	vld [tilespmem:s19+$0x10];
	v34 =	vadd.f32 v27, v32;
	v29 =	vadd.f32 v37, v29  }
0x415: {  	s19 =	sadd.s32 $0x80, s19;
	v27 =	vld [tilespmem:s17+$0x0];
	v32 =	vmul.f32 v36, v2  }
0x416: {  	s18 =	smov.u32 s17  }
.LBB2_147:
0x417: {  	v30 =	vadd.f32 v33, v30;
	v25 =	vmul.f32 v25, v1;
	_ =	sdelay $0x1  }
0x418: {  	v26 =	vmul.f32 v26, v4;
	v25 =	vadd.f32 v25, v30  }
0x419: {  	v61 =	vld [tilespmem:s18+$0x20]  }
0x41a: {  	v25 =	vadd.f32 v26, v25;
	v26 =	vmul.f32 v27, v5  }
0x41b: {  	v62 =	vld [tilespmem:s18+$0x30];
	v27 =	vadd.f32 @p0 v31, v34  }
0x41c: {  	v9 =	vmul.f32 v9, v6;
	v25 =	vadd.f32 v26, v25  }
0x41d: {  	v26 =	vmul.f32 @p0 v28, v3;
	v27 =	vadd.f32 @p0 v32, v27  }
0x41e: {  	v63 =	vmul.f32 v61, v2;
	v9 =	vadd.f32 v9, v25  }
0x41f: {  	v25 =	vadd.f32 @p0 v26, v27  }
0x420: {  	v26 =	vmul.f32 v62, v3;
	v9 =	vadd.f32 v63, v9  }
0x421: {  	v25 =	vadd.f32 @p0 v25, v29  }
0x422: {  	v9 =	vadd.f32 v26, v9  }
0x423: {  	v10 =	vpsel p0, v25, v10  }
0x424: {  	v10 =	vadd.f32 v9, v10  }
.LBB2_148:
0x425: {  	s15 =	ssub.s32 s15, s7  }
0x426: {  	p0 =	sgt.s32 s15, $0x0  }
0x427: {  	s15 =	simm.s32 @!p0 $0x0  }
0x428: {  	s15 =	smin.u32 s15, $0x60  }
0x429: {  	s15 =	sshll.u32 s15, $0x7  }
0x42a: {  	p0 =	sge.u32 s16, s15  }
.Ltmp77:
0x42b: {  	_ = 	snop;
	(pc) =	sbr.rel @p0 .LBB2_156-.Ltmp77, $2  }
0x42c: {  	_ =	sdelay $0x2  }
0x42d: {  	[tilespmem:$0x6110] =	vst v10  }
0x42e: {  	s17 =	sadd.s32 $0x3040, s16  }
0x42f: {  	s18 =	sadd.s32 $0x80, s16;
	v26 =	vld [tilespmem:s17+$0xFFFFFFC0]  }
0x430: {  	v27 =	vld [tilespmem:s17+$0xFFFFFFD0];
	p1 =	slt.u32 s18, s15  }
.Ltmp78:
0x431: {  	_ = 	snop;
	(pc) =	sbr.rel @!p1 .LBB2_150-.Ltmp78, $4  }
0x432: {  	v10 =	vld [tilespmem:s17+$0xFFFFFFE0]  }
0x433: {  	v25 =	vld [tilespmem:s17+$0xFFFFFFF0]  }
0x434: {  	v9 =	vld [tilespmem:s17+$0x10]  }
0x435: {  	p0 =	por $0x0, $0x0;
	s16 =	sadd.s32 $0x80, s17;
	v29 =	vmul.f32 v26, v7;
	v32 =	vmul.f32 v27, v8;
	v26 =	vld [tilespmem:s17+$0x0]  }
0x436: {  	v28 =	vld [tilespmem:s16+$0xFFFFFFC0]  }
0x437: {  	v31 =	vld [tilespmem:s16+$0xFFFFFFD0];
	v27 =	vadd.f32 v32, v29;
	v10 =	vmul.f32 v10, v1  }
0x438: {  	v34 =	vld [tilespmem:s17+$0x20]  }
0x439: {  	v29 =	vadd.f32 v10, v27;
	v27 =	vld [tilespmem:s17+$0x30];
	s17 =	sadd.s32 $0x80, s18  }
0x43a: {  	v25 =	vmul.f32 v25, v4;
	p1 =	slt.u32 s17, s15  }
.Ltmp79:
0x43b: {  	v10 =	vld [tilespmem:s16+$0xFFFFFFE0];
	(pc) =	sbr.rel @!p1 .LBB2_152-.Ltmp79, $4  }
0x43c: {  	v26 =	vmul.f32 v26, v5;
	v33 =	vadd.f32 v25, v29  }
0x43d: {  	v30 =	vmul.f32 v9, v6;
	v25 =	vld [tilespmem:s16+$0xFFFFFFF0]  }
0x43e: {  	v9 =	vld [tilespmem:s16+$0x10];
	v29 =	vmul.f32 v28, v7;
	v32 =	vmul.f32 v31, v8;
	v33 =	vadd.f32 v26, v33  }
0x43f: {  	p0 =	por $0x1, $0x1;
	s18 =	sadd.s32 $0x80, s16;
	v31 =	vmul.f32 v34, v2;
	v28 =	vmov v11;
	v26 =	vld [tilespmem:s16+$0x0]  }
.LBB2_153:
0x440: {  	v34 =	vld [tilespmem:s18+$0xFFFFFFC0];
	v29 =	vadd.f32 v32, v29;
	v10 =	vmul.f32 v10, v1;
	v30 =	vadd.f32 v30, v33  }
0x441: {  	s17 =	sadd.s32 $0x80, s17;
	v32 =	vld [tilespmem:s18+$0xFFFFFFD0];
	v33 =	vmul.f32 v27, v3  }
0x442: {  	p1 =	slt.u32 s17, s15;
	v27 =	vadd.f32 v10, v29;
	v25 =	vmul.f32 v25, v4;
	v35 =	vld [tilespmem:s16+$0x20];
	v29 =	vadd.f32 v31, v30  }
.Ltmp80:
0x443: {  	v10 =	vld [tilespmem:s18+$0xFFFFFFE0];
	(pc) =	sbr.rel @p1 .LBB2_153-.Ltmp80, $4  }
0x444: {  	v31 =	vadd.f32 v25, v27;
	v26 =	vmul.f32 v26, v5;
	v27 =	vld [tilespmem:s16+$0x30];
	v36 =	vadd.f32 v33, v29;
	s16 =	smov.u32 s18  }
0x445: {  	v30 =	vmul.f32 v9, v6;
	v29 =	vmul.f32 v34, v7;
	v25 =	vld [tilespmem:s18+$0xFFFFFFF0]  }
0x446: {  	v32 =	vmul.f32 v32, v8;
	v9 =	vld [tilespmem:s18+$0x10];
	v33 =	vadd.f32 v26, v31;
	v28 =	vadd.f32 v36, v28  }
0x447: {  	s18 =	sadd.s32 $0x80, s18;
	v26 =	vld [tilespmem:s16+$0x0];
	v31 =	vmul.f32 v35, v2  }
0x448: {  	s17 =	smov.u32 s16  }
.LBB2_155:
0x449: {  	v29 =	vadd.f32 v32, v29;
	v10 =	vmul.f32 v10, v1;
	_ =	sdelay $0x1  }
0x44a: {  	v25 =	vmul.f32 v25, v4;
	v10 =	vadd.f32 v10, v29  }
0x44b: {  	v62 =	vld [tilespmem:s17+$0x20]  }
0x44c: {  	v10 =	vadd.f32 v25, v10;
	v25 =	vmul.f32 v26, v5  }
0x44d: {  	v63 =	vld [tilespmem:s17+$0x30];
	v26 =	vadd.f32 @p0 v30, v33  }
0x44e: {  	v9 =	vmul.f32 v9, v6;
	v10 =	vadd.f32 v25, v10  }
0x44f: {  	v25 =	vmul.f32 @p0 v27, v3;
	v26 =	vadd.f32 @p0 v31, v26  }
0x450: {  	v27 =	vmul.f32 v62, v2;
	v9 =	vadd.f32 v9, v10  }
0x451: {  	v10 =	vadd.f32 @p0 v25, v26  }
0x452: {  	v25 =	vmul.f32 v63, v3;
	v9 =	vadd.f32 v27, v9  }
0x453: {  	v10 =	vadd.f32 @p0 v10, v28  }
0x454: {  	v9 =	vadd.f32 v25, v9  }
0x455: {  	v10 =	vpsel p0, v10, v11  }
0x456: {  	v11 =	vadd.f32 v9, v10  }
.LBB2_156:
0x457: {  	s14 =	ssub.s32 s14, s7  }
0x458: {  	p0 =	sgt.s32 s14, $0x0  }
0x459: {  	s14 =	simm.s32 @!p0 $0x0  }
0x45a: {  	s14 =	smin.u32 s14, $0x60  }
0x45b: {  	s14 =	sshll.u32 s14, $0x7  }
0x45c: {  	p0 =	sge.u32 s15, s14  }
.Ltmp81:
0x45d: {  	_ = 	snop;
	(pc) =	sbr.rel @p0 .LBB2_164-.Ltmp81, $2  }
0x45e: {  	_ =	sdelay $0x2  }
0x45f: {  	[tilespmem:$0x6120] =	vst v11  }
0x460: {  	s16 =	sadd.s32 $0x3040, s15  }
0x461: {  	s17 =	sadd.s32 $0x80, s15;
	v25 =	vld [tilespmem:s16+$0xFFFFFFC0]  }
0x462: {  	v26 =	vld [tilespmem:s16+$0xFFFFFFD0];
	p1 =	slt.u32 s17, s14  }
.Ltmp82:
0x463: {  	_ = 	snop;
	(pc) =	sbr.rel @!p1 .LBB2_158-.Ltmp82, $4  }
0x464: {  	v10 =	vld [tilespmem:s16+$0xFFFFFFE0]  }
0x465: {  	v11 =	vld [tilespmem:s16+$0xFFFFFFF0]  }
0x466: {  	v9 =	vld [tilespmem:s16+$0x10]  }
0x467: {  	p0 =	por $0x0, $0x0;
	s15 =	sadd.s32 $0x80, s16;
	v28 =	vmul.f32 v25, v7;
	v31 =	vmul.f32 v26, v8;
	v25 =	vld [tilespmem:s16+$0x0]  }
0x468: {  	v27 =	vld [tilespmem:s15+$0xFFFFFFC0]  }
0x469: {  	v30 =	vld [tilespmem:s15+$0xFFFFFFD0];
	v26 =	vadd.f32 v31, v28;
	v10 =	vmul.f32 v10, v1  }
0x46a: {  	v33 =	vld [tilespmem:s16+$0x20]  }
0x46b: {  	v28 =	vadd.f32 v10, v26;
	v26 =	vld [tilespmem:s16+$0x30];
	s16 =	sadd.s32 $0x80, s17  }
0x46c: {  	v11 =	vmul.f32 v11, v4;
	p1 =	slt.u32 s16, s14  }
.Ltmp83:
0x46d: {  	v10 =	vld [tilespmem:s15+$0xFFFFFFE0];
	(pc) =	sbr.rel @!p1 .LBB2_160-.Ltmp83, $4  }
0x46e: {  	v25 =	vmul.f32 v25, v5;
	v32 =	vadd.f32 v11, v28  }
0x46f: {  	v29 =	vmul.f32 v9, v6;
	v11 =	vld [tilespmem:s15+$0xFFFFFFF0]  }
0x470: {  	v9 =	vld [tilespmem:s15+$0x10];
	v28 =	vmul.f32 v27, v7;
	v31 =	vmul.f32 v30, v8;
	v32 =	vadd.f32 v25, v32  }
0x471: {  	p0 =	por $0x1, $0x1;
	s17 =	sadd.s32 $0x80, s15;
	v30 =	vmul.f32 v33, v2;
	v27 =	vmov v12;
	v25 =	vld [tilespmem:s15+$0x0]  }
.LBB2_161:
0x472: {  	v33 =	vld [tilespmem:s17+$0xFFFFFFC0];
	v28 =	vadd.f32 v31, v28;
	v10 =	vmul.f32 v10, v1;
	v29 =	vadd.f32 v29, v32  }
0x473: {  	s16 =	sadd.s32 $0x80, s16;
	v31 =	vld [tilespmem:s17+$0xFFFFFFD0];
	v32 =	vmul.f32 v26, v3  }
0x474: {  	p1 =	slt.u32 s16, s14;
	v26 =	vadd.f32 v10, v28;
	v11 =	vmul.f32 v11, v4;
	v34 =	vld [tilespmem:s15+$0x20];
	v28 =	vadd.f32 v30, v29  }
.Ltmp84:
0x475: {  	v10 =	vld [tilespmem:s17+$0xFFFFFFE0];
	(pc) =	sbr.rel @p1 .LBB2_161-.Ltmp84, $4  }
0x476: {  	v30 =	vadd.f32 v11, v26;
	v25 =	vmul.f32 v25, v5;
	v26 =	vld [tilespmem:s15+$0x30];
	v35 =	vadd.f32 v32, v28;
	s15 =	smov.u32 s17  }
0x477: {  	v29 =	vmul.f32 v9, v6;
	v28 =	vmul.f32 v33, v7;
	v11 =	vld [tilespmem:s17+$0xFFFFFFF0]  }
0x478: {  	v31 =	vmul.f32 v31, v8;
	v9 =	vld [tilespmem:s17+$0x10];
	v32 =	vadd.f32 v25, v30;
	v27 =	vadd.f32 v35, v27  }
0x479: {  	s17 =	sadd.s32 $0x80, s17;
	v25 =	vld [tilespmem:s15+$0x0];
	v30 =	vmul.f32 v34, v2  }
0x47a: {  	s16 =	smov.u32 s15  }
.LBB2_163:
0x47b: {  	v28 =	vadd.f32 v31, v28;
	v10 =	vmul.f32 v10, v1;
	_ =	sdelay $0x1  }
0x47c: {  	v11 =	vmul.f32 v11, v4;
	v10 =	vadd.f32 v10, v28  }
0x47d: {  	v62 =	vld [tilespmem:s16+$0x20]  }
0x47e: {  	v10 =	vadd.f32 v11, v10;
	v11 =	vmul.f32 v25, v5  }
0x47f: {  	v63 =	vld [tilespmem:s16+$0x30];
	v25 =	vadd.f32 @p0 v29, v32  }
0x480: {  	v9 =	vmul.f32 v9, v6;
	v10 =	vadd.f32 v11, v10  }
0x481: {  	v11 =	vmul.f32 @p0 v26, v3;
	v25 =	vadd.f32 @p0 v30, v25  }
0x482: {  	v26 =	vmul.f32 v62, v2;
	v9 =	vadd.f32 v9, v10  }
0x483: {  	v10 =	vadd.f32 @p0 v11, v25  }
0x484: {  	v11 =	vmul.f32 v63, v3;
	v9 =	vadd.f32 v26, v9  }
0x485: {  	v10 =	vadd.f32 @p0 v10, v27  }
0x486: {  	v9 =	vadd.f32 v11, v9  }
0x487: {  	v10 =	vpsel p0, v10, v12  }
0x488: {  	v12 =	vadd.f32 v9, v10  }
.LBB2_164:
0x489: {  	s13 =	ssub.s32 s13, s7  }
0x48a: {  	p0 =	sgt.s32 s13, $0x0  }
0x48b: {  	s13 =	simm.s32 @!p0 $0x0  }
0x48c: {  	s13 =	smin.u32 s13, $0x60  }
0x48d: {  	s13 =	sshll.u32 s13, $0x7  }
0x48e: {  	p0 =	sge.u32 s14, s13  }
.Ltmp85:
0x48f: {  	_ = 	snop;
	(pc) =	sbr.rel @p0 .LBB2_172-.Ltmp85, $2  }
0x490: {  	_ =	sdelay $0x2  }
0x491: {  	[tilespmem:$0x6130] =	vst v12  }
0x492: {  	s15 =	sadd.s32 $0x3040, s14  }
0x493: {  	s16 =	sadd.s32 $0x80, s14;
	v12 =	vld [tilespmem:s15+$0xFFFFFFC0]  }
0x494: {  	v25 =	vld [tilespmem:s15+$0xFFFFFFD0];
	p1 =	slt.u32 s16, s13  }
.Ltmp86:
0x495: {  	_ = 	snop;
	(pc) =	sbr.rel @!p1 .LBB2_166-.Ltmp86, $4  }
0x496: {  	v10 =	vld [tilespmem:s15+$0xFFFFFFE0]  }
0x497: {  	v11 =	vld [tilespmem:s15+$0xFFFFFFF0]  }
0x498: {  	v9 =	vld [tilespmem:s15+$0x10]  }
0x499: {  	p0 =	por $0x0, $0x0;
	s14 =	sadd.s32 $0x80, s15;
	v27 =	vmul.f32 v12, v7;
	v30 =	vmul.f32 v25, v8;
	v12 =	vld [tilespmem:s15+$0x0]  }
0x49a: {  	v26 =	vld [tilespmem:s14+$0xFFFFFFC0]  }
0x49b: {  	v29 =	vld [tilespmem:s14+$0xFFFFFFD0];
	v25 =	vadd.f32 v30, v27;
	v10 =	vmul.f32 v10, v1  }
0x49c: {  	v32 =	vld [tilespmem:s15+$0x20]  }
0x49d: {  	v27 =	vadd.f32 v10, v25;
	v25 =	vld [tilespmem:s15+$0x30];
	s15 =	sadd.s32 $0x80, s16  }
0x49e: {  	v11 =	vmul.f32 v11, v4;
	p1 =	slt.u32 s15, s13  }
.Ltmp87:
0x49f: {  	v10 =	vld [tilespmem:s14+$0xFFFFFFE0];
	(pc) =	sbr.rel @!p1 .LBB2_168-.Ltmp87, $4  }
0x4a0: {  	v12 =	vmul.f32 v12, v5;
	v31 =	vadd.f32 v11, v27  }
0x4a1: {  	v28 =	vmul.f32 v9, v6;
	v11 =	vld [tilespmem:s14+$0xFFFFFFF0]  }
0x4a2: {  	v9 =	vld [tilespmem:s14+$0x10];
	v27 =	vmul.f32 v26, v7;
	v30 =	vmul.f32 v29, v8;
	v31 =	vadd.f32 v12, v31  }
0x4a3: {  	p0 =	por $0x1, $0x1;
	s16 =	sadd.s32 $0x80, s14;
	v29 =	vmul.f32 v32, v2;
	v26 =	vmov v13;
	v12 =	vld [tilespmem:s14+$0x0]  }
.LBB2_169:
0x4a4: {  	v32 =	vld [tilespmem:s16+$0xFFFFFFC0];
	v27 =	vadd.f32 v30, v27;
	v10 =	vmul.f32 v10, v1;
	v28 =	vadd.f32 v28, v31  }
0x4a5: {  	s15 =	sadd.s32 $0x80, s15;
	v30 =	vld [tilespmem:s16+$0xFFFFFFD0];
	v31 =	vmul.f32 v25, v3  }
0x4a6: {  	p1 =	slt.u32 s15, s13;
	v25 =	vadd.f32 v10, v27;
	v11 =	vmul.f32 v11, v4;
	v33 =	vld [tilespmem:s14+$0x20];
	v27 =	vadd.f32 v29, v28  }
.Ltmp88:
0x4a7: {  	v10 =	vld [tilespmem:s16+$0xFFFFFFE0];
	(pc) =	sbr.rel @p1 .LBB2_169-.Ltmp88, $4  }
0x4a8: {  	v29 =	vadd.f32 v11, v25;
	v12 =	vmul.f32 v12, v5;
	v25 =	vld [tilespmem:s14+$0x30];
	v34 =	vadd.f32 v31, v27;
	s14 =	smov.u32 s16  }
0x4a9: {  	v28 =	vmul.f32 v9, v6;
	v27 =	vmul.f32 v32, v7;
	v11 =	vld [tilespmem:s16+$0xFFFFFFF0]  }
0x4aa: {  	v30 =	vmul.f32 v30, v8;
	v9 =	vld [tilespmem:s16+$0x10];
	v31 =	vadd.f32 v12, v29;
	v26 =	vadd.f32 v34, v26  }
0x4ab: {  	s16 =	sadd.s32 $0x80, s16;
	v12 =	vld [tilespmem:s14+$0x0];
	v29 =	vmul.f32 v33, v2  }
0x4ac: {  	s15 =	smov.u32 s14  }
.LBB2_171:
0x4ad: {  	v27 =	vadd.f32 v30, v27;
	v10 =	vmul.f32 v10, v1;
	_ =	sdelay $0x1  }
0x4ae: {  	v11 =	vmul.f32 v11, v4;
	v10 =	vadd.f32 v10, v27  }
0x4af: {  	v27 =	vld [tilespmem:s15+$0x20]  }
0x4b0: {  	v10 =	vadd.f32 v11, v10;
	v11 =	vmul.f32 v12, v5  }
0x4b1: {  	v63 =	vld [tilespmem:s15+$0x30];
	v12 =	vadd.f32 @p0 v28, v31  }
0x4b2: {  	v9 =	vmul.f32 v9, v6;
	v10 =	vadd.f32 v11, v10  }
0x4b3: {  	v11 =	vmul.f32 @p0 v25, v3;
	v12 =	vadd.f32 @p0 v29, v12  }
0x4b4: {  	v25 =	vmul.f32 v27, v2;
	v9 =	vadd.f32 v9, v10  }
0x4b5: {  	v10 =	vadd.f32 @p0 v11, v12  }
0x4b6: {  	v11 =	vmul.f32 v63, v3;
	v9 =	vadd.f32 v25, v9  }
0x4b7: {  	v10 =	vadd.f32 @p0 v10, v26  }
0x4b8: {  	v9 =	vadd.f32 v11, v9  }
0x4b9: {  	v10 =	vpsel p0, v10, v13  }
0x4ba: {  	v13 =	vadd.f32 v9, v10  }
.LBB2_172:
0x4bb: {  	s12 =	ssub.s32 s12, s7  }
0x4bc: {  	p0 =	sgt.s32 s12, $0x0  }
0x4bd: {  	s12 =	simm.s32 @!p0 $0x0  }
0x4be: {  	s12 =	smin.u32 s12, $0x60  }
0x4bf: {  	s12 =	sshll.u32 s12, $0x7  }
0x4c0: {  	p0 =	sge.u32 s13, s12  }
.Ltmp89:
0x4c1: {  	_ = 	snop;
	(pc) =	sbr.rel @p0 .LBB2_180-.Ltmp89, $2  }
0x4c2: {  	_ =	sdelay $0x2  }
0x4c3: {  	[tilespmem:$0x6140] =	vst v13  }
0x4c4: {  	s14 =	sadd.s32 $0x3040, s13  }
0x4c5: {  	s15 =	sadd.s32 $0x80, s13;
	v12 =	vld [tilespmem:s14+$0xFFFFFFC0]  }
0x4c6: {  	v13 =	vld [tilespmem:s14+$0xFFFFFFD0];
	p1 =	slt.u32 s15, s12  }
.Ltmp90:
0x4c7: {  	_ = 	snop;
	(pc) =	sbr.rel @!p1 .LBB2_174-.Ltmp90, $4  }
0x4c8: {  	v10 =	vld [tilespmem:s14+$0xFFFFFFE0]  }
0x4c9: {  	v11 =	vld [tilespmem:s14+$0xFFFFFFF0]  }
0x4ca: {  	v9 =	vld [tilespmem:s14+$0x10]  }
0x4cb: {  	p0 =	por $0x0, $0x0;
	s13 =	sadd.s32 $0x80, s14;
	v26 =	vmul.f32 v12, v7;
	v29 =	vmul.f32 v13, v8;
	v12 =	vld [tilespmem:s14+$0x0]  }
0x4cc: {  	v25 =	vld [tilespmem:s13+$0xFFFFFFC0]  }
0x4cd: {  	v28 =	vld [tilespmem:s13+$0xFFFFFFD0];
	v13 =	vadd.f32 v29, v26;
	v10 =	vmul.f32 v10, v1  }
0x4ce: {  	v31 =	vld [tilespmem:s14+$0x20]  }
0x4cf: {  	v26 =	vadd.f32 v10, v13;
	v13 =	vld [tilespmem:s14+$0x30];
	s14 =	sadd.s32 $0x80, s15  }
0x4d0: {  	v11 =	vmul.f32 v11, v4;
	p1 =	slt.u32 s14, s12  }
.Ltmp91:
0x4d1: {  	v10 =	vld [tilespmem:s13+$0xFFFFFFE0];
	(pc) =	sbr.rel @!p1 .LBB2_176-.Ltmp91, $4  }
0x4d2: {  	v12 =	vmul.f32 v12, v5;
	v30 =	vadd.f32 v11, v26  }
0x4d3: {  	v27 =	vmul.f32 v9, v6;
	v11 =	vld [tilespmem:s13+$0xFFFFFFF0]  }
0x4d4: {  	v9 =	vld [tilespmem:s13+$0x10];
	v26 =	vmul.f32 v25, v7;
	v29 =	vmul.f32 v28, v8;
	v30 =	vadd.f32 v12, v30  }
0x4d5: {  	p0 =	por $0x1, $0x1;
	s15 =	sadd.s32 $0x80, s13;
	v28 =	vmul.f32 v31, v2;
	v25 =	vmov v14;
	v12 =	vld [tilespmem:s13+$0x0]  }
.LBB2_177:
0x4d6: {  	v31 =	vld [tilespmem:s15+$0xFFFFFFC0];
	v26 =	vadd.f32 v29, v26;
	v10 =	vmul.f32 v10, v1;
	v27 =	vadd.f32 v27, v30  }
0x4d7: {  	s14 =	sadd.s32 $0x80, s14;
	v29 =	vld [tilespmem:s15+$0xFFFFFFD0];
	v30 =	vmul.f32 v13, v3  }
0x4d8: {  	p1 =	slt.u32 s14, s12;
	v13 =	vadd.f32 v10, v26;
	v11 =	vmul.f32 v11, v4;
	v32 =	vld [tilespmem:s13+$0x20];
	v26 =	vadd.f32 v28, v27  }
.Ltmp92:
0x4d9: {  	v10 =	vld [tilespmem:s15+$0xFFFFFFE0];
	(pc) =	sbr.rel @p1 .LBB2_177-.Ltmp92, $4  }
0x4da: {  	v28 =	vadd.f32 v11, v13;
	v12 =	vmul.f32 v12, v5;
	v13 =	vld [tilespmem:s13+$0x30];
	v33 =	vadd.f32 v30, v26;
	s13 =	smov.u32 s15  }
0x4db: {  	v27 =	vmul.f32 v9, v6;
	v26 =	vmul.f32 v31, v7;
	v11 =	vld [tilespmem:s15+$0xFFFFFFF0]  }
0x4dc: {  	v29 =	vmul.f32 v29, v8;
	v9 =	vld [tilespmem:s15+$0x10];
	v30 =	vadd.f32 v12, v28;
	v25 =	vadd.f32 v33, v25  }
0x4dd: {  	s15 =	sadd.s32 $0x80, s15;
	v12 =	vld [tilespmem:s13+$0x0];
	v28 =	vmul.f32 v32, v2  }
0x4de: {  	s14 =	smov.u32 s13  }
.LBB2_179:
0x4df: {  	v26 =	vadd.f32 v29, v26;
	v10 =	vmul.f32 v10, v1;
	_ =	sdelay $0x1  }
0x4e0: {  	v11 =	vmul.f32 v11, v4;
	v10 =	vadd.f32 v10, v26  }
0x4e1: {  	v26 =	vld [tilespmem:s14+$0x20]  }
0x4e2: {  	v10 =	vadd.f32 v11, v10;
	v11 =	vmul.f32 v12, v5  }
0x4e3: {  	v12 =	vadd.f32 @p0 v27, v30;
	v27 =	vld [tilespmem:s14+$0x30]  }
0x4e4: {  	v9 =	vmul.f32 v9, v6;
	v10 =	vadd.f32 v11, v10  }
0x4e5: {  	v11 =	vmul.f32 @p0 v13, v3;
	v12 =	vadd.f32 @p0 v28, v12  }
0x4e6: {  	v13 =	vmul.f32 v26, v2;
	v9 =	vadd.f32 v9, v10  }
0x4e7: {  	v10 =	vadd.f32 @p0 v11, v12  }
0x4e8: {  	v11 =	vmul.f32 v27, v3;
	v9 =	vadd.f32 v13, v9  }
0x4e9: {  	v10 =	vadd.f32 @p0 v10, v25  }
0x4ea: {  	v9 =	vadd.f32 v11, v9  }
0x4eb: {  	v10 =	vpsel p0, v10, v14  }
0x4ec: {  	v14 =	vadd.f32 v9, v10  }
.LBB2_180:
0x4ed: {  	s11 =	ssub.s32 s11, s7  }
0x4ee: {  	p0 =	sgt.s32 s11, $0x0  }
0x4ef: {  	s11 =	simm.s32 @!p0 $0x0  }
0x4f0: {  	s11 =	smin.u32 s11, $0x60  }
0x4f1: {  	s11 =	sshll.u32 s11, $0x7  }
0x4f2: {  	p0 =	sge.u32 s12, s11  }
.Ltmp93:
0x4f3: {  	_ = 	snop;
	(pc) =	sbr.rel @p0 .LBB2_188-.Ltmp93, $2  }
0x4f4: {  	_ =	sdelay $0x2  }
0x4f5: {  	[tilespmem:$0x6150] =	vst v14  }
0x4f6: {  	s13 =	sadd.s32 $0x3040, s12  }
0x4f7: {  	s14 =	sadd.s32 $0x80, s12;
	v12 =	vld [tilespmem:s13+$0xFFFFFFC0]  }
0x4f8: {  	v13 =	vld [tilespmem:s13+$0xFFFFFFD0];
	p1 =	slt.u32 s14, s11  }
.Ltmp94:
0x4f9: {  	_ = 	snop;
	(pc) =	sbr.rel @!p1 .LBB2_182-.Ltmp94, $4  }
0x4fa: {  	v10 =	vld [tilespmem:s13+$0xFFFFFFE0]  }
0x4fb: {  	v11 =	vld [tilespmem:s13+$0xFFFFFFF0]  }
0x4fc: {  	v9 =	vld [tilespmem:s13+$0x10]  }
0x4fd: {  	p0 =	por $0x0, $0x0;
	s12 =	sadd.s32 $0x80, s13;
	v25 =	vmul.f32 v12, v7;
	v28 =	vmul.f32 v13, v8;
	v12 =	vld [tilespmem:s13+$0x0]  }
0x4fe: {  	v14 =	vld [tilespmem:s12+$0xFFFFFFC0]  }
0x4ff: {  	v27 =	vld [tilespmem:s12+$0xFFFFFFD0];
	v13 =	vadd.f32 v28, v25;
	v10 =	vmul.f32 v10, v1  }
0x500: {  	v30 =	vld [tilespmem:s13+$0x20]  }
0x501: {  	v25 =	vadd.f32 v10, v13;
	v13 =	vld [tilespmem:s13+$0x30];
	s13 =	sadd.s32 $0x80, s14  }
0x502: {  	v11 =	vmul.f32 v11, v4;
	p1 =	slt.u32 s13, s11  }
.Ltmp95:
0x503: {  	v10 =	vld [tilespmem:s12+$0xFFFFFFE0];
	(pc) =	sbr.rel @!p1 .LBB2_184-.Ltmp95, $4  }
0x504: {  	v12 =	vmul.f32 v12, v5;
	v29 =	vadd.f32 v11, v25  }
0x505: {  	v26 =	vmul.f32 v9, v6;
	v11 =	vld [tilespmem:s12+$0xFFFFFFF0]  }
0x506: {  	v9 =	vld [tilespmem:s12+$0x10];
	v25 =	vmul.f32 v14, v7;
	v28 =	vmul.f32 v27, v8;
	v29 =	vadd.f32 v12, v29  }
0x507: {  	p0 =	por $0x1, $0x1;
	s14 =	sadd.s32 $0x80, s12;
	v27 =	vmul.f32 v30, v2;
	v14 =	vmov v15;
	v12 =	vld [tilespmem:s12+$0x0]  }
.LBB2_185:
0x508: {  	v30 =	vld [tilespmem:s14+$0xFFFFFFC0];
	v25 =	vadd.f32 v28, v25;
	v10 =	vmul.f32 v10, v1;
	v26 =	vadd.f32 v26, v29  }
0x509: {  	s13 =	sadd.s32 $0x80, s13;
	v28 =	vld [tilespmem:s14+$0xFFFFFFD0];
	v29 =	vmul.f32 v13, v3  }
0x50a: {  	p1 =	slt.u32 s13, s11;
	v13 =	vadd.f32 v10, v25;
	v11 =	vmul.f32 v11, v4;
	v31 =	vld [tilespmem:s12+$0x20];
	v25 =	vadd.f32 v27, v26  }
.Ltmp96:
0x50b: {  	v10 =	vld [tilespmem:s14+$0xFFFFFFE0];
	(pc) =	sbr.rel @p1 .LBB2_185-.Ltmp96, $4  }
0x50c: {  	v27 =	vadd.f32 v11, v13;
	v12 =	vmul.f32 v12, v5;
	v13 =	vld [tilespmem:s12+$0x30];
	v32 =	vadd.f32 v29, v25;
	s12 =	smov.u32 s14  }
0x50d: {  	v26 =	vmul.f32 v9, v6;
	v25 =	vmul.f32 v30, v7;
	v11 =	vld [tilespmem:s14+$0xFFFFFFF0]  }
0x50e: {  	v28 =	vmul.f32 v28, v8;
	v9 =	vld [tilespmem:s14+$0x10];
	v29 =	vadd.f32 v12, v27;
	v14 =	vadd.f32 v32, v14  }
0x50f: {  	s14 =	sadd.s32 $0x80, s14;
	v12 =	vld [tilespmem:s12+$0x0];
	v27 =	vmul.f32 v31, v2  }
0x510: {  	s13 =	smov.u32 s12  }
.LBB2_187:
0x511: {  	v25 =	vadd.f32 v28, v25;
	v10 =	vmul.f32 v10, v1;
	_ =	sdelay $0x1  }
0x512: {  	v11 =	vmul.f32 v11, v4;
	v10 =	vadd.f32 v10, v25  }
0x513: {  	v25 =	vld [tilespmem:s13+$0x20]  }
0x514: {  	v10 =	vadd.f32 v11, v10;
	v11 =	vmul.f32 v12, v5  }
0x515: {  	v12 =	vadd.f32 @p0 v26, v29;
	v26 =	vld [tilespmem:s13+$0x30]  }
0x516: {  	v9 =	vmul.f32 v9, v6;
	v10 =	vadd.f32 v11, v10  }
0x517: {  	v11 =	vmul.f32 @p0 v13, v3;
	v12 =	vadd.f32 @p0 v27, v12  }
0x518: {  	v13 =	vmul.f32 v25, v2;
	v9 =	vadd.f32 v9, v10  }
0x519: {  	v10 =	vadd.f32 @p0 v11, v12  }
0x51a: {  	v11 =	vmul.f32 v26, v3;
	v9 =	vadd.f32 v13, v9  }
0x51b: {  	v10 =	vadd.f32 @p0 v10, v14  }
0x51c: {  	v9 =	vadd.f32 v11, v9  }
0x51d: {  	v10 =	vpsel p0, v10, v15  }
0x51e: {  	v15 =	vadd.f32 v9, v10  }
.LBB2_188:
0x51f: {  	s10 =	ssub.s32 s10, s7  }
0x520: {  	p0 =	sgt.s32 s10, $0x0  }
0x521: {  	s10 =	simm.s32 @!p0 $0x0  }
0x522: {  	s10 =	smin.u32 s10, $0x60  }
0x523: {  	s10 =	sshll.u32 s10, $0x7  }
0x524: {  	p0 =	sge.u32 s11, s10  }
.Ltmp97:
0x525: {  	_ = 	snop;
	(pc) =	sbr.rel @p0 .LBB2_196-.Ltmp97, $2  }
0x526: {  	_ =	sdelay $0x2  }
0x527: {  	[tilespmem:$0x6160] =	vst v15  }
0x528: {  	s12 =	sadd.s32 $0x3040, s11  }
0x529: {  	s13 =	sadd.s32 $0x80, s11;
	v12 =	vld [tilespmem:s12+$0xFFFFFFC0]  }
0x52a: {  	v13 =	vld [tilespmem:s12+$0xFFFFFFD0];
	p1 =	slt.u32 s13, s10  }
.Ltmp98:
0x52b: {  	_ = 	snop;
	(pc) =	sbr.rel @!p1 .LBB2_190-.Ltmp98, $4  }
0x52c: {  	v10 =	vld [tilespmem:s12+$0xFFFFFFE0]  }
0x52d: {  	v11 =	vld [tilespmem:s12+$0xFFFFFFF0]  }
0x52e: {  	v9 =	vld [tilespmem:s12+$0x10]  }
0x52f: {  	p0 =	por $0x0, $0x0;
	s11 =	sadd.s32 $0x80, s12;
	v15 =	vmul.f32 v12, v7;
	v27 =	vmul.f32 v13, v8;
	v12 =	vld [tilespmem:s12+$0x0]  }
0x530: {  	v14 =	vld [tilespmem:s11+$0xFFFFFFC0]  }
0x531: {  	v26 =	vld [tilespmem:s11+$0xFFFFFFD0];
	v13 =	vadd.f32 v27, v15;
	v10 =	vmul.f32 v10, v1  }
0x532: {  	v29 =	vld [tilespmem:s12+$0x20]  }
0x533: {  	v15 =	vadd.f32 v10, v13;
	v13 =	vld [tilespmem:s12+$0x30];
	s12 =	sadd.s32 $0x80, s13  }
0x534: {  	v11 =	vmul.f32 v11, v4;
	p1 =	slt.u32 s12, s10  }
.Ltmp99:
0x535: {  	v10 =	vld [tilespmem:s11+$0xFFFFFFE0];
	(pc) =	sbr.rel @!p1 .LBB2_192-.Ltmp99, $4  }
0x536: {  	v12 =	vmul.f32 v12, v5;
	v28 =	vadd.f32 v11, v15  }
0x537: {  	v25 =	vmul.f32 v9, v6;
	v11 =	vld [tilespmem:s11+$0xFFFFFFF0]  }
0x538: {  	v9 =	vld [tilespmem:s11+$0x10];
	v15 =	vmul.f32 v14, v7;
	v27 =	vmul.f32 v26, v8;
	v28 =	vadd.f32 v12, v28  }
0x539: {  	p0 =	por $0x1, $0x1;
	s13 =	sadd.s32 $0x80, s11;
	v26 =	vmul.f32 v29, v2;
	v14 =	vmov v16;
	v12 =	vld [tilespmem:s11+$0x0]  }
.LBB2_193:
0x53a: {  	v29 =	vld [tilespmem:s13+$0xFFFFFFC0];
	v15 =	vadd.f32 v27, v15;
	v10 =	vmul.f32 v10, v1;
	v25 =	vadd.f32 v25, v28  }
0x53b: {  	s12 =	sadd.s32 $0x80, s12;
	v27 =	vld [tilespmem:s13+$0xFFFFFFD0];
	v28 =	vmul.f32 v13, v3  }
0x53c: {  	p1 =	slt.u32 s12, s10;
	v13 =	vadd.f32 v10, v15;
	v11 =	vmul.f32 v11, v4;
	v30 =	vld [tilespmem:s11+$0x20];
	v15 =	vadd.f32 v26, v25  }
.Ltmp100:
0x53d: {  	v10 =	vld [tilespmem:s13+$0xFFFFFFE0];
	(pc) =	sbr.rel @p1 .LBB2_193-.Ltmp100, $4  }
0x53e: {  	v26 =	vadd.f32 v11, v13;
	v12 =	vmul.f32 v12, v5;
	v13 =	vld [tilespmem:s11+$0x30];
	v31 =	vadd.f32 v28, v15;
	s11 =	smov.u32 s13  }
0x53f: {  	v25 =	vmul.f32 v9, v6;
	v15 =	vmul.f32 v29, v7;
	v11 =	vld [tilespmem:s13+$0xFFFFFFF0]  }
0x540: {  	v27 =	vmul.f32 v27, v8;
	v9 =	vld [tilespmem:s13+$0x10];
	v28 =	vadd.f32 v12, v26;
	v14 =	vadd.f32 v31, v14  }
0x541: {  	s13 =	sadd.s32 $0x80, s13;
	v12 =	vld [tilespmem:s11+$0x0];
	v26 =	vmul.f32 v30, v2  }
0x542: {  	s12 =	smov.u32 s11  }
.LBB2_195:
0x543: {  	v15 =	vadd.f32 v27, v15;
	v10 =	vmul.f32 v10, v1;
	_ =	sdelay $0x1  }
0x544: {  	v11 =	vmul.f32 v11, v4;
	v10 =	vadd.f32 v10, v15  }
0x545: {  	v15 =	vld [tilespmem:s12+$0x20]  }
0x546: {  	v10 =	vadd.f32 v11, v10;
	v11 =	vmul.f32 v12, v5  }
0x547: {  	v12 =	vadd.f32 @p0 v25, v28;
	v25 =	vld [tilespmem:s12+$0x30]  }
0x548: {  	v9 =	vmul.f32 v9, v6;
	v10 =	vadd.f32 v11, v10  }
0x549: {  	v11 =	vmul.f32 @p0 v13, v3;
	v12 =	vadd.f32 @p0 v26, v12  }
0x54a: {  	v63 =	vmul.f32 v15, v2;
	v9 =	vadd.f32 v9, v10  }
0x54b: {  	v10 =	vadd.f32 @p0 v11, v12  }
0x54c: {  	v11 =	vmul.f32 v25, v3;
	v9 =	vadd.f32 v63, v9  }
0x54d: {  	v10 =	vadd.f32 @p0 v10, v14  }
0x54e: {  	v9 =	vadd.f32 v11, v9  }
0x54f: {  	v10 =	vpsel p0, v10, v16  }
0x550: {  	v16 =	vadd.f32 v9, v10  }
.LBB2_196:
0x551: {  	s8 =	ssub.s32 s8, s7  }
0x552: {  	p0 =	sgt.s32 s8, $0x0  }
0x553: {  	s8 =	simm.s32 @!p0 $0x0  }
0x554: {  	s8 =	smin.u32 s8, $0x60  }
0x555: {  	s8 =	sshll.u32 s8, $0x7  }
0x556: {  	p0 =	sge.u32 s10, s8  }
.Ltmp101:
0x557: {  	_ = 	snop;
	(pc) =	sbr.rel @p0 .LBB2_204-.Ltmp101, $2  }
0x558: {  	_ =	sdelay $0x2  }
0x559: {  	[tilespmem:$0x6170] =	vst v16  }
0x55a: {  	s11 =	sadd.s32 $0x3040, s10  }
0x55b: {  	s12 =	sadd.s32 $0x80, s10;
	v12 =	vld [tilespmem:s11+$0xFFFFFFC0]  }
0x55c: {  	v13 =	vld [tilespmem:s11+$0xFFFFFFD0];
	p1 =	slt.u32 s12, s8  }
.Ltmp102:
0x55d: {  	_ = 	snop;
	(pc) =	sbr.rel @!p1 .LBB2_198-.Ltmp102, $4  }
0x55e: {  	v10 =	vld [tilespmem:s11+$0xFFFFFFE0]  }
0x55f: {  	v11 =	vld [tilespmem:s11+$0xFFFFFFF0]  }
0x560: {  	v9 =	vld [tilespmem:s11+$0x10]  }
0x561: {  	p0 =	por $0x0, $0x0;
	s10 =	sadd.s32 $0x80, s11;
	v15 =	vmul.f32 v12, v7;
	v26 =	vmul.f32 v13, v8;
	v12 =	vld [tilespmem:s11+$0x0]  }
0x562: {  	v14 =	vld [tilespmem:s10+$0xFFFFFFC0]  }
0x563: {  	v25 =	vld [tilespmem:s10+$0xFFFFFFD0];
	v13 =	vadd.f32 v26, v15;
	v10 =	vmul.f32 v10, v1  }
0x564: {  	v28 =	vld [tilespmem:s11+$0x20]  }
0x565: {  	v15 =	vadd.f32 v10, v13;
	v13 =	vld [tilespmem:s11+$0x30];
	s11 =	sadd.s32 $0x80, s12  }
0x566: {  	v11 =	vmul.f32 v11, v4;
	p1 =	slt.u32 s11, s8  }
.Ltmp103:
0x567: {  	v10 =	vld [tilespmem:s10+$0xFFFFFFE0];
	(pc) =	sbr.rel @!p1 .LBB2_200-.Ltmp103, $4  }
0x568: {  	v12 =	vmul.f32 v12, v5;
	v27 =	vadd.f32 v11, v15  }
0x569: {  	v16 =	vmul.f32 v9, v6;
	v11 =	vld [tilespmem:s10+$0xFFFFFFF0]  }
0x56a: {  	v9 =	vld [tilespmem:s10+$0x10];
	v15 =	vmul.f32 v14, v7;
	v26 =	vmul.f32 v25, v8;
	v27 =	vadd.f32 v12, v27  }
0x56b: {  	p0 =	por $0x1, $0x1;
	s12 =	sadd.s32 $0x80, s10;
	v25 =	vmul.f32 v28, v2;
	v14 =	vmov v17;
	v12 =	vld [tilespmem:s10+$0x0]  }
.LBB2_201:
0x56c: {  	v28 =	vld [tilespmem:s12+$0xFFFFFFC0];
	v15 =	vadd.f32 v26, v15;
	v10 =	vmul.f32 v10, v1;
	v16 =	vadd.f32 v16, v27  }
0x56d: {  	s11 =	sadd.s32 $0x80, s11;
	v26 =	vld [tilespmem:s12+$0xFFFFFFD0];
	v27 =	vmul.f32 v13, v3  }
0x56e: {  	p1 =	slt.u32 s11, s8;
	v13 =	vadd.f32 v10, v15;
	v11 =	vmul.f32 v11, v4;
	v29 =	vld [tilespmem:s10+$0x20];
	v15 =	vadd.f32 v25, v16  }
.Ltmp104:
0x56f: {  	v10 =	vld [tilespmem:s12+$0xFFFFFFE0];
	(pc) =	sbr.rel @p1 .LBB2_201-.Ltmp104, $4  }
0x570: {  	v25 =	vadd.f32 v11, v13;
	v12 =	vmul.f32 v12, v5;
	v13 =	vld [tilespmem:s10+$0x30];
	v30 =	vadd.f32 v27, v15;
	s10 =	smov.u32 s12  }
0x571: {  	v16 =	vmul.f32 v9, v6;
	v15 =	vmul.f32 v28, v7;
	v11 =	vld [tilespmem:s12+$0xFFFFFFF0]  }
0x572: {  	v26 =	vmul.f32 v26, v8;
	v9 =	vld [tilespmem:s12+$0x10];
	v27 =	vadd.f32 v12, v25;
	v14 =	vadd.f32 v30, v14  }
0x573: {  	s12 =	sadd.s32 $0x80, s12;
	v12 =	vld [tilespmem:s10+$0x0];
	v25 =	vmul.f32 v29, v2  }
0x574: {  	s11 =	smov.u32 s10  }
.LBB2_203:
0x575: {  	v15 =	vadd.f32 v26, v15;
	v10 =	vmul.f32 v10, v1;
	_ =	sdelay $0x1  }
0x576: {  	v11 =	vmul.f32 v11, v4;
	v10 =	vadd.f32 v10, v15  }
0x577: {  	v15 =	vld [tilespmem:s11+$0x20]  }
0x578: {  	v10 =	vadd.f32 v11, v10;
	v11 =	vmul.f32 v12, v5  }
0x579: {  	v12 =	vadd.f32 @p0 v16, v27;
	v16 =	vld [tilespmem:s11+$0x30]  }
0x57a: {  	v9 =	vmul.f32 v9, v6;
	v10 =	vadd.f32 v11, v10  }
0x57b: {  	v11 =	vmul.f32 @p0 v13, v3;
	v12 =	vadd.f32 @p0 v25, v12  }
0x57c: {  	v63 =	vmul.f32 v15, v2;
	v9 =	vadd.f32 v9, v10  }
0x57d: {  	v10 =	vadd.f32 @p0 v11, v12  }
0x57e: {  	v11 =	vmul.f32 v16, v3;
	v9 =	vadd.f32 v63, v9  }
0x57f: {  	v10 =	vadd.f32 @p0 v10, v14  }
0x580: {  	v9 =	vadd.f32 v11, v9  }
0x581: {  	v10 =	vpsel p0, v10, v17  }
0x582: {  	v17 =	vadd.f32 v9, v10  }
.LBB2_204:
0x583: {  	s6 =	ssub.s32 s6, s7  }
0x584: {  	p0 =	sgt.s32 s6, $0x0  }
0x585: {  	s6 =	simm.s32 @!p0 $0x0  }
0x586: {  	s6 =	smin.u32 s6, $0x60  }
0x587: {  	s6 =	sshll.u32 s6, $0x7  }
0x588: {  	p0 =	sge.u32 s8, s6  }
.Ltmp105:
0x589: {  	_ = 	snop;
	(pc) =	sbr.rel @p0 .LBB2_212-.Ltmp105, $2  }
0x58a: {  	_ =	sdelay $0x2  }
0x58b: {  	[tilespmem:$0x6180] =	vst v17  }
0x58c: {  	s10 =	sadd.s32 $0x3040, s8  }
0x58d: {  	s11 =	sadd.s32 $0x80, s8;
	v12 =	vld [tilespmem:s10+$0xFFFFFFC0]  }
0x58e: {  	v13 =	vld [tilespmem:s10+$0xFFFFFFD0];
	p1 =	slt.u32 s11, s6  }
.Ltmp106:
0x58f: {  	_ = 	snop;
	(pc) =	sbr.rel @!p1 .LBB2_206-.Ltmp106, $4  }
0x590: {  	v10 =	vld [tilespmem:s10+$0xFFFFFFE0]  }
0x591: {  	v11 =	vld [tilespmem:s10+$0xFFFFFFF0]  }
0x592: {  	v9 =	vld [tilespmem:s10+$0x10]  }
0x593: {  	p0 =	por $0x0, $0x0;
	s8 =	sadd.s32 $0x80, s10;
	v15 =	vmul.f32 v12, v7;
	v25 =	vmul.f32 v13, v8;
	v12 =	vld [tilespmem:s10+$0x0]  }
0x594: {  	v14 =	vld [tilespmem:s8+$0xFFFFFFC0]  }
0x595: {  	v17 =	vld [tilespmem:s8+$0xFFFFFFD0];
	v13 =	vadd.f32 v25, v15;
	v10 =	vmul.f32 v10, v1  }
0x596: {  	v27 =	vld [tilespmem:s10+$0x20]  }
0x597: {  	v15 =	vadd.f32 v10, v13;
	v13 =	vld [tilespmem:s10+$0x30];
	s10 =	sadd.s32 $0x80, s11  }
0x598: {  	v11 =	vmul.f32 v11, v4;
	p1 =	slt.u32 s10, s6  }
.Ltmp107:
0x599: {  	v10 =	vld [tilespmem:s8+$0xFFFFFFE0];
	(pc) =	sbr.rel @!p1 .LBB2_208-.Ltmp107, $4  }
0x59a: {  	v12 =	vmul.f32 v12, v5;
	v26 =	vadd.f32 v11, v15  }
0x59b: {  	v16 =	vmul.f32 v9, v6;
	v11 =	vld [tilespmem:s8+$0xFFFFFFF0]  }
0x59c: {  	v9 =	vld [tilespmem:s8+$0x10];
	v15 =	vmul.f32 v14, v7;
	v25 =	vmul.f32 v17, v8;
	v26 =	vadd.f32 v12, v26  }
0x59d: {  	p0 =	por $0x1, $0x1;
	s11 =	sadd.s32 $0x80, s8;
	v17 =	vmul.f32 v27, v2;
	v14 =	vmov v18;
	v12 =	vld [tilespmem:s8+$0x0]  }
.LBB2_209:
0x59e: {  	v27 =	vld [tilespmem:s11+$0xFFFFFFC0];
	v15 =	vadd.f32 v25, v15;
	v10 =	vmul.f32 v10, v1;
	v16 =	vadd.f32 v16, v26  }
0x59f: {  	s10 =	sadd.s32 $0x80, s10;
	v25 =	vld [tilespmem:s11+$0xFFFFFFD0];
	v26 =	vmul.f32 v13, v3  }
0x5a0: {  	p1 =	slt.u32 s10, s6;
	v13 =	vadd.f32 v10, v15;
	v11 =	vmul.f32 v11, v4;
	v28 =	vld [tilespmem:s8+$0x20];
	v15 =	vadd.f32 v17, v16  }
.Ltmp108:
0x5a1: {  	v10 =	vld [tilespmem:s11+$0xFFFFFFE0];
	(pc) =	sbr.rel @p1 .LBB2_209-.Ltmp108, $4  }
0x5a2: {  	v17 =	vadd.f32 v11, v13;
	v12 =	vmul.f32 v12, v5;
	v13 =	vld [tilespmem:s8+$0x30];
	v29 =	vadd.f32 v26, v15;
	s8 =	smov.u32 s11  }
0x5a3: {  	v16 =	vmul.f32 v9, v6;
	v15 =	vmul.f32 v27, v7;
	v11 =	vld [tilespmem:s11+$0xFFFFFFF0]  }
0x5a4: {  	v25 =	vmul.f32 v25, v8;
	v9 =	vld [tilespmem:s11+$0x10];
	v26 =	vadd.f32 v12, v17;
	v14 =	vadd.f32 v29, v14  }
0x5a5: {  	s11 =	sadd.s32 $0x80, s11;
	v12 =	vld [tilespmem:s8+$0x0];
	v17 =	vmul.f32 v28, v2  }
0x5a6: {  	s10 =	smov.u32 s8  }
.LBB2_211:
0x5a7: {  	v15 =	vadd.f32 v25, v15;
	v10 =	vmul.f32 v10, v1;
	_ =	sdelay $0x1  }
0x5a8: {  	v11 =	vmul.f32 v11, v4;
	v10 =	vadd.f32 v10, v15  }
0x5a9: {  	v62 =	vld [tilespmem:s10+$0x20]  }
0x5aa: {  	v10 =	vadd.f32 v11, v10;
	v11 =	vmul.f32 v12, v5  }
0x5ab: {  	v12 =	vadd.f32 @p0 v16, v26;
	v16 =	vld [tilespmem:s10+$0x30]  }
0x5ac: {  	v9 =	vmul.f32 v9, v6;
	v10 =	vadd.f32 v11, v10  }
0x5ad: {  	v11 =	vmul.f32 @p0 v13, v3;
	v12 =	vadd.f32 @p0 v17, v12  }
0x5ae: {  	v63 =	vmul.f32 v62, v2;
	v9 =	vadd.f32 v9, v10  }
0x5af: {  	v10 =	vadd.f32 @p0 v11, v12  }
0x5b0: {  	v11 =	vmul.f32 v16, v3;
	v9 =	vadd.f32 v63, v9  }
0x5b1: {  	v10 =	vadd.f32 @p0 v10, v14  }
0x5b2: {  	v9 =	vadd.f32 v11, v9  }
0x5b3: {  	v10 =	vpsel p0, v10, v18  }
0x5b4: {  	v18 =	vadd.f32 v9, v10  }
.LBB2_212:
0x5b5: {  	s0 =	rddreg [dreg:$0x14]  }
0x5b6: {  	s8 =	ssub.s32 s0, s7  }
0x5b7: {  	p0 =	sgt.s32 s8, $0x0  }
0x5b8: {  	s8 =	simm.s32 @!p0 $0x0  }
0x5b9: {  	s8 =	smin.u32 s8, $0x60  }
0x5ba: {  	s8 =	sshll.u32 s8, $0x7  }
0x5bb: {  	p0 =	sge.u32 s6, s8  }
.Ltmp109:
0x5bc: {  	_ = 	snop;
	(pc) =	sbr.rel @p0 .LBB2_220-.Ltmp109, $2  }
0x5bd: {  	_ =	sdelay $0x2  }
0x5be: {  	[tilespmem:$0x6190] =	vst v18  }
0x5bf: {  	s10 =	sadd.s32 $0x3040, s6  }
0x5c0: {  	s11 =	sadd.s32 $0x80, s6;
	v12 =	vld [tilespmem:s10+$0xFFFFFFC0]  }
0x5c1: {  	v13 =	vld [tilespmem:s10+$0xFFFFFFD0];
	p1 =	slt.u32 s11, s8  }
.Ltmp110:
0x5c2: {  	_ = 	snop;
	(pc) =	sbr.rel @!p1 .LBB2_214-.Ltmp110, $4  }
0x5c3: {  	v10 =	vld [tilespmem:s10+$0xFFFFFFE0]  }
0x5c4: {  	v11 =	vld [tilespmem:s10+$0xFFFFFFF0]  }
0x5c5: {  	v9 =	vld [tilespmem:s10+$0x10]  }
0x5c6: {  	p0 =	por $0x0, $0x0;
	s6 =	sadd.s32 $0x80, s10;
	v15 =	vmul.f32 v12, v7;
	v18 =	vmul.f32 v13, v8;
	v12 =	vld [tilespmem:s10+$0x0]  }
0x5c7: {  	v14 =	vld [tilespmem:s6+$0xFFFFFFC0]  }
0x5c8: {  	v17 =	vld [tilespmem:s6+$0xFFFFFFD0];
	v13 =	vadd.f32 v18, v15;
	v10 =	vmul.f32 v10, v1  }
0x5c9: {  	v26 =	vld [tilespmem:s10+$0x20]  }
0x5ca: {  	v15 =	vadd.f32 v10, v13;
	v13 =	vld [tilespmem:s10+$0x30];
	s10 =	sadd.s32 $0x80, s11  }
0x5cb: {  	v11 =	vmul.f32 v11, v4;
	p1 =	slt.u32 s10, s8  }
.Ltmp111:
0x5cc: {  	v10 =	vld [tilespmem:s6+$0xFFFFFFE0];
	(pc) =	sbr.rel @!p1 .LBB2_216-.Ltmp111, $4  }
0x5cd: {  	v12 =	vmul.f32 v12, v5;
	v25 =	vadd.f32 v11, v15  }
0x5ce: {  	v16 =	vmul.f32 v9, v6;
	v11 =	vld [tilespmem:s6+$0xFFFFFFF0]  }
0x5cf: {  	v9 =	vld [tilespmem:s6+$0x10];
	v15 =	vmul.f32 v14, v7;
	v18 =	vmul.f32 v17, v8;
	v25 =	vadd.f32 v12, v25  }
0x5d0: {  	p0 =	por $0x1, $0x1;
	s11 =	sadd.s32 $0x80, s6;
	v17 =	vmul.f32 v26, v2;
	v14 =	vmov v19;
	v12 =	vld [tilespmem:s6+$0x0]  }
.LBB2_217:
0x5d1: {  	v26 =	vld [tilespmem:s11+$0xFFFFFFC0];
	v15 =	vadd.f32 v18, v15;
	v10 =	vmul.f32 v10, v1;
	v16 =	vadd.f32 v16, v25  }
0x5d2: {  	s10 =	sadd.s32 $0x80, s10;
	v18 =	vld [tilespmem:s11+$0xFFFFFFD0];
	v25 =	vmul.f32 v13, v3  }
0x5d3: {  	p1 =	slt.u32 s10, s8;
	v13 =	vadd.f32 v10, v15;
	v11 =	vmul.f32 v11, v4;
	v27 =	vld [tilespmem:s6+$0x20];
	v15 =	vadd.f32 v17, v16  }
.Ltmp112:
0x5d4: {  	v10 =	vld [tilespmem:s11+$0xFFFFFFE0];
	(pc) =	sbr.rel @p1 .LBB2_217-.Ltmp112, $4  }
0x5d5: {  	v17 =	vadd.f32 v11, v13;
	v12 =	vmul.f32 v12, v5;
	v13 =	vld [tilespmem:s6+$0x30];
	v28 =	vadd.f32 v25, v15;
	s6 =	smov.u32 s11  }
0x5d6: {  	v16 =	vmul.f32 v9, v6;
	v15 =	vmul.f32 v26, v7;
	v11 =	vld [tilespmem:s11+$0xFFFFFFF0]  }
0x5d7: {  	v18 =	vmul.f32 v18, v8;
	v9 =	vld [tilespmem:s11+$0x10];
	v25 =	vadd.f32 v12, v17;
	v14 =	vadd.f32 v28, v14  }
0x5d8: {  	s11 =	sadd.s32 $0x80, s11;
	v12 =	vld [tilespmem:s6+$0x0];
	v17 =	vmul.f32 v27, v2  }
0x5d9: {  	s10 =	smov.u32 s6  }
.LBB2_219:
0x5da: {  	v15 =	vadd.f32 v18, v15;
	v10 =	vmul.f32 v10, v1;
	_ =	sdelay $0x1  }
0x5db: {  	v11 =	vmul.f32 v11, v4;
	v10 =	vadd.f32 v10, v15  }
0x5dc: {  	v62 =	vld [tilespmem:s10+$0x20]  }
0x5dd: {  	v10 =	vadd.f32 v11, v10;
	v11 =	vmul.f32 v12, v5  }
0x5de: {  	v12 =	vadd.f32 @p0 v16, v25;
	v16 =	vld [tilespmem:s10+$0x30]  }
0x5df: {  	v9 =	vmul.f32 v9, v6;
	v10 =	vadd.f32 v11, v10  }
0x5e0: {  	v11 =	vmul.f32 @p0 v13, v3;
	v12 =	vadd.f32 @p0 v17, v12  }
0x5e1: {  	v63 =	vmul.f32 v62, v2;
	v9 =	vadd.f32 v9, v10  }
0x5e2: {  	v10 =	vadd.f32 @p0 v11, v12  }
0x5e3: {  	v11 =	vmul.f32 v16, v3;
	v9 =	vadd.f32 v63, v9  }
0x5e4: {  	v10 =	vadd.f32 @p0 v10, v14  }
0x5e5: {  	v9 =	vadd.f32 v11, v9  }
0x5e6: {  	v10 =	vpsel p0, v10, v19  }
0x5e7: {  	v19 =	vadd.f32 v9, v10  }
.LBB2_220:
0x5e8: {  	s3 =	ssub.s32 s3, s7  }
0x5e9: {  	p0 =	sgt.s32 s3, $0x0  }
0x5ea: {  	s3 =	simm.s32 @!p0 $0x0  }
0x5eb: {  	s3 =	smin.u32 s3, $0x60  }
0x5ec: {  	s3 =	sshll.u32 s3, $0x7  }
0x5ed: {  	p0 =	sge.u32 s8, s3  }
.Ltmp113:
0x5ee: {  	_ = 	snop;
	(pc) =	sbr.rel @p0 .LBB2_228-.Ltmp113, $2  }
0x5ef: {  	_ =	sdelay $0x2  }
0x5f0: {  	[tilespmem:$0x61A0] =	vst v19  }
0x5f1: {  	s10 =	sadd.s32 $0x3040, s8  }
0x5f2: {  	s8 =	sadd.s32 $0x80, s8;
	v12 =	vld [tilespmem:s10+$0xFFFFFFC0]  }
0x5f3: {  	v13 =	vld [tilespmem:s10+$0xFFFFFFD0];
	p1 =	slt.u32 s8, s3  }
.Ltmp114:
0x5f4: {  	_ = 	snop;
	(pc) =	sbr.rel @!p1 .LBB2_222-.Ltmp114, $4  }
0x5f5: {  	v10 =	vld [tilespmem:s10+$0xFFFFFFE0]  }
0x5f6: {  	v11 =	vld [tilespmem:s10+$0xFFFFFFF0]  }
0x5f7: {  	v9 =	vld [tilespmem:s10+$0x10]  }
0x5f8: {  	p0 =	por $0x0, $0x0;
	s6 =	sadd.s32 $0x80, s10;
	v15 =	vmul.f32 v12, v7;
	v18 =	vmul.f32 v13, v8;
	v12 =	vld [tilespmem:s10+$0x0]  }
0x5f9: {  	_ = 	snop  }
0x5fa: {  	v14 =	vld [tilespmem:s6+$0xFFFFFFC0];
	v13 =	vadd.f32 v18, v15;
	v10 =	vmul.f32 v10, v1  }
0x5fb: {  	v17 =	vld [tilespmem:s6+$0xFFFFFFD0];
	s8 =	sadd.s32 $0x80, s8  }
0x5fc: {  	v25 =	vld [tilespmem:s10+$0x20];
	p1 =	slt.u32 s8, s3;
	v11 =	vmul.f32 v11, v4;
	v15 =	vadd.f32 v10, v13  }
.Ltmp115:
0x5fd: {  	v10 =	vld [tilespmem:s6+$0xFFFFFFE0];
	(pc) =	sbr.rel @!p1 .LBB2_224-.Ltmp115, $4  }
0x5fe: {  	v13 =	vld [tilespmem:s10+$0x30];
	v12 =	vmul.f32 v12, v5;
	v19 =	vadd.f32 v11, v15  }
0x5ff: {  	v16 =	vmul.f32 v9, v6;
	v11 =	vld [tilespmem:s6+$0xFFFFFFF0]  }
0x600: {  	v9 =	vld [tilespmem:s6+$0x10];
	v15 =	vmul.f32 v14, v7;
	v18 =	vmul.f32 v17, v8;
	v19 =	vadd.f32 v12, v19  }
0x601: {  	p0 =	por $0x1, $0x1;
	s10 =	sadd.s32 $0x80, s6;
	v17 =	vmul.f32 v25, v2;
	v14 =	vmov v20;
	v12 =	vld [tilespmem:s6+$0x0]  }
.LBB2_225:
0x602: {  	v25 =	vld [tilespmem:s10+$0xFFFFFFC0];
	v15 =	vadd.f32 v18, v15;
	v10 =	vmul.f32 v10, v1;
	v16 =	vadd.f32 v16, v19  }
0x603: {  	s8 =	sadd.s32 $0x80, s8;
	v18 =	vld [tilespmem:s10+$0xFFFFFFD0];
	v19 =	vmul.f32 v13, v3  }
0x604: {  	p1 =	slt.u32 s8, s3;
	v13 =	vadd.f32 v10, v15;
	v11 =	vmul.f32 v11, v4;
	v26 =	vld [tilespmem:s6+$0x20];
	v15 =	vadd.f32 v17, v16  }
.Ltmp116:
0x605: {  	v10 =	vld [tilespmem:s10+$0xFFFFFFE0];
	(pc) =	sbr.rel @p1 .LBB2_225-.Ltmp116, $4  }
0x606: {  	v17 =	vadd.f32 v11, v13;
	v12 =	vmul.f32 v12, v5;
	v13 =	vld [tilespmem:s6+$0x30];
	v27 =	vadd.f32 v19, v15;
	s6 =	smov.u32 s10  }
0x607: {  	v16 =	vmul.f32 v9, v6;
	v15 =	vmul.f32 v25, v7;
	v11 =	vld [tilespmem:s10+$0xFFFFFFF0]  }
0x608: {  	v18 =	vmul.f32 v18, v8;
	v9 =	vld [tilespmem:s10+$0x10];
	v19 =	vadd.f32 v12, v17;
	v14 =	vadd.f32 v27, v14  }
0x609: {  	s10 =	sadd.s32 $0x80, s10;
	v12 =	vld [tilespmem:s6+$0x0];
	v17 =	vmul.f32 v26, v2  }
0x60a: {  	s10 =	smov.u32 s6  }
.LBB2_227:
0x60b: {  	v15 =	vadd.f32 v18, v15;
	v10 =	vmul.f32 v10, v1;
	_ =	sdelay $0x1  }
0x60c: {  	v11 =	vmul.f32 v11, v4;
	v10 =	vadd.f32 v10, v15  }
0x60d: {  	v61 =	vld [tilespmem:s10+$0x20]  }
0x60e: {  	v10 =	vadd.f32 v11, v10;
	v11 =	vmul.f32 v12, v5  }
0x60f: {  	v62 =	vld [tilespmem:s10+$0x30];
	v12 =	vadd.f32 @p0 v16, v19  }
0x610: {  	v9 =	vmul.f32 v9, v6;
	v10 =	vadd.f32 v11, v10  }
0x611: {  	v11 =	vmul.f32 @p0 v13, v3;
	v12 =	vadd.f32 @p0 v17, v12  }
0x612: {  	v63 =	vmul.f32 v61, v2;
	v9 =	vadd.f32 v9, v10  }
0x613: {  	v10 =	vadd.f32 @p0 v11, v12  }
0x614: {  	v11 =	vmul.f32 v62, v3;
	v9 =	vadd.f32 v63, v9  }
0x615: {  	v10 =	vadd.f32 @p0 v10, v14  }
0x616: {  	v9 =	vadd.f32 v11, v9  }
0x617: {  	v10 =	vpsel p0, v10, v20  }
0x618: {  	v20 =	vadd.f32 v9, v10  }
.LBB2_228:
0x619: {  	s1 =	ssub.s32 s1, s7  }
0x61a: {  	p0 =	sgt.s32 s1, $0x0  }
0x61b: {  	s1 =	simm.s32 @!p0 $0x0  }
0x61c: {  	s1 =	smin.u32 s1, $0x60  }
0x61d: {  	s1 =	sshll.u32 s1, $0x7  }
0x61e: {  	p0 =	sge.u32 s3, s1  }
.Ltmp117:
0x61f: {  	_ = 	snop;
	(pc) =	sbr.rel @p0 .LBB2_236-.Ltmp117, $2  }
0x620: {  	_ =	sdelay $0x2  }
0x621: {  	[tilespmem:$0x61B0] =	vst v20  }
0x622: {  	s6 =	sadd.s32 $0x3040, s3  }
0x623: {  	s8 =	sadd.s32 $0x80, s3;
	v12 =	vld [tilespmem:s6+$0xFFFFFFC0]  }
0x624: {  	v13 =	vld [tilespmem:s6+$0xFFFFFFD0];
	p1 =	slt.u32 s8, s1  }
.Ltmp118:
0x625: {  	_ = 	snop;
	(pc) =	sbr.rel @!p1 .LBB2_230-.Ltmp118, $4  }
0x626: {  	v10 =	vld [tilespmem:s6+$0xFFFFFFE0]  }
0x627: {  	v11 =	vld [tilespmem:s6+$0xFFFFFFF0]  }
0x628: {  	v9 =	vld [tilespmem:s6+$0x10]  }
0x629: {  	p0 =	por $0x0, $0x0;
	s3 =	sadd.s32 $0x80, s6;
	v15 =	vmul.f32 v12, v7;
	v18 =	vmul.f32 v13, v8;
	v12 =	vld [tilespmem:s6+$0x0]  }
0x62a: {  	v14 =	vld [tilespmem:s3+$0xFFFFFFC0]  }
0x62b: {  	v17 =	vld [tilespmem:s3+$0xFFFFFFD0];
	v13 =	vadd.f32 v18, v15;
	v10 =	vmul.f32 v10, v1  }
0x62c: {  	v20 =	vld [tilespmem:s6+$0x20]  }
0x62d: {  	v15 =	vadd.f32 v10, v13;
	v13 =	vld [tilespmem:s6+$0x30];
	s6 =	sadd.s32 $0x80, s8  }
0x62e: {  	v11 =	vmul.f32 v11, v4;
	p1 =	slt.u32 s6, s1  }
.Ltmp119:
0x62f: {  	v10 =	vld [tilespmem:s3+$0xFFFFFFE0];
	(pc) =	sbr.rel @!p1 .LBB2_232-.Ltmp119, $4  }
0x630: {  	v12 =	vmul.f32 v12, v5;
	v19 =	vadd.f32 v11, v15  }
0x631: {  	v16 =	vmul.f32 v9, v6;
	v11 =	vld [tilespmem:s3+$0xFFFFFFF0]  }
0x632: {  	v9 =	vld [tilespmem:s3+$0x10];
	v15 =	vmul.f32 v14, v7;
	v18 =	vmul.f32 v17, v8;
	v19 =	vadd.f32 v12, v19  }
0x633: {  	p0 =	por $0x1, $0x1;
	s8 =	sadd.s32 $0x80, s3;
	v17 =	vmul.f32 v20, v2;
	v14 =	vmov v21;
	v12 =	vld [tilespmem:s3+$0x0]  }
.LBB2_233:
0x634: {  	v20 =	vld [tilespmem:s8+$0xFFFFFFC0];
	v15 =	vadd.f32 v18, v15;
	v10 =	vmul.f32 v10, v1;
	v16 =	vadd.f32 v16, v19  }
0x635: {  	s6 =	sadd.s32 $0x80, s6;
	v18 =	vld [tilespmem:s8+$0xFFFFFFD0];
	v19 =	vmul.f32 v13, v3  }
0x636: {  	p1 =	slt.u32 s6, s1;
	v13 =	vadd.f32 v10, v15;
	v11 =	vmul.f32 v11, v4;
	v25 =	vld [tilespmem:s3+$0x20];
	v15 =	vadd.f32 v17, v16  }
.Ltmp120:
0x637: {  	v10 =	vld [tilespmem:s8+$0xFFFFFFE0];
	(pc) =	sbr.rel @p1 .LBB2_233-.Ltmp120, $4  }
0x638: {  	v17 =	vadd.f32 v11, v13;
	v12 =	vmul.f32 v12, v5;
	v13 =	vld [tilespmem:s3+$0x30];
	v26 =	vadd.f32 v19, v15;
	s3 =	smov.u32 s8  }
0x639: {  	v16 =	vmul.f32 v9, v6;
	v15 =	vmul.f32 v20, v7;
	v11 =	vld [tilespmem:s8+$0xFFFFFFF0]  }
0x63a: {  	v18 =	vmul.f32 v18, v8;
	v9 =	vld [tilespmem:s8+$0x10];
	v19 =	vadd.f32 v12, v17;
	v14 =	vadd.f32 v26, v14  }
0x63b: {  	s8 =	sadd.s32 $0x80, s8;
	v12 =	vld [tilespmem:s3+$0x0];
	v17 =	vmul.f32 v25, v2  }
0x63c: {  	s6 =	smov.u32 s3  }
.LBB2_235:
0x63d: {  	v15 =	vadd.f32 v18, v15;
	v10 =	vmul.f32 v10, v1;
	_ =	sdelay $0x1  }
0x63e: {  	v11 =	vmul.f32 v11, v4;
	v10 =	vadd.f32 v10, v15  }
0x63f: {  	v61 =	vld [tilespmem:s6+$0x20]  }
0x640: {  	v10 =	vadd.f32 v11, v10;
	v11 =	vmul.f32 v12, v5  }
0x641: {  	v62 =	vld [tilespmem:s6+$0x30];
	v12 =	vadd.f32 @p0 v16, v19  }
0x642: {  	v9 =	vmul.f32 v9, v6;
	v10 =	vadd.f32 v11, v10  }
0x643: {  	v11 =	vmul.f32 @p0 v13, v3;
	v12 =	vadd.f32 @p0 v17, v12  }
0x644: {  	v63 =	vmul.f32 v61, v2;
	v9 =	vadd.f32 v9, v10  }
0x645: {  	v10 =	vadd.f32 @p0 v11, v12  }
0x646: {  	v11 =	vmul.f32 v62, v3;
	v9 =	vadd.f32 v63, v9  }
0x647: {  	v10 =	vadd.f32 @p0 v10, v14  }
0x648: {  	v9 =	vadd.f32 v11, v9  }
0x649: {  	v10 =	vpsel p0, v10, v21  }
0x64a: {  	v21 =	vadd.f32 v9, v10  }
.LBB2_236:
0x64b: {  	s0 =	rddreg [dreg:$0x13]  }
0x64c: {  	s0 =	ssub.s32 s0, s7  }
0x64d: {  	p0 =	sgt.s32 s0, $0x0  }
0x64e: {  	s0 =	simm.s32 @!p0 $0x0  }
0x64f: {  	s0 =	smin.u32 s0, $0x60  }
0x650: {  	s0 =	sshll.u32 s0, $0x7  }
0x651: {  	p0 =	sge.u32 s1, s0  }
.Ltmp121:
0x652: {  	_ = 	snop;
	(pc) =	sbr.rel @p0 .LBB2_244-.Ltmp121, $2  }
0x653: {  	_ =	sdelay $0x2  }
0x654: {  	[tilespmem:$0x61C0] =	vst v21  }
0x655: {  	s3 =	sadd.s32 $0x3040, s1  }
0x656: {  	s6 =	sadd.s32 $0x80, s1;
	v12 =	vld [tilespmem:s3+$0xFFFFFFC0]  }
0x657: {  	v13 =	vld [tilespmem:s3+$0xFFFFFFD0];
	p1 =	slt.u32 s6, s0  }
.Ltmp122:
0x658: {  	_ = 	snop;
	(pc) =	sbr.rel @!p1 .LBB2_238-.Ltmp122, $4  }
0x659: {  	v10 =	vld [tilespmem:s3+$0xFFFFFFE0]  }
0x65a: {  	v11 =	vld [tilespmem:s3+$0xFFFFFFF0]  }
0x65b: {  	v9 =	vld [tilespmem:s3+$0x10]  }
0x65c: {  	p0 =	por $0x0, $0x0;
	s1 =	sadd.s32 $0x80, s3;
	v15 =	vmul.f32 v12, v7;
	v18 =	vmul.f32 v13, v8;
	v12 =	vld [tilespmem:s3+$0x0]  }
0x65d: {  	v14 =	vld [tilespmem:s1+$0xFFFFFFC0]  }
0x65e: {  	v17 =	vld [tilespmem:s1+$0xFFFFFFD0];
	v13 =	vadd.f32 v18, v15;
	v10 =	vmul.f32 v10, v1  }
0x65f: {  	v20 =	vld [tilespmem:s3+$0x20]  }
0x660: {  	v15 =	vadd.f32 v10, v13;
	v13 =	vld [tilespmem:s3+$0x30];
	s3 =	sadd.s32 $0x80, s6  }
0x661: {  	v11 =	vmul.f32 v11, v4;
	p1 =	slt.u32 s3, s0  }
.Ltmp123:
0x662: {  	v10 =	vld [tilespmem:s1+$0xFFFFFFE0];
	(pc) =	sbr.rel @!p1 .LBB2_240-.Ltmp123, $4  }
0x663: {  	v12 =	vmul.f32 v12, v5;
	v19 =	vadd.f32 v11, v15  }
0x664: {  	v16 =	vmul.f32 v9, v6;
	v11 =	vld [tilespmem:s1+$0xFFFFFFF0]  }
0x665: {  	v9 =	vld [tilespmem:s1+$0x10];
	v15 =	vmul.f32 v14, v7;
	v18 =	vmul.f32 v17, v8;
	v19 =	vadd.f32 v12, v19  }
0x666: {  	p0 =	por $0x1, $0x1;
	s6 =	sadd.s32 $0x80, s1;
	v17 =	vmul.f32 v20, v2;
	v14 =	vmov v22;
	v12 =	vld [tilespmem:s1+$0x0]  }
.LBB2_241:
0x667: {  	v20 =	vld [tilespmem:s6+$0xFFFFFFC0];
	v15 =	vadd.f32 v18, v15;
	v10 =	vmul.f32 v10, v1;
	v16 =	vadd.f32 v16, v19  }
0x668: {  	s3 =	sadd.s32 $0x80, s3;
	v18 =	vld [tilespmem:s6+$0xFFFFFFD0];
	v19 =	vmul.f32 v13, v3  }
0x669: {  	p1 =	slt.u32 s3, s0;
	v13 =	vadd.f32 v10, v15;
	v11 =	vmul.f32 v11, v4;
	v21 =	vld [tilespmem:s1+$0x20];
	v15 =	vadd.f32 v17, v16  }
.Ltmp124:
0x66a: {  	v10 =	vld [tilespmem:s6+$0xFFFFFFE0];
	(pc) =	sbr.rel @p1 .LBB2_241-.Ltmp124, $4  }
0x66b: {  	v17 =	vadd.f32 v11, v13;
	v12 =	vmul.f32 v12, v5;
	v13 =	vld [tilespmem:s1+$0x30];
	v25 =	vadd.f32 v19, v15;
	s1 =	smov.u32 s6  }
0x66c: {  	v16 =	vmul.f32 v9, v6;
	v15 =	vmul.f32 v20, v7;
	v11 =	vld [tilespmem:s6+$0xFFFFFFF0]  }
0x66d: {  	v18 =	vmul.f32 v18, v8;
	v9 =	vld [tilespmem:s6+$0x10];
	v19 =	vadd.f32 v12, v17;
	v14 =	vadd.f32 v25, v14  }
0x66e: {  	s6 =	sadd.s32 $0x80, s6;
	v12 =	vld [tilespmem:s1+$0x0];
	v17 =	vmul.f32 v21, v2  }
0x66f: {  	s3 =	smov.u32 s1  }
.LBB2_243:
0x670: {  	v15 =	vadd.f32 v18, v15;
	v10 =	vmul.f32 v10, v1;
	_ =	sdelay $0x1  }
0x671: {  	v11 =	vmul.f32 v11, v4;
	v10 =	vadd.f32 v10, v15  }
0x672: {  	v61 =	vld [tilespmem:s3+$0x20]  }
0x673: {  	v10 =	vadd.f32 v11, v10;
	v11 =	vmul.f32 v12, v5  }
0x674: {  	v62 =	vld [tilespmem:s3+$0x30];
	v12 =	vadd.f32 @p0 v16, v19  }
0x675: {  	v9 =	vmul.f32 v9, v6;
	v10 =	vadd.f32 v11, v10  }
0x676: {  	v11 =	vmul.f32 @p0 v13, v3;
	v12 =	vadd.f32 @p0 v17, v12  }
0x677: {  	v63 =	vmul.f32 v61, v2;
	v9 =	vadd.f32 v9, v10  }
0x678: {  	v10 =	vadd.f32 @p0 v11, v12  }
0x679: {  	v11 =	vmul.f32 v62, v3;
	v9 =	vadd.f32 v63, v9  }
0x67a: {  	v10 =	vadd.f32 @p0 v10, v14  }
0x67b: {  	v9 =	vadd.f32 v11, v9  }
0x67c: {  	v10 =	vpsel p0, v10, v22  }
0x67d: {  	v22 =	vadd.f32 v9, v10  }
.LBB2_244:
0x67e: {  	s3 =	ssub.s32 s22, s7  }
0x67f: {  	p0 =	sgt.s32 s3, $0x0;
	s1 =	smov.u32 s3  }
0x680: {  	s1 =	simm.s32 @!p0 $0x0  }
0x681: {  	s1 =	smin.u32 s1, $0x60  }
0x682: {  	s1 =	sshll.u32 s1, $0x7  }
0x683: {  	p0 =	sge.u32 s0, s1  }
.Ltmp125:
0x684: {  	_ = 	snop;
	(pc) =	sbr.rel @p0 .LBB2_252-.Ltmp125, $2  }
0x685: {  	_ =	sdelay $0x2  }
0x686: {  	[tilespmem:$0x61D0] =	vst v22  }
0x687: {  	s6 =	sadd.s32 $0x3040, s0  }
0x688: {  	s8 =	sadd.s32 $0x80, s0;
	v12 =	vld [tilespmem:s6+$0xFFFFFFC0]  }
0x689: {  	v13 =	vld [tilespmem:s6+$0xFFFFFFD0];
	p1 =	slt.u32 s8, s1  }
.Ltmp126:
0x68a: {  	_ = 	snop;
	(pc) =	sbr.rel @!p1 .LBB2_246-.Ltmp126, $4  }
0x68b: {  	v10 =	vld [tilespmem:s6+$0xFFFFFFE0]  }
0x68c: {  	v11 =	vld [tilespmem:s6+$0xFFFFFFF0]  }
0x68d: {  	v9 =	vld [tilespmem:s6+$0x10]  }
0x68e: {  	p0 =	por $0x0, $0x0;
	s0 =	sadd.s32 $0x80, s6;
	v15 =	vmul.f32 v12, v7;
	v18 =	vmul.f32 v13, v8;
	v12 =	vld [tilespmem:s6+$0x0]  }
0x68f: {  	v14 =	vld [tilespmem:s0+$0xFFFFFFC0]  }
0x690: {  	v17 =	vld [tilespmem:s0+$0xFFFFFFD0];
	v13 =	vadd.f32 v18, v15;
	v10 =	vmul.f32 v10, v1  }
0x691: {  	v20 =	vld [tilespmem:s6+$0x20]  }
0x692: {  	v15 =	vadd.f32 v10, v13;
	v13 =	vld [tilespmem:s6+$0x30];
	s6 =	sadd.s32 $0x80, s8  }
0x693: {  	v11 =	vmul.f32 v11, v4;
	p1 =	slt.u32 s6, s1  }
.Ltmp127:
0x694: {  	v10 =	vld [tilespmem:s0+$0xFFFFFFE0];
	(pc) =	sbr.rel @!p1 .LBB2_248-.Ltmp127, $4  }
0x695: {  	v12 =	vmul.f32 v12, v5;
	v19 =	vadd.f32 v11, v15  }
0x696: {  	v16 =	vmul.f32 v9, v6;
	v11 =	vld [tilespmem:s0+$0xFFFFFFF0]  }
0x697: {  	v9 =	vld [tilespmem:s0+$0x10];
	v15 =	vmul.f32 v14, v7;
	v18 =	vmul.f32 v17, v8;
	v19 =	vadd.f32 v12, v19  }
0x698: {  	p0 =	por $0x1, $0x1;
	s8 =	sadd.s32 $0x80, s0;
	v17 =	vmul.f32 v20, v2;
	v14 =	vmov v23;
	v12 =	vld [tilespmem:s0+$0x0]  }
.LBB2_249:
0x699: {  	v20 =	vld [tilespmem:s8+$0xFFFFFFC0];
	v15 =	vadd.f32 v18, v15;
	v10 =	vmul.f32 v10, v1;
	v16 =	vadd.f32 v16, v19  }
0x69a: {  	s6 =	sadd.s32 $0x80, s6;
	v18 =	vld [tilespmem:s8+$0xFFFFFFD0];
	v19 =	vmul.f32 v13, v3  }
0x69b: {  	p1 =	slt.u32 s6, s1;
	v13 =	vadd.f32 v10, v15;
	v11 =	vmul.f32 v11, v4;
	v21 =	vld [tilespmem:s0+$0x20];
	v15 =	vadd.f32 v17, v16  }
.Ltmp128:
0x69c: {  	v10 =	vld [tilespmem:s8+$0xFFFFFFE0];
	(pc) =	sbr.rel @p1 .LBB2_249-.Ltmp128, $4  }
0x69d: {  	v17 =	vadd.f32 v11, v13;
	v12 =	vmul.f32 v12, v5;
	v13 =	vld [tilespmem:s0+$0x30];
	v22 =	vadd.f32 v19, v15;
	s0 =	smov.u32 s8  }
0x69e: {  	v16 =	vmul.f32 v9, v6;
	v15 =	vmul.f32 v20, v7;
	v11 =	vld [tilespmem:s8+$0xFFFFFFF0]  }
0x69f: {  	v18 =	vmul.f32 v18, v8;
	v9 =	vld [tilespmem:s8+$0x10];
	v19 =	vadd.f32 v12, v17;
	v14 =	vadd.f32 v22, v14  }
0x6a0: {  	s8 =	sadd.s32 $0x80, s8;
	v12 =	vld [tilespmem:s0+$0x0];
	v17 =	vmul.f32 v21, v2  }
0x6a1: {  	s6 =	smov.u32 s0  }
.LBB2_251:
0x6a2: {  	v15 =	vadd.f32 v18, v15;
	v10 =	vmul.f32 v10, v1;
	_ =	sdelay $0x1  }
0x6a3: {  	v11 =	vmul.f32 v11, v4;
	v10 =	vadd.f32 v10, v15  }
0x6a4: {  	v61 =	vld [tilespmem:s6+$0x20]  }
0x6a5: {  	v10 =	vadd.f32 v11, v10;
	v11 =	vmul.f32 v12, v5  }
0x6a6: {  	v62 =	vld [tilespmem:s6+$0x30];
	v12 =	vadd.f32 @p0 v16, v19  }
0x6a7: {  	v9 =	vmul.f32 v9, v6;
	v10 =	vadd.f32 v11, v10  }
0x6a8: {  	v11 =	vmul.f32 @p0 v13, v3;
	v12 =	vadd.f32 @p0 v17, v12  }
0x6a9: {  	v63 =	vmul.f32 v61, v2;
	v9 =	vadd.f32 v9, v10  }
0x6aa: {  	v10 =	vadd.f32 @p0 v11, v12  }
0x6ab: {  	v11 =	vmul.f32 v62, v3;
	v9 =	vadd.f32 v63, v9  }
0x6ac: {  	v10 =	vadd.f32 @p0 v10, v14  }
0x6ad: {  	v9 =	vadd.f32 v11, v9  }
0x6ae: {  	v10 =	vpsel p0, v10, v23  }
0x6af: {  	v23 =	vadd.f32 v9, v10  }
.LBB2_252:
0x6b0: {  	p0 =	sgt.s32 s3, $0x5F  }
.Ltmp129:
0x6b1: {  	_ = 	snop;
	(pc) =	sbr.rel @p0 .LBB2_260-.Ltmp129, $2  }
0x6b2: {  	_ =	sdelay $0x2  }
0x6b3: {  	[tilespmem:$0x61E0] =	vst v23  }
0x6b4: {  	s3 =	sadd.s32 $0x3040, s1  }
0x6b5: {  	s0 =	sadd.s32 $0xFFFFFF80, s1;
	v12 =	vld [tilespmem:s3+$0xFFFFFFC0]  }
0x6b6: {  	v13 =	vld [tilespmem:s3+$0xFFFFFFD0];
	s1 =	sadd.s32 $0x80, s0  }
0x6b7: {  	p1 =	slt.u32 s1, $0x2F80  }
.Ltmp130:
0x6b8: {  	v10 =	vld [tilespmem:s3+$0xFFFFFFE0];
	(pc) =	sbr.rel @!p1 .LBB2_254-.Ltmp130, $4  }
0x6b9: {  	_ = 	snop  }
0x6ba: {  	v11 =	vld [tilespmem:s3+$0xFFFFFFF0]  }
0x6bb: {  	v9 =	vld [tilespmem:s3+$0x10];
	v15 =	vmul.f32 v12, v7;
	v18 =	vmul.f32 v13, v8  }
0x6bc: {  	p0 =	por $0x0, $0x0;
	s0 =	sadd.s32 $0x80, s3;
	v12 =	vld [tilespmem:s3+$0x0]  }
0x6bd: {  	v14 =	vld [tilespmem:s0+$0xFFFFFFC0];
	v13 =	vadd.f32 v18, v15;
	v10 =	vmul.f32 v10, v1  }
0x6be: {  	v17 =	vld [tilespmem:s0+$0xFFFFFFD0];
	s1 =	sadd.s32 $0x80, s1  }
0x6bf: {  	v20 =	vld [tilespmem:s3+$0x20];
	p1 =	slt.u32 s1, $0x2F80;
	v15 =	vadd.f32 v10, v13;
	v11 =	vmul.f32 v11, v4  }
.Ltmp131:
0x6c0: {  	v10 =	vld [tilespmem:s0+$0xFFFFFFE0];
	(pc) =	sbr.rel @!p1 .LBB2_256-.Ltmp131, $4  }
0x6c1: {  	v13 =	vld [tilespmem:s3+$0x30];
	v19 =	vadd.f32 v11, v15;
	v12 =	vmul.f32 v12, v5  }
0x6c2: {  	v16 =	vmul.f32 v9, v6;
	v11 =	vld [tilespmem:s0+$0xFFFFFFF0]  }
0x6c3: {  	v9 =	vld [tilespmem:s0+$0x10];
	v15 =	vmul.f32 v14, v7;
	v18 =	vmul.f32 v17, v8;
	v19 =	vadd.f32 v12, v19  }
0x6c4: {  	p0 =	por $0x1, $0x1;
	s3 =	sadd.s32 $0x80, s0;
	v17 =	vmul.f32 v20, v2;
	v14 =	vmov v24;
	v12 =	vld [tilespmem:s0+$0x0]  }
.LBB2_257:
0x6c5: {  	v20 =	vld [tilespmem:s3+$0xFFFFFFC0];
	v15 =	vadd.f32 v18, v15;
	v10 =	vmul.f32 v10, v1;
	v16 =	vadd.f32 v16, v19  }
0x6c6: {  	s1 =	sadd.s32 $0x80, s1;
	v18 =	vld [tilespmem:s3+$0xFFFFFFD0];
	v19 =	vmul.f32 v13, v3  }
0x6c7: {  	p1 =	slt.u32 s1, $0x2F80;
	v13 =	vadd.f32 v10, v15;
	v11 =	vmul.f32 v11, v4;
	v21 =	vld [tilespmem:s0+$0x20];
	v15 =	vadd.f32 v17, v16  }
.Ltmp132:
0x6c8: {  	v10 =	vld [tilespmem:s3+$0xFFFFFFE0];
	(pc) =	sbr.rel @p1 .LBB2_257-.Ltmp132, $4  }
0x6c9: {  	v17 =	vadd.f32 v11, v13;
	v12 =	vmul.f32 v12, v5;
	v13 =	vld [tilespmem:s0+$0x30];
	v22 =	vadd.f32 v19, v15;
	s0 =	smov.u32 s3  }
0x6ca: {  	v16 =	vmul.f32 v9, v6;
	v15 =	vmul.f32 v20, v7;
	v11 =	vld [tilespmem:s3+$0xFFFFFFF0]  }
0x6cb: {  	v18 =	vmul.f32 v18, v8;
	v9 =	vld [tilespmem:s3+$0x10];
	v19 =	vadd.f32 v12, v17;
	v14 =	vadd.f32 v22, v14  }
0x6cc: {  	s3 =	sadd.s32 $0x80, s3;
	v12 =	vld [tilespmem:s0+$0x0];
	v17 =	vmul.f32 v21, v2  }
.Ltmp133:
0x6cd: {  	(pc) =	sbr.rel .LBB2_259-.Ltmp133, $2  }
0x6ce: {  	_ =	sdelay $0x2  }
0x6cf: {  	s3 =	smov.u32 s0  }
.LBB2_3:
.Ltmp134:
0x6d0: {  	(pc) =	sbr.rel .LBB2_8-.Ltmp134, $2  }
0x6d1: {  	_ =	sdelay $0x2  }
0x6d2: {  	v15 =	vmov v9  }
.LBB2_11:
.Ltmp135:
0x6d3: {  	(pc) =	sbr.rel .LBB2_16-.Ltmp135, $2  }
0x6d4: {  	_ =	sdelay $0x2  }
0x6d5: {  	v16 =	vmov v10  }
.LBB2_19:
.Ltmp136:
0x6d6: {  	(pc) =	sbr.rel .LBB2_24-.Ltmp136, $2  }
0x6d7: {  	_ =	sdelay $0x2  }
0x6d8: {  	v17 =	vmov v11  }
.LBB2_27:
.Ltmp137:
0x6d9: {  	(pc) =	sbr.rel .LBB2_32-.Ltmp137, $2  }
0x6da: {  	_ =	sdelay $0x2  }
0x6db: {  	v18 =	vmov v12  }
.LBB2_35:
.Ltmp138:
0x6dc: {  	(pc) =	sbr.rel .LBB2_40-.Ltmp138, $2  }
0x6dd: {  	_ =	sdelay $0x2  }
0x6de: {  	v19 =	vmov v13  }
.LBB2_43:
.Ltmp139:
0x6df: {  	(pc) =	sbr.rel .LBB2_48-.Ltmp139, $2  }
0x6e0: {  	_ =	sdelay $0x2  }
0x6e1: {  	v20 =	vmov v14  }
.LBB2_51:
.Ltmp140:
0x6e2: {  	(pc) =	sbr.rel .LBB2_56-.Ltmp140, $2  }
0x6e3: {  	_ =	sdelay $0x2  }
0x6e4: {  	v21 =	vmov v15  }
.LBB2_59:
.Ltmp141:
0x6e5: {  	(pc) =	sbr.rel .LBB2_64-.Ltmp141, $2  }
0x6e6: {  	_ =	sdelay $0x2  }
0x6e7: {  	v22 =	vmov v16  }
.LBB2_67:
.Ltmp142:
0x6e8: {  	(pc) =	sbr.rel .LBB2_72-.Ltmp142, $2  }
0x6e9: {  	_ =	sdelay $0x2  }
0x6ea: {  	v23 =	vmov v17  }
.LBB2_75:
.Ltmp143:
0x6eb: {  	(pc) =	sbr.rel .LBB2_80-.Ltmp143, $2  }
0x6ec: {  	_ =	sdelay $0x2  }
0x6ed: {  	v24 =	vmov v18  }
.LBB2_83:
.Ltmp144:
0x6ee: {  	(pc) =	sbr.rel .LBB2_88-.Ltmp144, $2  }
0x6ef: {  	_ =	sdelay $0x2  }
0x6f0: {  	v25 =	vmov v19  }
.LBB2_91:
.Ltmp145:
0x6f1: {  	(pc) =	sbr.rel .LBB2_96-.Ltmp145, $2  }
0x6f2: {  	_ =	sdelay $0x2  }
0x6f3: {  	v26 =	vmov v20  }
.LBB2_100:
.Ltmp146:
0x6f4: {  	(pc) =	sbr.rel .LBB2_105-.Ltmp146, $2  }
0x6f5: {  	_ =	sdelay $0x2  }
0x6f6: {  	s3 =	smov.u32 s1;
	v27 =	vmov v21  }
.LBB2_109:
.Ltmp147:
0x6f7: {  	(pc) =	sbr.rel .LBB2_114-.Ltmp147, $2  }
0x6f8: {  	_ =	sdelay $0x2  }
0x6f9: {  	v28 =	vmov v22;
	s3 =	smov.u32 s23;
	s23 =	smov.u32 s26  }
.LBB2_117:
.Ltmp148:
0x6fa: {  	(pc) =	sbr.rel .LBB2_122-.Ltmp148, $2  }
0x6fb: {  	_ =	sdelay $0x2  }
0x6fc: {  	v29 =	vmov v23  }
.LBB2_126:
.Ltmp149:
0x6fd: {  	(pc) =	sbr.rel .LBB2_131-.Ltmp149, $2  }
0x6fe: {  	_ =	sdelay $0x2  }
0x6ff: {  	s22 =	smov.u32 s0;
	v30 =	vmov v24  }
.LBB2_134:
.Ltmp150:
0x700: {  	(pc) =	sbr.rel .LBB2_139-.Ltmp150, $2  }
0x701: {  	_ =	sdelay $0x2  }
0x702: {  	v30 =	vmov v9  }
.LBB2_142:
.Ltmp151:
0x703: {  	(pc) =	sbr.rel .LBB2_147-.Ltmp151, $2  }
0x704: {  	_ =	sdelay $0x2  }
0x705: {  	v29 =	vmov v10  }
.LBB2_150:
.Ltmp152:
0x706: {  	(pc) =	sbr.rel .LBB2_155-.Ltmp152, $2  }
0x707: {  	_ =	sdelay $0x2  }
0x708: {  	v28 =	vmov v11  }
.LBB2_158:
.Ltmp153:
0x709: {  	(pc) =	sbr.rel .LBB2_163-.Ltmp153, $2  }
0x70a: {  	_ =	sdelay $0x2  }
0x70b: {  	v27 =	vmov v12  }
.LBB2_166:
.Ltmp154:
0x70c: {  	(pc) =	sbr.rel .LBB2_171-.Ltmp154, $2  }
0x70d: {  	_ =	sdelay $0x2  }
0x70e: {  	v26 =	vmov v13  }
.LBB2_174:
.Ltmp155:
0x70f: {  	(pc) =	sbr.rel .LBB2_179-.Ltmp155, $2  }
0x710: {  	_ =	sdelay $0x2  }
0x711: {  	v25 =	vmov v14  }
.LBB2_182:
.Ltmp156:
0x712: {  	(pc) =	sbr.rel .LBB2_187-.Ltmp156, $2  }
0x713: {  	_ =	sdelay $0x2  }
0x714: {  	v14 =	vmov v15  }
.LBB2_190:
.Ltmp157:
0x715: {  	(pc) =	sbr.rel .LBB2_195-.Ltmp157, $2  }
0x716: {  	_ =	sdelay $0x2  }
0x717: {  	v14 =	vmov v16  }
.LBB2_198:
.Ltmp158:
0x718: {  	(pc) =	sbr.rel .LBB2_203-.Ltmp158, $2  }
0x719: {  	_ =	sdelay $0x2  }
0x71a: {  	v14 =	vmov v17  }
.LBB2_206:
.Ltmp159:
0x71b: {  	(pc) =	sbr.rel .LBB2_211-.Ltmp159, $2  }
0x71c: {  	_ =	sdelay $0x2  }
0x71d: {  	v14 =	vmov v18  }
.LBB2_214:
.Ltmp160:
0x71e: {  	(pc) =	sbr.rel .LBB2_219-.Ltmp160, $2  }
0x71f: {  	_ =	sdelay $0x2  }
0x720: {  	v14 =	vmov v19  }
.LBB2_222:
.Ltmp161:
0x721: {  	(pc) =	sbr.rel .LBB2_227-.Ltmp161, $2  }
0x722: {  	_ =	sdelay $0x2  }
0x723: {  	v14 =	vmov v20  }
.LBB2_230:
.Ltmp162:
0x724: {  	(pc) =	sbr.rel .LBB2_235-.Ltmp162, $2  }
0x725: {  	_ =	sdelay $0x2  }
0x726: {  	v14 =	vmov v21  }
.LBB2_238:
.Ltmp163:
0x727: {  	(pc) =	sbr.rel .LBB2_243-.Ltmp163, $2  }
0x728: {  	_ =	sdelay $0x2  }
0x729: {  	v14 =	vmov v22  }
.LBB2_246:
.Ltmp164:
0x72a: {  	(pc) =	sbr.rel .LBB2_251-.Ltmp164, $2  }
0x72b: {  	_ =	sdelay $0x2  }
0x72c: {  	v14 =	vmov v23  }
.LBB2_5:
.Ltmp165:
0x72d: {  	(pc) =	sbr.rel .LBB2_8-.Ltmp165, $2  }
0x72e: {  	_ =	sdelay $0x2  }
0x72f: {  	s21 =	smov.u32 s20;
	v15 =	vmov v9  }
.LBB2_13:
.Ltmp166:
0x730: {  	(pc) =	sbr.rel .LBB2_16-.Ltmp166, $2  }
0x731: {  	_ =	sdelay $0x2  }
0x732: {  	s21 =	smov.u32 s19;
	v16 =	vmov v10  }
.LBB2_21:
.Ltmp167:
0x733: {  	(pc) =	sbr.rel .LBB2_24-.Ltmp167, $2  }
0x734: {  	_ =	sdelay $0x2  }
0x735: {  	s21 =	smov.u32 s20;
	v17 =	vmov v11  }
.LBB2_29:
.Ltmp168:
0x736: {  	(pc) =	sbr.rel .LBB2_32-.Ltmp168, $2  }
0x737: {  	_ =	sdelay $0x2  }
0x738: {  	s21 =	smov.u32 s19;
	v18 =	vmov v12  }
.LBB2_37:
.Ltmp169:
0x739: {  	(pc) =	sbr.rel .LBB2_40-.Ltmp169, $2  }
0x73a: {  	_ =	sdelay $0x2  }
0x73b: {  	s21 =	smov.u32 s20;
	v19 =	vmov v13  }
.LBB2_45:
.Ltmp170:
0x73c: {  	(pc) =	sbr.rel .LBB2_48-.Ltmp170, $2  }
0x73d: {  	_ =	sdelay $0x2  }
0x73e: {  	s21 =	smov.u32 s19;
	v20 =	vmov v14  }
.LBB2_53:
.Ltmp171:
0x73f: {  	(pc) =	sbr.rel .LBB2_56-.Ltmp171, $2  }
0x740: {  	_ =	sdelay $0x2  }
0x741: {  	s21 =	smov.u32 s20;
	v21 =	vmov v15  }
.LBB2_61:
.Ltmp172:
0x742: {  	(pc) =	sbr.rel .LBB2_64-.Ltmp172, $2  }
0x743: {  	_ =	sdelay $0x2  }
0x744: {  	s21 =	smov.u32 s19;
	v22 =	vmov v16  }
.LBB2_69:
.Ltmp173:
0x745: {  	(pc) =	sbr.rel .LBB2_72-.Ltmp173, $2  }
0x746: {  	_ =	sdelay $0x2  }
0x747: {  	s21 =	smov.u32 s20;
	v23 =	vmov v17  }
.LBB2_77:
.Ltmp174:
0x748: {  	(pc) =	sbr.rel .LBB2_80-.Ltmp174, $2  }
0x749: {  	_ =	sdelay $0x2  }
0x74a: {  	s21 =	smov.u32 s19;
	v24 =	vmov v18  }
.LBB2_85:
.Ltmp175:
0x74b: {  	(pc) =	sbr.rel .LBB2_88-.Ltmp175, $2  }
0x74c: {  	_ =	sdelay $0x2  }
0x74d: {  	s21 =	smov.u32 s20;
	v25 =	vmov v19  }
.LBB2_93:
.Ltmp176:
0x74e: {  	(pc) =	sbr.rel .LBB2_96-.Ltmp176, $2  }
0x74f: {  	_ =	sdelay $0x2  }
0x750: {  	s21 =	smov.u32 s19;
	v26 =	vmov v20  }
.LBB2_102:
.Ltmp177:
0x751: {  	(pc) =	sbr.rel .LBB2_105-.Ltmp177, $2  }
0x752: {  	_ =	sdelay $0x2  }
0x753: {  	s3 =	smov.u32 s1;
	s22 =	smov.u32 s19;
	v27 =	vmov v21  }
.LBB2_111:
.Ltmp178:
0x754: {  	(pc) =	sbr.rel .LBB2_114-.Ltmp178, $2  }
0x755: {  	_ =	sdelay $0x2  }
0x756: {  	s22 =	smov.u32 s20;
	v28 =	vmov v22;
	s23 =	smov.u32 s26  }
.LBB2_119:
.Ltmp179:
0x757: {  	(pc) =	sbr.rel .LBB2_122-.Ltmp179, $2  }
0x758: {  	_ =	sdelay $0x2  }
0x759: {  	s22 =	smov.u32 s19;
	v29 =	vmov v23  }
.LBB2_128:
.Ltmp180:
0x75a: {  	(pc) =	sbr.rel .LBB2_131-.Ltmp180, $2  }
0x75b: {  	_ =	sdelay $0x2  }
0x75c: {  	s22 =	smov.u32 s0;
	s21 =	smov.u32 s19;
	v30 =	vmov v24  }
.LBB2_136:
.Ltmp181:
0x75d: {  	(pc) =	sbr.rel .LBB2_139-.Ltmp181, $2  }
0x75e: {  	_ =	sdelay $0x2  }
0x75f: {  	s19 =	smov.u32 s18;
	v30 =	vmov v9  }
.LBB2_144:
.Ltmp182:
0x760: {  	(pc) =	sbr.rel .LBB2_147-.Ltmp182, $2  }
0x761: {  	_ =	sdelay $0x2  }
0x762: {  	s18 =	smov.u32 s17;
	v29 =	vmov v10  }
.LBB2_152:
.Ltmp183:
0x763: {  	(pc) =	sbr.rel .LBB2_155-.Ltmp183, $2  }
0x764: {  	_ =	sdelay $0x2  }
0x765: {  	s17 =	smov.u32 s16;
	v28 =	vmov v11  }
.LBB2_160:
.Ltmp184:
0x766: {  	(pc) =	sbr.rel .LBB2_163-.Ltmp184, $2  }
0x767: {  	_ =	sdelay $0x2  }
0x768: {  	s16 =	smov.u32 s15;
	v27 =	vmov v12  }
.LBB2_168:
.Ltmp185:
0x769: {  	(pc) =	sbr.rel .LBB2_171-.Ltmp185, $2  }
0x76a: {  	_ =	sdelay $0x2  }
0x76b: {  	s15 =	smov.u32 s14;
	v26 =	vmov v13  }
.LBB2_176:
.Ltmp186:
0x76c: {  	(pc) =	sbr.rel .LBB2_179-.Ltmp186, $2  }
0x76d: {  	_ =	sdelay $0x2  }
0x76e: {  	s14 =	smov.u32 s13;
	v25 =	vmov v14  }
.LBB2_184:
.Ltmp187:
0x76f: {  	(pc) =	sbr.rel .LBB2_187-.Ltmp187, $2  }
0x770: {  	_ =	sdelay $0x2  }
0x771: {  	s13 =	smov.u32 s12;
	v14 =	vmov v15  }
.LBB2_192:
.Ltmp188:
0x772: {  	(pc) =	sbr.rel .LBB2_195-.Ltmp188, $2  }
0x773: {  	_ =	sdelay $0x2  }
0x774: {  	s12 =	smov.u32 s11;
	v14 =	vmov v16  }
.LBB2_200:
.Ltmp189:
0x775: {  	(pc) =	sbr.rel .LBB2_203-.Ltmp189, $2  }
0x776: {  	_ =	sdelay $0x2  }
0x777: {  	s11 =	smov.u32 s10;
	v14 =	vmov v17  }
.LBB2_208:
.Ltmp190:
0x778: {  	(pc) =	sbr.rel .LBB2_211-.Ltmp190, $2  }
0x779: {  	_ =	sdelay $0x2  }
0x77a: {  	s10 =	smov.u32 s8;
	v14 =	vmov v18  }
.LBB2_216:
.Ltmp191:
0x77b: {  	(pc) =	sbr.rel .LBB2_219-.Ltmp191, $2  }
0x77c: {  	_ =	sdelay $0x2  }
0x77d: {  	s10 =	smov.u32 s6;
	v14 =	vmov v19  }
.LBB2_224:
.Ltmp192:
0x77e: {  	(pc) =	sbr.rel .LBB2_227-.Ltmp192, $2  }
0x77f: {  	_ =	sdelay $0x2  }
0x780: {  	s10 =	smov.u32 s6;
	v14 =	vmov v20  }
.LBB2_232:
.Ltmp193:
0x781: {  	(pc) =	sbr.rel .LBB2_235-.Ltmp193, $2  }
0x782: {  	_ =	sdelay $0x2  }
0x783: {  	s6 =	smov.u32 s3;
	v14 =	vmov v21  }
.LBB2_240:
.Ltmp194:
0x784: {  	(pc) =	sbr.rel .LBB2_243-.Ltmp194, $2  }
0x785: {  	_ =	sdelay $0x2  }
0x786: {  	s3 =	smov.u32 s1;
	v14 =	vmov v22  }
.LBB2_248:
.Ltmp195:
0x787: {  	(pc) =	sbr.rel .LBB2_251-.Ltmp195, $2  }
0x788: {  	_ =	sdelay $0x2  }
0x789: {  	s6 =	smov.u32 s0;
	v14 =	vmov v23  }
.LBB2_256:
.Ltmp196:
0x78a: {  	(pc) =	sbr.rel .LBB2_259-.Ltmp196, $2  }
0x78b: {  	_ =	sdelay $0x2  }
0x78c: {  	s3 =	smov.u32 s0;
	v14 =	vmov v24  }
.LBB2_261:
0x78d: {  	_ =	sfence.sel $0x180000  }
0x78e: {  	[bflag:$0x0] =	sbarrier.arrive $0xFFFF  }
0x78f: {  	_ =	strace $0x90000047  }
0x790: {  	s0 =	stileid.u32;
	[bflag:$0x2] =	sbarrier.arrive $0xFFFF  }
0x791: {  	p0 =	sne.s32 s0, $0x0;
	s0 =	rddreg [dreg:$0x4]  }
0x792: {  	s0 =	sadd.s32 @!p0 $0x100000, s0  }
0x793: {  	[sflag:s0] =	ssyncadd.tile.s32 @!p0 $0x1;
	_ =	shalt  }
.Lfunc_end2:
_tile_overlayer_lowered:
.L_overlay_start_2:
0x794: {  	(tag) =	ssettag $0x2  }
0x795: {  	s0 =	rddreg [dreg:$0x0];
	s2 =	stileid.u32  }
0x796: {  	s1 =	rddreg [dreg:$0x1];
	p0 =	sne.s32 s2, $0x0  }
0x797: {  	s3 =	rddreg [dreg:$0x2];
	[bflag:$0x3] =	sbarrier.arrive $0xFFFF;
	s2 =	simm.s32 @!p0 $0x1C03  }
0x798: {  	[timem:s3], [sflag:s2] =	dma.local @!p0 [hbm:s0], s1  }
0x799: {  	s0 =	simm.s32 @!p0 $0x3  }
0x79a: {  	_ =	swait.ge @!p0 [sflag:s0], s1  }
0x79b: {  	s1 =	ssub.s32 @!p0 $0x0, s1;
	[sflag:s0] =	ssyncset.done @!p0 $0x0  }
0x79c: {  	[sflag:s0] =	ssyncadd.s32 @!p0 s1  }
0x79d: {  	[bflag:$0x3] =	sbarrier.arrive $0xFFFF  }
0x79e: {  	_ =	shalt  }

</sc_bundles>
